<compile_context>
chip_gen: v7x
topology: tpu7x:2x2x1
jax: 0.10.2.dev20260603
libtpu: 0.0.44.dev20260713+nightly
codegen_flags: <defaults>
</compile_context>

<pallas_src>
import jax
import jax.numpy as jnp
from jax import lax
from jax.experimental import pallas as pl
from jax.experimental.pallas import tpu as pltpu
from jax.experimental.pallas import tpu_sc as plsc

MD = 7
PATCH = 32
NUM_MA = 24
NP = MD * MD
PADW = 64
L = 16
NV = PADW // L


def _diff_kernel(x_ref, out_ref, acc_ref):
    c = pl.program_id(1)
    nc = pl.num_programs(1)
    T = x_ref.shape[2]
    H, W = x_ref.shape[3], x_ref.shape[4]

    parts = []
    for s in range(MD):
        lo, hi = s * PATCH, (s + 1) * PATCH
        part = None
        prev = x_ref[0, 0, 0, lo:hi, :]
        for t in range(1, T):
            cur = x_ref[0, 0, t, lo:hi, :]
            d = jnp.abs(cur - prev)
            part = d if part is None else part + d
            prev = cur
        parts.append(part)
    full = jnp.concatenate(parts, axis=0)

    @pl.when(c == 0)
    def _():
        acc_ref[...] = full

    @pl.when(c != 0)
    def _():
        acc_ref[...] = acc_ref[...] + full

    @pl.when(c == nc - 1)
    def _():
        acc = acc_ref[...]
        hg = jax.lax.broadcasted_iota(jnp.int32, (MD, H), 1) // PATCH
        gi = jax.lax.broadcasted_iota(jnp.int32, (MD, H), 0)
        G = (hg == gi).astype(jnp.float32)
        wg = jax.lax.broadcasted_iota(jnp.int32, (W, MD), 0) // PATCH
        gj = jax.lax.broadcasted_iota(jnp.int32, (W, MD), 1)
        P = (wg == gj).astype(jnp.float32)
        ps = jnp.dot(jnp.dot(G, acc, precision=jax.lax.Precision.HIGHEST,
                             preferred_element_type=jnp.float32),
                     P, precision=jax.lax.Precision.HIGHEST,
                     preferred_element_type=jnp.float32)
        row8 = jnp.concatenate(
            [ps, jnp.full((MD, 1), -1.0, jnp.float32)], axis=1)
        out_ref[0] = jnp.concatenate(
            [row8, jnp.full((1, MD + 1), -1.0, jnp.float32)], axis=0)


_GDN = jax.lax.GatherDimensionNumbers(
    offset_dims=(), collapsed_slice_dims=(0,), start_index_map=(0,))


def _topk_mask_kernel(ps_hbm, out_hbm, vals_v, mask_v):
    nc = 2
    wid = lax.axis_index("s") * nc + lax.axis_index("c")

    @pl.when(wid < ps_hbm.shape[0])
    def _():
        pltpu.sync_copy(ps_hbm.at[wid], vals_v)
        a = [vals_v[pl.ds(k * L, L)] for k in range(NV)]
        biota = lax.broadcasted_iota(jnp.int32, (L,), 0)
        iv = []
        for k in range(NV):
            p = biota + k * L
            iv.append((p >> 3) * MD + (p & 7))
        ranks = [jnp.zeros((L,), jnp.int32) for _ in range(NV)]
        for qi in range(MD):
            for qj in range(MD):
                q = 8 * qi + qj
                fq = MD * qi + qj
                idxc = jnp.full((L,), q % L, jnp.int32)
                vj = lax.gather(
                    a[q // L], idxc[:, None], _GDN, (1,),
                    mode=lax.GatherScatterMode.PROMISE_IN_BOUNDS)
                jg = jnp.full((L,), fq, jnp.int32)
                for k in range(NV):
                    beats = (vj > a[k]) | ((vj == a[k]) & (jg < iv[k]))
                    ranks[k] = ranks[k] + jnp.where(beats, 1, 0)
        for k in range(NV):
            mask_v[pl.ds(k * L, L)] = jnp.where(
                ranks[k] < NUM_MA, jnp.float32(1.0), jnp.float32(0.0))
        pltpu.sync_copy(mask_v, out_hbm.at[wid])


@jax.jit
def kernel(x):
    B, C, T, H, W = x.shape
    ps = pl.pallas_call(
        _diff_kernel,
        grid=(B, C),
        in_specs=[pl.BlockSpec((1, 1, T, H, W), lambda b, c: (b, c, 0, 0, 0))],
        out_specs=pl.BlockSpec((1, MD + 1, MD + 1), lambda b, c: (b, 0, 0)),
        out_shape=jax.ShapeDtypeStruct((B, MD + 1, MD + 1), jnp.float32),
        scratch_shapes=[pltpu.VMEM((H, W), jnp.float32)],
    )(x).reshape(B, PADW)

    mask64 = pl.kernel(
        _topk_mask_kernel,
        out_type=jax.ShapeDtypeStruct((B, PADW), jnp.float32),
        mesh=plsc.VectorSubcoreMesh(core_axis_name="c", subcore_axis_name="s"),
        scratch_types=[pltpu.VMEM((PADW,), jnp.float32),
                       pltpu.VMEM((PADW,), jnp.float32)],
    )(ps)
    return mask64.reshape(B, MD + 1, MD + 1)[:, :MD, :MD]

# --- scband reference (transcript-rebuilt; emitter-appended) ---
"""Pipeline reference for scband-gen-static-diff-3375844295105 (READ-ONLY COPY).

The authoritative reference and input builder live on the scoring server;
editing this copy changes nothing except your own understanding.
"""

import jax, jax.numpy as jnp
import numpy as np

MASK_DIM = 7
MOTION_PATCH_RATIO = 0.5


def setup_inputs(seed: int = 0) -> dict:
    key = jax.random.key(seed)
    x = jax.random.uniform(key, (16, 3, 16, 224, 224), dtype=jnp.float32)
    return {"x": x}


def reference(x):
    B, C, T, H, W = x.shape
    md = MASK_DIM
    # temporal abs-diff, sum over channels, mean over time -> [B, H, W]
    diff_sum = jnp.abs(x[:, :, :-1, :, :] - x[:, :, 1:, :, :]).sum(axis=1).mean(axis=1)
    # pool into md x md patch grid
    patch_sum = diff_sum.reshape(B, H, md, -1).sum(-1)
    patch_sum = patch_sum.reshape(B, md, -1, md).sum(-2)
    num_ma = int(MOTION_PATCH_RATIO * md * md)
    flat = patch_sum.reshape(B, -1)
    _, motion_index = jax.lax.top_k(flat, num_ma)
    mask = jnp.zeros_like(flat)
    batch_index = jnp.repeat(jnp.arange(B), num_ma)
    mask = mask.at[batch_index, motion_index.reshape(-1)].set(1.0)
    return mask.reshape(B, md, md)

if __name__ == "__main__":
    import jax
    _d = setup_inputs()
    print(jax.jit(kernel)(*tuple(_d.values())))

</pallas_src>

<mosaic_0001>
#map = affine_map<(d0, d1) -> (0, 0)>
module attributes {stable_mosaic.version = 14 : i64} {
  func.func @_topk_mask_kernel(%arg0: i32, %arg1: i32, %arg2: memref<16x64xf32, #tpu.memory_space<hbm>>, %arg3: memref<16x64xf32, #tpu.memory_space<hbm>>, %arg4: memref<64xf32, #tpu.memory_space<vmem>>, %arg5: memref<64xf32, #tpu.memory_space<vmem>>) attributes {dimension_semantics = [#tpu.dimension_semantics<core_parallel>, #tpu.dimension_semantics<subcore_parallel>], iteration_bounds = array<i64: 2, 16>, scalar_prefetch = 0 : i64, scratch_operands = 2 : i64, tpu.core_type = #tpu.core_type<sc_vector_subcore>, window_params = [{transform_indices = #map}, {transform_indices = #map}]} {
    %mul3A = arith.constant 2 : i32
    %mul3A_0 = arith.muli %arg1, %mul3A : i32
    %add3A = arith.addi %mul3A_0, %arg0 : i32
    %lt3A = arith.constant 16 : i32
    %lt3A_1 = arith.cmpi slt, %add3A, %lt3A : i32
    %convert_element_type3A = arith.extui %lt3A_1 : i1 to i32
    %cond3A = arith.constant 0 : i32
    %cond3A_2 = arith.cmpi ne, %convert_element_type3A, %cond3A : i32
    scf.if %cond3A_2 {
      "tpu.region"() ({
        %run_scoped3A = tpu.sem_alloc : memref<!tpu.dma_semaphore, #tpu.memory_space<semaphore_mem>>
        %dma_start3A = arith.constant 0 : i32
        %dma_start3A_2611 = tpu.memref_slice %arg2[%add3A, %dma_start3A] : memref<16x64xf32, #tpu.memory_space<hbm>> -> memref<1x64xf32, #tpu.memory_space<hbm>>
        %dma_start3A_2612 = tpu.memref_squeeze %dma_start3A_2611 : memref<1x64xf32, #tpu.memory_space<hbm>> -> memref<64xf32, #tpu.memory_space<hbm>>
        %dma_start3A_2613 = arith.constant 0 : i32
        %dma_start3A_2614 = tpu.memref_slice %arg2[%add3A, %dma_start3A_2613] : memref<16x64xf32, #tpu.memory_space<hbm>> -> memref<1x64xf32, #tpu.memory_space<hbm>>
        %dma_start3A_2615 = tpu.memref_squeeze %dma_start3A_2614 : memref<1x64xf32, #tpu.memory_space<hbm>> -> memref<64xf32, #tpu.memory_space<hbm>>
        tpu.enqueue_dma source(%dma_start3A_2615 : memref<64xf32, #tpu.memory_space<hbm>>) target(%arg4 : memref<64xf32, #tpu.memory_space<vmem>>) target_semaphore(%run_scoped3A : memref<!tpu.dma_semaphore, #tpu.memory_space<semaphore_mem>>)
        %dma_wait3A = arith.constant 0 : i32
        %dma_wait3A_2616 = tpu.memref_slice %arg2[%add3A, %dma_wait3A] : memref<16x64xf32, #tpu.memory_space<hbm>> -> memref<1x64xf32, #tpu.memory_space<hbm>>
        %dma_wait3A_2617 = tpu.memref_squeeze %dma_wait3A_2616 : memref<1x64xf32, #tpu.memory_space<hbm>> -> memref<64xf32, #tpu.memory_space<hbm>>
        %dma_wait3A_2618 = arith.constant 0 : i32
        %dma_wait3A_2619 = tpu.memref_slice %arg2[%add3A, %dma_wait3A_2618] : memref<16x64xf32, #tpu.memory_space<hbm>> -> memref<1x64xf32, #tpu.memory_space<hbm>>
        %dma_wait3A_2620 = tpu.memref_squeeze %dma_wait3A_2619 : memref<1x64xf32, #tpu.memory_space<hbm>> -> memref<64xf32, #tpu.memory_space<hbm>>
        tpu.wait_dma2 semaphore(%run_scoped3A : memref<!tpu.dma_semaphore, #tpu.memory_space<semaphore_mem>>) src(%dma_wait3A_2620 : memref<64xf32, #tpu.memory_space<hbm>>) dst(%arg4 : memref<64xf32, #tpu.memory_space<vmem>>)
        tpu.yield
      }) : () -> ()
      %get3A = arith.constant 0 : index
      %get3A_3 = tpu.vector_load %arg4[%get3A] {strides = array<i32>} : memref<64xf32, #tpu.memory_space<vmem>>, vector<16xf32>,
      %get3A_4 = vector.shape_cast %get3A_3 : vector<16xf32> to vector<16xf32>
      %get3A_5 = arith.constant 16 : index
      %get3A_6 = tpu.vector_load %arg4[%get3A_5] {strides = array<i32>} : memref<64xf32, #tpu.memory_space<vmem>>, vector<16xf32>,
      %get3A_7 = vector.shape_cast %get3A_6 : vector<16xf32> to vector<16xf32>
      %get3A_8 = arith.constant 32 : index
      %get3A_9 = tpu.vector_load %arg4[%get3A_8] {strides = array<i32>} : memref<64xf32, #tpu.memory_space<vmem>>, vector<16xf32>,
      %get3A_10 = vector.shape_cast %get3A_9 : vector<16xf32> to vector<16xf32>
      %get3A_11 = arith.constant 48 : index
      %get3A_12 = tpu.vector_load %arg4[%get3A_11] {strides = array<i32>} : memref<64xf32, #tpu.memory_space<vmem>>, vector<16xf32>,
      %get3A_13 = vector.shape_cast %get3A_12 : vector<16xf32> to vector<16xf32>
      %iota3A = tpu.iota {dimensions = array<i32: 0>} : vector<16xi32>
      %add3A_14 = arith.constant 0 : i32
      %add3A_15 = vector.broadcast %add3A_14 : i32 to vector<16xi32>
      %add3A_16 = arith.addi %iota3A, %add3A_15 : vector<16xi32>
      %shift_right_arithmetic3A = arith.constant 3 : i32
      %shift_right_arithmetic3A_17 = vector.broadcast %shift_right_arithmetic3A : i32 to vector<16xi32>
      %shift_right_arithmetic3A_18 = arith.shrsi %add3A_16, %shift_right_arithmetic3A_17 : vector<16xi32>
      %mul3A_19 = arith.constant 7 : i32
      %mul3A_20 = vector.broadcast %mul3A_19 : i32 to vector<16xi32>
      %mul3A_21 = arith.muli %shift_right_arithmetic3A_18, %mul3A_20 : vector<16xi32>
      %and3A = arith.constant 7 : i32
      %and3A_22 = vector.broadcast %and3A : i32 to vector<16xi32>
      %and3A_23 = arith.andi %add3A_16, %and3A_22 : vector<16xi32>
      %add3A_24 = arith.addi %mul3A_21, %and3A_23 : vector<16xi32>
      %add3A_25 = arith.constant 16 : i32
      %add3A_26 = vector.broadcast %add3A_25 : i32 to vector<16xi32>
      %add3A_27 = arith.addi %iota3A, %add3A_26 : vector<16xi32>
      %shift_right_arithmetic3A_28 = arith.constant 3 : i32
      %shift_right_arithmetic3A_29 = vector.broadcast %shift_right_arithmetic3A_28 : i32 to vector<16xi32>
      %shift_right_arithmetic3A_30 = arith.shrsi %add3A_27, %shift_right_arithmetic3A_29 : vector<16xi32>
      %mul3A_31 = arith.constant 7 : i32
      %mul3A_32 = vector.broadcast %mul3A_31 : i32 to vector<16xi32>
      %mul3A_33 = arith.muli %shift_right_arithmetic3A_30, %mul3A_32 : vector<16xi32>
      %and3A_34 = arith.constant 7 : i32
      %and3A_35 = vector.broadcast %and3A_34 : i32 to vector<16xi32>
      %and3A_36 = arith.andi %add3A_27, %and3A_35 : vector<16xi32>
      %add3A_37 = arith.addi %mul3A_33, %and3A_36 : vector<16xi32>
      %add3A_38 = arith.constant 32 : i32
      %add3A_39 = vector.broadcast %add3A_38 : i32 to vector<16xi32>
      %add3A_40 = arith.addi %iota3A, %add3A_39 : vector<16xi32>
      %shift_right_arithmetic3A_41 = arith.constant 3 : i32
      %shift_right_arithmetic3A_42 = vector.broadcast %shift_right_arithmetic3A_41 : i32 to vector<16xi32>
      %shift_right_arithmetic3A_43 = arith.shrsi %add3A_40, %shift_right_arithmetic3A_42 : vector<16xi32>
      %mul3A_44 = arith.constant 7 : i32
      %mul3A_45 = vector.broadcast %mul3A_44 : i32 to vector<16xi32>
      %mul3A_46 = arith.muli %shift_right_arithmetic3A_43, %mul3A_45 : vector<16xi32>
      %and3A_47 = arith.constant 7 : i32
      %and3A_48 = vector.broadcast %and3A_47 : i32 to vector<16xi32>
      %and3A_49 = arith.andi %add3A_40, %and3A_48 : vector<16xi32>
      %add3A_50 = arith.addi %mul3A_46, %and3A_49 : vector<16xi32>
      %add3A_51 = arith.constant 48 : i32
      %add3A_52 = vector.broadcast %add3A_51 : i32 to vector<16xi32>
      %add3A_53 = arith.addi %iota3A, %add3A_52 : vector<16xi32>
      %shift_right_arithmetic3A_54 = arith.constant 3 : i32
      %shift_right_arithmetic3A_55 = vector.broadcast %shift_right_arithmetic3A_54 : i32 to vector<16xi32>
      %shift_right_arithmetic3A_56 = arith.shrsi %add3A_53, %shift_right_arithmetic3A_55 : vector<16xi32>
      %mul3A_57 = arith.constant 7 : i32
      %mul3A_58 = vector.broadcast %mul3A_57 : i32 to vector<16xi32>
      %mul3A_59 = arith.muli %shift_right_arithmetic3A_56, %mul3A_58 : vector<16xi32>
      %and3A_60 = arith.constant 7 : i32
      %and3A_61 = vector.broadcast %and3A_60 : i32 to vector<16xi32>
      %and3A_62 = arith.andi %add3A_53, %and3A_61 : vector<16xi32>
      %add3A_63 = arith.addi %mul3A_59, %and3A_62 : vector<16xi32>
      %broadcast_in_dim3A = arith.constant 0 : i32
      %broadcast_in_dim3A_64 = vector.broadcast %broadcast_in_dim3A : i32 to vector<16xi32>
      %broadcast_in_dim3A_65 = arith.constant 0 : i32
      %broadcast_in_dim3A_66 = vector.broadcast %broadcast_in_dim3A_65 : i32 to vector<16xi32>
      %broadcast_in_dim3A_67 = arith.constant 0 : i32
      %broadcast_in_dim3A_68 = vector.broadcast %broadcast_in_dim3A_67 : i32 to vector<16xi32>
      %broadcast_in_dim3A_69 = arith.constant 0 : i32
      %broadcast_in_dim3A_70 = vector.broadcast %broadcast_in_dim3A_69 : i32 to vector<16xi32>
      %broadcast_in_dim3A_71 = arith.constant 0 : i32
      %broadcast_in_dim3A_72 = vector.broadcast %broadcast_in_dim3A_71 : i32 to vector<16xi32>
      %broadcast_in_dim3A_73 = vector.shape_cast %broadcast_in_dim3A_72 : vector<16xi32> to vector<16x1xi32>
      %gather3A = vector.shape_cast %broadcast_in_dim3A_73 : vector<16x1xi32> to vector<16xi32>
      %gather3A_74 = tpu.dynamic_gather %get3A_4[%gather3A] in [0] : vector<16xf32>, vector<16xi32> -> vector<16xf32>
      %broadcast_in_dim3A_75 = arith.constant 0 : i32
      %broadcast_in_dim3A_76 = vector.broadcast %broadcast_in_dim3A_75 : i32 to vector<16xi32>
      %gt3A = arith.cmpf ogt, %gather3A_74, %get3A_4 : vector<16xf32>
      %eq3A = arith.cmpf oeq, %gather3A_74, %get3A_4 : vector<16xf32>
      %lt3A_77 = arith.cmpi slt, %broadcast_in_dim3A_76, %add3A_24 : vector<16xi32>
      %and3A_78 = arith.andi %eq3A, %lt3A_77 : vector<16xi1>
      %or3A = arith.ori %gt3A, %and3A_78 : vector<16xi1>
      %jit3A = arith.constant 1 : i32
      %jit3A_79 = arith.constant 0 : i32
      %broadcast_in_dim3A_80 = vector.broadcast %jit3A : i32 to vector<16xi32>
      %broadcast_in_dim3A_81 = vector.broadcast %jit3A_79 : i32 to vector<16xi32>
      %select_n3A = arith.select %or3A, %broadcast_in_dim3A_80, %broadcast_in_dim3A_81 : vector<16xi1>, vector<16xi32>
      %add3A_82 = arith.addi %broadcast_in_dim3A_64, %select_n3A : vector<16xi32>
      %gt3A_83 = arith.cmpf ogt, %gather3A_74, %get3A_7 : vector<16xf32>
      %eq3A_84 = arith.cmpf oeq, %gather3A_74, %get3A_7 : vector<16xf32>
      %lt3A_85 = arith.cmpi slt, %broadcast_in_dim3A_76, %add3A_37 : vector<16xi32>
      %and3A_86 = arith.andi %eq3A_84, %lt3A_85 : vector<16xi1>
      %or3A_87 = arith.ori %gt3A_83, %and3A_86 : vector<16xi1>
      %jit3A_88 = arith.constant 1 : i32
      %jit3A_89 = arith.constant 0 : i32
      %broadcast_in_dim3A_90 = vector.broadcast %jit3A_88 : i32 to vector<16xi32>
      %broadcast_in_dim3A_91 = vector.broadcast %jit3A_89 : i32 to vector<16xi32>
      %select_n3A_92 = arith.select %or3A_87, %broadcast_in_dim3A_90, %broadcast_in_dim3A_91 : vector<16xi1>, vector<16xi32>
      %add3A_93 = arith.addi %broadcast_in_dim3A_66, %select_n3A_92 : vector<16xi32>
      %gt3A_94 = arith.cmpf ogt, %gather3A_74, %get3A_10 : vector<16xf32>
      %eq3A_95 = arith.cmpf oeq, %gather3A_74, %get3A_10 : vector<16xf32>
      %lt3A_96 = arith.cmpi slt, %broadcast_in_dim3A_76, %add3A_50 : vector<16xi32>
      %and3A_97 = arith.andi %eq3A_95, %lt3A_96 : vector<16xi1>
      %or3A_98 = arith.ori %gt3A_94, %and3A_97 : vector<16xi1>
      %jit3A_99 = arith.constant 1 : i32
      %jit3A_100 = arith.constant 0 : i32
      %broadcast_in_dim3A_101 = vector.broadcast %jit3A_99 : i32 to vector<16xi32>
      %broadcast_in_dim3A_102 = vector.broadcast %jit3A_100 : i32 to vector<16xi32>
      %select_n3A_103 = arith.select %or3A_98, %broadcast_in_dim3A_101, %broadcast_in_dim3A_102 : vector<16xi1>, vector<16xi32>
      %add3A_104 = arith.addi %broadcast_in_dim3A_68, %select_n3A_103 : vector<16xi32>
      %gt3A_105 = arith.cmpf ogt, %gather3A_74, %get3A_13 : vector<16xf32>
      %eq3A_106 = arith.cmpf oeq, %gather3A_74, %get3A_13 : vector<16xf32>
      %lt3A_107 = arith.cmpi slt, %broadcast_in_dim3A_76, %add3A_63 : vector<16xi32>
      %and3A_108 = arith.andi %eq3A_106, %lt3A_107 : vector<16xi1>
      %or3A_109 = arith.ori %gt3A_105, %and3A_108 : vector<16xi1>
      %jit3A_110 = arith.constant 1 : i32
      %jit3A_111 = arith.constant 0 : i32
      %broadcast_in_dim3A_112 = vector.broadcast %jit3A_110 : i32 to vector<16xi32>
      %broadcast_in_dim3A_113 = vector.broadcast %jit3A_111 : i32 to vector<16xi32>
      %select_n3A_114 = arith.select %or3A_109, %broadcast_in_dim3A_112, %broadcast_in_dim3A_113 : vector<16xi1>, vector<16xi32>
      %add3A_115 = arith.addi %broadcast_in_dim3A_70, %select_n3A_114 : vector<16xi32>
      %broadcast_in_dim3A_116 = arith.constant 1 : i32
      %broadcast_in_dim3A_117 = vector.broadcast %broadcast_in_dim3A_116 : i32 to vector<16xi32>
      %broadcast_in_dim3A_118 = vector.shape_cast %broadcast_in_dim3A_117 : vector<16xi32> to vector<16x1xi32>
      %gather3A_119 = vector.shape_cast %broadcast_in_dim3A_118 : vector<16x1xi32> to vector<16xi32>
      %gather3A_120 = tpu.dynamic_gather %get3A_4[%gather3A_119] in [0] : vector<16xf32>, vector<16xi32> -> vector<16xf32>
      %broadcast_in_dim3A_121 = arith.constant 1 : i32
      %broadcast_in_dim3A_122 = vector.broadcast %broadcast_in_dim3A_121 : i32 to vector<16xi32>
      %gt3A_123 = arith.cmpf ogt, %gather3A_120, %get3A_4 : vector<16xf32>
      %eq3A_124 = arith.cmpf oeq, %gather3A_120, %get3A_4 : vector<16xf32>
      %lt3A_125 = arith.cmpi slt, %broadcast_in_dim3A_122, %add3A_24 : vector<16xi32>
      %and3A_126 = arith.andi %eq3A_124, %lt3A_125 : vector<16xi1>
      %or3A_127 = arith.ori %gt3A_123, %and3A_126 : vector<16xi1>
      %jit3A_128 = arith.constant 1 : i32
      %jit3A_129 = arith.constant 0 : i32
      %broadcast_in_dim3A_130 = vector.broadcast %jit3A_128 : i32 to vector<16xi32>
      %broadcast_in_dim3A_131 = vector.broadcast %jit3A_129 : i32 to vector<16xi32>
      %select_n3A_132 = arith.select %or3A_127, %broadcast_in_dim3A_130, %broadcast_in_dim3A_131 : vector<16xi1>, vector<16xi32>
      %add3A_133 = arith.addi %add3A_82, %select_n3A_132 : vector<16xi32>
      %gt3A_134 = arith.cmpf ogt, %gather3A_120, %get3A_7 : vector<16xf32>
      %eq3A_135 = arith.cmpf oeq, %gather3A_120, %get3A_7 : vector<16xf32>
      %lt3A_136 = arith.cmpi slt, %broadcast_in_dim3A_122, %add3A_37 : vector<16xi32>
      %and3A_137 = arith.andi %eq3A_135, %lt3A_136 : vector<16xi1>
      %or3A_138 = arith.ori %gt3A_134, %and3A_137 : vector<16xi1>
      %jit3A_139 = arith.constant 1 : i32
      %jit3A_140 = arith.constant 0 : i32
      %broadcast_in_dim3A_141 = vector.broadcast %jit3A_139 : i32 to vector<16xi32>
      %broadcast_in_dim3A_142 = vector.broadcast %jit3A_140 : i32 to vector<16xi32>
      %select_n3A_143 = arith.select %or3A_138, %broadcast_in_dim3A_141, %broadcast_in_dim3A_142 : vector<16xi1>, vector<16xi32>
      %add3A_144 = arith.addi %add3A_93, %select_n3A_143 : vector<16xi32>
      %gt3A_145 = arith.cmpf ogt, %gather3A_120, %get3A_10 : vector<16xf32>
      %eq3A_146 = arith.cmpf oeq, %gather3A_120, %get3A_10 : vector<16xf32>
      %lt3A_147 = arith.cmpi slt, %broadcast_in_dim3A_122, %add3A_50 : vector<16xi32>
      %and3A_148 = arith.andi %eq3A_146, %lt3A_147 : vector<16xi1>
      %or3A_149 = arith.ori %gt3A_145, %and3A_148 : vector<16xi1>
      %jit3A_150 = arith.constant 1 : i32
      %jit3A_151 = arith.constant 0 : i32
      %broadcast_in_dim3A_152 = vector.broadcast %jit3A_150 : i32 to vector<16xi32>
      %broadcast_in_dim3A_153 = vector.broadcast %jit3A_151 : i32 to vector<16xi32>
      %select_n3A_154 = arith.select %or3A_149, %broadcast_in_dim3A_152, %broadcast_in_dim3A_153 : vector<16xi1>, vector<16xi32>
      %add3A_155 = arith.addi %add3A_104, %select_n3A_154 : vector<16xi32>
      %gt3A_156 = arith.cmpf ogt, %gather3A_120, %get3A_13 : vector<16xf32>
      %eq3A_157 = arith.cmpf oeq, %gather3A_120, %get3A_13 : vector<16xf32>
      %lt3A_158 = arith.cmpi slt, %broadcast_in_dim3A_122, %add3A_63 : vector<16xi32>
      %and3A_159 = arith.andi %eq3A_157, %lt3A_158 : vector<16xi1>
      %or3A_160 = arith.ori %gt3A_156, %and3A_159 : vector<16xi1>
      %jit3A_161 = arith.constant 1 : i32
      %jit3A_162 = arith.constant 0 : i32
      %broadcast_in_dim3A_163 = vector.broadcast %jit3A_161 : i32 to vector<16xi32>
      %broadcast_in_dim3A_164 = vector.broadcast %jit3A_162 : i32 to vector<16xi32>
      %select_n3A_165 = arith.select %or3A_160, %broadcast_in_dim3A_163, %broadcast_in_dim3A_164 : vector<16xi1>, vector<16xi32>
      %add3A_166 = arith.addi %add3A_115, %select_n3A_165 : vector<16xi32>
      %broadcast_in_dim3A_167 = arith.constant 2 : i32
      %broadcast_in_dim3A_168 = vector.broadcast %broadcast_in_dim3A_167 : i32 to vector<16xi32>
      %broadcast_in_dim3A_169 = vector.shape_cast %broadcast_in_dim3A_168 : vector<16xi32> to vector<16x1xi32>
      %gather3A_170 = vector.shape_cast %broadcast_in_dim3A_169 : vector<16x1xi32> to vector<16xi32>
      %gather3A_171 = tpu.dynamic_gather %get3A_4[%gather3A_170] in [0] : vector<16xf32>, vector<16xi32> -> vector<16xf32>
      %broadcast_in_dim3A_172 = arith.constant 2 : i32
      %broadcast_in_dim3A_173 = vector.broadcast %broadcast_in_dim3A_172 : i32 to vector<16xi32>
      %gt3A_174 = arith.cmpf ogt, %gather3A_171, %get3A_4 : vector<16xf32>
      %eq3A_175 = arith.cmpf oeq, %gather3A_171, %get3A_4 : vector<16xf32>
      %lt3A_176 = arith.cmpi slt, %broadcast_in_dim3A_173, %add3A_24 : vector<16xi32>
      %and3A_177 = arith.andi %eq3A_175, %lt3A_176 : vector<16xi1>
      %or3A_178 = arith.ori %gt3A_174, %and3A_177 : vector<16xi1>
      %jit3A_179 = arith.constant 1 : i32
      %jit3A_180 = arith.constant 0 : i32
      %broadcast_in_dim3A_181 = vector.broadcast %jit3A_179 : i32 to vector<16xi32>
      %broadcast_in_dim3A_182 = vector.broadcast %jit3A_180 : i32 to vector<16xi32>
      %select_n3A_183 = arith.select %or3A_178, %broadcast_in_dim3A_181, %broadcast_in_dim3A_182 : vector<16xi1>, vector<16xi32>
      %add3A_184 = arith.addi %add3A_133, %select_n3A_183 : vector<16xi32>
      %gt3A_185 = arith.cmpf ogt, %gather3A_171, %get3A_7 : vector<16xf32>
      %eq3A_186 = arith.cmpf oeq, %gather3A_171, %get3A_7 : vector<16xf32>
      %lt3A_187 = arith.cmpi slt, %broadcast_in_dim3A_173, %add3A_37 : vector<16xi32>
      %and3A_188 = arith.andi %eq3A_186, %lt3A_187 : vector<16xi1>
      %or3A_189 = arith.ori %gt3A_185, %and3A_188 : vector<16xi1>
      %jit3A_190 = arith.constant 1 : i32
      %jit3A_191 = arith.constant 0 : i32
      %broadcast_in_dim3A_192 = vector.broadcast %jit3A_190 : i32 to vector<16xi32>
      %broadcast_in_dim3A_193 = vector.broadcast %jit3A_191 : i32 to vector<16xi32>
      %select_n3A_194 = arith.select %or3A_189, %broadcast_in_dim3A_192, %broadcast_in_dim3A_193 : vector<16xi1>, vector<16xi32>
      %add3A_195 = arith.addi %add3A_144, %select_n3A_194 : vector<16xi32>
      %gt3A_196 = arith.cmpf ogt, %gather3A_171, %get3A_10 : vector<16xf32>
      %eq3A_197 = arith.cmpf oeq, %gather3A_171, %get3A_10 : vector<16xf32>
      %lt3A_198 = arith.cmpi slt, %broadcast_in_dim3A_173, %add3A_50 : vector<16xi32>
      %and3A_199 = arith.andi %eq3A_197, %lt3A_198 : vector<16xi1>
      %or3A_200 = arith.ori %gt3A_196, %and3A_199 : vector<16xi1>
      %jit3A_201 = arith.constant 1 : i32
      %jit3A_202 = arith.constant 0 : i32
      %broadcast_in_dim3A_203 = vector.broadcast %jit3A_201 : i32 to vector<16xi32>
      %broadcast_in_dim3A_204 = vector.broadcast %jit3A_202 : i32 to vector<16xi32>
      %select_n3A_205 = arith.select %or3A_200, %broadcast_in_dim3A_203, %broadcast_in_dim3A_204 : vector<16xi1>, vector<16xi32>
      %add3A_206 = arith.addi %add3A_155, %select_n3A_205 : vector<16xi32>
      %gt3A_207 = arith.cmpf ogt, %gather3A_171, %get3A_13 : vector<16xf32>
      %eq3A_208 = arith.cmpf oeq, %gather3A_171, %get3A_13 : vector<16xf32>
      %lt3A_209 = arith.cmpi slt, %broadcast_in_dim3A_173, %add3A_63 : vector<16xi32>
      %and3A_210 = arith.andi %eq3A_208, %lt3A_209 : vector<16xi1>
      %or3A_211 = arith.ori %gt3A_207, %and3A_210 : vector<16xi1>
      %jit3A_212 = arith.constant 1 : i32
      %jit3A_213 = arith.constant 0 : i32
      %broadcast_in_dim3A_214 = vector.broadcast %jit3A_212 : i32 to vector<16xi32>
      %broadcast_in_dim3A_215 = vector.broadcast %jit3A_213 : i32 to vector<16xi32>
      %select_n3A_216 = arith.select %or3A_211, %broadcast_in_dim3A_214, %broadcast_in_dim3A_215 : vector<16xi1>, vector<16xi32>
      %add3A_217 = arith.addi %add3A_166, %select_n3A_216 : vector<16xi32>
      %broadcast_in_dim3A_218 = arith.constant 3 : i32
      %broadcast_in_dim3A_219 = vector.broadcast %broadcast_in_dim3A_218 : i32 to vector<16xi32>
      %broadcast_in_dim3A_220 = vector.shape_cast %broadcast_in_dim3A_219 : vector<16xi32> to vector<16x1xi32>
      %gather3A_221 = vector.shape_cast %broadcast_in_dim3A_220 : vector<16x1xi32> to vector<16xi32>
      %gather3A_222 = tpu.dynamic_gather %get3A_4[%gather3A_221] in [0] : vector<16xf32>, vector<16xi32> -> vector<16xf32>
      %broadcast_in_dim3A_223 = arith.constant 3 : i32
      %broadcast_in_dim3A_224 = vector.broadcast %broadcast_in_dim3A_223 : i32 to vector<16xi32>
      %gt3A_225 = arith.cmpf ogt, %gather3A_222, %get3A_4 : vector<16xf32>
      %eq3A_226 = arith.cmpf oeq, %gather3A_222, %get3A_4 : vector<16xf32>
      %lt3A_227 = arith.cmpi slt, %broadcast_in_dim3A_224, %add3A_24 : vector<16xi32>
      %and3A_228 = arith.andi %eq3A_226, %lt3A_227 : vector<16xi1>
      %or3A_229 = arith.ori %gt3A_225, %and3A_228 : vector<16xi1>
      %jit3A_230 = arith.constant 1 : i32
      %jit3A_231 = arith.constant 0 : i32
      %broadcast_in_dim3A_232 = vector.broadcast %jit3A_230 : i32 to vector<16xi32>
      %broadcast_in_dim3A_233 = vector.broadcast %jit3A_231 : i32 to vector<16xi32>
      %select_n3A_234 = arith.select %or3A_229, %broadcast_in_dim3A_232, %broadcast_in_dim3A_233 : vector<16xi1>, vector<16xi32>
      %add3A_235 = arith.addi %add3A_184, %select_n3A_234 : vector<16xi32>
      %gt3A_236 = arith.cmpf ogt, %gather3A_222, %get3A_7 : vector<16xf32>
      %eq3A_237 = arith.cmpf oeq, %gather3A_222, %get3A_7 : vector<16xf32>
      %lt3A_238 = arith.cmpi slt, %broadcast_in_dim3A_224, %add3A_37 : vector<16xi32>
      %and3A_239 = arith.andi %eq3A_237, %lt3A_238 : vector<16xi1>
      %or3A_240 = arith.ori %gt3A_236, %and3A_239 : vector<16xi1>
      %jit3A_241 = arith.constant 1 : i32
      %jit3A_242 = arith.constant 0 : i32
      %broadcast_in_dim3A_243 = vector.broadcast %jit3A_241 : i32 to vector<16xi32>
      %broadcast_in_dim3A_244 = vector.broadcast %jit3A_242 : i32 to vector<16xi32>
      %select_n3A_245 = arith.select %or3A_240, %broadcast_in_dim3A_243, %broadcast_in_dim3A_244 : vector<16xi1>, vector<16xi32>
      %add3A_246 = arith.addi %add3A_195, %select_n3A_245 : vector<16xi32>
      %gt3A_247 = arith.cmpf ogt, %gather3A_222, %get3A_10 : vector<16xf32>
      %eq3A_248 = arith.cmpf oeq, %gather3A_222, %get3A_10 : vector<16xf32>
      %lt3A_249 = arith.cmpi slt, %broadcast_in_dim3A_224, %add3A_50 : vector<16xi32>
      %and3A_250 = arith.andi %eq3A_248, %lt3A_249 : vector<16xi1>
      %or3A_251 = arith.ori %gt3A_247, %and3A_250 : vector<16xi1>
      %jit3A_252 = arith.constant 1 : i32
      %jit3A_253 = arith.constant 0 : i32
      %broadcast_in_dim3A_254 = vector.broadcast %jit3A_252 : i32 to vector<16xi32>
      %broadcast_in_dim3A_255 = vector.broadcast %jit3A_253 : i32 to vector<16xi32>
      %select_n3A_256 = arith.select %or3A_251, %broadcast_in_dim3A_254, %broadcast_in_dim3A_255 : vector<16xi1>, vector<16xi32>
      %add3A_257 = arith.addi %add3A_206, %select_n3A_256 : vector<16xi32>
      %gt3A_258 = arith.cmpf ogt, %gather3A_222, %get3A_13 : vector<16xf32>
      %eq3A_259 = arith.cmpf oeq, %gather3A_222, %get3A_13 : vector<16xf32>
      %lt3A_260 = arith.cmpi slt, %broadcast_in_dim3A_224, %add3A_63 : vector<16xi32>
      %and3A_261 = arith.andi %eq3A_259, %lt3A_260 : vector<16xi1>
      %or3A_262 = arith.ori %gt3A_258, %and3A_261 : vector<16xi1>
      %jit3A_263 = arith.constant 1 : i32
      %jit3A_264 = arith.constant 0 : i32
      %broadcast_in_dim3A_265 = vector.broadcast %jit3A_263 : i32 to vector<16xi32>
      %broadcast_in_dim3A_266 = vector.broadcast %jit3A_264 : i32 to vector<16xi32>
      %select_n3A_267 = arith.select %or3A_262, %broadcast_in_dim3A_265, %broadcast_in_dim3A_266 : vector<16xi1>, vector<16xi32>
      %add3A_268 = arith.addi %add3A_217, %select_n3A_267 : vector<16xi32>
      %broadcast_in_dim3A_269 = arith.constant 4 : i32
      %broadcast_in_dim3A_270 = vector.broadcast %broadcast_in_dim3A_269 : i32 to vector<16xi32>
      %broadcast_in_dim3A_271 = vector.shape_cast %broadcast_in_dim3A_270 : vector<16xi32> to vector<16x1xi32>
      %gather3A_272 = vector.shape_cast %broadcast_in_dim3A_271 : vector<16x1xi32> to vector<16xi32>
      %gather3A_273 = tpu.dynamic_gather %get3A_4[%gather3A_272] in [0] : vector<16xf32>, vector<16xi32> -> vector<16xf32>
      %broadcast_in_dim3A_274 = arith.constant 4 : i32
      %broadcast_in_dim3A_275 = vector.broadcast %broadcast_in_dim3A_274 : i32 to vector<16xi32>
      %gt3A_276 = arith.cmpf ogt, %gather3A_273, %get3A_4 : vector<16xf32>
      %eq3A_277 = arith.cmpf oeq, %gather3A_273, %get3A_4 : vector<16xf32>
      %lt3A_278 = arith.cmpi slt, %broadcast_in_dim3A_275, %add3A_24 : vector<16xi32>
      %and3A_279 = arith.andi %eq3A_277, %lt3A_278 : vector<16xi1>
      %or3A_280 = arith.ori %gt3A_276, %and3A_279 : vector<16xi1>
      %jit3A_281 = arith.constant 1 : i32
      %jit3A_282 = arith.constant 0 : i32
      %broadcast_in_dim3A_283 = vector.broadcast %jit3A_281 : i32 to vector<16xi32>
      %broadcast_in_dim3A_284 = vector.broadcast %jit3A_282 : i32 to vector<16xi32>
      %select_n3A_285 = arith.select %or3A_280, %broadcast_in_dim3A_283, %broadcast_in_dim3A_284 : vector<16xi1>, vector<16xi32>
      %add3A_286 = arith.addi %add3A_235, %select_n3A_285 : vector<16xi32>
      %gt3A_287 = arith.cmpf ogt, %gather3A_273, %get3A_7 : vector<16xf32>
      %eq3A_288 = arith.cmpf oeq, %gather3A_273, %get3A_7 : vector<16xf32>
      %lt3A_289 = arith.cmpi slt, %broadcast_in_dim3A_275, %add3A_37 : vector<16xi32>
      %and3A_290 = arith.andi %eq3A_288, %lt3A_289 : vector<16xi1>
      %or3A_291 = arith.ori %gt3A_287, %and3A_290 : vector<16xi1>
      %jit3A_292 = arith.constant 1 : i32
      %jit3A_293 = arith.constant 0 : i32
      %broadcast_in_dim3A_294 = vector.broadcast %jit3A_292 : i32 to vector<16xi32>
      %broadcast_in_dim3A_295 = vector.broadcast %jit3A_293 : i32 to vector<16xi32>
      %select_n3A_296 = arith.select %or3A_291, %broadcast_in_dim3A_294, %broadcast_in_dim3A_295 : vector<16xi1>, vector<16xi32>
      %add3A_297 = arith.addi %add3A_246, %select_n3A_296 : vector<16xi32>
      %gt3A_298 = arith.cmpf ogt, %gather3A_273, %get3A_10 : vector<16xf32>
      %eq3A_299 = arith.cmpf oeq, %gather3A_273, %get3A_10 : vector<16xf32>
      %lt3A_300 = arith.cmpi slt, %broadcast_in_dim3A_275, %add3A_50 : vector<16xi32>
      %and3A_301 = arith.andi %eq3A_299, %lt3A_300 : vector<16xi1>
      %or3A_302 = arith.ori %gt3A_298, %and3A_301 : vector<16xi1>
      %jit3A_303 = arith.constant 1 : i32
      %jit3A_304 = arith.constant 0 : i32
      %broadcast_in_dim3A_305 = vector.broadcast %jit3A_303 : i32 to vector<16xi32>
      %broadcast_in_dim3A_306 = vector.broadcast %jit3A_304 : i32 to vector<16xi32>
      %select_n3A_307 = arith.select %or3A_302, %broadcast_in_dim3A_305, %broadcast_in_dim3A_306 : vector<16xi1>, vector<16xi32>
      %add3A_308 = arith.addi %add3A_257, %select_n3A_307 : vector<16xi32>
      %gt3A_309 = arith.cmpf ogt, %gather3A_273, %get3A_13 : vector<16xf32>
      %eq3A_310 = arith.cmpf oeq, %gather3A_273, %get3A_13 : vector<16xf32>
      %lt3A_311 = arith.cmpi slt, %broadcast_in_dim3A_275, %add3A_63 : vector<16xi32>
      %and3A_312 = arith.andi %eq3A_310, %lt3A_311 : vector<16xi1>
      %or3A_313 = arith.ori %gt3A_309, %and3A_312 : vector<16xi1>
      %jit3A_314 = arith.constant 1 : i32
      %jit3A_315 = arith.constant 0 : i32
      %broadcast_in_dim3A_316 = vector.broadcast %jit3A_314 : i32 to vector<16xi32>
      %broadcast_in_dim3A_317 = vector.broadcast %jit3A_315 : i32 to vector<16xi32>
      %select_n3A_318 = arith.select %or3A_313, %broadcast_in_dim3A_316, %broadcast_in_dim3A_317 : vector<16xi1>, vector<16xi32>
      %add3A_319 = arith.addi %add3A_268, %select_n3A_318 : vector<16xi32>
      %broadcast_in_dim3A_320 = arith.constant 5 : i32
      %broadcast_in_dim3A_321 = vector.broadcast %broadcast_in_dim3A_320 : i32 to vector<16xi32>
      %broadcast_in_dim3A_322 = vector.shape_cast %broadcast_in_dim3A_321 : vector<16xi32> to vector<16x1xi32>
      %gather3A_323 = vector.shape_cast %broadcast_in_dim3A_322 : vector<16x1xi32> to vector<16xi32>
      %gather3A_324 = tpu.dynamic_gather %get3A_4[%gather3A_323] in [0] : vector<16xf32>, vector<16xi32> -> vector<16xf32>
      %broadcast_in_dim3A_325 = arith.constant 5 : i32
      %broadcast_in_dim3A_326 = vector.broadcast %broadcast_in_dim3A_325 : i32 to vector<16xi32>
      %gt3A_327 = arith.cmpf ogt, %gather3A_324, %get3A_4 : vector<16xf32>
      %eq3A_328 = arith.cmpf oeq, %gather3A_324, %get3A_4 : vector<16xf32>
      %lt3A_329 = arith.cmpi slt, %broadcast_in_dim3A_326, %add3A_24 : vector<16xi32>
      %and3A_330 = arith.andi %eq3A_328, %lt3A_329 : vector<16xi1>
      %or3A_331 = arith.ori %gt3A_327, %and3A_330 : vector<16xi1>
      %jit3A_332 = arith.constant 1 : i32
      %jit3A_333 = arith.constant 0 : i32
      %broadcast_in_dim3A_334 = vector.broadcast %jit3A_332 : i32 to vector<16xi32>
      %broadcast_in_dim3A_335 = vector.broadcast %jit3A_333 : i32 to vector<16xi32>
      %select_n3A_336 = arith.select %or3A_331, %broadcast_in_dim3A_334, %broadcast_in_dim3A_335 : vector<16xi1>, vector<16xi32>
      %add3A_337 = arith.addi %add3A_286, %select_n3A_336 : vector<16xi32>
      %gt3A_338 = arith.cmpf ogt, %gather3A_324, %get3A_7 : vector<16xf32>
      %eq3A_339 = arith.cmpf oeq, %gather3A_324, %get3A_7 : vector<16xf32>
      %lt3A_340 = arith.cmpi slt, %broadcast_in_dim3A_326, %add3A_37 : vector<16xi32>
      %and3A_341 = arith.andi %eq3A_339, %lt3A_340 : vector<16xi1>
      %or3A_342 = arith.ori %gt3A_338, %and3A_341 : vector<16xi1>
      %jit3A_343 = arith.constant 1 : i32
      %jit3A_344 = arith.constant 0 : i32
      %broadcast_in_dim3A_345 = vector.broadcast %jit3A_343 : i32 to vector<16xi32>
      %broadcast_in_dim3A_346 = vector.broadcast %jit3A_344 : i32 to vector<16xi32>
      %select_n3A_347 = arith.select %or3A_342, %broadcast_in_dim3A_345, %broadcast_in_dim3A_346 : vector<16xi1>, vector<16xi32>
      %add3A_348 = arith.addi %add3A_297, %select_n3A_347 : vector<16xi32>
      %gt3A_349 = arith.cmpf ogt, %gather3A_324, %get3A_10 : vector<16xf32>
      %eq3A_350 = arith.cmpf oeq, %gather3A_324, %get3A_10 : vector<16xf32>
      %lt3A_351 = arith.cmpi slt, %broadcast_in_dim3A_326, %add3A_50 : vector<16xi32>
      %and3A_352 = arith.andi %eq3A_350, %lt3A_351 : vector<16xi1>
      %or3A_353 = arith.ori %gt3A_349, %and3A_352 : vector<16xi1>
      %jit3A_354 = arith.constant 1 : i32
      %jit3A_355 = arith.constant 0 : i32
      %broadcast_in_dim3A_356 = vector.broadcast %jit3A_354 : i32 to vector<16xi32>
      %broadcast_in_dim3A_357 = vector.broadcast %jit3A_355 : i32 to vector<16xi32>
      %select_n3A_358 = arith.select %or3A_353, %broadcast_in_dim3A_356, %broadcast_in_dim3A_357 : vector<16xi1>, vector<16xi32>
      %add3A_359 = arith.addi %add3A_308, %select_n3A_358 : vector<16xi32>
      %gt3A_360 = arith.cmpf ogt, %gather3A_324, %get3A_13 : vector<16xf32>
      %eq3A_361 = arith.cmpf oeq, %gather3A_324, %get3A_13 : vector<16xf32>
      %lt3A_362 = arith.cmpi slt, %broadcast_in_dim3A_326, %add3A_63 : vector<16xi32>
      %and3A_363 = arith.andi %eq3A_361, %lt3A_362 : vector<16xi1>
      %or3A_364 = arith.ori %gt3A_360, %and3A_363 : vector<16xi1>
      %jit3A_365 = arith.constant 1 : i32
      %jit3A_366 = arith.constant 0 : i32
      %broadcast_in_dim3A_367 = vector.broadcast %jit3A_365 : i32 to vector<16xi32>
      %broadcast_in_dim3A_368 = vector.broadcast %jit3A_366 : i32 to vector<16xi32>
      %select_n3A_369 = arith.select %or3A_364, %broadcast_in_dim3A_367, %broadcast_in_dim3A_368 : vector<16xi1>, vector<16xi32>
      %add3A_370 = arith.addi %add3A_319, %select_n3A_369 : vector<16xi32>
      %broadcast_in_dim3A_371 = arith.constant 6 : i32
      %broadcast_in_dim3A_372 = vector.broadcast %broadcast_in_dim3A_371 : i32 to vector<16xi32>
      %broadcast_in_dim3A_373 = vector.shape_cast %broadcast_in_dim3A_372 : vector<16xi32> to vector<16x1xi32>
      %gather3A_374 = vector.shape_cast %broadcast_in_dim3A_373 : vector<16x1xi32> to vector<16xi32>
      %gather3A_375 = tpu.dynamic_gather %get3A_4[%gather3A_374] in [0] : vector<16xf32>, vector<16xi32> -> vector<16xf32>
      %broadcast_in_dim3A_376 = arith.constant 6 : i32
      %broadcast_in_dim3A_377 = vector.broadcast %broadcast_in_dim3A_376 : i32 to vector<16xi32>
      %gt3A_378 = arith.cmpf ogt, %gather3A_375, %get3A_4 : vector<16xf32>
      %eq3A_379 = arith.cmpf oeq, %gather3A_375, %get3A_4 : vector<16xf32>
      %lt3A_380 = arith.cmpi slt, %broadcast_in_dim3A_377, %add3A_24 : vector<16xi32>
      %and3A_381 = arith.andi %eq3A_379, %lt3A_380 : vector<16xi1>
      %or3A_382 = arith.ori %gt3A_378, %and3A_381 : vector<16xi1>
      %jit3A_383 = arith.constant 1 : i32
      %jit3A_384 = arith.constant 0 : i32
      %broadcast_in_dim3A_385 = vector.broadcast %jit3A_383 : i32 to vector<16xi32>
      %broadcast_in_dim3A_386 = vector.broadcast %jit3A_384 : i32 to vector<16xi32>
      %select_n3A_387 = arith.select %or3A_382, %broadcast_in_dim3A_385, %broadcast_in_dim3A_386 : vector<16xi1>, vector<16xi32>
      %add3A_388 = arith.addi %add3A_337, %select_n3A_387 : vector<16xi32>
      %gt3A_389 = arith.cmpf ogt, %gather3A_375, %get3A_7 : vector<16xf32>
      %eq3A_390 = arith.cmpf oeq, %gather3A_375, %get3A_7 : vector<16xf32>
      %lt3A_391 = arith.cmpi slt, %broadcast_in_dim3A_377, %add3A_37 : vector<16xi32>
      %and3A_392 = arith.andi %eq3A_390, %lt3A_391 : vector<16xi1>
      %or3A_393 = arith.ori %gt3A_389, %and3A_392 : vector<16xi1>
      %jit3A_394 = arith.constant 1 : i32
      %jit3A_395 = arith.constant 0 : i32
      %broadcast_in_dim3A_396 = vector.broadcast %jit3A_394 : i32 to vector<16xi32>
      %broadcast_in_dim3A_397 = vector.broadcast %jit3A_395 : i32 to vector<16xi32>
      %select_n3A_398 = arith.select %or3A_393, %broadcast_in_dim3A_396, %broadcast_in_dim3A_397 : vector<16xi1>, vector<16xi32>
      %add3A_399 = arith.addi %add3A_348, %select_n3A_398 : vector<16xi32>
      %gt3A_400 = arith.cmpf ogt, %gather3A_375, %get3A_10 : vector<16xf32>
      %eq3A_401 = arith.cmpf oeq, %gather3A_375, %get3A_10 : vector<16xf32>
      %lt3A_402 = arith.cmpi slt, %broadcast_in_dim3A_377, %add3A_50 : vector<16xi32>
      %and3A_403 = arith.andi %eq3A_401, %lt3A_402 : vector<16xi1>
      %or3A_404 = arith.ori %gt3A_400, %and3A_403 : vector<16xi1>
      %jit3A_405 = arith.constant 1 : i32
      %jit3A_406 = arith.constant 0 : i32
      %broadcast_in_dim3A_407 = vector.broadcast %jit3A_405 : i32 to vector<16xi32>
      %broadcast_in_dim3A_408 = vector.broadcast %jit3A_406 : i32 to vector<16xi32>
      %select_n3A_409 = arith.select %or3A_404, %broadcast_in_dim3A_407, %broadcast_in_dim3A_408 : vector<16xi1>, vector<16xi32>
      %add3A_410 = arith.addi %add3A_359, %select_n3A_409 : vector<16xi32>
      %gt3A_411 = arith.cmpf ogt, %gather3A_375, %get3A_13 : vector<16xf32>
      %eq3A_412 = arith.cmpf oeq, %gather3A_375, %get3A_13 : vector<16xf32>
      %lt3A_413 = arith.cmpi slt, %broadcast_in_dim3A_377, %add3A_63 : vector<16xi32>
      %and3A_414 = arith.andi %eq3A_412, %lt3A_413 : vector<16xi1>
      %or3A_415 = arith.ori %gt3A_411, %and3A_414 : vector<16xi1>
      %jit3A_416 = arith.constant 1 : i32
      %jit3A_417 = arith.constant 0 : i32
      %broadcast_in_dim3A_418 = vector.broadcast %jit3A_416 : i32 to vector<16xi32>
      %broadcast_in_dim3A_419 = vector.broadcast %jit3A_417 : i32 to vector<16xi32>
      %select_n3A_420 = arith.select %or3A_415, %broadcast_in_dim3A_418, %broadcast_in_dim3A_419 : vector<16xi1>, vector<16xi32>
      %add3A_421 = arith.addi %add3A_370, %select_n3A_420 : vector<16xi32>
      %broadcast_in_dim3A_422 = arith.constant 8 : i32
      %broadcast_in_dim3A_423 = vector.broadcast %broadcast_in_dim3A_422 : i32 to vector<16xi32>
      %broadcast_in_dim3A_424 = vector.shape_cast %broadcast_in_dim3A_423 : vector<16xi32> to vector<16x1xi32>
      %gather3A_425 = vector.shape_cast %broadcast_in_dim3A_424 : vector<16x1xi32> to vector<16xi32>
      %gather3A_426 = tpu.dynamic_gather %get3A_4[%gather3A_425] in [0] : vector<16xf32>, vector<16xi32> -> vector<16xf32>
      %broadcast_in_dim3A_427 = arith.constant 7 : i32
      %broadcast_in_dim3A_428 = vector.broadcast %broadcast_in_dim3A_427 : i32 to vector<16xi32>
      %gt3A_429 = arith.cmpf ogt, %gather3A_426, %get3A_4 : vector<16xf32>
      %eq3A_430 = arith.cmpf oeq, %gather3A_426, %get3A_4 : vector<16xf32>
      %lt3A_431 = arith.cmpi slt, %broadcast_in_dim3A_428, %add3A_24 : vector<16xi32>
      %and3A_432 = arith.andi %eq3A_430, %lt3A_431 : vector<16xi1>
      %or3A_433 = arith.ori %gt3A_429, %and3A_432 : vector<16xi1>
      %jit3A_434 = arith.constant 1 : i32
      %jit3A_435 = arith.constant 0 : i32
      %broadcast_in_dim3A_436 = vector.broadcast %jit3A_434 : i32 to vector<16xi32>
      %broadcast_in_dim3A_437 = vector.broadcast %jit3A_435 : i32 to vector<16xi32>
      %select_n3A_438 = arith.select %or3A_433, %broadcast_in_dim3A_436, %broadcast_in_dim3A_437 : vector<16xi1>, vector<16xi32>
      %add3A_439 = arith.addi %add3A_388, %select_n3A_438 : vector<16xi32>
      %gt3A_440 = arith.cmpf ogt, %gather3A_426, %get3A_7 : vector<16xf32>
      %eq3A_441 = arith.cmpf oeq, %gather3A_426, %get3A_7 : vector<16xf32>
      %lt3A_442 = arith.cmpi slt, %broadcast_in_dim3A_428, %add3A_37 : vector<16xi32>
      %and3A_443 = arith.andi %eq3A_441, %lt3A_442 : vector<16xi1>
      %or3A_444 = arith.ori %gt3A_440, %and3A_443 : vector<16xi1>
      %jit3A_445 = arith.constant 1 : i32
      %jit3A_446 = arith.constant 0 : i32
      %broadcast_in_dim3A_447 = vector.broadcast %jit3A_445 : i32 to vector<16xi32>
      %broadcast_in_dim3A_448 = vector.broadcast %jit3A_446 : i32 to vector<16xi32>
      %select_n3A_449 = arith.select %or3A_444, %broadcast_in_dim3A_447, %broadcast_in_dim3A_448 : vector<16xi1>, vector<16xi32>
      %add3A_450 = arith.addi %add3A_399, %select_n3A_449 : vector<16xi32>
      %gt3A_451 = arith.cmpf ogt, %gather3A_426, %get3A_10 : vector<16xf32>
      %eq3A_452 = arith.cmpf oeq, %gather3A_426, %get3A_10 : vector<16xf32>
      %lt3A_453 = arith.cmpi slt, %broadcast_in_dim3A_428, %add3A_50 : vector<16xi32>
      %and3A_454 = arith.andi %eq3A_452, %lt3A_453 : vector<16xi1>
      %or3A_455 = arith.ori %gt3A_451, %and3A_454 : vector<16xi1>
      %jit3A_456 = arith.constant 1 : i32
      %jit3A_457 = arith.constant 0 : i32
      %broadcast_in_dim3A_458 = vector.broadcast %jit3A_456 : i32 to vector<16xi32>
      %broadcast_in_dim3A_459 = vector.broadcast %jit3A_457 : i32 to vector<16xi32>
      %select_n3A_460 = arith.select %or3A_455, %broadcast_in_dim3A_458, %broadcast_in_dim3A_459 : vector<16xi1>, vector<16xi32>
      %add3A_461 = arith.addi %add3A_410, %select_n3A_460 : vector<16xi32>
      %gt3A_462 = arith.cmpf ogt, %gather3A_426, %get3A_13 : vector<16xf32>
      %eq3A_463 = arith.cmpf oeq, %gather3A_426, %get3A_13 : vector<16xf32>
      %lt3A_464 = arith.cmpi slt, %broadcast_in_dim3A_428, %add3A_63 : vector<16xi32>
      %and3A_465 = arith.andi %eq3A_463, %lt3A_464 : vector<16xi1>
      %or3A_466 = arith.ori %gt3A_462, %and3A_465 : vector<16xi1>
      %jit3A_467 = arith.constant 1 : i32
      %jit3A_468 = arith.constant 0 : i32
      %broadcast_in_dim3A_469 = vector.broadcast %jit3A_467 : i32 to vector<16xi32>
      %broadcast_in_dim3A_470 = vector.broadcast %jit3A_468 : i32 to vector<16xi32>
      %select_n3A_471 = arith.select %or3A_466, %broadcast_in_dim3A_469, %broadcast_in_dim3A_470 : vector<16xi1>, vector<16xi32>
      %add3A_472 = arith.addi %add3A_421, %select_n3A_471 : vector<16xi32>
      %broadcast_in_dim3A_473 = arith.constant 9 : i32
      %broadcast_in_dim3A_474 = vector.broadcast %broadcast_in_dim3A_473 : i32 to vector<16xi32>
      %broadcast_in_dim3A_475 = vector.shape_cast %broadcast_in_dim3A_474 : vector<16xi32> to vector<16x1xi32>
      %gather3A_476 = vector.shape_cast %broadcast_in_dim3A_475 : vector<16x1xi32> to vector<16xi32>
      %gather3A_477 = tpu.dynamic_gather %get3A_4[%gather3A_476] in [0] : vector<16xf32>, vector<16xi32> -> vector<16xf32>
      %broadcast_in_dim3A_478 = arith.constant 8 : i32
      %broadcast_in_dim3A_479 = vector.broadcast %broadcast_in_dim3A_478 : i32 to vector<16xi32>
      %gt3A_480 = arith.cmpf ogt, %gather3A_477, %get3A_4 : vector<16xf32>
      %eq3A_481 = arith.cmpf oeq, %gather3A_477, %get3A_4 : vector<16xf32>
      %lt3A_482 = arith.cmpi slt, %broadcast_in_dim3A_479, %add3A_24 : vector<16xi32>
      %and3A_483 = arith.andi %eq3A_481, %lt3A_482 : vector<16xi1>
      %or3A_484 = arith.ori %gt3A_480, %and3A_483 : vector<16xi1>
      %jit3A_485 = arith.constant 1 : i32
      %jit3A_486 = arith.constant 0 : i32
      %broadcast_in_dim3A_487 = vector.broadcast %jit3A_485 : i32 to vector<16xi32>
      %broadcast_in_dim3A_488 = vector.broadcast %jit3A_486 : i32 to vector<16xi32>
      %select_n3A_489 = arith.select %or3A_484, %broadcast_in_dim3A_487, %broadcast_in_dim3A_488 : vector<16xi1>, vector<16xi32>
      %add3A_490 = arith.addi %add3A_439, %select_n3A_489 : vector<16xi32>
      %gt3A_491 = arith.cmpf ogt, %gather3A_477, %get3A_7 : vector<16xf32>
      %eq3A_492 = arith.cmpf oeq, %gather3A_477, %get3A_7 : vector<16xf32>
      %lt3A_493 = arith.cmpi slt, %broadcast_in_dim3A_479, %add3A_37 : vector<16xi32>
      %and3A_494 = arith.andi %eq3A_492, %lt3A_493 : vector<16xi1>
      %or3A_495 = arith.ori %gt3A_491, %and3A_494 : vector<16xi1>
      %jit3A_496 = arith.constant 1 : i32
      %jit3A_497 = arith.constant 0 : i32
      %broadcast_in_dim3A_498 = vector.broadcast %jit3A_496 : i32 to vector<16xi32>
      %broadcast_in_dim3A_499 = vector.broadcast %jit3A_497 : i32 to vector<16xi32>
      %select_n3A_500 = arith.select %or3A_495, %broadcast_in_dim3A_498, %broadcast_in_dim3A_499 : vector<16xi1>, vector<16xi32>
      %add3A_501 = arith.addi %add3A_450, %select_n3A_500 : vector<16xi32>
      %gt3A_502 = arith.cmpf ogt, %gather3A_477, %get3A_10 : vector<16xf32>
      %eq3A_503 = arith.cmpf oeq, %gather3A_477, %get3A_10 : vector<16xf32>
      %lt3A_504 = arith.cmpi slt, %broadcast_in_dim3A_479, %add3A_50 : vector<16xi32>
      %and3A_505 = arith.andi %eq3A_503, %lt3A_504 : vector<16xi1>
      %or3A_506 = arith.ori %gt3A_502, %and3A_505 : vector<16xi1>
      %jit3A_507 = arith.constant 1 : i32
      %jit3A_508 = arith.constant 0 : i32
      %broadcast_in_dim3A_509 = vector.broadcast %jit3A_507 : i32 to vector<16xi32>
      %broadcast_in_dim3A_510 = vector.broadcast %jit3A_508 : i32 to vector<16xi32>
      %select_n3A_511 = arith.select %or3A_506, %broadcast_in_dim3A_509, %broadcast_in_dim3A_510 : vector<16xi1>, vector<16xi32>
      %add3A_512 = arith.addi %add3A_461, %select_n3A_511 : vector<16xi32>
      %gt3A_513 = arith.cmpf ogt, %gather3A_477, %get3A_13 : vector<16xf32>
      %eq3A_514 = arith.cmpf oeq, %gather3A_477, %get3A_13 : vector<16xf32>
      %lt3A_515 = arith.cmpi slt, %broadcast_in_dim3A_479, %add3A_63 : vector<16xi32>
      %and3A_516 = arith.andi %eq3A_514, %lt3A_515 : vector<16xi1>
      %or3A_517 = arith.ori %gt3A_513, %and3A_516 : vector<16xi1>
      %jit3A_518 = arith.constant 1 : i32
      %jit3A_519 = arith.constant 0 : i32
      %broadcast_in_dim3A_520 = vector.broadcast %jit3A_518 : i32 to vector<16xi32>
      %broadcast_in_dim3A_521 = vector.broadcast %jit3A_519 : i32 to vector<16xi32>
      %select_n3A_522 = arith.select %or3A_517, %broadcast_in_dim3A_520, %broadcast_in_dim3A_521 : vector<16xi1>, vector<16xi32>
      %add3A_523 = arith.addi %add3A_472, %select_n3A_522 : vector<16xi32>
      %broadcast_in_dim3A_524 = arith.constant 10 : i32
      %broadcast_in_dim3A_525 = vector.broadcast %broadcast_in_dim3A_524 : i32 to vector<16xi32>
      %broadcast_in_dim3A_526 = vector.shape_cast %broadcast_in_dim3A_525 : vector<16xi32> to vector<16x1xi32>
      %gather3A_527 = vector.shape_cast %broadcast_in_dim3A_526 : vector<16x1xi32> to vector<16xi32>
      %gather3A_528 = tpu.dynamic_gather %get3A_4[%gather3A_527] in [0] : vector<16xf32>, vector<16xi32> -> vector<16xf32>
      %broadcast_in_dim3A_529 = arith.constant 9 : i32
      %broadcast_in_dim3A_530 = vector.broadcast %broadcast_in_dim3A_529 : i32 to vector<16xi32>
      %gt3A_531 = arith.cmpf ogt, %gather3A_528, %get3A_4 : vector<16xf32>
      %eq3A_532 = arith.cmpf oeq, %gather3A_528, %get3A_4 : vector<16xf32>
      %lt3A_533 = arith.cmpi slt, %broadcast_in_dim3A_530, %add3A_24 : vector<16xi32>
      %and3A_534 = arith.andi %eq3A_532, %lt3A_533 : vector<16xi1>
      %or3A_535 = arith.ori %gt3A_531, %and3A_534 : vector<16xi1>
      %jit3A_536 = arith.constant 1 : i32
      %jit3A_537 = arith.constant 0 : i32
      %broadcast_in_dim3A_538 = vector.broadcast %jit3A_536 : i32 to vector<16xi32>
      %broadcast_in_dim3A_539 = vector.broadcast %jit3A_537 : i32 to vector<16xi32>
      %select_n3A_540 = arith.select %or3A_535, %broadcast_in_dim3A_538, %broadcast_in_dim3A_539 : vector<16xi1>, vector<16xi32>
      %add3A_541 = arith.addi %add3A_490, %select_n3A_540 : vector<16xi32>
      %gt3A_542 = arith.cmpf ogt, %gather3A_528, %get3A_7 : vector<16xf32>
      %eq3A_543 = arith.cmpf oeq, %gather3A_528, %get3A_7 : vector<16xf32>
      %lt3A_544 = arith.cmpi slt, %broadcast_in_dim3A_530, %add3A_37 : vector<16xi32>
      %and3A_545 = arith.andi %eq3A_543, %lt3A_544 : vector<16xi1>
      %or3A_546 = arith.ori %gt3A_542, %and3A_545 : vector<16xi1>
      %jit3A_547 = arith.constant 1 : i32
      %jit3A_548 = arith.constant 0 : i32
      %broadcast_in_dim3A_549 = vector.broadcast %jit3A_547 : i32 to vector<16xi32>
      %broadcast_in_dim3A_550 = vector.broadcast %jit3A_548 : i32 to vector<16xi32>
      %select_n3A_551 = arith.select %or3A_546, %broadcast_in_dim3A_549, %broadcast_in_dim3A_550 : vector<16xi1>, vector<16xi32>
      %add3A_552 = arith.addi %add3A_501, %select_n3A_551 : vector<16xi32>
      %gt3A_553 = arith.cmpf ogt, %gather3A_528, %get3A_10 : vector<16xf32>
      %eq3A_554 = arith.cmpf oeq, %gather3A_528, %get3A_10 : vector<16xf32>
      %lt3A_555 = arith.cmpi slt, %broadcast_in_dim3A_530, %add3A_50 : vector<16xi32>
      %and3A_556 = arith.andi %eq3A_554, %lt3A_555 : vector<16xi1>
      %or3A_557 = arith.ori %gt3A_553, %and3A_556 : vector<16xi1>
      %jit3A_558 = arith.constant 1 : i32
      %jit3A_559 = arith.constant 0 : i32
      %broadcast_in_dim3A_560 = vector.broadcast %jit3A_558 : i32 to vector<16xi32>
      %broadcast_in_dim3A_561 = vector.broadcast %jit3A_559 : i32 to vector<16xi32>
      %select_n3A_562 = arith.select %or3A_557, %broadcast_in_dim3A_560, %broadcast_in_dim3A_561 : vector<16xi1>, vector<16xi32>
      %add3A_563 = arith.addi %add3A_512, %select_n3A_562 : vector<16xi32>
      %gt3A_564 = arith.cmpf ogt, %gather3A_528, %get3A_13 : vector<16xf32>
      %eq3A_565 = arith.cmpf oeq, %gather3A_528, %get3A_13 : vector<16xf32>
      %lt3A_566 = arith.cmpi slt, %broadcast_in_dim3A_530, %add3A_63 : vector<16xi32>
      %and3A_567 = arith.andi %eq3A_565, %lt3A_566 : vector<16xi1>
      %or3A_568 = arith.ori %gt3A_564, %and3A_567 : vector<16xi1>
      %jit3A_569 = arith.constant 1 : i32
      %jit3A_570 = arith.constant 0 : i32
      %broadcast_in_dim3A_571 = vector.broadcast %jit3A_569 : i32 to vector<16xi32>
      %broadcast_in_dim3A_572 = vector.broadcast %jit3A_570 : i32 to vector<16xi32>
      %select_n3A_573 = arith.select %or3A_568, %broadcast_in_dim3A_571, %broadcast_in_dim3A_572 : vector<16xi1>, vector<16xi32>
      %add3A_574 = arith.addi %add3A_523, %select_n3A_573 : vector<16xi32>
      %broadcast_in_dim3A_575 = arith.constant 11 : i32
      %broadcast_in_dim3A_576 = vector.broadcast %broadcast_in_dim3A_575 : i32 to vector<16xi32>
      %broadcast_in_dim3A_577 = vector.shape_cast %broadcast_in_dim3A_576 : vector<16xi32> to vector<16x1xi32>
      %gather3A_578 = vector.shape_cast %broadcast_in_dim3A_577 : vector<16x1xi32> to vector<16xi32>
      %gather3A_579 = tpu.dynamic_gather %get3A_4[%gather3A_578] in [0] : vector<16xf32>, vector<16xi32> -> vector<16xf32>
      %broadcast_in_dim3A_580 = arith.constant 10 : i32
      %broadcast_in_dim3A_581 = vector.broadcast %broadcast_in_dim3A_580 : i32 to vector<16xi32>
      %gt3A_582 = arith.cmpf ogt, %gather3A_579, %get3A_4 : vector<16xf32>
      %eq3A_583 = arith.cmpf oeq, %gather3A_579, %get3A_4 : vector<16xf32>
      %lt3A_584 = arith.cmpi slt, %broadcast_in_dim3A_581, %add3A_24 : vector<16xi32>
      %and3A_585 = arith.andi %eq3A_583, %lt3A_584 : vector<16xi1>
      %or3A_586 = arith.ori %gt3A_582, %and3A_585 : vector<16xi1>
      %jit3A_587 = arith.constant 1 : i32
      %jit3A_588 = arith.constant 0 : i32
      %broadcast_in_dim3A_589 = vector.broadcast %jit3A_587 : i32 to vector<16xi32>
      %broadcast_in_dim3A_590 = vector.broadcast %jit3A_588 : i32 to vector<16xi32>
      %select_n3A_591 = arith.select %or3A_586, %broadcast_in_dim3A_589, %broadcast_in_dim3A_590 : vector<16xi1>, vector<16xi32>
      %add3A_592 = arith.addi %add3A_541, %select_n3A_591 : vector<16xi32>
      %gt3A_593 = arith.cmpf ogt, %gather3A_579, %get3A_7 : vector<16xf32>
      %eq3A_594 = arith.cmpf oeq, %gather3A_579, %get3A_7 : vector<16xf32>
      %lt3A_595 = arith.cmpi slt, %broadcast_in_dim3A_581, %add3A_37 : vector<16xi32>
      %and3A_596 = arith.andi %eq3A_594, %lt3A_595 : vector<16xi1>
      %or3A_597 = arith.ori %gt3A_593, %and3A_596 : vector<16xi1>
      %jit3A_598 = arith.constant 1 : i32
      %jit3A_599 = arith.constant 0 : i32
      %broadcast_in_dim3A_600 = vector.broadcast %jit3A_598 : i32 to vector<16xi32>
      %broadcast_in_dim3A_601 = vector.broadcast %jit3A_599 : i32 to vector<16xi32>
      %select_n3A_602 = arith.select %or3A_597, %broadcast_in_dim3A_600, %broadcast_in_dim3A_601 : vector<16xi1>, vector<16xi32>
      %add3A_603 = arith.addi %add3A_552, %select_n3A_602 : vector<16xi32>
      %gt3A_604 = arith.cmpf ogt, %gather3A_579, %get3A_10 : vector<16xf32>
      %eq3A_605 = arith.cmpf oeq, %gather3A_579, %get3A_10 : vector<16xf32>
      %lt3A_606 = arith.cmpi slt, %broadcast_in_dim3A_581, %add3A_50 : vector<16xi32>
      %and3A_607 = arith.andi %eq3A_605, %lt3A_606 : vector<16xi1>
      %or3A_608 = arith.ori %gt3A_604, %and3A_607 : vector<16xi1>
      %jit3A_609 = arith.constant 1 : i32
      %jit3A_610 = arith.constant 0 : i32
      %broadcast_in_dim3A_611 = vector.broadcast %jit3A_609 : i32 to vector<16xi32>
      %broadcast_in_dim3A_612 = vector.broadcast %jit3A_610 : i32 to vector<16xi32>
      %select_n3A_613 = arith.select %or3A_608, %broadcast_in_dim3A_611, %broadcast_in_dim3A_612 : vector<16xi1>, vector<16xi32>
      %add3A_614 = arith.addi %add3A_563, %select_n3A_613 : vector<16xi32>
      %gt3A_615 = arith.cmpf ogt, %gather3A_579, %get3A_13 : vector<16xf32>
      %eq3A_616 = arith.cmpf oeq, %gather3A_579, %get3A_13 : vector<16xf32>
      %lt3A_617 = arith.cmpi slt, %broadcast_in_dim3A_581, %add3A_63 : vector<16xi32>
      %and3A_618 = arith.andi %eq3A_616, %lt3A_617 : vector<16xi1>
      %or3A_619 = arith.ori %gt3A_615, %and3A_618 : vector<16xi1>
      %jit3A_620 = arith.constant 1 : i32
      %jit3A_621 = arith.constant 0 : i32
      %broadcast_in_dim3A_622 = vector.broadcast %jit3A_620 : i32 to vector<16xi32>
      %broadcast_in_dim3A_623 = vector.broadcast %jit3A_621 : i32 to vector<16xi32>
      %select_n3A_624 = arith.select %or3A_619, %broadcast_in_dim3A_622, %broadcast_in_dim3A_623 : vector<16xi1>, vector<16xi32>
      %add3A_625 = arith.addi %add3A_574, %select_n3A_624 : vector<16xi32>
      %broadcast_in_dim3A_626 = arith.constant 12 : i32
      %broadcast_in_dim3A_627 = vector.broadcast %broadcast_in_dim3A_626 : i32 to vector<16xi32>
      %broadcast_in_dim3A_628 = vector.shape_cast %broadcast_in_dim3A_627 : vector<16xi32> to vector<16x1xi32>
      %gather3A_629 = vector.shape_cast %broadcast_in_dim3A_628 : vector<16x1xi32> to vector<16xi32>
      %gather3A_630 = tpu.dynamic_gather %get3A_4[%gather3A_629] in [0] : vector<16xf32>, vector<16xi32> -> vector<16xf32>
      %broadcast_in_dim3A_631 = arith.constant 11 : i32
      %broadcast_in_dim3A_632 = vector.broadcast %broadcast_in_dim3A_631 : i32 to vector<16xi32>
      %gt3A_633 = arith.cmpf ogt, %gather3A_630, %get3A_4 : vector<16xf32>
      %eq3A_634 = arith.cmpf oeq, %gather3A_630, %get3A_4 : vector<16xf32>
      %lt3A_635 = arith.cmpi slt, %broadcast_in_dim3A_632, %add3A_24 : vector<16xi32>
      %and3A_636 = arith.andi %eq3A_634, %lt3A_635 : vector<16xi1>
      %or3A_637 = arith.ori %gt3A_633, %and3A_636 : vector<16xi1>
      %jit3A_638 = arith.constant 1 : i32
      %jit3A_639 = arith.constant 0 : i32
      %broadcast_in_dim3A_640 = vector.broadcast %jit3A_638 : i32 to vector<16xi32>
      %broadcast_in_dim3A_641 = vector.broadcast %jit3A_639 : i32 to vector<16xi32>
      %select_n3A_642 = arith.select %or3A_637, %broadcast_in_dim3A_640, %broadcast_in_dim3A_641 : vector<16xi1>, vector<16xi32>
      %add3A_643 = arith.addi %add3A_592, %select_n3A_642 : vector<16xi32>
      %gt3A_644 = arith.cmpf ogt, %gather3A_630, %get3A_7 : vector<16xf32>
      %eq3A_645 = arith.cmpf oeq, %gather3A_630, %get3A_7 : vector<16xf32>
      %lt3A_646 = arith.cmpi slt, %broadcast_in_dim3A_632, %add3A_37 : vector<16xi32>
      %and3A_647 = arith.andi %eq3A_645, %lt3A_646 : vector<16xi1>
      %or3A_648 = arith.ori %gt3A_644, %and3A_647 : vector<16xi1>
      %jit3A_649 = arith.constant 1 : i32
      %jit3A_650 = arith.constant 0 : i32
      %broadcast_in_dim3A_651 = vector.broadcast %jit3A_649 : i32 to vector<16xi32>
      %broadcast_in_dim3A_652 = vector.broadcast %jit3A_650 : i32 to vector<16xi32>
      %select_n3A_653 = arith.select %or3A_648, %broadcast_in_dim3A_651, %broadcast_in_dim3A_652 : vector<16xi1>, vector<16xi32>
      %add3A_654 = arith.addi %add3A_603, %select_n3A_653 : vector<16xi32>
      %gt3A_655 = arith.cmpf ogt, %gather3A_630, %get3A_10 : vector<16xf32>
      %eq3A_656 = arith.cmpf oeq, %gather3A_630, %get3A_10 : vector<16xf32>
      %lt3A_657 = arith.cmpi slt, %broadcast_in_dim3A_632, %add3A_50 : vector<16xi32>
      %and3A_658 = arith.andi %eq3A_656, %lt3A_657 : vector<16xi1>
      %or3A_659 = arith.ori %gt3A_655, %and3A_658 : vector<16xi1>
      %jit3A_660 = arith.constant 1 : i32
      %jit3A_661 = arith.constant 0 : i32
      %broadcast_in_dim3A_662 = vector.broadcast %jit3A_660 : i32 to vector<16xi32>
      %broadcast_in_dim3A_663 = vector.broadcast %jit3A_661 : i32 to vector<16xi32>
      %select_n3A_664 = arith.select %or3A_659, %broadcast_in_dim3A_662, %broadcast_in_dim3A_663 : vector<16xi1>, vector<16xi32>
      %add3A_665 = arith.addi %add3A_614, %select_n3A_664 : vector<16xi32>
      %gt3A_666 = arith.cmpf ogt, %gather3A_630, %get3A_13 : vector<16xf32>
      %eq3A_667 = arith.cmpf oeq, %gather3A_630, %get3A_13 : vector<16xf32>
      %lt3A_668 = arith.cmpi slt, %broadcast_in_dim3A_632, %add3A_63 : vector<16xi32>
      %and3A_669 = arith.andi %eq3A_667, %lt3A_668 : vector<16xi1>
      %or3A_670 = arith.ori %gt3A_666, %and3A_669 : vector<16xi1>
      %jit3A_671 = arith.constant 1 : i32
      %jit3A_672 = arith.constant 0 : i32
      %broadcast_in_dim3A_673 = vector.broadcast %jit3A_671 : i32 to vector<16xi32>
      %broadcast_in_dim3A_674 = vector.broadcast %jit3A_672 : i32 to vector<16xi32>
      %select_n3A_675 = arith.select %or3A_670, %broadcast_in_dim3A_673, %broadcast_in_dim3A_674 : vector<16xi1>, vector<16xi32>
      %add3A_676 = arith.addi %add3A_625, %select_n3A_675 : vector<16xi32>
      %broadcast_in_dim3A_677 = arith.constant 13 : i32
      %broadcast_in_dim3A_678 = vector.broadcast %broadcast_in_dim3A_677 : i32 to vector<16xi32>
      %broadcast_in_dim3A_679 = vector.shape_cast %broadcast_in_dim3A_678 : vector<16xi32> to vector<16x1xi32>
      %gather3A_680 = vector.shape_cast %broadcast_in_dim3A_679 : vector<16x1xi32> to vector<16xi32>
      %gather3A_681 = tpu.dynamic_gather %get3A_4[%gather3A_680] in [0] : vector<16xf32>, vector<16xi32> -> vector<16xf32>
      %broadcast_in_dim3A_682 = arith.constant 12 : i32
      %broadcast_in_dim3A_683 = vector.broadcast %broadcast_in_dim3A_682 : i32 to vector<16xi32>
      %gt3A_684 = arith.cmpf ogt, %gather3A_681, %get3A_4 : vector<16xf32>
      %eq3A_685 = arith.cmpf oeq, %gather3A_681, %get3A_4 : vector<16xf32>
      %lt3A_686 = arith.cmpi slt, %broadcast_in_dim3A_683, %add3A_24 : vector<16xi32>
      %and3A_687 = arith.andi %eq3A_685, %lt3A_686 : vector<16xi1>
      %or3A_688 = arith.ori %gt3A_684, %and3A_687 : vector<16xi1>
      %jit3A_689 = arith.constant 1 : i32
      %jit3A_690 = arith.constant 0 : i32
      %broadcast_in_dim3A_691 = vector.broadcast %jit3A_689 : i32 to vector<16xi32>
      %broadcast_in_dim3A_692 = vector.broadcast %jit3A_690 : i32 to vector<16xi32>
      %select_n3A_693 = arith.select %or3A_688, %broadcast_in_dim3A_691, %broadcast_in_dim3A_692 : vector<16xi1>, vector<16xi32>
      %add3A_694 = arith.addi %add3A_643, %select_n3A_693 : vector<16xi32>
      %gt3A_695 = arith.cmpf ogt, %gather3A_681, %get3A_7 : vector<16xf32>
      %eq3A_696 = arith.cmpf oeq, %gather3A_681, %get3A_7 : vector<16xf32>
      %lt3A_697 = arith.cmpi slt, %broadcast_in_dim3A_683, %add3A_37 : vector<16xi32>
      %and3A_698 = arith.andi %eq3A_696, %lt3A_697 : vector<16xi1>
      %or3A_699 = arith.ori %gt3A_695, %and3A_698 : vector<16xi1>
      %jit3A_700 = arith.constant 1 : i32
      %jit3A_701 = arith.constant 0 : i32
      %broadcast_in_dim3A_702 = vector.broadcast %jit3A_700 : i32 to vector<16xi32>
      %broadcast_in_dim3A_703 = vector.broadcast %jit3A_701 : i32 to vector<16xi32>
      %select_n3A_704 = arith.select %or3A_699, %broadcast_in_dim3A_702, %broadcast_in_dim3A_703 : vector<16xi1>, vector<16xi32>
      %add3A_705 = arith.addi %add3A_654, %select_n3A_704 : vector<16xi32>
      %gt3A_706 = arith.cmpf ogt, %gather3A_681, %get3A_10 : vector<16xf32>
      %eq3A_707 = arith.cmpf oeq, %gather3A_681, %get3A_10 : vector<16xf32>
      %lt3A_708 = arith.cmpi slt, %broadcast_in_dim3A_683, %add3A_50 : vector<16xi32>
      %and3A_709 = arith.andi %eq3A_707, %lt3A_708 : vector<16xi1>
      %or3A_710 = arith.ori %gt3A_706, %and3A_709 : vector<16xi1>
      %jit3A_711 = arith.constant 1 : i32
      %jit3A_712 = arith.constant 0 : i32
      %broadcast_in_dim3A_713 = vector.broadcast %jit3A_711 : i32 to vector<16xi32>
      %broadcast_in_dim3A_714 = vector.broadcast %jit3A_712 : i32 to vector<16xi32>
      %select_n3A_715 = arith.select %or3A_710, %broadcast_in_dim3A_713, %broadcast_in_dim3A_714 : vector<16xi1>, vector<16xi32>
      %add3A_716 = arith.addi %add3A_665, %select_n3A_715 : vector<16xi32>
      %gt3A_717 = arith.cmpf ogt, %gather3A_681, %get3A_13 : vector<16xf32>
      %eq3A_718 = arith.cmpf oeq, %gather3A_681, %get3A_13 : vector<16xf32>
      %lt3A_719 = arith.cmpi slt, %broadcast_in_dim3A_683, %add3A_63 : vector<16xi32>
      %and3A_720 = arith.andi %eq3A_718, %lt3A_719 : vector<16xi1>
      %or3A_721 = arith.ori %gt3A_717, %and3A_720 : vector<16xi1>
      %jit3A_722 = arith.constant 1 : i32
      %jit3A_723 = arith.constant 0 : i32
      %broadcast_in_dim3A_724 = vector.broadcast %jit3A_722 : i32 to vector<16xi32>
      %broadcast_in_dim3A_725 = vector.broadcast %jit3A_723 : i32 to vector<16xi32>
      %select_n3A_726 = arith.select %or3A_721, %broadcast_in_dim3A_724, %broadcast_in_dim3A_725 : vector<16xi1>, vector<16xi32>
      %add3A_727 = arith.addi %add3A_676, %select_n3A_726 : vector<16xi32>
      %broadcast_in_dim3A_728 = arith.constant 14 : i32
      %broadcast_in_dim3A_729 = vector.broadcast %broadcast_in_dim3A_728 : i32 to vector<16xi32>
      %broadcast_in_dim3A_730 = vector.shape_cast %broadcast_in_dim3A_729 : vector<16xi32> to vector<16x1xi32>
      %gather3A_731 = vector.shape_cast %broadcast_in_dim3A_730 : vector<16x1xi32> to vector<16xi32>
      %gather3A_732 = tpu.dynamic_gather %get3A_4[%gather3A_731] in [0] : vector<16xf32>, vector<16xi32> -> vector<16xf32>
      %broadcast_in_dim3A_733 = arith.constant 13 : i32
      %broadcast_in_dim3A_734 = vector.broadcast %broadcast_in_dim3A_733 : i32 to vector<16xi32>
      %gt3A_735 = arith.cmpf ogt, %gather3A_732, %get3A_4 : vector<16xf32>
      %eq3A_736 = arith.cmpf oeq, %gather3A_732, %get3A_4 : vector<16xf32>
      %lt3A_737 = arith.cmpi slt, %broadcast_in_dim3A_734, %add3A_24 : vector<16xi32>
      %and3A_738 = arith.andi %eq3A_736, %lt3A_737 : vector<16xi1>
      %or3A_739 = arith.ori %gt3A_735, %and3A_738 : vector<16xi1>
      %jit3A_740 = arith.constant 1 : i32
      %jit3A_741 = arith.constant 0 : i32
      %broadcast_in_dim3A_742 = vector.broadcast %jit3A_740 : i32 to vector<16xi32>
      %broadcast_in_dim3A_743 = vector.broadcast %jit3A_741 : i32 to vector<16xi32>
      %select_n3A_744 = arith.select %or3A_739, %broadcast_in_dim3A_742, %broadcast_in_dim3A_743 : vector<16xi1>, vector<16xi32>
      %add3A_745 = arith.addi %add3A_694, %select_n3A_744 : vector<16xi32>
      %gt3A_746 = arith.cmpf ogt, %gather3A_732, %get3A_7 : vector<16xf32>
      %eq3A_747 = arith.cmpf oeq, %gather3A_732, %get3A_7 : vector<16xf32>
      %lt3A_748 = arith.cmpi slt, %broadcast_in_dim3A_734, %add3A_37 : vector<16xi32>
      %and3A_749 = arith.andi %eq3A_747, %lt3A_748 : vector<16xi1>
      %or3A_750 = arith.ori %gt3A_746, %and3A_749 : vector<16xi1>
      %jit3A_751 = arith.constant 1 : i32
      %jit3A_752 = arith.constant 0 : i32
      %broadcast_in_dim3A_753 = vector.broadcast %jit3A_751 : i32 to vector<16xi32>
      %broadcast_in_dim3A_754 = vector.broadcast %jit3A_752 : i32 to vector<16xi32>
      %select_n3A_755 = arith.select %or3A_750, %broadcast_in_dim3A_753, %broadcast_in_dim3A_754 : vector<16xi1>, vector<16xi32>
      %add3A_756 = arith.addi %add3A_705, %select_n3A_755 : vector<16xi32>
      %gt3A_757 = arith.cmpf ogt, %gather3A_732, %get3A_10 : vector<16xf32>
      %eq3A_758 = arith.cmpf oeq, %gather3A_732, %get3A_10 : vector<16xf32>
      %lt3A_759 = arith.cmpi slt, %broadcast_in_dim3A_734, %add3A_50 : vector<16xi32>
      %and3A_760 = arith.andi %eq3A_758, %lt3A_759 : vector<16xi1>
      %or3A_761 = arith.ori %gt3A_757, %and3A_760 : vector<16xi1>
      %jit3A_762 = arith.constant 1 : i32
      %jit3A_763 = arith.constant 0 : i32
      %broadcast_in_dim3A_764 = vector.broadcast %jit3A_762 : i32 to vector<16xi32>
      %broadcast_in_dim3A_765 = vector.broadcast %jit3A_763 : i32 to vector<16xi32>
      %select_n3A_766 = arith.select %or3A_761, %broadcast_in_dim3A_764, %broadcast_in_dim3A_765 : vector<16xi1>, vector<16xi32>
      %add3A_767 = arith.addi %add3A_716, %select_n3A_766 : vector<16xi32>
      %gt3A_768 = arith.cmpf ogt, %gather3A_732, %get3A_13 : vector<16xf32>
      %eq3A_769 = arith.cmpf oeq, %gather3A_732, %get3A_13 : vector<16xf32>
      %lt3A_770 = arith.cmpi slt, %broadcast_in_dim3A_734, %add3A_63 : vector<16xi32>
      %and3A_771 = arith.andi %eq3A_769, %lt3A_770 : vector<16xi1>
      %or3A_772 = arith.ori %gt3A_768, %and3A_771 : vector<16xi1>
      %jit3A_773 = arith.constant 1 : i32
      %jit3A_774 = arith.constant 0 : i32
      %broadcast_in_dim3A_775 = vector.broadcast %jit3A_773 : i32 to vector<16xi32>
      %broadcast_in_dim3A_776 = vector.broadcast %jit3A_774 : i32 to vector<16xi32>
      %select_n3A_777 = arith.select %or3A_772, %broadcast_in_dim3A_775, %broadcast_in_dim3A_776 : vector<16xi1>, vector<16xi32>
      %add3A_778 = arith.addi %add3A_727, %select_n3A_777 : vector<16xi32>
      %broadcast_in_dim3A_779 = arith.constant 0 : i32
      %broadcast_in_dim3A_780 = vector.broadcast %broadcast_in_dim3A_779 : i32 to vector<16xi32>
      %broadcast_in_dim3A_781 = vector.shape_cast %broadcast_in_dim3A_780 : vector<16xi32> to vector<16x1xi32>
      %gather3A_782 = vector.shape_cast %broadcast_in_dim3A_781 : vector<16x1xi32> to vector<16xi32>
      %gather3A_783 = tpu.dynamic_gather %get3A_7[%gather3A_782] in [0] : vector<16xf32>, vector<16xi32> -> vector<16xf32>
      %broadcast_in_dim3A_784 = arith.constant 14 : i32
      %broadcast_in_dim3A_785 = vector.broadcast %broadcast_in_dim3A_784 : i32 to vector<16xi32>
      %gt3A_786 = arith.cmpf ogt, %gather3A_783, %get3A_4 : vector<16xf32>
      %eq3A_787 = arith.cmpf oeq, %gather3A_783, %get3A_4 : vector<16xf32>
      %lt3A_788 = arith.cmpi slt, %broadcast_in_dim3A_785, %add3A_24 : vector<16xi32>
      %and3A_789 = arith.andi %eq3A_787, %lt3A_788 : vector<16xi1>
      %or3A_790 = arith.ori %gt3A_786, %and3A_789 : vector<16xi1>
      %jit3A_791 = arith.constant 1 : i32
      %jit3A_792 = arith.constant 0 : i32
      %broadcast_in_dim3A_793 = vector.broadcast %jit3A_791 : i32 to vector<16xi32>
      %broadcast_in_dim3A_794 = vector.broadcast %jit3A_792 : i32 to vector<16xi32>
      %select_n3A_795 = arith.select %or3A_790, %broadcast_in_dim3A_793, %broadcast_in_dim3A_794 : vector<16xi1>, vector<16xi32>
      %add3A_796 = arith.addi %add3A_745, %select_n3A_795 : vector<16xi32>
      %gt3A_797 = arith.cmpf ogt, %gather3A_783, %get3A_7 : vector<16xf32>
      %eq3A_798 = arith.cmpf oeq, %gather3A_783, %get3A_7 : vector<16xf32>
      %lt3A_799 = arith.cmpi slt, %broadcast_in_dim3A_785, %add3A_37 : vector<16xi32>
      %and3A_800 = arith.andi %eq3A_798, %lt3A_799 : vector<16xi1>
      %or3A_801 = arith.ori %gt3A_797, %and3A_800 : vector<16xi1>
      %jit3A_802 = arith.constant 1 : i32
      %jit3A_803 = arith.constant 0 : i32
      %broadcast_in_dim3A_804 = vector.broadcast %jit3A_802 : i32 to vector<16xi32>
      %broadcast_in_dim3A_805 = vector.broadcast %jit3A_803 : i32 to vector<16xi32>
      %select_n3A_806 = arith.select %or3A_801, %broadcast_in_dim3A_804, %broadcast_in_dim3A_805 : vector<16xi1>, vector<16xi32>
      %add3A_807 = arith.addi %add3A_756, %select_n3A_806 : vector<16xi32>
      %gt3A_808 = arith.cmpf ogt, %gather3A_783, %get3A_10 : vector<16xf32>
      %eq3A_809 = arith.cmpf oeq, %gather3A_783, %get3A_10 : vector<16xf32>
      %lt3A_810 = arith.cmpi slt, %broadcast_in_dim3A_785, %add3A_50 : vector<16xi32>
      %and3A_811 = arith.andi %eq3A_809, %lt3A_810 : vector<16xi1>
      %or3A_812 = arith.ori %gt3A_808, %and3A_811 : vector<16xi1>
      %jit3A_813 = arith.constant 1 : i32
      %jit3A_814 = arith.constant 0 : i32
      %broadcast_in_dim3A_815 = vector.broadcast %jit3A_813 : i32 to vector<16xi32>
      %broadcast_in_dim3A_816 = vector.broadcast %jit3A_814 : i32 to vector<16xi32>
      %select_n3A_817 = arith.select %or3A_812, %broadcast_in_dim3A_815, %broadcast_in_dim3A_816 : vector<16xi1>, vector<16xi32>
      %add3A_818 = arith.addi %add3A_767, %select_n3A_817 : vector<16xi32>
      %gt3A_819 = arith.cmpf ogt, %gather3A_783, %get3A_13 : vector<16xf32>
      %eq3A_820 = arith.cmpf oeq, %gather3A_783, %get3A_13 : vector<16xf32>
      %lt3A_821 = arith.cmpi slt, %broadcast_in_dim3A_785, %add3A_63 : vector<16xi32>
      %and3A_822 = arith.andi %eq3A_820, %lt3A_821 : vector<16xi1>
      %or3A_823 = arith.ori %gt3A_819, %and3A_822 : vector<16xi1>
      %jit3A_824 = arith.constant 1 : i32
      %jit3A_825 = arith.constant 0 : i32
      %broadcast_in_dim3A_826 = vector.broadcast %jit3A_824 : i32 to vector<16xi32>
      %broadcast_in_dim3A_827 = vector.broadcast %jit3A_825 : i32 to vector<16xi32>
      %select_n3A_828 = arith.select %or3A_823, %broadcast_in_dim3A_826, %broadcast_in_dim3A_827 : vector<16xi1>, vector<16xi32>
      %add3A_829 = arith.addi %add3A_778, %select_n3A_828 : vector<16xi32>
      %broadcast_in_dim3A_830 = arith.constant 1 : i32
      %broadcast_in_dim3A_831 = vector.broadcast %broadcast_in_dim3A_830 : i32 to vector<16xi32>
      %broadcast_in_dim3A_832 = vector.shape_cast %broadcast_in_dim3A_831 : vector<16xi32> to vector<16x1xi32>
      %gather3A_833 = vector.shape_cast %broadcast_in_dim3A_832 : vector<16x1xi32> to vector<16xi32>
      %gather3A_834 = tpu.dynamic_gather %get3A_7[%gather3A_833] in [0] : vector<16xf32>, vector<16xi32> -> vector<16xf32>
      %broadcast_in_dim3A_835 = arith.constant 15 : i32
      %broadcast_in_dim3A_836 = vector.broadcast %broadcast_in_dim3A_835 : i32 to vector<16xi32>
      %gt3A_837 = arith.cmpf ogt, %gather3A_834, %get3A_4 : vector<16xf32>
      %eq3A_838 = arith.cmpf oeq, %gather3A_834, %get3A_4 : vector<16xf32>
      %lt3A_839 = arith.cmpi slt, %broadcast_in_dim3A_836, %add3A_24 : vector<16xi32>
      %and3A_840 = arith.andi %eq3A_838, %lt3A_839 : vector<16xi1>
      %or3A_841 = arith.ori %gt3A_837, %and3A_840 : vector<16xi1>
      %jit3A_842 = arith.constant 1 : i32
      %jit3A_843 = arith.constant 0 : i32
      %broadcast_in_dim3A_844 = vector.broadcast %jit3A_842 : i32 to vector<16xi32>
      %broadcast_in_dim3A_845 = vector.broadcast %jit3A_843 : i32 to vector<16xi32>
      %select_n3A_846 = arith.select %or3A_841, %broadcast_in_dim3A_844, %broadcast_in_dim3A_845 : vector<16xi1>, vector<16xi32>
      %add3A_847 = arith.addi %add3A_796, %select_n3A_846 : vector<16xi32>
      %gt3A_848 = arith.cmpf ogt, %gather3A_834, %get3A_7 : vector<16xf32>
      %eq3A_849 = arith.cmpf oeq, %gather3A_834, %get3A_7 : vector<16xf32>
      %lt3A_850 = arith.cmpi slt, %broadcast_in_dim3A_836, %add3A_37 : vector<16xi32>
      %and3A_851 = arith.andi %eq3A_849, %lt3A_850 : vector<16xi1>
      %or3A_852 = arith.ori %gt3A_848, %and3A_851 : vector<16xi1>
      %jit3A_853 = arith.constant 1 : i32
      %jit3A_854 = arith.constant 0 : i32
      %broadcast_in_dim3A_855 = vector.broadcast %jit3A_853 : i32 to vector<16xi32>
      %broadcast_in_dim3A_856 = vector.broadcast %jit3A_854 : i32 to vector<16xi32>
      %select_n3A_857 = arith.select %or3A_852, %broadcast_in_dim3A_855, %broadcast_in_dim3A_856 : vector<16xi1>, vector<16xi32>
      %add3A_858 = arith.addi %add3A_807, %select_n3A_857 : vector<16xi32>
      %gt3A_859 = arith.cmpf ogt, %gather3A_834, %get3A_10 : vector<16xf32>
      %eq3A_860 = arith.cmpf oeq, %gather3A_834, %get3A_10 : vector<16xf32>
      %lt3A_861 = arith.cmpi slt, %broadcast_in_dim3A_836, %add3A_50 : vector<16xi32>
      %and3A_862 = arith.andi %eq3A_860, %lt3A_861 : vector<16xi1>
      %or3A_863 = arith.ori %gt3A_859, %and3A_862 : vector<16xi1>
      %jit3A_864 = arith.constant 1 : i32
      %jit3A_865 = arith.constant 0 : i32
      %broadcast_in_dim3A_866 = vector.broadcast %jit3A_864 : i32 to vector<16xi32>
      %broadcast_in_dim3A_867 = vector.broadcast %jit3A_865 : i32 to vector<16xi32>
      %select_n3A_868 = arith.select %or3A_863, %broadcast_in_dim3A_866, %broadcast_in_dim3A_867 : vector<16xi1>, vector<16xi32>
      %add3A_869 = arith.addi %add3A_818, %select_n3A_868 : vector<16xi32>
      %gt3A_870 = arith.cmpf ogt, %gather3A_834, %get3A_13 : vector<16xf32>
      %eq3A_871 = arith.cmpf oeq, %gather3A_834, %get3A_13 : vector<16xf32>
      %lt3A_872 = arith.cmpi slt, %broadcast_in_dim3A_836, %add3A_63 : vector<16xi32>
      %and3A_873 = arith.andi %eq3A_871, %lt3A_872 : vector<16xi1>
      %or3A_874 = arith.ori %gt3A_870, %and3A_873 : vector<16xi1>
      %jit3A_875 = arith.constant 1 : i32
      %jit3A_876 = arith.constant 0 : i32
      %broadcast_in_dim3A_877 = vector.broadcast %jit3A_875 : i32 to vector<16xi32>
      %broadcast_in_dim3A_878 = vector.broadcast %jit3A_876 : i32 to vector<16xi32>
      %select_n3A_879 = arith.select %or3A_874, %broadcast_in_dim3A_877, %broadcast_in_dim3A_878 : vector<16xi1>, vector<16xi32>
      %add3A_880 = arith.addi %add3A_829, %select_n3A_879 : vector<16xi32>
      %broadcast_in_dim3A_881 = arith.constant 2 : i32
      %broadcast_in_dim3A_882 = vector.broadcast %broadcast_in_dim3A_881 : i32 to vector<16xi32>
      %broadcast_in_dim3A_883 = vector.shape_cast %broadcast_in_dim3A_882 : vector<16xi32> to vector<16x1xi32>
      %gather3A_884 = vector.shape_cast %broadcast_in_dim3A_883 : vector<16x1xi32> to vector<16xi32>
      %gather3A_885 = tpu.dynamic_gather %get3A_7[%gather3A_884] in [0] : vector<16xf32>, vector<16xi32> -> vector<16xf32>
      %broadcast_in_dim3A_886 = arith.constant 16 : i32
      %broadcast_in_dim3A_887 = vector.broadcast %broadcast_in_dim3A_886 : i32 to vector<16xi32>
      %gt3A_888 = arith.cmpf ogt, %gather3A_885, %get3A_4 : vector<16xf32>
      %eq3A_889 = arith.cmpf oeq, %gather3A_885, %get3A_4 : vector<16xf32>
      %lt3A_890 = arith.cmpi slt, %broadcast_in_dim3A_887, %add3A_24 : vector<16xi32>
      %and3A_891 = arith.andi %eq3A_889, %lt3A_890 : vector<16xi1>
      %or3A_892 = arith.ori %gt3A_888, %and3A_891 : vector<16xi1>
      %jit3A_893 = arith.constant 1 : i32
      %jit3A_894 = arith.constant 0 : i32
      %broadcast_in_dim3A_895 = vector.broadcast %jit3A_893 : i32 to vector<16xi32>
      %broadcast_in_dim3A_896 = vector.broadcast %jit3A_894 : i32 to vector<16xi32>
      %select_n3A_897 = arith.select %or3A_892, %broadcast_in_dim3A_895, %broadcast_in_dim3A_896 : vector<16xi1>, vector<16xi32>
      %add3A_898 = arith.addi %add3A_847, %select_n3A_897 : vector<16xi32>
      %gt3A_899 = arith.cmpf ogt, %gather3A_885, %get3A_7 : vector<16xf32>
      %eq3A_900 = arith.cmpf oeq, %gather3A_885, %get3A_7 : vector<16xf32>
      %lt3A_901 = arith.cmpi slt, %broadcast_in_dim3A_887, %add3A_37 : vector<16xi32>
      %and3A_902 = arith.andi %eq3A_900, %lt3A_901 : vector<16xi1>
      %or3A_903 = arith.ori %gt3A_899, %and3A_902 : vector<16xi1>
      %jit3A_904 = arith.constant 1 : i32
      %jit3A_905 = arith.constant 0 : i32
      %broadcast_in_dim3A_906 = vector.broadcast %jit3A_904 : i32 to vector<16xi32>
      %broadcast_in_dim3A_907 = vector.broadcast %jit3A_905 : i32 to vector<16xi32>
      %select_n3A_908 = arith.select %or3A_903, %broadcast_in_dim3A_906, %broadcast_in_dim3A_907 : vector<16xi1>, vector<16xi32>
      %add3A_909 = arith.addi %add3A_858, %select_n3A_908 : vector<16xi32>
      %gt3A_910 = arith.cmpf ogt, %gather3A_885, %get3A_10 : vector<16xf32>
      %eq3A_911 = arith.cmpf oeq, %gather3A_885, %get3A_10 : vector<16xf32>
      %lt3A_912 = arith.cmpi slt, %broadcast_in_dim3A_887, %add3A_50 : vector<16xi32>
      %and3A_913 = arith.andi %eq3A_911, %lt3A_912 : vector<16xi1>
      %or3A_914 = arith.ori %gt3A_910, %and3A_913 : vector<16xi1>
      %jit3A_915 = arith.constant 1 : i32
      %jit3A_916 = arith.constant 0 : i32
      %broadcast_in_dim3A_917 = vector.broadcast %jit3A_915 : i32 to vector<16xi32>
      %broadcast_in_dim3A_918 = vector.broadcast %jit3A_916 : i32 to vector<16xi32>
      %select_n3A_919 = arith.select %or3A_914, %broadcast_in_dim3A_917, %broadcast_in_dim3A_918 : vector<16xi1>, vector<16xi32>
      %add3A_920 = arith.addi %add3A_869, %select_n3A_919 : vector<16xi32>
      %gt3A_921 = arith.cmpf ogt, %gather3A_885, %get3A_13 : vector<16xf32>
      %eq3A_922 = arith.cmpf oeq, %gather3A_885, %get3A_13 : vector<16xf32>
      %lt3A_923 = arith.cmpi slt, %broadcast_in_dim3A_887, %add3A_63 : vector<16xi32>
      %and3A_924 = arith.andi %eq3A_922, %lt3A_923 : vector<16xi1>
      %or3A_925 = arith.ori %gt3A_921, %and3A_924 : vector<16xi1>
      %jit3A_926 = arith.constant 1 : i32
      %jit3A_927 = arith.constant 0 : i32
      %broadcast_in_dim3A_928 = vector.broadcast %jit3A_926 : i32 to vector<16xi32>
      %broadcast_in_dim3A_929 = vector.broadcast %jit3A_927 : i32 to vector<16xi32>
      %select_n3A_930 = arith.select %or3A_925, %broadcast_in_dim3A_928, %broadcast_in_dim3A_929 : vector<16xi1>, vector<16xi32>
      %add3A_931 = arith.addi %add3A_880, %select_n3A_930 : vector<16xi32>
      %broadcast_in_dim3A_932 = arith.constant 3 : i32
      %broadcast_in_dim3A_933 = vector.broadcast %broadcast_in_dim3A_932 : i32 to vector<16xi32>
      %broadcast_in_dim3A_934 = vector.shape_cast %broadcast_in_dim3A_933 : vector<16xi32> to vector<16x1xi32>
      %gather3A_935 = vector.shape_cast %broadcast_in_dim3A_934 : vector<16x1xi32> to vector<16xi32>
      %gather3A_936 = tpu.dynamic_gather %get3A_7[%gather3A_935] in [0] : vector<16xf32>, vector<16xi32> -> vector<16xf32>
      %broadcast_in_dim3A_937 = arith.constant 17 : i32
      %broadcast_in_dim3A_938 = vector.broadcast %broadcast_in_dim3A_937 : i32 to vector<16xi32>
      %gt3A_939 = arith.cmpf ogt, %gather3A_936, %get3A_4 : vector<16xf32>
      %eq3A_940 = arith.cmpf oeq, %gather3A_936, %get3A_4 : vector<16xf32>
      %lt3A_941 = arith.cmpi slt, %broadcast_in_dim3A_938, %add3A_24 : vector<16xi32>
      %and3A_942 = arith.andi %eq3A_940, %lt3A_941 : vector<16xi1>
      %or3A_943 = arith.ori %gt3A_939, %and3A_942 : vector<16xi1>
      %jit3A_944 = arith.constant 1 : i32
      %jit3A_945 = arith.constant 0 : i32
      %broadcast_in_dim3A_946 = vector.broadcast %jit3A_944 : i32 to vector<16xi32>
      %broadcast_in_dim3A_947 = vector.broadcast %jit3A_945 : i32 to vector<16xi32>
      %select_n3A_948 = arith.select %or3A_943, %broadcast_in_dim3A_946, %broadcast_in_dim3A_947 : vector<16xi1>, vector<16xi32>
      %add3A_949 = arith.addi %add3A_898, %select_n3A_948 : vector<16xi32>
      %gt3A_950 = arith.cmpf ogt, %gather3A_936, %get3A_7 : vector<16xf32>
      %eq3A_951 = arith.cmpf oeq, %gather3A_936, %get3A_7 : vector<16xf32>
      %lt3A_952 = arith.cmpi slt, %broadcast_in_dim3A_938, %add3A_37 : vector<16xi32>
      %and3A_953 = arith.andi %eq3A_951, %lt3A_952 : vector<16xi1>
      %or3A_954 = arith.ori %gt3A_950, %and3A_953 : vector<16xi1>
      %jit3A_955 = arith.constant 1 : i32
      %jit3A_956 = arith.constant 0 : i32
      %broadcast_in_dim3A_957 = vector.broadcast %jit3A_955 : i32 to vector<16xi32>
      %broadcast_in_dim3A_958 = vector.broadcast %jit3A_956 : i32 to vector<16xi32>
      %select_n3A_959 = arith.select %or3A_954, %broadcast_in_dim3A_957, %broadcast_in_dim3A_958 : vector<16xi1>, vector<16xi32>
      %add3A_960 = arith.addi %add3A_909, %select_n3A_959 : vector<16xi32>
      %gt3A_961 = arith.cmpf ogt, %gather3A_936, %get3A_10 : vector<16xf32>
      %eq3A_962 = arith.cmpf oeq, %gather3A_936, %get3A_10 : vector<16xf32>
      %lt3A_963 = arith.cmpi slt, %broadcast_in_dim3A_938, %add3A_50 : vector<16xi32>
      %and3A_964 = arith.andi %eq3A_962, %lt3A_963 : vector<16xi1>
      %or3A_965 = arith.ori %gt3A_961, %and3A_964 : vector<16xi1>
      %jit3A_966 = arith.constant 1 : i32
      %jit3A_967 = arith.constant 0 : i32
      %broadcast_in_dim3A_968 = vector.broadcast %jit3A_966 : i32 to vector<16xi32>
      %broadcast_in_dim3A_969 = vector.broadcast %jit3A_967 : i32 to vector<16xi32>
      %select_n3A_970 = arith.select %or3A_965, %broadcast_in_dim3A_968, %broadcast_in_dim3A_969 : vector<16xi1>, vector<16xi32>
      %add3A_971 = arith.addi %add3A_920, %select_n3A_970 : vector<16xi32>
      %gt3A_972 = arith.cmpf ogt, %gather3A_936, %get3A_13 : vector<16xf32>
      %eq3A_973 = arith.cmpf oeq, %gather3A_936, %get3A_13 : vector<16xf32>
      %lt3A_974 = arith.cmpi slt, %broadcast_in_dim3A_938, %add3A_63 : vector<16xi32>
      %and3A_975 = arith.andi %eq3A_973, %lt3A_974 : vector<16xi1>
      %or3A_976 = arith.ori %gt3A_972, %and3A_975 : vector<16xi1>
      %jit3A_977 = arith.constant 1 : i32
      %jit3A_978 = arith.constant 0 : i32
      %broadcast_in_dim3A_979 = vector.broadcast %jit3A_977 : i32 to vector<16xi32>
      %broadcast_in_dim3A_980 = vector.broadcast %jit3A_978 : i32 to vector<16xi32>
      %select_n3A_981 = arith.select %or3A_976, %broadcast_in_dim3A_979, %broadcast_in_dim3A_980 : vector<16xi1>, vector<16xi32>
      %add3A_982 = arith.addi %add3A_931, %select_n3A_981 : vector<16xi32>
      %broadcast_in_dim3A_983 = arith.constant 4 : i32
      %broadcast_in_dim3A_984 = vector.broadcast %broadcast_in_dim3A_983 : i32 to vector<16xi32>
      %broadcast_in_dim3A_985 = vector.shape_cast %broadcast_in_dim3A_984 : vector<16xi32> to vector<16x1xi32>
      %gather3A_986 = vector.shape_cast %broadcast_in_dim3A_985 : vector<16x1xi32> to vector<16xi32>
      %gather3A_987 = tpu.dynamic_gather %get3A_7[%gather3A_986] in [0] : vector<16xf32>, vector<16xi32> -> vector<16xf32>
      %broadcast_in_dim3A_988 = arith.constant 18 : i32
      %broadcast_in_dim3A_989 = vector.broadcast %broadcast_in_dim3A_988 : i32 to vector<16xi32>
      %gt3A_990 = arith.cmpf ogt, %gather3A_987, %get3A_4 : vector<16xf32>
      %eq3A_991 = arith.cmpf oeq, %gather3A_987, %get3A_4 : vector<16xf32>
      %lt3A_992 = arith.cmpi slt, %broadcast_in_dim3A_989, %add3A_24 : vector<16xi32>
      %and3A_993 = arith.andi %eq3A_991, %lt3A_992 : vector<16xi1>
      %or3A_994 = arith.ori %gt3A_990, %and3A_993 : vector<16xi1>
      %jit3A_995 = arith.constant 1 : i32
      %jit3A_996 = arith.constant 0 : i32
      %broadcast_in_dim3A_997 = vector.broadcast %jit3A_995 : i32 to vector<16xi32>
      %broadcast_in_dim3A_998 = vector.broadcast %jit3A_996 : i32 to vector<16xi32>
      %select_n3A_999 = arith.select %or3A_994, %broadcast_in_dim3A_997, %broadcast_in_dim3A_998 : vector<16xi1>, vector<16xi32>
      %add3A_1000 = arith.addi %add3A_949, %select_n3A_999 : vector<16xi32>
      %gt3A_1001 = arith.cmpf ogt, %gather3A_987, %get3A_7 : vector<16xf32>
      %eq3A_1002 = arith.cmpf oeq, %gather3A_987, %get3A_7 : vector<16xf32>
      %lt3A_1003 = arith.cmpi slt, %broadcast_in_dim3A_989, %add3A_37 : vector<16xi32>
      %and3A_1004 = arith.andi %eq3A_1002, %lt3A_1003 : vector<16xi1>
      %or3A_1005 = arith.ori %gt3A_1001, %and3A_1004 : vector<16xi1>
      %jit3A_1006 = arith.constant 1 : i32
      %jit3A_1007 = arith.constant 0 : i32
      %broadcast_in_dim3A_1008 = vector.broadcast %jit3A_1006 : i32 to vector<16xi32>
      %broadcast_in_dim3A_1009 = vector.broadcast %jit3A_1007 : i32 to vector<16xi32>
      %select_n3A_1010 = arith.select %or3A_1005, %broadcast_in_dim3A_1008, %broadcast_in_dim3A_1009 : vector<16xi1>, vector<16xi32>
      %add3A_1011 = arith.addi %add3A_960, %select_n3A_1010 : vector<16xi32>
      %gt3A_1012 = arith.cmpf ogt, %gather3A_987, %get3A_10 : vector<16xf32>
      %eq3A_1013 = arith.cmpf oeq, %gather3A_987, %get3A_10 : vector<16xf32>
      %lt3A_1014 = arith.cmpi slt, %broadcast_in_dim3A_989, %add3A_50 : vector<16xi32>
      %and3A_1015 = arith.andi %eq3A_1013, %lt3A_1014 : vector<16xi1>
      %or3A_1016 = arith.ori %gt3A_1012, %and3A_1015 : vector<16xi1>
      %jit3A_1017 = arith.constant 1 : i32
      %jit3A_1018 = arith.constant 0 : i32
      %broadcast_in_dim3A_1019 = vector.broadcast %jit3A_1017 : i32 to vector<16xi32>
      %broadcast_in_dim3A_1020 = vector.broadcast %jit3A_1018 : i32 to vector<16xi32>
      %select_n3A_1021 = arith.select %or3A_1016, %broadcast_in_dim3A_1019, %broadcast_in_dim3A_1020 : vector<16xi1>, vector<16xi32>
      %add3A_1022 = arith.addi %add3A_971, %select_n3A_1021 : vector<16xi32>
      %gt3A_1023 = arith.cmpf ogt, %gather3A_987, %get3A_13 : vector<16xf32>
      %eq3A_1024 = arith.cmpf oeq, %gather3A_987, %get3A_13 : vector<16xf32>
      %lt3A_1025 = arith.cmpi slt, %broadcast_in_dim3A_989, %add3A_63 : vector<16xi32>
      %and3A_1026 = arith.andi %eq3A_1024, %lt3A_1025 : vector<16xi1>
      %or3A_1027 = arith.ori %gt3A_1023, %and3A_1026 : vector<16xi1>
      %jit3A_1028 = arith.constant 1 : i32
      %jit3A_1029 = arith.constant 0 : i32
      %broadcast_in_dim3A_1030 = vector.broadcast %jit3A_1028 : i32 to vector<16xi32>
      %broadcast_in_dim3A_1031 = vector.broadcast %jit3A_1029 : i32 to vector<16xi32>
      %select_n3A_1032 = arith.select %or3A_1027, %broadcast_in_dim3A_1030, %broadcast_in_dim3A_1031 : vector<16xi1>, vector<16xi32>
      %add3A_1033 = arith.addi %add3A_982, %select_n3A_1032 : vector<16xi32>
      %broadcast_in_dim3A_1034 = arith.constant 5 : i32
      %broadcast_in_dim3A_1035 = vector.broadcast %broadcast_in_dim3A_1034 : i32 to vector<16xi32>
      %broadcast_in_dim3A_1036 = vector.shape_cast %broadcast_in_dim3A_1035 : vector<16xi32> to vector<16x1xi32>
      %gather3A_1037 = vector.shape_cast %broadcast_in_dim3A_1036 : vector<16x1xi32> to vector<16xi32>
      %gather3A_1038 = tpu.dynamic_gather %get3A_7[%gather3A_1037] in [0] : vector<16xf32>, vector<16xi32> -> vector<16xf32>
      %broadcast_in_dim3A_1039 = arith.constant 19 : i32
      %broadcast_in_dim3A_1040 = vector.broadcast %broadcast_in_dim3A_1039 : i32 to vector<16xi32>
      %gt3A_1041 = arith.cmpf ogt, %gather3A_1038, %get3A_4 : vector<16xf32>
      %eq3A_1042 = arith.cmpf oeq, %gather3A_1038, %get3A_4 : vector<16xf32>
      %lt3A_1043 = arith.cmpi slt, %broadcast_in_dim3A_1040, %add3A_24 : vector<16xi32>
      %and3A_1044 = arith.andi %eq3A_1042, %lt3A_1043 : vector<16xi1>
      %or3A_1045 = arith.ori %gt3A_1041, %and3A_1044 : vector<16xi1>
      %jit3A_1046 = arith.constant 1 : i32
      %jit3A_1047 = arith.constant 0 : i32
      %broadcast_in_dim3A_1048 = vector.broadcast %jit3A_1046 : i32 to vector<16xi32>
      %broadcast_in_dim3A_1049 = vector.broadcast %jit3A_1047 : i32 to vector<16xi32>
      %select_n3A_1050 = arith.select %or3A_1045, %broadcast_in_dim3A_1048, %broadcast_in_dim3A_1049 : vector<16xi1>, vector<16xi32>
      %add3A_1051 = arith.addi %add3A_1000, %select_n3A_1050 : vector<16xi32>
      %gt3A_1052 = arith.cmpf ogt, %gather3A_1038, %get3A_7 : vector<16xf32>
      %eq3A_1053 = arith.cmpf oeq, %gather3A_1038, %get3A_7 : vector<16xf32>
      %lt3A_1054 = arith.cmpi slt, %broadcast_in_dim3A_1040, %add3A_37 : vector<16xi32>
      %and3A_1055 = arith.andi %eq3A_1053, %lt3A_1054 : vector<16xi1>
      %or3A_1056 = arith.ori %gt3A_1052, %and3A_1055 : vector<16xi1>
      %jit3A_1057 = arith.constant 1 : i32
      %jit3A_1058 = arith.constant 0 : i32
      %broadcast_in_dim3A_1059 = vector.broadcast %jit3A_1057 : i32 to vector<16xi32>
      %broadcast_in_dim3A_1060 = vector.broadcast %jit3A_1058 : i32 to vector<16xi32>
      %select_n3A_1061 = arith.select %or3A_1056, %broadcast_in_dim3A_1059, %broadcast_in_dim3A_1060 : vector<16xi1>, vector<16xi32>
      %add3A_1062 = arith.addi %add3A_1011, %select_n3A_1061 : vector<16xi32>
      %gt3A_1063 = arith.cmpf ogt, %gather3A_1038, %get3A_10 : vector<16xf32>
      %eq3A_1064 = arith.cmpf oeq, %gather3A_1038, %get3A_10 : vector<16xf32>
      %lt3A_1065 = arith.cmpi slt, %broadcast_in_dim3A_1040, %add3A_50 : vector<16xi32>
      %and3A_1066 = arith.andi %eq3A_1064, %lt3A_1065 : vector<16xi1>
      %or3A_1067 = arith.ori %gt3A_1063, %and3A_1066 : vector<16xi1>
      %jit3A_1068 = arith.constant 1 : i32
      %jit3A_1069 = arith.constant 0 : i32
      %broadcast_in_dim3A_1070 = vector.broadcast %jit3A_1068 : i32 to vector<16xi32>
      %broadcast_in_dim3A_1071 = vector.broadcast %jit3A_1069 : i32 to vector<16xi32>
      %select_n3A_1072 = arith.select %or3A_1067, %broadcast_in_dim3A_1070, %broadcast_in_dim3A_1071 : vector<16xi1>, vector<16xi32>
      %add3A_1073 = arith.addi %add3A_1022, %select_n3A_1072 : vector<16xi32>
      %gt3A_1074 = arith.cmpf ogt, %gather3A_1038, %get3A_13 : vector<16xf32>
      %eq3A_1075 = arith.cmpf oeq, %gather3A_1038, %get3A_13 : vector<16xf32>
      %lt3A_1076 = arith.cmpi slt, %broadcast_in_dim3A_1040, %add3A_63 : vector<16xi32>
      %and3A_1077 = arith.andi %eq3A_1075, %lt3A_1076 : vector<16xi1>
      %or3A_1078 = arith.ori %gt3A_1074, %and3A_1077 : vector<16xi1>
      %jit3A_1079 = arith.constant 1 : i32
      %jit3A_1080 = arith.constant 0 : i32
      %broadcast_in_dim3A_1081 = vector.broadcast %jit3A_1079 : i32 to vector<16xi32>
      %broadcast_in_dim3A_1082 = vector.broadcast %jit3A_1080 : i32 to vector<16xi32>
      %select_n3A_1083 = arith.select %or3A_1078, %broadcast_in_dim3A_1081, %broadcast_in_dim3A_1082 : vector<16xi1>, vector<16xi32>
      %add3A_1084 = arith.addi %add3A_1033, %select_n3A_1083 : vector<16xi32>
      %broadcast_in_dim3A_1085 = arith.constant 6 : i32
      %broadcast_in_dim3A_1086 = vector.broadcast %broadcast_in_dim3A_1085 : i32 to vector<16xi32>
      %broadcast_in_dim3A_1087 = vector.shape_cast %broadcast_in_dim3A_1086 : vector<16xi32> to vector<16x1xi32>
      %gather3A_1088 = vector.shape_cast %broadcast_in_dim3A_1087 : vector<16x1xi32> to vector<16xi32>
      %gather3A_1089 = tpu.dynamic_gather %get3A_7[%gather3A_1088] in [0] : vector<16xf32>, vector<16xi32> -> vector<16xf32>
      %broadcast_in_dim3A_1090 = arith.constant 20 : i32
      %broadcast_in_dim3A_1091 = vector.broadcast %broadcast_in_dim3A_1090 : i32 to vector<16xi32>
      %gt3A_1092 = arith.cmpf ogt, %gather3A_1089, %get3A_4 : vector<16xf32>
      %eq3A_1093 = arith.cmpf oeq, %gather3A_1089, %get3A_4 : vector<16xf32>
      %lt3A_1094 = arith.cmpi slt, %broadcast_in_dim3A_1091, %add3A_24 : vector<16xi32>
      %and3A_1095 = arith.andi %eq3A_1093, %lt3A_1094 : vector<16xi1>
      %or3A_1096 = arith.ori %gt3A_1092, %and3A_1095 : vector<16xi1>
      %jit3A_1097 = arith.constant 1 : i32
      %jit3A_1098 = arith.constant 0 : i32
      %broadcast_in_dim3A_1099 = vector.broadcast %jit3A_1097 : i32 to vector<16xi32>
      %broadcast_in_dim3A_1100 = vector.broadcast %jit3A_1098 : i32 to vector<16xi32>
      %select_n3A_1101 = arith.select %or3A_1096, %broadcast_in_dim3A_1099, %broadcast_in_dim3A_1100 : vector<16xi1>, vector<16xi32>
      %add3A_1102 = arith.addi %add3A_1051, %select_n3A_1101 : vector<16xi32>
      %gt3A_1103 = arith.cmpf ogt, %gather3A_1089, %get3A_7 : vector<16xf32>
      %eq3A_1104 = arith.cmpf oeq, %gather3A_1089, %get3A_7 : vector<16xf32>
      %lt3A_1105 = arith.cmpi slt, %broadcast_in_dim3A_1091, %add3A_37 : vector<16xi32>
      %and3A_1106 = arith.andi %eq3A_1104, %lt3A_1105 : vector<16xi1>
      %or3A_1107 = arith.ori %gt3A_1103, %and3A_1106 : vector<16xi1>
      %jit3A_1108 = arith.constant 1 : i32
      %jit3A_1109 = arith.constant 0 : i32
      %broadcast_in_dim3A_1110 = vector.broadcast %jit3A_1108 : i32 to vector<16xi32>
      %broadcast_in_dim3A_1111 = vector.broadcast %jit3A_1109 : i32 to vector<16xi32>
      %select_n3A_1112 = arith.select %or3A_1107, %broadcast_in_dim3A_1110, %broadcast_in_dim3A_1111 : vector<16xi1>, vector<16xi32>
      %add3A_1113 = arith.addi %add3A_1062, %select_n3A_1112 : vector<16xi32>
      %gt3A_1114 = arith.cmpf ogt, %gather3A_1089, %get3A_10 : vector<16xf32>
      %eq3A_1115 = arith.cmpf oeq, %gather3A_1089, %get3A_10 : vector<16xf32>
      %lt3A_1116 = arith.cmpi slt, %broadcast_in_dim3A_1091, %add3A_50 : vector<16xi32>
      %and3A_1117 = arith.andi %eq3A_1115, %lt3A_1116 : vector<16xi1>
      %or3A_1118 = arith.ori %gt3A_1114, %and3A_1117 : vector<16xi1>
      %jit3A_1119 = arith.constant 1 : i32
      %jit3A_1120 = arith.constant 0 : i32
      %broadcast_in_dim3A_1121 = vector.broadcast %jit3A_1119 : i32 to vector<16xi32>
      %broadcast_in_dim3A_1122 = vector.broadcast %jit3A_1120 : i32 to vector<16xi32>
      %select_n3A_1123 = arith.select %or3A_1118, %broadcast_in_dim3A_1121, %broadcast_in_dim3A_1122 : vector<16xi1>, vector<16xi32>
      %add3A_1124 = arith.addi %add3A_1073, %select_n3A_1123 : vector<16xi32>
      %gt3A_1125 = arith.cmpf ogt, %gather3A_1089, %get3A_13 : vector<16xf32>
      %eq3A_1126 = arith.cmpf oeq, %gather3A_1089, %get3A_13 : vector<16xf32>
      %lt3A_1127 = arith.cmpi slt, %broadcast_in_dim3A_1091, %add3A_63 : vector<16xi32>
      %and3A_1128 = arith.andi %eq3A_1126, %lt3A_1127 : vector<16xi1>
      %or3A_1129 = arith.ori %gt3A_1125, %and3A_1128 : vector<16xi1>
      %jit3A_1130 = arith.constant 1 : i32
      %jit3A_1131 = arith.constant 0 : i32
      %broadcast_in_dim3A_1132 = vector.broadcast %jit3A_1130 : i32 to vector<16xi32>
      %broadcast_in_dim3A_1133 = vector.broadcast %jit3A_1131 : i32 to vector<16xi32>
      %select_n3A_1134 = arith.select %or3A_1129, %broadcast_in_dim3A_1132, %broadcast_in_dim3A_1133 : vector<16xi1>, vector<16xi32>
      %add3A_1135 = arith.addi %add3A_1084, %select_n3A_1134 : vector<16xi32>
      %broadcast_in_dim3A_1136 = arith.constant 8 : i32
      %broadcast_in_dim3A_1137 = vector.broadcast %broadcast_in_dim3A_1136 : i32 to vector<16xi32>
      %broadcast_in_dim3A_1138 = vector.shape_cast %broadcast_in_dim3A_1137 : vector<16xi32> to vector<16x1xi32>
      %gather3A_1139 = vector.shape_cast %broadcast_in_dim3A_1138 : vector<16x1xi32> to vector<16xi32>
      %gather3A_1140 = tpu.dynamic_gather %get3A_7[%gather3A_1139] in [0] : vector<16xf32>, vector<16xi32> -> vector<16xf32>
      %broadcast_in_dim3A_1141 = arith.constant 21 : i32
      %broadcast_in_dim3A_1142 = vector.broadcast %broadcast_in_dim3A_1141 : i32 to vector<16xi32>
      %gt3A_1143 = arith.cmpf ogt, %gather3A_1140, %get3A_4 : vector<16xf32>
      %eq3A_1144 = arith.cmpf oeq, %gather3A_1140, %get3A_4 : vector<16xf32>
      %lt3A_1145 = arith.cmpi slt, %broadcast_in_dim3A_1142, %add3A_24 : vector<16xi32>
      %and3A_1146 = arith.andi %eq3A_1144, %lt3A_1145 : vector<16xi1>
      %or3A_1147 = arith.ori %gt3A_1143, %and3A_1146 : vector<16xi1>
      %jit3A_1148 = arith.constant 1 : i32
      %jit3A_1149 = arith.constant 0 : i32
      %broadcast_in_dim3A_1150 = vector.broadcast %jit3A_1148 : i32 to vector<16xi32>
      %broadcast_in_dim3A_1151 = vector.broadcast %jit3A_1149 : i32 to vector<16xi32>
      %select_n3A_1152 = arith.select %or3A_1147, %broadcast_in_dim3A_1150, %broadcast_in_dim3A_1151 : vector<16xi1>, vector<16xi32>
      %add3A_1153 = arith.addi %add3A_1102, %select_n3A_1152 : vector<16xi32>
      %gt3A_1154 = arith.cmpf ogt, %gather3A_1140, %get3A_7 : vector<16xf32>
      %eq3A_1155 = arith.cmpf oeq, %gather3A_1140, %get3A_7 : vector<16xf32>
      %lt3A_1156 = arith.cmpi slt, %broadcast_in_dim3A_1142, %add3A_37 : vector<16xi32>
      %and3A_1157 = arith.andi %eq3A_1155, %lt3A_1156 : vector<16xi1>
      %or3A_1158 = arith.ori %gt3A_1154, %and3A_1157 : vector<16xi1>
      %jit3A_1159 = arith.constant 1 : i32
      %jit3A_1160 = arith.constant 0 : i32
      %broadcast_in_dim3A_1161 = vector.broadcast %jit3A_1159 : i32 to vector<16xi32>
      %broadcast_in_dim3A_1162 = vector.broadcast %jit3A_1160 : i32 to vector<16xi32>
      %select_n3A_1163 = arith.select %or3A_1158, %broadcast_in_dim3A_1161, %broadcast_in_dim3A_1162 : vector<16xi1>, vector<16xi32>
      %add3A_1164 = arith.addi %add3A_1113, %select_n3A_1163 : vector<16xi32>
      %gt3A_1165 = arith.cmpf ogt, %gather3A_1140, %get3A_10 : vector<16xf32>
      %eq3A_1166 = arith.cmpf oeq, %gather3A_1140, %get3A_10 : vector<16xf32>
      %lt3A_1167 = arith.cmpi slt, %broadcast_in_dim3A_1142, %add3A_50 : vector<16xi32>
      %and3A_1168 = arith.andi %eq3A_1166, %lt3A_1167 : vector<16xi1>
      %or3A_1169 = arith.ori %gt3A_1165, %and3A_1168 : vector<16xi1>
      %jit3A_1170 = arith.constant 1 : i32
      %jit3A_1171 = arith.constant 0 : i32
      %broadcast_in_dim3A_1172 = vector.broadcast %jit3A_1170 : i32 to vector<16xi32>
      %broadcast_in_dim3A_1173 = vector.broadcast %jit3A_1171 : i32 to vector<16xi32>
      %select_n3A_1174 = arith.select %or3A_1169, %broadcast_in_dim3A_1172, %broadcast_in_dim3A_1173 : vector<16xi1>, vector<16xi32>
      %add3A_1175 = arith.addi %add3A_1124, %select_n3A_1174 : vector<16xi32>
      %gt3A_1176 = arith.cmpf ogt, %gather3A_1140, %get3A_13 : vector<16xf32>
      %eq3A_1177 = arith.cmpf oeq, %gather3A_1140, %get3A_13 : vector<16xf32>
      %lt3A_1178 = arith.cmpi slt, %broadcast_in_dim3A_1142, %add3A_63 : vector<16xi32>
      %and3A_1179 = arith.andi %eq3A_1177, %lt3A_1178 : vector<16xi1>
      %or3A_1180 = arith.ori %gt3A_1176, %and3A_1179 : vector<16xi1>
      %jit3A_1181 = arith.constant 1 : i32
      %jit3A_1182 = arith.constant 0 : i32
      %broadcast_in_dim3A_1183 = vector.broadcast %jit3A_1181 : i32 to vector<16xi32>
      %broadcast_in_dim3A_1184 = vector.broadcast %jit3A_1182 : i32 to vector<16xi32>
      %select_n3A_1185 = arith.select %or3A_1180, %broadcast_in_dim3A_1183, %broadcast_in_dim3A_1184 : vector<16xi1>, vector<16xi32>
      %add3A_1186 = arith.addi %add3A_1135, %select_n3A_1185 : vector<16xi32>
      %broadcast_in_dim3A_1187 = arith.constant 9 : i32
      %broadcast_in_dim3A_1188 = vector.broadcast %broadcast_in_dim3A_1187 : i32 to vector<16xi32>
      %broadcast_in_dim3A_1189 = vector.shape_cast %broadcast_in_dim3A_1188 : vector<16xi32> to vector<16x1xi32>
      %gather3A_1190 = vector.shape_cast %broadcast_in_dim3A_1189 : vector<16x1xi32> to vector<16xi32>
      %gather3A_1191 = tpu.dynamic_gather %get3A_7[%gather3A_1190] in [0] : vector<16xf32>, vector<16xi32> -> vector<16xf32>
      %broadcast_in_dim3A_1192 = arith.constant 22 : i32
      %broadcast_in_dim3A_1193 = vector.broadcast %broadcast_in_dim3A_1192 : i32 to vector<16xi32>
      %gt3A_1194 = arith.cmpf ogt, %gather3A_1191, %get3A_4 : vector<16xf32>
      %eq3A_1195 = arith.cmpf oeq, %gather3A_1191, %get3A_4 : vector<16xf32>
      %lt3A_1196 = arith.cmpi slt, %broadcast_in_dim3A_1193, %add3A_24 : vector<16xi32>
      %and3A_1197 = arith.andi %eq3A_1195, %lt3A_1196 : vector<16xi1>
      %or3A_1198 = arith.ori %gt3A_1194, %and3A_1197 : vector<16xi1>
      %jit3A_1199 = arith.constant 1 : i32
      %jit3A_1200 = arith.constant 0 : i32
      %broadcast_in_dim3A_1201 = vector.broadcast %jit3A_1199 : i32 to vector<16xi32>
      %broadcast_in_dim3A_1202 = vector.broadcast %jit3A_1200 : i32 to vector<16xi32>
      %select_n3A_1203 = arith.select %or3A_1198, %broadcast_in_dim3A_1201, %broadcast_in_dim3A_1202 : vector<16xi1>, vector<16xi32>
      %add3A_1204 = arith.addi %add3A_1153, %select_n3A_1203 : vector<16xi32>
      %gt3A_1205 = arith.cmpf ogt, %gather3A_1191, %get3A_7 : vector<16xf32>
      %eq3A_1206 = arith.cmpf oeq, %gather3A_1191, %get3A_7 : vector<16xf32>
      %lt3A_1207 = arith.cmpi slt, %broadcast_in_dim3A_1193, %add3A_37 : vector<16xi32>
      %and3A_1208 = arith.andi %eq3A_1206, %lt3A_1207 : vector<16xi1>
      %or3A_1209 = arith.ori %gt3A_1205, %and3A_1208 : vector<16xi1>
      %jit3A_1210 = arith.constant 1 : i32
      %jit3A_1211 = arith.constant 0 : i32
      %broadcast_in_dim3A_1212 = vector.broadcast %jit3A_1210 : i32 to vector<16xi32>
      %broadcast_in_dim3A_1213 = vector.broadcast %jit3A_1211 : i32 to vector<16xi32>
      %select_n3A_1214 = arith.select %or3A_1209, %broadcast_in_dim3A_1212, %broadcast_in_dim3A_1213 : vector<16xi1>, vector<16xi32>
      %add3A_1215 = arith.addi %add3A_1164, %select_n3A_1214 : vector<16xi32>
      %gt3A_1216 = arith.cmpf ogt, %gather3A_1191, %get3A_10 : vector<16xf32>
      %eq3A_1217 = arith.cmpf oeq, %gather3A_1191, %get3A_10 : vector<16xf32>
      %lt3A_1218 = arith.cmpi slt, %broadcast_in_dim3A_1193, %add3A_50 : vector<16xi32>
      %and3A_1219 = arith.andi %eq3A_1217, %lt3A_1218 : vector<16xi1>
      %or3A_1220 = arith.ori %gt3A_1216, %and3A_1219 : vector<16xi1>
      %jit3A_1221 = arith.constant 1 : i32
      %jit3A_1222 = arith.constant 0 : i32
      %broadcast_in_dim3A_1223 = vector.broadcast %jit3A_1221 : i32 to vector<16xi32>
      %broadcast_in_dim3A_1224 = vector.broadcast %jit3A_1222 : i32 to vector<16xi32>
      %select_n3A_1225 = arith.select %or3A_1220, %broadcast_in_dim3A_1223, %broadcast_in_dim3A_1224 : vector<16xi1>, vector<16xi32>
      %add3A_1226 = arith.addi %add3A_1175, %select_n3A_1225 : vector<16xi32>
      %gt3A_1227 = arith.cmpf ogt, %gather3A_1191, %get3A_13 : vector<16xf32>
      %eq3A_1228 = arith.cmpf oeq, %gather3A_1191, %get3A_13 : vector<16xf32>
      %lt3A_1229 = arith.cmpi slt, %broadcast_in_dim3A_1193, %add3A_63 : vector<16xi32>
      %and3A_1230 = arith.andi %eq3A_1228, %lt3A_1229 : vector<16xi1>
      %or3A_1231 = arith.ori %gt3A_1227, %and3A_1230 : vector<16xi1>
      %jit3A_1232 = arith.constant 1 : i32
      %jit3A_1233 = arith.constant 0 : i32
      %broadcast_in_dim3A_1234 = vector.broadcast %jit3A_1232 : i32 to vector<16xi32>
      %broadcast_in_dim3A_1235 = vector.broadcast %jit3A_1233 : i32 to vector<16xi32>
      %select_n3A_1236 = arith.select %or3A_1231, %broadcast_in_dim3A_1234, %broadcast_in_dim3A_1235 : vector<16xi1>, vector<16xi32>
      %add3A_1237 = arith.addi %add3A_1186, %select_n3A_1236 : vector<16xi32>
      %broadcast_in_dim3A_1238 = arith.constant 10 : i32
      %broadcast_in_dim3A_1239 = vector.broadcast %broadcast_in_dim3A_1238 : i32 to vector<16xi32>
      %broadcast_in_dim3A_1240 = vector.shape_cast %broadcast_in_dim3A_1239 : vector<16xi32> to vector<16x1xi32>
      %gather3A_1241 = vector.shape_cast %broadcast_in_dim3A_1240 : vector<16x1xi32> to vector<16xi32>
      %gather3A_1242 = tpu.dynamic_gather %get3A_7[%gather3A_1241] in [0] : vector<16xf32>, vector<16xi32> -> vector<16xf32>
      %broadcast_in_dim3A_1243 = arith.constant 23 : i32
      %broadcast_in_dim3A_1244 = vector.broadcast %broadcast_in_dim3A_1243 : i32 to vector<16xi32>
      %gt3A_1245 = arith.cmpf ogt, %gather3A_1242, %get3A_4 : vector<16xf32>
      %eq3A_1246 = arith.cmpf oeq, %gather3A_1242, %get3A_4 : vector<16xf32>
      %lt3A_1247 = arith.cmpi slt, %broadcast_in_dim3A_1244, %add3A_24 : vector<16xi32>
      %and3A_1248 = arith.andi %eq3A_1246, %lt3A_1247 : vector<16xi1>
      %or3A_1249 = arith.ori %gt3A_1245, %and3A_1248 : vector<16xi1>
      %jit3A_1250 = arith.constant 1 : i32
      %jit3A_1251 = arith.constant 0 : i32
      %broadcast_in_dim3A_1252 = vector.broadcast %jit3A_1250 : i32 to vector<16xi32>
      %broadcast_in_dim3A_1253 = vector.broadcast %jit3A_1251 : i32 to vector<16xi32>
      %select_n3A_1254 = arith.select %or3A_1249, %broadcast_in_dim3A_1252, %broadcast_in_dim3A_1253 : vector<16xi1>, vector<16xi32>
      %add3A_1255 = arith.addi %add3A_1204, %select_n3A_1254 : vector<16xi32>
      %gt3A_1256 = arith.cmpf ogt, %gather3A_1242, %get3A_7 : vector<16xf32>
      %eq3A_1257 = arith.cmpf oeq, %gather3A_1242, %get3A_7 : vector<16xf32>
      %lt3A_1258 = arith.cmpi slt, %broadcast_in_dim3A_1244, %add3A_37 : vector<16xi32>
      %and3A_1259 = arith.andi %eq3A_1257, %lt3A_1258 : vector<16xi1>
      %or3A_1260 = arith.ori %gt3A_1256, %and3A_1259 : vector<16xi1>
      %jit3A_1261 = arith.constant 1 : i32
      %jit3A_1262 = arith.constant 0 : i32
      %broadcast_in_dim3A_1263 = vector.broadcast %jit3A_1261 : i32 to vector<16xi32>
      %broadcast_in_dim3A_1264 = vector.broadcast %jit3A_1262 : i32 to vector<16xi32>
      %select_n3A_1265 = arith.select %or3A_1260, %broadcast_in_dim3A_1263, %broadcast_in_dim3A_1264 : vector<16xi1>, vector<16xi32>
      %add3A_1266 = arith.addi %add3A_1215, %select_n3A_1265 : vector<16xi32>
      %gt3A_1267 = arith.cmpf ogt, %gather3A_1242, %get3A_10 : vector<16xf32>
      %eq3A_1268 = arith.cmpf oeq, %gather3A_1242, %get3A_10 : vector<16xf32>
      %lt3A_1269 = arith.cmpi slt, %broadcast_in_dim3A_1244, %add3A_50 : vector<16xi32>
      %and3A_1270 = arith.andi %eq3A_1268, %lt3A_1269 : vector<16xi1>
      %or3A_1271 = arith.ori %gt3A_1267, %and3A_1270 : vector<16xi1>
      %jit3A_1272 = arith.constant 1 : i32
      %jit3A_1273 = arith.constant 0 : i32
      %broadcast_in_dim3A_1274 = vector.broadcast %jit3A_1272 : i32 to vector<16xi32>
      %broadcast_in_dim3A_1275 = vector.broadcast %jit3A_1273 : i32 to vector<16xi32>
      %select_n3A_1276 = arith.select %or3A_1271, %broadcast_in_dim3A_1274, %broadcast_in_dim3A_1275 : vector<16xi1>, vector<16xi32>
      %add3A_1277 = arith.addi %add3A_1226, %select_n3A_1276 : vector<16xi32>
      %gt3A_1278 = arith.cmpf ogt, %gather3A_1242, %get3A_13 : vector<16xf32>
      %eq3A_1279 = arith.cmpf oeq, %gather3A_1242, %get3A_13 : vector<16xf32>
      %lt3A_1280 = arith.cmpi slt, %broadcast_in_dim3A_1244, %add3A_63 : vector<16xi32>
      %and3A_1281 = arith.andi %eq3A_1279, %lt3A_1280 : vector<16xi1>
      %or3A_1282 = arith.ori %gt3A_1278, %and3A_1281 : vector<16xi1>
      %jit3A_1283 = arith.constant 1 : i32
      %jit3A_1284 = arith.constant 0 : i32
      %broadcast_in_dim3A_1285 = vector.broadcast %jit3A_1283 : i32 to vector<16xi32>
      %broadcast_in_dim3A_1286 = vector.broadcast %jit3A_1284 : i32 to vector<16xi32>
      %select_n3A_1287 = arith.select %or3A_1282, %broadcast_in_dim3A_1285, %broadcast_in_dim3A_1286 : vector<16xi1>, vector<16xi32>
      %add3A_1288 = arith.addi %add3A_1237, %select_n3A_1287 : vector<16xi32>
      %broadcast_in_dim3A_1289 = arith.constant 11 : i32
      %broadcast_in_dim3A_1290 = vector.broadcast %broadcast_in_dim3A_1289 : i32 to vector<16xi32>
      %broadcast_in_dim3A_1291 = vector.shape_cast %broadcast_in_dim3A_1290 : vector<16xi32> to vector<16x1xi32>
      %gather3A_1292 = vector.shape_cast %broadcast_in_dim3A_1291 : vector<16x1xi32> to vector<16xi32>
      %gather3A_1293 = tpu.dynamic_gather %get3A_7[%gather3A_1292] in [0] : vector<16xf32>, vector<16xi32> -> vector<16xf32>
      %broadcast_in_dim3A_1294 = arith.constant 24 : i32
      %broadcast_in_dim3A_1295 = vector.broadcast %broadcast_in_dim3A_1294 : i32 to vector<16xi32>
      %gt3A_1296 = arith.cmpf ogt, %gather3A_1293, %get3A_4 : vector<16xf32>
      %eq3A_1297 = arith.cmpf oeq, %gather3A_1293, %get3A_4 : vector<16xf32>
      %lt3A_1298 = arith.cmpi slt, %broadcast_in_dim3A_1295, %add3A_24 : vector<16xi32>
      %and3A_1299 = arith.andi %eq3A_1297, %lt3A_1298 : vector<16xi1>
      %or3A_1300 = arith.ori %gt3A_1296, %and3A_1299 : vector<16xi1>
      %jit3A_1301 = arith.constant 1 : i32
      %jit3A_1302 = arith.constant 0 : i32
      %broadcast_in_dim3A_1303 = vector.broadcast %jit3A_1301 : i32 to vector<16xi32>
      %broadcast_in_dim3A_1304 = vector.broadcast %jit3A_1302 : i32 to vector<16xi32>
      %select_n3A_1305 = arith.select %or3A_1300, %broadcast_in_dim3A_1303, %broadcast_in_dim3A_1304 : vector<16xi1>, vector<16xi32>
      %add3A_1306 = arith.addi %add3A_1255, %select_n3A_1305 : vector<16xi32>
      %gt3A_1307 = arith.cmpf ogt, %gather3A_1293, %get3A_7 : vector<16xf32>
      %eq3A_1308 = arith.cmpf oeq, %gather3A_1293, %get3A_7 : vector<16xf32>
      %lt3A_1309 = arith.cmpi slt, %broadcast_in_dim3A_1295, %add3A_37 : vector<16xi32>
      %and3A_1310 = arith.andi %eq3A_1308, %lt3A_1309 : vector<16xi1>
      %or3A_1311 = arith.ori %gt3A_1307, %and3A_1310 : vector<16xi1>
      %jit3A_1312 = arith.constant 1 : i32
      %jit3A_1313 = arith.constant 0 : i32
      %broadcast_in_dim3A_1314 = vector.broadcast %jit3A_1312 : i32 to vector<16xi32>
      %broadcast_in_dim3A_1315 = vector.broadcast %jit3A_1313 : i32 to vector<16xi32>
      %select_n3A_1316 = arith.select %or3A_1311, %broadcast_in_dim3A_1314, %broadcast_in_dim3A_1315 : vector<16xi1>, vector<16xi32>
      %add3A_1317 = arith.addi %add3A_1266, %select_n3A_1316 : vector<16xi32>
      %gt3A_1318 = arith.cmpf ogt, %gather3A_1293, %get3A_10 : vector<16xf32>
      %eq3A_1319 = arith.cmpf oeq, %gather3A_1293, %get3A_10 : vector<16xf32>
      %lt3A_1320 = arith.cmpi slt, %broadcast_in_dim3A_1295, %add3A_50 : vector<16xi32>
      %and3A_1321 = arith.andi %eq3A_1319, %lt3A_1320 : vector<16xi1>
      %or3A_1322 = arith.ori %gt3A_1318, %and3A_1321 : vector<16xi1>
      %jit3A_1323 = arith.constant 1 : i32
      %jit3A_1324 = arith.constant 0 : i32
      %broadcast_in_dim3A_1325 = vector.broadcast %jit3A_1323 : i32 to vector<16xi32>
      %broadcast_in_dim3A_1326 = vector.broadcast %jit3A_1324 : i32 to vector<16xi32>
      %select_n3A_1327 = arith.select %or3A_1322, %broadcast_in_dim3A_1325, %broadcast_in_dim3A_1326 : vector<16xi1>, vector<16xi32>
      %add3A_1328 = arith.addi %add3A_1277, %select_n3A_1327 : vector<16xi32>
      %gt3A_1329 = arith.cmpf ogt, %gather3A_1293, %get3A_13 : vector<16xf32>
      %eq3A_1330 = arith.cmpf oeq, %gather3A_1293, %get3A_13 : vector<16xf32>
      %lt3A_1331 = arith.cmpi slt, %broadcast_in_dim3A_1295, %add3A_63 : vector<16xi32>
      %and3A_1332 = arith.andi %eq3A_1330, %lt3A_1331 : vector<16xi1>
      %or3A_1333 = arith.ori %gt3A_1329, %and3A_1332 : vector<16xi1>
      %jit3A_1334 = arith.constant 1 : i32
      %jit3A_1335 = arith.constant 0 : i32
      %broadcast_in_dim3A_1336 = vector.broadcast %jit3A_1334 : i32 to vector<16xi32>
      %broadcast_in_dim3A_1337 = vector.broadcast %jit3A_1335 : i32 to vector<16xi32>
      %select_n3A_1338 = arith.select %or3A_1333, %broadcast_in_dim3A_1336, %broadcast_in_dim3A_1337 : vector<16xi1>, vector<16xi32>
      %add3A_1339 = arith.addi %add3A_1288, %select_n3A_1338 : vector<16xi32>
      %broadcast_in_dim3A_1340 = arith.constant 12 : i32
      %broadcast_in_dim3A_1341 = vector.broadcast %broadcast_in_dim3A_1340 : i32 to vector<16xi32>
      %broadcast_in_dim3A_1342 = vector.shape_cast %broadcast_in_dim3A_1341 : vector<16xi32> to vector<16x1xi32>
      %gather3A_1343 = vector.shape_cast %broadcast_in_dim3A_1342 : vector<16x1xi32> to vector<16xi32>
      %gather3A_1344 = tpu.dynamic_gather %get3A_7[%gather3A_1343] in [0] : vector<16xf32>, vector<16xi32> -> vector<16xf32>
      %broadcast_in_dim3A_1345 = arith.constant 25 : i32
      %broadcast_in_dim3A_1346 = vector.broadcast %broadcast_in_dim3A_1345 : i32 to vector<16xi32>
      %gt3A_1347 = arith.cmpf ogt, %gather3A_1344, %get3A_4 : vector<16xf32>
      %eq3A_1348 = arith.cmpf oeq, %gather3A_1344, %get3A_4 : vector<16xf32>
      %lt3A_1349 = arith.cmpi slt, %broadcast_in_dim3A_1346, %add3A_24 : vector<16xi32>
      %and3A_1350 = arith.andi %eq3A_1348, %lt3A_1349 : vector<16xi1>
      %or3A_1351 = arith.ori %gt3A_1347, %and3A_1350 : vector<16xi1>
      %jit3A_1352 = arith.constant 1 : i32
      %jit3A_1353 = arith.constant 0 : i32
      %broadcast_in_dim3A_1354 = vector.broadcast %jit3A_1352 : i32 to vector<16xi32>
      %broadcast_in_dim3A_1355 = vector.broadcast %jit3A_1353 : i32 to vector<16xi32>
      %select_n3A_1356 = arith.select %or3A_1351, %broadcast_in_dim3A_1354, %broadcast_in_dim3A_1355 : vector<16xi1>, vector<16xi32>
      %add3A_1357 = arith.addi %add3A_1306, %select_n3A_1356 : vector<16xi32>
      %gt3A_1358 = arith.cmpf ogt, %gather3A_1344, %get3A_7 : vector<16xf32>
      %eq3A_1359 = arith.cmpf oeq, %gather3A_1344, %get3A_7 : vector<16xf32>
      %lt3A_1360 = arith.cmpi slt, %broadcast_in_dim3A_1346, %add3A_37 : vector<16xi32>
      %and3A_1361 = arith.andi %eq3A_1359, %lt3A_1360 : vector<16xi1>
      %or3A_1362 = arith.ori %gt3A_1358, %and3A_1361 : vector<16xi1>
      %jit3A_1363 = arith.constant 1 : i32
      %jit3A_1364 = arith.constant 0 : i32
      %broadcast_in_dim3A_1365 = vector.broadcast %jit3A_1363 : i32 to vector<16xi32>
      %broadcast_in_dim3A_1366 = vector.broadcast %jit3A_1364 : i32 to vector<16xi32>
      %select_n3A_1367 = arith.select %or3A_1362, %broadcast_in_dim3A_1365, %broadcast_in_dim3A_1366 : vector<16xi1>, vector<16xi32>
      %add3A_1368 = arith.addi %add3A_1317, %select_n3A_1367 : vector<16xi32>
      %gt3A_1369 = arith.cmpf ogt, %gather3A_1344, %get3A_10 : vector<16xf32>
      %eq3A_1370 = arith.cmpf oeq, %gather3A_1344, %get3A_10 : vector<16xf32>
      %lt3A_1371 = arith.cmpi slt, %broadcast_in_dim3A_1346, %add3A_50 : vector<16xi32>
      %and3A_1372 = arith.andi %eq3A_1370, %lt3A_1371 : vector<16xi1>
      %or3A_1373 = arith.ori %gt3A_1369, %and3A_1372 : vector<16xi1>
      %jit3A_1374 = arith.constant 1 : i32
      %jit3A_1375 = arith.constant 0 : i32
      %broadcast_in_dim3A_1376 = vector.broadcast %jit3A_1374 : i32 to vector<16xi32>
      %broadcast_in_dim3A_1377 = vector.broadcast %jit3A_1375 : i32 to vector<16xi32>
      %select_n3A_1378 = arith.select %or3A_1373, %broadcast_in_dim3A_1376, %broadcast_in_dim3A_1377 : vector<16xi1>, vector<16xi32>
      %add3A_1379 = arith.addi %add3A_1328, %select_n3A_1378 : vector<16xi32>
      %gt3A_1380 = arith.cmpf ogt, %gather3A_1344, %get3A_13 : vector<16xf32>
      %eq3A_1381 = arith.cmpf oeq, %gather3A_1344, %get3A_13 : vector<16xf32>
      %lt3A_1382 = arith.cmpi slt, %broadcast_in_dim3A_1346, %add3A_63 : vector<16xi32>
      %and3A_1383 = arith.andi %eq3A_1381, %lt3A_1382 : vector<16xi1>
      %or3A_1384 = arith.ori %gt3A_1380, %and3A_1383 : vector<16xi1>
      %jit3A_1385 = arith.constant 1 : i32
      %jit3A_1386 = arith.constant 0 : i32
      %broadcast_in_dim3A_1387 = vector.broadcast %jit3A_1385 : i32 to vector<16xi32>
      %broadcast_in_dim3A_1388 = vector.broadcast %jit3A_1386 : i32 to vector<16xi32>
      %select_n3A_1389 = arith.select %or3A_1384, %broadcast_in_dim3A_1387, %broadcast_in_dim3A_1388 : vector<16xi1>, vector<16xi32>
      %add3A_1390 = arith.addi %add3A_1339, %select_n3A_1389 : vector<16xi32>
      %broadcast_in_dim3A_1391 = arith.constant 13 : i32
      %broadcast_in_dim3A_1392 = vector.broadcast %broadcast_in_dim3A_1391 : i32 to vector<16xi32>
      %broadcast_in_dim3A_1393 = vector.shape_cast %broadcast_in_dim3A_1392 : vector<16xi32> to vector<16x1xi32>
      %gather3A_1394 = vector.shape_cast %broadcast_in_dim3A_1393 : vector<16x1xi32> to vector<16xi32>
      %gather3A_1395 = tpu.dynamic_gather %get3A_7[%gather3A_1394] in [0] : vector<16xf32>, vector<16xi32> -> vector<16xf32>
      %broadcast_in_dim3A_1396 = arith.constant 26 : i32
      %broadcast_in_dim3A_1397 = vector.broadcast %broadcast_in_dim3A_1396 : i32 to vector<16xi32>
      %gt3A_1398 = arith.cmpf ogt, %gather3A_1395, %get3A_4 : vector<16xf32>
      %eq3A_1399 = arith.cmpf oeq, %gather3A_1395, %get3A_4 : vector<16xf32>
      %lt3A_1400 = arith.cmpi slt, %broadcast_in_dim3A_1397, %add3A_24 : vector<16xi32>
      %and3A_1401 = arith.andi %eq3A_1399, %lt3A_1400 : vector<16xi1>
      %or3A_1402 = arith.ori %gt3A_1398, %and3A_1401 : vector<16xi1>
      %jit3A_1403 = arith.constant 1 : i32
      %jit3A_1404 = arith.constant 0 : i32
      %broadcast_in_dim3A_1405 = vector.broadcast %jit3A_1403 : i32 to vector<16xi32>
      %broadcast_in_dim3A_1406 = vector.broadcast %jit3A_1404 : i32 to vector<16xi32>
      %select_n3A_1407 = arith.select %or3A_1402, %broadcast_in_dim3A_1405, %broadcast_in_dim3A_1406 : vector<16xi1>, vector<16xi32>
      %add3A_1408 = arith.addi %add3A_1357, %select_n3A_1407 : vector<16xi32>
      %gt3A_1409 = arith.cmpf ogt, %gather3A_1395, %get3A_7 : vector<16xf32>
      %eq3A_1410 = arith.cmpf oeq, %gather3A_1395, %get3A_7 : vector<16xf32>
      %lt3A_1411 = arith.cmpi slt, %broadcast_in_dim3A_1397, %add3A_37 : vector<16xi32>
      %and3A_1412 = arith.andi %eq3A_1410, %lt3A_1411 : vector<16xi1>
      %or3A_1413 = arith.ori %gt3A_1409, %and3A_1412 : vector<16xi1>
      %jit3A_1414 = arith.constant 1 : i32
      %jit3A_1415 = arith.constant 0 : i32
      %broadcast_in_dim3A_1416 = vector.broadcast %jit3A_1414 : i32 to vector<16xi32>
      %broadcast_in_dim3A_1417 = vector.broadcast %jit3A_1415 : i32 to vector<16xi32>
      %select_n3A_1418 = arith.select %or3A_1413, %broadcast_in_dim3A_1416, %broadcast_in_dim3A_1417 : vector<16xi1>, vector<16xi32>
      %add3A_1419 = arith.addi %add3A_1368, %select_n3A_1418 : vector<16xi32>
      %gt3A_1420 = arith.cmpf ogt, %gather3A_1395, %get3A_10 : vector<16xf32>
      %eq3A_1421 = arith.cmpf oeq, %gather3A_1395, %get3A_10 : vector<16xf32>
      %lt3A_1422 = arith.cmpi slt, %broadcast_in_dim3A_1397, %add3A_50 : vector<16xi32>
      %and3A_1423 = arith.andi %eq3A_1421, %lt3A_1422 : vector<16xi1>
      %or3A_1424 = arith.ori %gt3A_1420, %and3A_1423 : vector<16xi1>
      %jit3A_1425 = arith.constant 1 : i32
      %jit3A_1426 = arith.constant 0 : i32
      %broadcast_in_dim3A_1427 = vector.broadcast %jit3A_1425 : i32 to vector<16xi32>
      %broadcast_in_dim3A_1428 = vector.broadcast %jit3A_1426 : i32 to vector<16xi32>
      %select_n3A_1429 = arith.select %or3A_1424, %broadcast_in_dim3A_1427, %broadcast_in_dim3A_1428 : vector<16xi1>, vector<16xi32>
      %add3A_1430 = arith.addi %add3A_1379, %select_n3A_1429 : vector<16xi32>
      %gt3A_1431 = arith.cmpf ogt, %gather3A_1395, %get3A_13 : vector<16xf32>
      %eq3A_1432 = arith.cmpf oeq, %gather3A_1395, %get3A_13 : vector<16xf32>
      %lt3A_1433 = arith.cmpi slt, %broadcast_in_dim3A_1397, %add3A_63 : vector<16xi32>
      %and3A_1434 = arith.andi %eq3A_1432, %lt3A_1433 : vector<16xi1>
      %or3A_1435 = arith.ori %gt3A_1431, %and3A_1434 : vector<16xi1>
      %jit3A_1436 = arith.constant 1 : i32
      %jit3A_1437 = arith.constant 0 : i32
      %broadcast_in_dim3A_1438 = vector.broadcast %jit3A_1436 : i32 to vector<16xi32>
      %broadcast_in_dim3A_1439 = vector.broadcast %jit3A_1437 : i32 to vector<16xi32>
      %select_n3A_1440 = arith.select %or3A_1435, %broadcast_in_dim3A_1438, %broadcast_in_dim3A_1439 : vector<16xi1>, vector<16xi32>
      %add3A_1441 = arith.addi %add3A_1390, %select_n3A_1440 : vector<16xi32>
      %broadcast_in_dim3A_1442 = arith.constant 14 : i32
      %broadcast_in_dim3A_1443 = vector.broadcast %broadcast_in_dim3A_1442 : i32 to vector<16xi32>
      %broadcast_in_dim3A_1444 = vector.shape_cast %broadcast_in_dim3A_1443 : vector<16xi32> to vector<16x1xi32>
      %gather3A_1445 = vector.shape_cast %broadcast_in_dim3A_1444 : vector<16x1xi32> to vector<16xi32>
      %gather3A_1446 = tpu.dynamic_gather %get3A_7[%gather3A_1445] in [0] : vector<16xf32>, vector<16xi32> -> vector<16xf32>
      %broadcast_in_dim3A_1447 = arith.constant 27 : i32
      %broadcast_in_dim3A_1448 = vector.broadcast %broadcast_in_dim3A_1447 : i32 to vector<16xi32>
      %gt3A_1449 = arith.cmpf ogt, %gather3A_1446, %get3A_4 : vector<16xf32>
      %eq3A_1450 = arith.cmpf oeq, %gather3A_1446, %get3A_4 : vector<16xf32>
      %lt3A_1451 = arith.cmpi slt, %broadcast_in_dim3A_1448, %add3A_24 : vector<16xi32>
      %and3A_1452 = arith.andi %eq3A_1450, %lt3A_1451 : vector<16xi1>
      %or3A_1453 = arith.ori %gt3A_1449, %and3A_1452 : vector<16xi1>
      %jit3A_1454 = arith.constant 1 : i32
      %jit3A_1455 = arith.constant 0 : i32
      %broadcast_in_dim3A_1456 = vector.broadcast %jit3A_1454 : i32 to vector<16xi32>
      %broadcast_in_dim3A_1457 = vector.broadcast %jit3A_1455 : i32 to vector<16xi32>
      %select_n3A_1458 = arith.select %or3A_1453, %broadcast_in_dim3A_1456, %broadcast_in_dim3A_1457 : vector<16xi1>, vector<16xi32>
      %add3A_1459 = arith.addi %add3A_1408, %select_n3A_1458 : vector<16xi32>
      %gt3A_1460 = arith.cmpf ogt, %gather3A_1446, %get3A_7 : vector<16xf32>
      %eq3A_1461 = arith.cmpf oeq, %gather3A_1446, %get3A_7 : vector<16xf32>
      %lt3A_1462 = arith.cmpi slt, %broadcast_in_dim3A_1448, %add3A_37 : vector<16xi32>
      %and3A_1463 = arith.andi %eq3A_1461, %lt3A_1462 : vector<16xi1>
      %or3A_1464 = arith.ori %gt3A_1460, %and3A_1463 : vector<16xi1>
      %jit3A_1465 = arith.constant 1 : i32
      %jit3A_1466 = arith.constant 0 : i32
      %broadcast_in_dim3A_1467 = vector.broadcast %jit3A_1465 : i32 to vector<16xi32>
      %broadcast_in_dim3A_1468 = vector.broadcast %jit3A_1466 : i32 to vector<16xi32>
      %select_n3A_1469 = arith.select %or3A_1464, %broadcast_in_dim3A_1467, %broadcast_in_dim3A_1468 : vector<16xi1>, vector<16xi32>
      %add3A_1470 = arith.addi %add3A_1419, %select_n3A_1469 : vector<16xi32>
      %gt3A_1471 = arith.cmpf ogt, %gather3A_1446, %get3A_10 : vector<16xf32>
      %eq3A_1472 = arith.cmpf oeq, %gather3A_1446, %get3A_10 : vector<16xf32>
      %lt3A_1473 = arith.cmpi slt, %broadcast_in_dim3A_1448, %add3A_50 : vector<16xi32>
      %and3A_1474 = arith.andi %eq3A_1472, %lt3A_1473 : vector<16xi1>
      %or3A_1475 = arith.ori %gt3A_1471, %and3A_1474 : vector<16xi1>
      %jit3A_1476 = arith.constant 1 : i32
      %jit3A_1477 = arith.constant 0 : i32
      %broadcast_in_dim3A_1478 = vector.broadcast %jit3A_1476 : i32 to vector<16xi32>
      %broadcast_in_dim3A_1479 = vector.broadcast %jit3A_1477 : i32 to vector<16xi32>
      %select_n3A_1480 = arith.select %or3A_1475, %broadcast_in_dim3A_1478, %broadcast_in_dim3A_1479 : vector<16xi1>, vector<16xi32>
      %add3A_1481 = arith.addi %add3A_1430, %select_n3A_1480 : vector<16xi32>
      %gt3A_1482 = arith.cmpf ogt, %gather3A_1446, %get3A_13 : vector<16xf32>
      %eq3A_1483 = arith.cmpf oeq, %gather3A_1446, %get3A_13 : vector<16xf32>
      %lt3A_1484 = arith.cmpi slt, %broadcast_in_dim3A_1448, %add3A_63 : vector<16xi32>
      %and3A_1485 = arith.andi %eq3A_1483, %lt3A_1484 : vector<16xi1>
      %or3A_1486 = arith.ori %gt3A_1482, %and3A_1485 : vector<16xi1>
      %jit3A_1487 = arith.constant 1 : i32
      %jit3A_1488 = arith.constant 0 : i32
      %broadcast_in_dim3A_1489 = vector.broadcast %jit3A_1487 : i32 to vector<16xi32>
      %broadcast_in_dim3A_1490 = vector.broadcast %jit3A_1488 : i32 to vector<16xi32>
      %select_n3A_1491 = arith.select %or3A_1486, %broadcast_in_dim3A_1489, %broadcast_in_dim3A_1490 : vector<16xi1>, vector<16xi32>
      %add3A_1492 = arith.addi %add3A_1441, %select_n3A_1491 : vector<16xi32>
      %broadcast_in_dim3A_1493 = arith.constant 0 : i32
      %broadcast_in_dim3A_1494 = vector.broadcast %broadcast_in_dim3A_1493 : i32 to vector<16xi32>
      %broadcast_in_dim3A_1495 = vector.shape_cast %broadcast_in_dim3A_1494 : vector<16xi32> to vector<16x1xi32>
      %gather3A_1496 = vector.shape_cast %broadcast_in_dim3A_1495 : vector<16x1xi32> to vector<16xi32>
      %gather3A_1497 = tpu.dynamic_gather %get3A_10[%gather3A_1496] in [0] : vector<16xf32>, vector<16xi32> -> vector<16xf32>
      %broadcast_in_dim3A_1498 = arith.constant 28 : i32
      %broadcast_in_dim3A_1499 = vector.broadcast %broadcast_in_dim3A_1498 : i32 to vector<16xi32>
      %gt3A_1500 = arith.cmpf ogt, %gather3A_1497, %get3A_4 : vector<16xf32>
      %eq3A_1501 = arith.cmpf oeq, %gather3A_1497, %get3A_4 : vector<16xf32>
      %lt3A_1502 = arith.cmpi slt, %broadcast_in_dim3A_1499, %add3A_24 : vector<16xi32>
      %and3A_1503 = arith.andi %eq3A_1501, %lt3A_1502 : vector<16xi1>
      %or3A_1504 = arith.ori %gt3A_1500, %and3A_1503 : vector<16xi1>
      %jit3A_1505 = arith.constant 1 : i32
      %jit3A_1506 = arith.constant 0 : i32
      %broadcast_in_dim3A_1507 = vector.broadcast %jit3A_1505 : i32 to vector<16xi32>
      %broadcast_in_dim3A_1508 = vector.broadcast %jit3A_1506 : i32 to vector<16xi32>
      %select_n3A_1509 = arith.select %or3A_1504, %broadcast_in_dim3A_1507, %broadcast_in_dim3A_1508 : vector<16xi1>, vector<16xi32>
      %add3A_1510 = arith.addi %add3A_1459, %select_n3A_1509 : vector<16xi32>
      %gt3A_1511 = arith.cmpf ogt, %gather3A_1497, %get3A_7 : vector<16xf32>
      %eq3A_1512 = arith.cmpf oeq, %gather3A_1497, %get3A_7 : vector<16xf32>
      %lt3A_1513 = arith.cmpi slt, %broadcast_in_dim3A_1499, %add3A_37 : vector<16xi32>
      %and3A_1514 = arith.andi %eq3A_1512, %lt3A_1513 : vector<16xi1>
      %or3A_1515 = arith.ori %gt3A_1511, %and3A_1514 : vector<16xi1>
      %jit3A_1516 = arith.constant 1 : i32
      %jit3A_1517 = arith.constant 0 : i32
      %broadcast_in_dim3A_1518 = vector.broadcast %jit3A_1516 : i32 to vector<16xi32>
      %broadcast_in_dim3A_1519 = vector.broadcast %jit3A_1517 : i32 to vector<16xi32>
      %select_n3A_1520 = arith.select %or3A_1515, %broadcast_in_dim3A_1518, %broadcast_in_dim3A_1519 : vector<16xi1>, vector<16xi32>
      %add3A_1521 = arith.addi %add3A_1470, %select_n3A_1520 : vector<16xi32>
      %gt3A_1522 = arith.cmpf ogt, %gather3A_1497, %get3A_10 : vector<16xf32>
      %eq3A_1523 = arith.cmpf oeq, %gather3A_1497, %get3A_10 : vector<16xf32>
      %lt3A_1524 = arith.cmpi slt, %broadcast_in_dim3A_1499, %add3A_50 : vector<16xi32>
      %and3A_1525 = arith.andi %eq3A_1523, %lt3A_1524 : vector<16xi1>
      %or3A_1526 = arith.ori %gt3A_1522, %and3A_1525 : vector<16xi1>
      %jit3A_1527 = arith.constant 1 : i32
      %jit3A_1528 = arith.constant 0 : i32
      %broadcast_in_dim3A_1529 = vector.broadcast %jit3A_1527 : i32 to vector<16xi32>
      %broadcast_in_dim3A_1530 = vector.broadcast %jit3A_1528 : i32 to vector<16xi32>
      %select_n3A_1531 = arith.select %or3A_1526, %broadcast_in_dim3A_1529, %broadcast_in_dim3A_1530 : vector<16xi1>, vector<16xi32>
      %add3A_1532 = arith.addi %add3A_1481, %select_n3A_1531 : vector<16xi32>
      %gt3A_1533 = arith.cmpf ogt, %gather3A_1497, %get3A_13 : vector<16xf32>
      %eq3A_1534 = arith.cmpf oeq, %gather3A_1497, %get3A_13 : vector<16xf32>
      %lt3A_1535 = arith.cmpi slt, %broadcast_in_dim3A_1499, %add3A_63 : vector<16xi32>
      %and3A_1536 = arith.andi %eq3A_1534, %lt3A_1535 : vector<16xi1>
      %or3A_1537 = arith.ori %gt3A_1533, %and3A_1536 : vector<16xi1>
      %jit3A_1538 = arith.constant 1 : i32
      %jit3A_1539 = arith.constant 0 : i32
      %broadcast_in_dim3A_1540 = vector.broadcast %jit3A_1538 : i32 to vector<16xi32>
      %broadcast_in_dim3A_1541 = vector.broadcast %jit3A_1539 : i32 to vector<16xi32>
      %select_n3A_1542 = arith.select %or3A_1537, %broadcast_in_dim3A_1540, %broadcast_in_dim3A_1541 : vector<16xi1>, vector<16xi32>
      %add3A_1543 = arith.addi %add3A_1492, %select_n3A_1542 : vector<16xi32>
      %broadcast_in_dim3A_1544 = arith.constant 1 : i32
      %broadcast_in_dim3A_1545 = vector.broadcast %broadcast_in_dim3A_1544 : i32 to vector<16xi32>
      %broadcast_in_dim3A_1546 = vector.shape_cast %broadcast_in_dim3A_1545 : vector<16xi32> to vector<16x1xi32>
      %gather3A_1547 = vector.shape_cast %broadcast_in_dim3A_1546 : vector<16x1xi32> to vector<16xi32>
      %gather3A_1548 = tpu.dynamic_gather %get3A_10[%gather3A_1547] in [0] : vector<16xf32>, vector<16xi32> -> vector<16xf32>
      %broadcast_in_dim3A_1549 = arith.constant 29 : i32
      %broadcast_in_dim3A_1550 = vector.broadcast %broadcast_in_dim3A_1549 : i32 to vector<16xi32>
      %gt3A_1551 = arith.cmpf ogt, %gather3A_1548, %get3A_4 : vector<16xf32>
      %eq3A_1552 = arith.cmpf oeq, %gather3A_1548, %get3A_4 : vector<16xf32>
      %lt3A_1553 = arith.cmpi slt, %broadcast_in_dim3A_1550, %add3A_24 : vector<16xi32>
      %and3A_1554 = arith.andi %eq3A_1552, %lt3A_1553 : vector<16xi1>
      %or3A_1555 = arith.ori %gt3A_1551, %and3A_1554 : vector<16xi1>
      %jit3A_1556 = arith.constant 1 : i32
      %jit3A_1557 = arith.constant 0 : i32
      %broadcast_in_dim3A_1558 = vector.broadcast %jit3A_1556 : i32 to vector<16xi32>
      %broadcast_in_dim3A_1559 = vector.broadcast %jit3A_1557 : i32 to vector<16xi32>
      %select_n3A_1560 = arith.select %or3A_1555, %broadcast_in_dim3A_1558, %broadcast_in_dim3A_1559 : vector<16xi1>, vector<16xi32>
      %add3A_1561 = arith.addi %add3A_1510, %select_n3A_1560 : vector<16xi32>
      %gt3A_1562 = arith.cmpf ogt, %gather3A_1548, %get3A_7 : vector<16xf32>
      %eq3A_1563 = arith.cmpf oeq, %gather3A_1548, %get3A_7 : vector<16xf32>
      %lt3A_1564 = arith.cmpi slt, %broadcast_in_dim3A_1550, %add3A_37 : vector<16xi32>
      %and3A_1565 = arith.andi %eq3A_1563, %lt3A_1564 : vector<16xi1>
      %or3A_1566 = arith.ori %gt3A_1562, %and3A_1565 : vector<16xi1>
      %jit3A_1567 = arith.constant 1 : i32
      %jit3A_1568 = arith.constant 0 : i32
      %broadcast_in_dim3A_1569 = vector.broadcast %jit3A_1567 : i32 to vector<16xi32>
      %broadcast_in_dim3A_1570 = vector.broadcast %jit3A_1568 : i32 to vector<16xi32>
      %select_n3A_1571 = arith.select %or3A_1566, %broadcast_in_dim3A_1569, %broadcast_in_dim3A_1570 : vector<16xi1>, vector<16xi32>
      %add3A_1572 = arith.addi %add3A_1521, %select_n3A_1571 : vector<16xi32>
      %gt3A_1573 = arith.cmpf ogt, %gather3A_1548, %get3A_10 : vector<16xf32>
      %eq3A_1574 = arith.cmpf oeq, %gather3A_1548, %get3A_10 : vector<16xf32>
      %lt3A_1575 = arith.cmpi slt, %broadcast_in_dim3A_1550, %add3A_50 : vector<16xi32>
      %and3A_1576 = arith.andi %eq3A_1574, %lt3A_1575 : vector<16xi1>
      %or3A_1577 = arith.ori %gt3A_1573, %and3A_1576 : vector<16xi1>
      %jit3A_1578 = arith.constant 1 : i32
      %jit3A_1579 = arith.constant 0 : i32
      %broadcast_in_dim3A_1580 = vector.broadcast %jit3A_1578 : i32 to vector<16xi32>
      %broadcast_in_dim3A_1581 = vector.broadcast %jit3A_1579 : i32 to vector<16xi32>
      %select_n3A_1582 = arith.select %or3A_1577, %broadcast_in_dim3A_1580, %broadcast_in_dim3A_1581 : vector<16xi1>, vector<16xi32>
      %add3A_1583 = arith.addi %add3A_1532, %select_n3A_1582 : vector<16xi32>
      %gt3A_1584 = arith.cmpf ogt, %gather3A_1548, %get3A_13 : vector<16xf32>
      %eq3A_1585 = arith.cmpf oeq, %gather3A_1548, %get3A_13 : vector<16xf32>
      %lt3A_1586 = arith.cmpi slt, %broadcast_in_dim3A_1550, %add3A_63 : vector<16xi32>
      %and3A_1587 = arith.andi %eq3A_1585, %lt3A_1586 : vector<16xi1>
      %or3A_1588 = arith.ori %gt3A_1584, %and3A_1587 : vector<16xi1>
      %jit3A_1589 = arith.constant 1 : i32
      %jit3A_1590 = arith.constant 0 : i32
      %broadcast_in_dim3A_1591 = vector.broadcast %jit3A_1589 : i32 to vector<16xi32>
      %broadcast_in_dim3A_1592 = vector.broadcast %jit3A_1590 : i32 to vector<16xi32>
      %select_n3A_1593 = arith.select %or3A_1588, %broadcast_in_dim3A_1591, %broadcast_in_dim3A_1592 : vector<16xi1>, vector<16xi32>
      %add3A_1594 = arith.addi %add3A_1543, %select_n3A_1593 : vector<16xi32>
      %broadcast_in_dim3A_1595 = arith.constant 2 : i32
      %broadcast_in_dim3A_1596 = vector.broadcast %broadcast_in_dim3A_1595 : i32 to vector<16xi32>
      %broadcast_in_dim3A_1597 = vector.shape_cast %broadcast_in_dim3A_1596 : vector<16xi32> to vector<16x1xi32>
      %gather3A_1598 = vector.shape_cast %broadcast_in_dim3A_1597 : vector<16x1xi32> to vector<16xi32>
      %gather3A_1599 = tpu.dynamic_gather %get3A_10[%gather3A_1598] in [0] : vector<16xf32>, vector<16xi32> -> vector<16xf32>
      %broadcast_in_dim3A_1600 = arith.constant 30 : i32
      %broadcast_in_dim3A_1601 = vector.broadcast %broadcast_in_dim3A_1600 : i32 to vector<16xi32>
      %gt3A_1602 = arith.cmpf ogt, %gather3A_1599, %get3A_4 : vector<16xf32>
      %eq3A_1603 = arith.cmpf oeq, %gather3A_1599, %get3A_4 : vector<16xf32>
      %lt3A_1604 = arith.cmpi slt, %broadcast_in_dim3A_1601, %add3A_24 : vector<16xi32>
      %and3A_1605 = arith.andi %eq3A_1603, %lt3A_1604 : vector<16xi1>
      %or3A_1606 = arith.ori %gt3A_1602, %and3A_1605 : vector<16xi1>
      %jit3A_1607 = arith.constant 1 : i32
      %jit3A_1608 = arith.constant 0 : i32
      %broadcast_in_dim3A_1609 = vector.broadcast %jit3A_1607 : i32 to vector<16xi32>
      %broadcast_in_dim3A_1610 = vector.broadcast %jit3A_1608 : i32 to vector<16xi32>
      %select_n3A_1611 = arith.select %or3A_1606, %broadcast_in_dim3A_1609, %broadcast_in_dim3A_1610 : vector<16xi1>, vector<16xi32>
      %add3A_1612 = arith.addi %add3A_1561, %select_n3A_1611 : vector<16xi32>
      %gt3A_1613 = arith.cmpf ogt, %gather3A_1599, %get3A_7 : vector<16xf32>
      %eq3A_1614 = arith.cmpf oeq, %gather3A_1599, %get3A_7 : vector<16xf32>
      %lt3A_1615 = arith.cmpi slt, %broadcast_in_dim3A_1601, %add3A_37 : vector<16xi32>
      %and3A_1616 = arith.andi %eq3A_1614, %lt3A_1615 : vector<16xi1>
      %or3A_1617 = arith.ori %gt3A_1613, %and3A_1616 : vector<16xi1>
      %jit3A_1618 = arith.constant 1 : i32
      %jit3A_1619 = arith.constant 0 : i32
      %broadcast_in_dim3A_1620 = vector.broadcast %jit3A_1618 : i32 to vector<16xi32>
      %broadcast_in_dim3A_1621 = vector.broadcast %jit3A_1619 : i32 to vector<16xi32>
      %select_n3A_1622 = arith.select %or3A_1617, %broadcast_in_dim3A_1620, %broadcast_in_dim3A_1621 : vector<16xi1>, vector<16xi32>
      %add3A_1623 = arith.addi %add3A_1572, %select_n3A_1622 : vector<16xi32>
      %gt3A_1624 = arith.cmpf ogt, %gather3A_1599, %get3A_10 : vector<16xf32>
      %eq3A_1625 = arith.cmpf oeq, %gather3A_1599, %get3A_10 : vector<16xf32>
      %lt3A_1626 = arith.cmpi slt, %broadcast_in_dim3A_1601, %add3A_50 : vector<16xi32>
      %and3A_1627 = arith.andi %eq3A_1625, %lt3A_1626 : vector<16xi1>
      %or3A_1628 = arith.ori %gt3A_1624, %and3A_1627 : vector<16xi1>
      %jit3A_1629 = arith.constant 1 : i32
      %jit3A_1630 = arith.constant 0 : i32
      %broadcast_in_dim3A_1631 = vector.broadcast %jit3A_1629 : i32 to vector<16xi32>
      %broadcast_in_dim3A_1632 = vector.broadcast %jit3A_1630 : i32 to vector<16xi32>
      %select_n3A_1633 = arith.select %or3A_1628, %broadcast_in_dim3A_1631, %broadcast_in_dim3A_1632 : vector<16xi1>, vector<16xi32>
      %add3A_1634 = arith.addi %add3A_1583, %select_n3A_1633 : vector<16xi32>
      %gt3A_1635 = arith.cmpf ogt, %gather3A_1599, %get3A_13 : vector<16xf32>
      %eq3A_1636 = arith.cmpf oeq, %gather3A_1599, %get3A_13 : vector<16xf32>
      %lt3A_1637 = arith.cmpi slt, %broadcast_in_dim3A_1601, %add3A_63 : vector<16xi32>
      %and3A_1638 = arith.andi %eq3A_1636, %lt3A_1637 : vector<16xi1>
      %or3A_1639 = arith.ori %gt3A_1635, %and3A_1638 : vector<16xi1>
      %jit3A_1640 = arith.constant 1 : i32
      %jit3A_1641 = arith.constant 0 : i32
      %broadcast_in_dim3A_1642 = vector.broadcast %jit3A_1640 : i32 to vector<16xi32>
      %broadcast_in_dim3A_1643 = vector.broadcast %jit3A_1641 : i32 to vector<16xi32>
      %select_n3A_1644 = arith.select %or3A_1639, %broadcast_in_dim3A_1642, %broadcast_in_dim3A_1643 : vector<16xi1>, vector<16xi32>
      %add3A_1645 = arith.addi %add3A_1594, %select_n3A_1644 : vector<16xi32>
      %broadcast_in_dim3A_1646 = arith.constant 3 : i32
      %broadcast_in_dim3A_1647 = vector.broadcast %broadcast_in_dim3A_1646 : i32 to vector<16xi32>
      %broadcast_in_dim3A_1648 = vector.shape_cast %broadcast_in_dim3A_1647 : vector<16xi32> to vector<16x1xi32>
      %gather3A_1649 = vector.shape_cast %broadcast_in_dim3A_1648 : vector<16x1xi32> to vector<16xi32>
      %gather3A_1650 = tpu.dynamic_gather %get3A_10[%gather3A_1649] in [0] : vector<16xf32>, vector<16xi32> -> vector<16xf32>
      %broadcast_in_dim3A_1651 = arith.constant 31 : i32
      %broadcast_in_dim3A_1652 = vector.broadcast %broadcast_in_dim3A_1651 : i32 to vector<16xi32>
      %gt3A_1653 = arith.cmpf ogt, %gather3A_1650, %get3A_4 : vector<16xf32>
      %eq3A_1654 = arith.cmpf oeq, %gather3A_1650, %get3A_4 : vector<16xf32>
      %lt3A_1655 = arith.cmpi slt, %broadcast_in_dim3A_1652, %add3A_24 : vector<16xi32>
      %and3A_1656 = arith.andi %eq3A_1654, %lt3A_1655 : vector<16xi1>
      %or3A_1657 = arith.ori %gt3A_1653, %and3A_1656 : vector<16xi1>
      %jit3A_1658 = arith.constant 1 : i32
      %jit3A_1659 = arith.constant 0 : i32
      %broadcast_in_dim3A_1660 = vector.broadcast %jit3A_1658 : i32 to vector<16xi32>
      %broadcast_in_dim3A_1661 = vector.broadcast %jit3A_1659 : i32 to vector<16xi32>
      %select_n3A_1662 = arith.select %or3A_1657, %broadcast_in_dim3A_1660, %broadcast_in_dim3A_1661 : vector<16xi1>, vector<16xi32>
      %add3A_1663 = arith.addi %add3A_1612, %select_n3A_1662 : vector<16xi32>
      %gt3A_1664 = arith.cmpf ogt, %gather3A_1650, %get3A_7 : vector<16xf32>
      %eq3A_1665 = arith.cmpf oeq, %gather3A_1650, %get3A_7 : vector<16xf32>
      %lt3A_1666 = arith.cmpi slt, %broadcast_in_dim3A_1652, %add3A_37 : vector<16xi32>
      %and3A_1667 = arith.andi %eq3A_1665, %lt3A_1666 : vector<16xi1>
      %or3A_1668 = arith.ori %gt3A_1664, %and3A_1667 : vector<16xi1>
      %jit3A_1669 = arith.constant 1 : i32
      %jit3A_1670 = arith.constant 0 : i32
      %broadcast_in_dim3A_1671 = vector.broadcast %jit3A_1669 : i32 to vector<16xi32>
      %broadcast_in_dim3A_1672 = vector.broadcast %jit3A_1670 : i32 to vector<16xi32>
      %select_n3A_1673 = arith.select %or3A_1668, %broadcast_in_dim3A_1671, %broadcast_in_dim3A_1672 : vector<16xi1>, vector<16xi32>
      %add3A_1674 = arith.addi %add3A_1623, %select_n3A_1673 : vector<16xi32>
      %gt3A_1675 = arith.cmpf ogt, %gather3A_1650, %get3A_10 : vector<16xf32>
      %eq3A_1676 = arith.cmpf oeq, %gather3A_1650, %get3A_10 : vector<16xf32>
      %lt3A_1677 = arith.cmpi slt, %broadcast_in_dim3A_1652, %add3A_50 : vector<16xi32>
      %and3A_1678 = arith.andi %eq3A_1676, %lt3A_1677 : vector<16xi1>
      %or3A_1679 = arith.ori %gt3A_1675, %and3A_1678 : vector<16xi1>
      %jit3A_1680 = arith.constant 1 : i32
      %jit3A_1681 = arith.constant 0 : i32
      %broadcast_in_dim3A_1682 = vector.broadcast %jit3A_1680 : i32 to vector<16xi32>
      %broadcast_in_dim3A_1683 = vector.broadcast %jit3A_1681 : i32 to vector<16xi32>
      %select_n3A_1684 = arith.select %or3A_1679, %broadcast_in_dim3A_1682, %broadcast_in_dim3A_1683 : vector<16xi1>, vector<16xi32>
      %add3A_1685 = arith.addi %add3A_1634, %select_n3A_1684 : vector<16xi32>
      %gt3A_1686 = arith.cmpf ogt, %gather3A_1650, %get3A_13 : vector<16xf32>
      %eq3A_1687 = arith.cmpf oeq, %gather3A_1650, %get3A_13 : vector<16xf32>
      %lt3A_1688 = arith.cmpi slt, %broadcast_in_dim3A_1652, %add3A_63 : vector<16xi32>
      %and3A_1689 = arith.andi %eq3A_1687, %lt3A_1688 : vector<16xi1>
      %or3A_1690 = arith.ori %gt3A_1686, %and3A_1689 : vector<16xi1>
      %jit3A_1691 = arith.constant 1 : i32
      %jit3A_1692 = arith.constant 0 : i32
      %broadcast_in_dim3A_1693 = vector.broadcast %jit3A_1691 : i32 to vector<16xi32>
      %broadcast_in_dim3A_1694 = vector.broadcast %jit3A_1692 : i32 to vector<16xi32>
      %select_n3A_1695 = arith.select %or3A_1690, %broadcast_in_dim3A_1693, %broadcast_in_dim3A_1694 : vector<16xi1>, vector<16xi32>
      %add3A_1696 = arith.addi %add3A_1645, %select_n3A_1695 : vector<16xi32>
      %broadcast_in_dim3A_1697 = arith.constant 4 : i32
      %broadcast_in_dim3A_1698 = vector.broadcast %broadcast_in_dim3A_1697 : i32 to vector<16xi32>
      %broadcast_in_dim3A_1699 = vector.shape_cast %broadcast_in_dim3A_1698 : vector<16xi32> to vector<16x1xi32>
      %gather3A_1700 = vector.shape_cast %broadcast_in_dim3A_1699 : vector<16x1xi32> to vector<16xi32>
      %gather3A_1701 = tpu.dynamic_gather %get3A_10[%gather3A_1700] in [0] : vector<16xf32>, vector<16xi32> -> vector<16xf32>
      %broadcast_in_dim3A_1702 = arith.constant 32 : i32
      %broadcast_in_dim3A_1703 = vector.broadcast %broadcast_in_dim3A_1702 : i32 to vector<16xi32>
      %gt3A_1704 = arith.cmpf ogt, %gather3A_1701, %get3A_4 : vector<16xf32>
      %eq3A_1705 = arith.cmpf oeq, %gather3A_1701, %get3A_4 : vector<16xf32>
      %lt3A_1706 = arith.cmpi slt, %broadcast_in_dim3A_1703, %add3A_24 : vector<16xi32>
      %and3A_1707 = arith.andi %eq3A_1705, %lt3A_1706 : vector<16xi1>
      %or3A_1708 = arith.ori %gt3A_1704, %and3A_1707 : vector<16xi1>
      %jit3A_1709 = arith.constant 1 : i32
      %jit3A_1710 = arith.constant 0 : i32
      %broadcast_in_dim3A_1711 = vector.broadcast %jit3A_1709 : i32 to vector<16xi32>
      %broadcast_in_dim3A_1712 = vector.broadcast %jit3A_1710 : i32 to vector<16xi32>
      %select_n3A_1713 = arith.select %or3A_1708, %broadcast_in_dim3A_1711, %broadcast_in_dim3A_1712 : vector<16xi1>, vector<16xi32>
      %add3A_1714 = arith.addi %add3A_1663, %select_n3A_1713 : vector<16xi32>
      %gt3A_1715 = arith.cmpf ogt, %gather3A_1701, %get3A_7 : vector<16xf32>
      %eq3A_1716 = arith.cmpf oeq, %gather3A_1701, %get3A_7 : vector<16xf32>
      %lt3A_1717 = arith.cmpi slt, %broadcast_in_dim3A_1703, %add3A_37 : vector<16xi32>
      %and3A_1718 = arith.andi %eq3A_1716, %lt3A_1717 : vector<16xi1>
      %or3A_1719 = arith.ori %gt3A_1715, %and3A_1718 : vector<16xi1>
      %jit3A_1720 = arith.constant 1 : i32
      %jit3A_1721 = arith.constant 0 : i32
      %broadcast_in_dim3A_1722 = vector.broadcast %jit3A_1720 : i32 to vector<16xi32>
      %broadcast_in_dim3A_1723 = vector.broadcast %jit3A_1721 : i32 to vector<16xi32>
      %select_n3A_1724 = arith.select %or3A_1719, %broadcast_in_dim3A_1722, %broadcast_in_dim3A_1723 : vector<16xi1>, vector<16xi32>
      %add3A_1725 = arith.addi %add3A_1674, %select_n3A_1724 : vector<16xi32>
      %gt3A_1726 = arith.cmpf ogt, %gather3A_1701, %get3A_10 : vector<16xf32>
      %eq3A_1727 = arith.cmpf oeq, %gather3A_1701, %get3A_10 : vector<16xf32>
      %lt3A_1728 = arith.cmpi slt, %broadcast_in_dim3A_1703, %add3A_50 : vector<16xi32>
      %and3A_1729 = arith.andi %eq3A_1727, %lt3A_1728 : vector<16xi1>
      %or3A_1730 = arith.ori %gt3A_1726, %and3A_1729 : vector<16xi1>
      %jit3A_1731 = arith.constant 1 : i32
      %jit3A_1732 = arith.constant 0 : i32
      %broadcast_in_dim3A_1733 = vector.broadcast %jit3A_1731 : i32 to vector<16xi32>
      %broadcast_in_dim3A_1734 = vector.broadcast %jit3A_1732 : i32 to vector<16xi32>
      %select_n3A_1735 = arith.select %or3A_1730, %broadcast_in_dim3A_1733, %broadcast_in_dim3A_1734 : vector<16xi1>, vector<16xi32>
      %add3A_1736 = arith.addi %add3A_1685, %select_n3A_1735 : vector<16xi32>
      %gt3A_1737 = arith.cmpf ogt, %gather3A_1701, %get3A_13 : vector<16xf32>
      %eq3A_1738 = arith.cmpf oeq, %gather3A_1701, %get3A_13 : vector<16xf32>
      %lt3A_1739 = arith.cmpi slt, %broadcast_in_dim3A_1703, %add3A_63 : vector<16xi32>
      %and3A_1740 = arith.andi %eq3A_1738, %lt3A_1739 : vector<16xi1>
      %or3A_1741 = arith.ori %gt3A_1737, %and3A_1740 : vector<16xi1>
      %jit3A_1742 = arith.constant 1 : i32
      %jit3A_1743 = arith.constant 0 : i32
      %broadcast_in_dim3A_1744 = vector.broadcast %jit3A_1742 : i32 to vector<16xi32>
      %broadcast_in_dim3A_1745 = vector.broadcast %jit3A_1743 : i32 to vector<16xi32>
      %select_n3A_1746 = arith.select %or3A_1741, %broadcast_in_dim3A_1744, %broadcast_in_dim3A_1745 : vector<16xi1>, vector<16xi32>
      %add3A_1747 = arith.addi %add3A_1696, %select_n3A_1746 : vector<16xi32>
      %broadcast_in_dim3A_1748 = arith.constant 5 : i32
      %broadcast_in_dim3A_1749 = vector.broadcast %broadcast_in_dim3A_1748 : i32 to vector<16xi32>
      %broadcast_in_dim3A_1750 = vector.shape_cast %broadcast_in_dim3A_1749 : vector<16xi32> to vector<16x1xi32>
      %gather3A_1751 = vector.shape_cast %broadcast_in_dim3A_1750 : vector<16x1xi32> to vector<16xi32>
      %gather3A_1752 = tpu.dynamic_gather %get3A_10[%gather3A_1751] in [0] : vector<16xf32>, vector<16xi32> -> vector<16xf32>
      %broadcast_in_dim3A_1753 = arith.constant 33 : i32
      %broadcast_in_dim3A_1754 = vector.broadcast %broadcast_in_dim3A_1753 : i32 to vector<16xi32>
      %gt3A_1755 = arith.cmpf ogt, %gather3A_1752, %get3A_4 : vector<16xf32>
      %eq3A_1756 = arith.cmpf oeq, %gather3A_1752, %get3A_4 : vector<16xf32>
      %lt3A_1757 = arith.cmpi slt, %broadcast_in_dim3A_1754, %add3A_24 : vector<16xi32>
      %and3A_1758 = arith.andi %eq3A_1756, %lt3A_1757 : vector<16xi1>
      %or3A_1759 = arith.ori %gt3A_1755, %and3A_1758 : vector<16xi1>
      %jit3A_1760 = arith.constant 1 : i32
      %jit3A_1761 = arith.constant 0 : i32
      %broadcast_in_dim3A_1762 = vector.broadcast %jit3A_1760 : i32 to vector<16xi32>
      %broadcast_in_dim3A_1763 = vector.broadcast %jit3A_1761 : i32 to vector<16xi32>
      %select_n3A_1764 = arith.select %or3A_1759, %broadcast_in_dim3A_1762, %broadcast_in_dim3A_1763 : vector<16xi1>, vector<16xi32>
      %add3A_1765 = arith.addi %add3A_1714, %select_n3A_1764 : vector<16xi32>
      %gt3A_1766 = arith.cmpf ogt, %gather3A_1752, %get3A_7 : vector<16xf32>
      %eq3A_1767 = arith.cmpf oeq, %gather3A_1752, %get3A_7 : vector<16xf32>
      %lt3A_1768 = arith.cmpi slt, %broadcast_in_dim3A_1754, %add3A_37 : vector<16xi32>
      %and3A_1769 = arith.andi %eq3A_1767, %lt3A_1768 : vector<16xi1>
      %or3A_1770 = arith.ori %gt3A_1766, %and3A_1769 : vector<16xi1>
      %jit3A_1771 = arith.constant 1 : i32
      %jit3A_1772 = arith.constant 0 : i32
      %broadcast_in_dim3A_1773 = vector.broadcast %jit3A_1771 : i32 to vector<16xi32>
      %broadcast_in_dim3A_1774 = vector.broadcast %jit3A_1772 : i32 to vector<16xi32>
      %select_n3A_1775 = arith.select %or3A_1770, %broadcast_in_dim3A_1773, %broadcast_in_dim3A_1774 : vector<16xi1>, vector<16xi32>
      %add3A_1776 = arith.addi %add3A_1725, %select_n3A_1775 : vector<16xi32>
      %gt3A_1777 = arith.cmpf ogt, %gather3A_1752, %get3A_10 : vector<16xf32>
      %eq3A_1778 = arith.cmpf oeq, %gather3A_1752, %get3A_10 : vector<16xf32>
      %lt3A_1779 = arith.cmpi slt, %broadcast_in_dim3A_1754, %add3A_50 : vector<16xi32>
      %and3A_1780 = arith.andi %eq3A_1778, %lt3A_1779 : vector<16xi1>
      %or3A_1781 = arith.ori %gt3A_1777, %and3A_1780 : vector<16xi1>
      %jit3A_1782 = arith.constant 1 : i32
      %jit3A_1783 = arith.constant 0 : i32
      %broadcast_in_dim3A_1784 = vector.broadcast %jit3A_1782 : i32 to vector<16xi32>
      %broadcast_in_dim3A_1785 = vector.broadcast %jit3A_1783 : i32 to vector<16xi32>
      %select_n3A_1786 = arith.select %or3A_1781, %broadcast_in_dim3A_1784, %broadcast_in_dim3A_1785 : vector<16xi1>, vector<16xi32>
      %add3A_1787 = arith.addi %add3A_1736, %select_n3A_1786 : vector<16xi32>
      %gt3A_1788 = arith.cmpf ogt, %gather3A_1752, %get3A_13 : vector<16xf32>
      %eq3A_1789 = arith.cmpf oeq, %gather3A_1752, %get3A_13 : vector<16xf32>
      %lt3A_1790 = arith.cmpi slt, %broadcast_in_dim3A_1754, %add3A_63 : vector<16xi32>
      %and3A_1791 = arith.andi %eq3A_1789, %lt3A_1790 : vector<16xi1>
      %or3A_1792 = arith.ori %gt3A_1788, %and3A_1791 : vector<16xi1>
      %jit3A_1793 = arith.constant 1 : i32
      %jit3A_1794 = arith.constant 0 : i32
      %broadcast_in_dim3A_1795 = vector.broadcast %jit3A_1793 : i32 to vector<16xi32>
      %broadcast_in_dim3A_1796 = vector.broadcast %jit3A_1794 : i32 to vector<16xi32>
      %select_n3A_1797 = arith.select %or3A_1792, %broadcast_in_dim3A_1795, %broadcast_in_dim3A_1796 : vector<16xi1>, vector<16xi32>
      %add3A_1798 = arith.addi %add3A_1747, %select_n3A_1797 : vector<16xi32>
      %broadcast_in_dim3A_1799 = arith.constant 6 : i32
      %broadcast_in_dim3A_1800 = vector.broadcast %broadcast_in_dim3A_1799 : i32 to vector<16xi32>
      %broadcast_in_dim3A_1801 = vector.shape_cast %broadcast_in_dim3A_1800 : vector<16xi32> to vector<16x1xi32>
      %gather3A_1802 = vector.shape_cast %broadcast_in_dim3A_1801 : vector<16x1xi32> to vector<16xi32>
      %gather3A_1803 = tpu.dynamic_gather %get3A_10[%gather3A_1802] in [0] : vector<16xf32>, vector<16xi32> -> vector<16xf32>
      %broadcast_in_dim3A_1804 = arith.constant 34 : i32
      %broadcast_in_dim3A_1805 = vector.broadcast %broadcast_in_dim3A_1804 : i32 to vector<16xi32>
      %gt3A_1806 = arith.cmpf ogt, %gather3A_1803, %get3A_4 : vector<16xf32>
      %eq3A_1807 = arith.cmpf oeq, %gather3A_1803, %get3A_4 : vector<16xf32>
      %lt3A_1808 = arith.cmpi slt, %broadcast_in_dim3A_1805, %add3A_24 : vector<16xi32>
      %and3A_1809 = arith.andi %eq3A_1807, %lt3A_1808 : vector<16xi1>
      %or3A_1810 = arith.ori %gt3A_1806, %and3A_1809 : vector<16xi1>
      %jit3A_1811 = arith.constant 1 : i32
      %jit3A_1812 = arith.constant 0 : i32
      %broadcast_in_dim3A_1813 = vector.broadcast %jit3A_1811 : i32 to vector<16xi32>
      %broadcast_in_dim3A_1814 = vector.broadcast %jit3A_1812 : i32 to vector<16xi32>
      %select_n3A_1815 = arith.select %or3A_1810, %broadcast_in_dim3A_1813, %broadcast_in_dim3A_1814 : vector<16xi1>, vector<16xi32>
      %add3A_1816 = arith.addi %add3A_1765, %select_n3A_1815 : vector<16xi32>
      %gt3A_1817 = arith.cmpf ogt, %gather3A_1803, %get3A_7 : vector<16xf32>
      %eq3A_1818 = arith.cmpf oeq, %gather3A_1803, %get3A_7 : vector<16xf32>
      %lt3A_1819 = arith.cmpi slt, %broadcast_in_dim3A_1805, %add3A_37 : vector<16xi32>
      %and3A_1820 = arith.andi %eq3A_1818, %lt3A_1819 : vector<16xi1>
      %or3A_1821 = arith.ori %gt3A_1817, %and3A_1820 : vector<16xi1>
      %jit3A_1822 = arith.constant 1 : i32
      %jit3A_1823 = arith.constant 0 : i32
      %broadcast_in_dim3A_1824 = vector.broadcast %jit3A_1822 : i32 to vector<16xi32>
      %broadcast_in_dim3A_1825 = vector.broadcast %jit3A_1823 : i32 to vector<16xi32>
      %select_n3A_1826 = arith.select %or3A_1821, %broadcast_in_dim3A_1824, %broadcast_in_dim3A_1825 : vector<16xi1>, vector<16xi32>
      %add3A_1827 = arith.addi %add3A_1776, %select_n3A_1826 : vector<16xi32>
      %gt3A_1828 = arith.cmpf ogt, %gather3A_1803, %get3A_10 : vector<16xf32>
      %eq3A_1829 = arith.cmpf oeq, %gather3A_1803, %get3A_10 : vector<16xf32>
      %lt3A_1830 = arith.cmpi slt, %broadcast_in_dim3A_1805, %add3A_50 : vector<16xi32>
      %and3A_1831 = arith.andi %eq3A_1829, %lt3A_1830 : vector<16xi1>
      %or3A_1832 = arith.ori %gt3A_1828, %and3A_1831 : vector<16xi1>
      %jit3A_1833 = arith.constant 1 : i32
      %jit3A_1834 = arith.constant 0 : i32
      %broadcast_in_dim3A_1835 = vector.broadcast %jit3A_1833 : i32 to vector<16xi32>
      %broadcast_in_dim3A_1836 = vector.broadcast %jit3A_1834 : i32 to vector<16xi32>
      %select_n3A_1837 = arith.select %or3A_1832, %broadcast_in_dim3A_1835, %broadcast_in_dim3A_1836 : vector<16xi1>, vector<16xi32>
      %add3A_1838 = arith.addi %add3A_1787, %select_n3A_1837 : vector<16xi32>
      %gt3A_1839 = arith.cmpf ogt, %gather3A_1803, %get3A_13 : vector<16xf32>
      %eq3A_1840 = arith.cmpf oeq, %gather3A_1803, %get3A_13 : vector<16xf32>
      %lt3A_1841 = arith.cmpi slt, %broadcast_in_dim3A_1805, %add3A_63 : vector<16xi32>
      %and3A_1842 = arith.andi %eq3A_1840, %lt3A_1841 : vector<16xi1>
      %or3A_1843 = arith.ori %gt3A_1839, %and3A_1842 : vector<16xi1>
      %jit3A_1844 = arith.constant 1 : i32
      %jit3A_1845 = arith.constant 0 : i32
      %broadcast_in_dim3A_1846 = vector.broadcast %jit3A_1844 : i32 to vector<16xi32>
      %broadcast_in_dim3A_1847 = vector.broadcast %jit3A_1845 : i32 to vector<16xi32>
      %select_n3A_1848 = arith.select %or3A_1843, %broadcast_in_dim3A_1846, %broadcast_in_dim3A_1847 : vector<16xi1>, vector<16xi32>
      %add3A_1849 = arith.addi %add3A_1798, %select_n3A_1848 : vector<16xi32>
      %broadcast_in_dim3A_1850 = arith.constant 8 : i32
      %broadcast_in_dim3A_1851 = vector.broadcast %broadcast_in_dim3A_1850 : i32 to vector<16xi32>
      %broadcast_in_dim3A_1852 = vector.shape_cast %broadcast_in_dim3A_1851 : vector<16xi32> to vector<16x1xi32>
      %gather3A_1853 = vector.shape_cast %broadcast_in_dim3A_1852 : vector<16x1xi32> to vector<16xi32>
      %gather3A_1854 = tpu.dynamic_gather %get3A_10[%gather3A_1853] in [0] : vector<16xf32>, vector<16xi32> -> vector<16xf32>
      %broadcast_in_dim3A_1855 = arith.constant 35 : i32
      %broadcast_in_dim3A_1856 = vector.broadcast %broadcast_in_dim3A_1855 : i32 to vector<16xi32>
      %gt3A_1857 = arith.cmpf ogt, %gather3A_1854, %get3A_4 : vector<16xf32>
      %eq3A_1858 = arith.cmpf oeq, %gather3A_1854, %get3A_4 : vector<16xf32>
      %lt3A_1859 = arith.cmpi slt, %broadcast_in_dim3A_1856, %add3A_24 : vector<16xi32>
      %and3A_1860 = arith.andi %eq3A_1858, %lt3A_1859 : vector<16xi1>
      %or3A_1861 = arith.ori %gt3A_1857, %and3A_1860 : vector<16xi1>
      %jit3A_1862 = arith.constant 1 : i32
      %jit3A_1863 = arith.constant 0 : i32
      %broadcast_in_dim3A_1864 = vector.broadcast %jit3A_1862 : i32 to vector<16xi32>
      %broadcast_in_dim3A_1865 = vector.broadcast %jit3A_1863 : i32 to vector<16xi32>
      %select_n3A_1866 = arith.select %or3A_1861, %broadcast_in_dim3A_1864, %broadcast_in_dim3A_1865 : vector<16xi1>, vector<16xi32>
      %add3A_1867 = arith.addi %add3A_1816, %select_n3A_1866 : vector<16xi32>
      %gt3A_1868 = arith.cmpf ogt, %gather3A_1854, %get3A_7 : vector<16xf32>
      %eq3A_1869 = arith.cmpf oeq, %gather3A_1854, %get3A_7 : vector<16xf32>
      %lt3A_1870 = arith.cmpi slt, %broadcast_in_dim3A_1856, %add3A_37 : vector<16xi32>
      %and3A_1871 = arith.andi %eq3A_1869, %lt3A_1870 : vector<16xi1>
      %or3A_1872 = arith.ori %gt3A_1868, %and3A_1871 : vector<16xi1>
      %jit3A_1873 = arith.constant 1 : i32
      %jit3A_1874 = arith.constant 0 : i32
      %broadcast_in_dim3A_1875 = vector.broadcast %jit3A_1873 : i32 to vector<16xi32>
      %broadcast_in_dim3A_1876 = vector.broadcast %jit3A_1874 : i32 to vector<16xi32>
      %select_n3A_1877 = arith.select %or3A_1872, %broadcast_in_dim3A_1875, %broadcast_in_dim3A_1876 : vector<16xi1>, vector<16xi32>
      %add3A_1878 = arith.addi %add3A_1827, %select_n3A_1877 : vector<16xi32>
      %gt3A_1879 = arith.cmpf ogt, %gather3A_1854, %get3A_10 : vector<16xf32>
      %eq3A_1880 = arith.cmpf oeq, %gather3A_1854, %get3A_10 : vector<16xf32>
      %lt3A_1881 = arith.cmpi slt, %broadcast_in_dim3A_1856, %add3A_50 : vector<16xi32>
      %and3A_1882 = arith.andi %eq3A_1880, %lt3A_1881 : vector<16xi1>
      %or3A_1883 = arith.ori %gt3A_1879, %and3A_1882 : vector<16xi1>
      %jit3A_1884 = arith.constant 1 : i32
      %jit3A_1885 = arith.constant 0 : i32
      %broadcast_in_dim3A_1886 = vector.broadcast %jit3A_1884 : i32 to vector<16xi32>
      %broadcast_in_dim3A_1887 = vector.broadcast %jit3A_1885 : i32 to vector<16xi32>
      %select_n3A_1888 = arith.select %or3A_1883, %broadcast_in_dim3A_1886, %broadcast_in_dim3A_1887 : vector<16xi1>, vector<16xi32>
      %add3A_1889 = arith.addi %add3A_1838, %select_n3A_1888 : vector<16xi32>
      %gt3A_1890 = arith.cmpf ogt, %gather3A_1854, %get3A_13 : vector<16xf32>
      %eq3A_1891 = arith.cmpf oeq, %gather3A_1854, %get3A_13 : vector<16xf32>
      %lt3A_1892 = arith.cmpi slt, %broadcast_in_dim3A_1856, %add3A_63 : vector<16xi32>
      %and3A_1893 = arith.andi %eq3A_1891, %lt3A_1892 : vector<16xi1>
      %or3A_1894 = arith.ori %gt3A_1890, %and3A_1893 : vector<16xi1>
      %jit3A_1895 = arith.constant 1 : i32
      %jit3A_1896 = arith.constant 0 : i32
      %broadcast_in_dim3A_1897 = vector.broadcast %jit3A_1895 : i32 to vector<16xi32>
      %broadcast_in_dim3A_1898 = vector.broadcast %jit3A_1896 : i32 to vector<16xi32>
      %select_n3A_1899 = arith.select %or3A_1894, %broadcast_in_dim3A_1897, %broadcast_in_dim3A_1898 : vector<16xi1>, vector<16xi32>
      %add3A_1900 = arith.addi %add3A_1849, %select_n3A_1899 : vector<16xi32>
      %broadcast_in_dim3A_1901 = arith.constant 9 : i32
      %broadcast_in_dim3A_1902 = vector.broadcast %broadcast_in_dim3A_1901 : i32 to vector<16xi32>
      %broadcast_in_dim3A_1903 = vector.shape_cast %broadcast_in_dim3A_1902 : vector<16xi32> to vector<16x1xi32>
      %gather3A_1904 = vector.shape_cast %broadcast_in_dim3A_1903 : vector<16x1xi32> to vector<16xi32>
      %gather3A_1905 = tpu.dynamic_gather %get3A_10[%gather3A_1904] in [0] : vector<16xf32>, vector<16xi32> -> vector<16xf32>
      %broadcast_in_dim3A_1906 = arith.constant 36 : i32
      %broadcast_in_dim3A_1907 = vector.broadcast %broadcast_in_dim3A_1906 : i32 to vector<16xi32>
      %gt3A_1908 = arith.cmpf ogt, %gather3A_1905, %get3A_4 : vector<16xf32>
      %eq3A_1909 = arith.cmpf oeq, %gather3A_1905, %get3A_4 : vector<16xf32>
      %lt3A_1910 = arith.cmpi slt, %broadcast_in_dim3A_1907, %add3A_24 : vector<16xi32>
      %and3A_1911 = arith.andi %eq3A_1909, %lt3A_1910 : vector<16xi1>
      %or3A_1912 = arith.ori %gt3A_1908, %and3A_1911 : vector<16xi1>
      %jit3A_1913 = arith.constant 1 : i32
      %jit3A_1914 = arith.constant 0 : i32
      %broadcast_in_dim3A_1915 = vector.broadcast %jit3A_1913 : i32 to vector<16xi32>
      %broadcast_in_dim3A_1916 = vector.broadcast %jit3A_1914 : i32 to vector<16xi32>
      %select_n3A_1917 = arith.select %or3A_1912, %broadcast_in_dim3A_1915, %broadcast_in_dim3A_1916 : vector<16xi1>, vector<16xi32>
      %add3A_1918 = arith.addi %add3A_1867, %select_n3A_1917 : vector<16xi32>
      %gt3A_1919 = arith.cmpf ogt, %gather3A_1905, %get3A_7 : vector<16xf32>
      %eq3A_1920 = arith.cmpf oeq, %gather3A_1905, %get3A_7 : vector<16xf32>
      %lt3A_1921 = arith.cmpi slt, %broadcast_in_dim3A_1907, %add3A_37 : vector<16xi32>
      %and3A_1922 = arith.andi %eq3A_1920, %lt3A_1921 : vector<16xi1>
      %or3A_1923 = arith.ori %gt3A_1919, %and3A_1922 : vector<16xi1>
      %jit3A_1924 = arith.constant 1 : i32
      %jit3A_1925 = arith.constant 0 : i32
      %broadcast_in_dim3A_1926 = vector.broadcast %jit3A_1924 : i32 to vector<16xi32>
      %broadcast_in_dim3A_1927 = vector.broadcast %jit3A_1925 : i32 to vector<16xi32>
      %select_n3A_1928 = arith.select %or3A_1923, %broadcast_in_dim3A_1926, %broadcast_in_dim3A_1927 : vector<16xi1>, vector<16xi32>
      %add3A_1929 = arith.addi %add3A_1878, %select_n3A_1928 : vector<16xi32>
      %gt3A_1930 = arith.cmpf ogt, %gather3A_1905, %get3A_10 : vector<16xf32>
      %eq3A_1931 = arith.cmpf oeq, %gather3A_1905, %get3A_10 : vector<16xf32>
      %lt3A_1932 = arith.cmpi slt, %broadcast_in_dim3A_1907, %add3A_50 : vector<16xi32>
      %and3A_1933 = arith.andi %eq3A_1931, %lt3A_1932 : vector<16xi1>
      %or3A_1934 = arith.ori %gt3A_1930, %and3A_1933 : vector<16xi1>
      %jit3A_1935 = arith.constant 1 : i32
      %jit3A_1936 = arith.constant 0 : i32
      %broadcast_in_dim3A_1937 = vector.broadcast %jit3A_1935 : i32 to vector<16xi32>
      %broadcast_in_dim3A_1938 = vector.broadcast %jit3A_1936 : i32 to vector<16xi32>
      %select_n3A_1939 = arith.select %or3A_1934, %broadcast_in_dim3A_1937, %broadcast_in_dim3A_1938 : vector<16xi1>, vector<16xi32>
      %add3A_1940 = arith.addi %add3A_1889, %select_n3A_1939 : vector<16xi32>
      %gt3A_1941 = arith.cmpf ogt, %gather3A_1905, %get3A_13 : vector<16xf32>
      %eq3A_1942 = arith.cmpf oeq, %gather3A_1905, %get3A_13 : vector<16xf32>
      %lt3A_1943 = arith.cmpi slt, %broadcast_in_dim3A_1907, %add3A_63 : vector<16xi32>
      %and3A_1944 = arith.andi %eq3A_1942, %lt3A_1943 : vector<16xi1>
      %or3A_1945 = arith.ori %gt3A_1941, %and3A_1944 : vector<16xi1>
      %jit3A_1946 = arith.constant 1 : i32
      %jit3A_1947 = arith.constant 0 : i32
      %broadcast_in_dim3A_1948 = vector.broadcast %jit3A_1946 : i32 to vector<16xi32>
      %broadcast_in_dim3A_1949 = vector.broadcast %jit3A_1947 : i32 to vector<16xi32>
      %select_n3A_1950 = arith.select %or3A_1945, %broadcast_in_dim3A_1948, %broadcast_in_dim3A_1949 : vector<16xi1>, vector<16xi32>
      %add3A_1951 = arith.addi %add3A_1900, %select_n3A_1950 : vector<16xi32>
      %broadcast_in_dim3A_1952 = arith.constant 10 : i32
      %broadcast_in_dim3A_1953 = vector.broadcast %broadcast_in_dim3A_1952 : i32 to vector<16xi32>
      %broadcast_in_dim3A_1954 = vector.shape_cast %broadcast_in_dim3A_1953 : vector<16xi32> to vector<16x1xi32>
      %gather3A_1955 = vector.shape_cast %broadcast_in_dim3A_1954 : vector<16x1xi32> to vector<16xi32>
      %gather3A_1956 = tpu.dynamic_gather %get3A_10[%gather3A_1955] in [0] : vector<16xf32>, vector<16xi32> -> vector<16xf32>
      %broadcast_in_dim3A_1957 = arith.constant 37 : i32
      %broadcast_in_dim3A_1958 = vector.broadcast %broadcast_in_dim3A_1957 : i32 to vector<16xi32>
      %gt3A_1959 = arith.cmpf ogt, %gather3A_1956, %get3A_4 : vector<16xf32>
      %eq3A_1960 = arith.cmpf oeq, %gather3A_1956, %get3A_4 : vector<16xf32>
      %lt3A_1961 = arith.cmpi slt, %broadcast_in_dim3A_1958, %add3A_24 : vector<16xi32>
      %and3A_1962 = arith.andi %eq3A_1960, %lt3A_1961 : vector<16xi1>
      %or3A_1963 = arith.ori %gt3A_1959, %and3A_1962 : vector<16xi1>
      %jit3A_1964 = arith.constant 1 : i32
      %jit3A_1965 = arith.constant 0 : i32
      %broadcast_in_dim3A_1966 = vector.broadcast %jit3A_1964 : i32 to vector<16xi32>
      %broadcast_in_dim3A_1967 = vector.broadcast %jit3A_1965 : i32 to vector<16xi32>
      %select_n3A_1968 = arith.select %or3A_1963, %broadcast_in_dim3A_1966, %broadcast_in_dim3A_1967 : vector<16xi1>, vector<16xi32>
      %add3A_1969 = arith.addi %add3A_1918, %select_n3A_1968 : vector<16xi32>
      %gt3A_1970 = arith.cmpf ogt, %gather3A_1956, %get3A_7 : vector<16xf32>
      %eq3A_1971 = arith.cmpf oeq, %gather3A_1956, %get3A_7 : vector<16xf32>
      %lt3A_1972 = arith.cmpi slt, %broadcast_in_dim3A_1958, %add3A_37 : vector<16xi32>
      %and3A_1973 = arith.andi %eq3A_1971, %lt3A_1972 : vector<16xi1>
      %or3A_1974 = arith.ori %gt3A_1970, %and3A_1973 : vector<16xi1>
      %jit3A_1975 = arith.constant 1 : i32
      %jit3A_1976 = arith.constant 0 : i32
      %broadcast_in_dim3A_1977 = vector.broadcast %jit3A_1975 : i32 to vector<16xi32>
      %broadcast_in_dim3A_1978 = vector.broadcast %jit3A_1976 : i32 to vector<16xi32>
      %select_n3A_1979 = arith.select %or3A_1974, %broadcast_in_dim3A_1977, %broadcast_in_dim3A_1978 : vector<16xi1>, vector<16xi32>
      %add3A_1980 = arith.addi %add3A_1929, %select_n3A_1979 : vector<16xi32>
      %gt3A_1981 = arith.cmpf ogt, %gather3A_1956, %get3A_10 : vector<16xf32>
      %eq3A_1982 = arith.cmpf oeq, %gather3A_1956, %get3A_10 : vector<16xf32>
      %lt3A_1983 = arith.cmpi slt, %broadcast_in_dim3A_1958, %add3A_50 : vector<16xi32>
      %and3A_1984 = arith.andi %eq3A_1982, %lt3A_1983 : vector<16xi1>
      %or3A_1985 = arith.ori %gt3A_1981, %and3A_1984 : vector<16xi1>
      %jit3A_1986 = arith.constant 1 : i32
      %jit3A_1987 = arith.constant 0 : i32
      %broadcast_in_dim3A_1988 = vector.broadcast %jit3A_1986 : i32 to vector<16xi32>
      %broadcast_in_dim3A_1989 = vector.broadcast %jit3A_1987 : i32 to vector<16xi32>
      %select_n3A_1990 = arith.select %or3A_1985, %broadcast_in_dim3A_1988, %broadcast_in_dim3A_1989 : vector<16xi1>, vector<16xi32>
      %add3A_1991 = arith.addi %add3A_1940, %select_n3A_1990 : vector<16xi32>
      %gt3A_1992 = arith.cmpf ogt, %gather3A_1956, %get3A_13 : vector<16xf32>
      %eq3A_1993 = arith.cmpf oeq, %gather3A_1956, %get3A_13 : vector<16xf32>
      %lt3A_1994 = arith.cmpi slt, %broadcast_in_dim3A_1958, %add3A_63 : vector<16xi32>
      %and3A_1995 = arith.andi %eq3A_1993, %lt3A_1994 : vector<16xi1>
      %or3A_1996 = arith.ori %gt3A_1992, %and3A_1995 : vector<16xi1>
      %jit3A_1997 = arith.constant 1 : i32
      %jit3A_1998 = arith.constant 0 : i32
      %broadcast_in_dim3A_1999 = vector.broadcast %jit3A_1997 : i32 to vector<16xi32>
      %broadcast_in_dim3A_2000 = vector.broadcast %jit3A_1998 : i32 to vector<16xi32>
      %select_n3A_2001 = arith.select %or3A_1996, %broadcast_in_dim3A_1999, %broadcast_in_dim3A_2000 : vector<16xi1>, vector<16xi32>
      %add3A_2002 = arith.addi %add3A_1951, %select_n3A_2001 : vector<16xi32>
      %broadcast_in_dim3A_2003 = arith.constant 11 : i32
      %broadcast_in_dim3A_2004 = vector.broadcast %broadcast_in_dim3A_2003 : i32 to vector<16xi32>
      %broadcast_in_dim3A_2005 = vector.shape_cast %broadcast_in_dim3A_2004 : vector<16xi32> to vector<16x1xi32>
      %gather3A_2006 = vector.shape_cast %broadcast_in_dim3A_2005 : vector<16x1xi32> to vector<16xi32>
      %gather3A_2007 = tpu.dynamic_gather %get3A_10[%gather3A_2006] in [0] : vector<16xf32>, vector<16xi32> -> vector<16xf32>
      %broadcast_in_dim3A_2008 = arith.constant 38 : i32
      %broadcast_in_dim3A_2009 = vector.broadcast %broadcast_in_dim3A_2008 : i32 to vector<16xi32>
      %gt3A_2010 = arith.cmpf ogt, %gather3A_2007, %get3A_4 : vector<16xf32>
      %eq3A_2011 = arith.cmpf oeq, %gather3A_2007, %get3A_4 : vector<16xf32>
      %lt3A_2012 = arith.cmpi slt, %broadcast_in_dim3A_2009, %add3A_24 : vector<16xi32>
      %and3A_2013 = arith.andi %eq3A_2011, %lt3A_2012 : vector<16xi1>
      %or3A_2014 = arith.ori %gt3A_2010, %and3A_2013 : vector<16xi1>
      %jit3A_2015 = arith.constant 1 : i32
      %jit3A_2016 = arith.constant 0 : i32
      %broadcast_in_dim3A_2017 = vector.broadcast %jit3A_2015 : i32 to vector<16xi32>
      %broadcast_in_dim3A_2018 = vector.broadcast %jit3A_2016 : i32 to vector<16xi32>
      %select_n3A_2019 = arith.select %or3A_2014, %broadcast_in_dim3A_2017, %broadcast_in_dim3A_2018 : vector<16xi1>, vector<16xi32>
      %add3A_2020 = arith.addi %add3A_1969, %select_n3A_2019 : vector<16xi32>
      %gt3A_2021 = arith.cmpf ogt, %gather3A_2007, %get3A_7 : vector<16xf32>
      %eq3A_2022 = arith.cmpf oeq, %gather3A_2007, %get3A_7 : vector<16xf32>
      %lt3A_2023 = arith.cmpi slt, %broadcast_in_dim3A_2009, %add3A_37 : vector<16xi32>
      %and3A_2024 = arith.andi %eq3A_2022, %lt3A_2023 : vector<16xi1>
      %or3A_2025 = arith.ori %gt3A_2021, %and3A_2024 : vector<16xi1>
      %jit3A_2026 = arith.constant 1 : i32
      %jit3A_2027 = arith.constant 0 : i32
      %broadcast_in_dim3A_2028 = vector.broadcast %jit3A_2026 : i32 to vector<16xi32>
      %broadcast_in_dim3A_2029 = vector.broadcast %jit3A_2027 : i32 to vector<16xi32>
      %select_n3A_2030 = arith.select %or3A_2025, %broadcast_in_dim3A_2028, %broadcast_in_dim3A_2029 : vector<16xi1>, vector<16xi32>
      %add3A_2031 = arith.addi %add3A_1980, %select_n3A_2030 : vector<16xi32>
      %gt3A_2032 = arith.cmpf ogt, %gather3A_2007, %get3A_10 : vector<16xf32>
      %eq3A_2033 = arith.cmpf oeq, %gather3A_2007, %get3A_10 : vector<16xf32>
      %lt3A_2034 = arith.cmpi slt, %broadcast_in_dim3A_2009, %add3A_50 : vector<16xi32>
      %and3A_2035 = arith.andi %eq3A_2033, %lt3A_2034 : vector<16xi1>
      %or3A_2036 = arith.ori %gt3A_2032, %and3A_2035 : vector<16xi1>
      %jit3A_2037 = arith.constant 1 : i32
      %jit3A_2038 = arith.constant 0 : i32
      %broadcast_in_dim3A_2039 = vector.broadcast %jit3A_2037 : i32 to vector<16xi32>
      %broadcast_in_dim3A_2040 = vector.broadcast %jit3A_2038 : i32 to vector<16xi32>
      %select_n3A_2041 = arith.select %or3A_2036, %broadcast_in_dim3A_2039, %broadcast_in_dim3A_2040 : vector<16xi1>, vector<16xi32>
      %add3A_2042 = arith.addi %add3A_1991, %select_n3A_2041 : vector<16xi32>
      %gt3A_2043 = arith.cmpf ogt, %gather3A_2007, %get3A_13 : vector<16xf32>
      %eq3A_2044 = arith.cmpf oeq, %gather3A_2007, %get3A_13 : vector<16xf32>
      %lt3A_2045 = arith.cmpi slt, %broadcast_in_dim3A_2009, %add3A_63 : vector<16xi32>
      %and3A_2046 = arith.andi %eq3A_2044, %lt3A_2045 : vector<16xi1>
      %or3A_2047 = arith.ori %gt3A_2043, %and3A_2046 : vector<16xi1>
      %jit3A_2048 = arith.constant 1 : i32
      %jit3A_2049 = arith.constant 0 : i32
      %broadcast_in_dim3A_2050 = vector.broadcast %jit3A_2048 : i32 to vector<16xi32>
      %broadcast_in_dim3A_2051 = vector.broadcast %jit3A_2049 : i32 to vector<16xi32>
      %select_n3A_2052 = arith.select %or3A_2047, %broadcast_in_dim3A_2050, %broadcast_in_dim3A_2051 : vector<16xi1>, vector<16xi32>
      %add3A_2053 = arith.addi %add3A_2002, %select_n3A_2052 : vector<16xi32>
      %broadcast_in_dim3A_2054 = arith.constant 12 : i32
      %broadcast_in_dim3A_2055 = vector.broadcast %broadcast_in_dim3A_2054 : i32 to vector<16xi32>
      %broadcast_in_dim3A_2056 = vector.shape_cast %broadcast_in_dim3A_2055 : vector<16xi32> to vector<16x1xi32>
      %gather3A_2057 = vector.shape_cast %broadcast_in_dim3A_2056 : vector<16x1xi32> to vector<16xi32>
      %gather3A_2058 = tpu.dynamic_gather %get3A_10[%gather3A_2057] in [0] : vector<16xf32>, vector<16xi32> -> vector<16xf32>
      %broadcast_in_dim3A_2059 = arith.constant 39 : i32
      %broadcast_in_dim3A_2060 = vector.broadcast %broadcast_in_dim3A_2059 : i32 to vector<16xi32>
      %gt3A_2061 = arith.cmpf ogt, %gather3A_2058, %get3A_4 : vector<16xf32>
      %eq3A_2062 = arith.cmpf oeq, %gather3A_2058, %get3A_4 : vector<16xf32>
      %lt3A_2063 = arith.cmpi slt, %broadcast_in_dim3A_2060, %add3A_24 : vector<16xi32>
      %and3A_2064 = arith.andi %eq3A_2062, %lt3A_2063 : vector<16xi1>
      %or3A_2065 = arith.ori %gt3A_2061, %and3A_2064 : vector<16xi1>
      %jit3A_2066 = arith.constant 1 : i32
      %jit3A_2067 = arith.constant 0 : i32
      %broadcast_in_dim3A_2068 = vector.broadcast %jit3A_2066 : i32 to vector<16xi32>
      %broadcast_in_dim3A_2069 = vector.broadcast %jit3A_2067 : i32 to vector<16xi32>
      %select_n3A_2070 = arith.select %or3A_2065, %broadcast_in_dim3A_2068, %broadcast_in_dim3A_2069 : vector<16xi1>, vector<16xi32>
      %add3A_2071 = arith.addi %add3A_2020, %select_n3A_2070 : vector<16xi32>
      %gt3A_2072 = arith.cmpf ogt, %gather3A_2058, %get3A_7 : vector<16xf32>
      %eq3A_2073 = arith.cmpf oeq, %gather3A_2058, %get3A_7 : vector<16xf32>
      %lt3A_2074 = arith.cmpi slt, %broadcast_in_dim3A_2060, %add3A_37 : vector<16xi32>
      %and3A_2075 = arith.andi %eq3A_2073, %lt3A_2074 : vector<16xi1>
      %or3A_2076 = arith.ori %gt3A_2072, %and3A_2075 : vector<16xi1>
      %jit3A_2077 = arith.constant 1 : i32
      %jit3A_2078 = arith.constant 0 : i32
      %broadcast_in_dim3A_2079 = vector.broadcast %jit3A_2077 : i32 to vector<16xi32>
      %broadcast_in_dim3A_2080 = vector.broadcast %jit3A_2078 : i32 to vector<16xi32>
      %select_n3A_2081 = arith.select %or3A_2076, %broadcast_in_dim3A_2079, %broadcast_in_dim3A_2080 : vector<16xi1>, vector<16xi32>
      %add3A_2082 = arith.addi %add3A_2031, %select_n3A_2081 : vector<16xi32>
      %gt3A_2083 = arith.cmpf ogt, %gather3A_2058, %get3A_10 : vector<16xf32>
      %eq3A_2084 = arith.cmpf oeq, %gather3A_2058, %get3A_10 : vector<16xf32>
      %lt3A_2085 = arith.cmpi slt, %broadcast_in_dim3A_2060, %add3A_50 : vector<16xi32>
      %and3A_2086 = arith.andi %eq3A_2084, %lt3A_2085 : vector<16xi1>
      %or3A_2087 = arith.ori %gt3A_2083, %and3A_2086 : vector<16xi1>
      %jit3A_2088 = arith.constant 1 : i32
      %jit3A_2089 = arith.constant 0 : i32
      %broadcast_in_dim3A_2090 = vector.broadcast %jit3A_2088 : i32 to vector<16xi32>
      %broadcast_in_dim3A_2091 = vector.broadcast %jit3A_2089 : i32 to vector<16xi32>
      %select_n3A_2092 = arith.select %or3A_2087, %broadcast_in_dim3A_2090, %broadcast_in_dim3A_2091 : vector<16xi1>, vector<16xi32>
      %add3A_2093 = arith.addi %add3A_2042, %select_n3A_2092 : vector<16xi32>
      %gt3A_2094 = arith.cmpf ogt, %gather3A_2058, %get3A_13 : vector<16xf32>
      %eq3A_2095 = arith.cmpf oeq, %gather3A_2058, %get3A_13 : vector<16xf32>
      %lt3A_2096 = arith.cmpi slt, %broadcast_in_dim3A_2060, %add3A_63 : vector<16xi32>
      %and3A_2097 = arith.andi %eq3A_2095, %lt3A_2096 : vector<16xi1>
      %or3A_2098 = arith.ori %gt3A_2094, %and3A_2097 : vector<16xi1>
      %jit3A_2099 = arith.constant 1 : i32
      %jit3A_2100 = arith.constant 0 : i32
      %broadcast_in_dim3A_2101 = vector.broadcast %jit3A_2099 : i32 to vector<16xi32>
      %broadcast_in_dim3A_2102 = vector.broadcast %jit3A_2100 : i32 to vector<16xi32>
      %select_n3A_2103 = arith.select %or3A_2098, %broadcast_in_dim3A_2101, %broadcast_in_dim3A_2102 : vector<16xi1>, vector<16xi32>
      %add3A_2104 = arith.addi %add3A_2053, %select_n3A_2103 : vector<16xi32>
      %broadcast_in_dim3A_2105 = arith.constant 13 : i32
      %broadcast_in_dim3A_2106 = vector.broadcast %broadcast_in_dim3A_2105 : i32 to vector<16xi32>
      %broadcast_in_dim3A_2107 = vector.shape_cast %broadcast_in_dim3A_2106 : vector<16xi32> to vector<16x1xi32>
      %gather3A_2108 = vector.shape_cast %broadcast_in_dim3A_2107 : vector<16x1xi32> to vector<16xi32>
      %gather3A_2109 = tpu.dynamic_gather %get3A_10[%gather3A_2108] in [0] : vector<16xf32>, vector<16xi32> -> vector<16xf32>
      %broadcast_in_dim3A_2110 = arith.constant 40 : i32
      %broadcast_in_dim3A_2111 = vector.broadcast %broadcast_in_dim3A_2110 : i32 to vector<16xi32>
      %gt3A_2112 = arith.cmpf ogt, %gather3A_2109, %get3A_4 : vector<16xf32>
      %eq3A_2113 = arith.cmpf oeq, %gather3A_2109, %get3A_4 : vector<16xf32>
      %lt3A_2114 = arith.cmpi slt, %broadcast_in_dim3A_2111, %add3A_24 : vector<16xi32>
      %and3A_2115 = arith.andi %eq3A_2113, %lt3A_2114 : vector<16xi1>
      %or3A_2116 = arith.ori %gt3A_2112, %and3A_2115 : vector<16xi1>
      %jit3A_2117 = arith.constant 1 : i32
      %jit3A_2118 = arith.constant 0 : i32
      %broadcast_in_dim3A_2119 = vector.broadcast %jit3A_2117 : i32 to vector<16xi32>
      %broadcast_in_dim3A_2120 = vector.broadcast %jit3A_2118 : i32 to vector<16xi32>
      %select_n3A_2121 = arith.select %or3A_2116, %broadcast_in_dim3A_2119, %broadcast_in_dim3A_2120 : vector<16xi1>, vector<16xi32>
      %add3A_2122 = arith.addi %add3A_2071, %select_n3A_2121 : vector<16xi32>
      %gt3A_2123 = arith.cmpf ogt, %gather3A_2109, %get3A_7 : vector<16xf32>
      %eq3A_2124 = arith.cmpf oeq, %gather3A_2109, %get3A_7 : vector<16xf32>
      %lt3A_2125 = arith.cmpi slt, %broadcast_in_dim3A_2111, %add3A_37 : vector<16xi32>
      %and3A_2126 = arith.andi %eq3A_2124, %lt3A_2125 : vector<16xi1>
      %or3A_2127 = arith.ori %gt3A_2123, %and3A_2126 : vector<16xi1>
      %jit3A_2128 = arith.constant 1 : i32
      %jit3A_2129 = arith.constant 0 : i32
      %broadcast_in_dim3A_2130 = vector.broadcast %jit3A_2128 : i32 to vector<16xi32>
      %broadcast_in_dim3A_2131 = vector.broadcast %jit3A_2129 : i32 to vector<16xi32>
      %select_n3A_2132 = arith.select %or3A_2127, %broadcast_in_dim3A_2130, %broadcast_in_dim3A_2131 : vector<16xi1>, vector<16xi32>
      %add3A_2133 = arith.addi %add3A_2082, %select_n3A_2132 : vector<16xi32>
      %gt3A_2134 = arith.cmpf ogt, %gather3A_2109, %get3A_10 : vector<16xf32>
      %eq3A_2135 = arith.cmpf oeq, %gather3A_2109, %get3A_10 : vector<16xf32>
      %lt3A_2136 = arith.cmpi slt, %broadcast_in_dim3A_2111, %add3A_50 : vector<16xi32>
      %and3A_2137 = arith.andi %eq3A_2135, %lt3A_2136 : vector<16xi1>
      %or3A_2138 = arith.ori %gt3A_2134, %and3A_2137 : vector<16xi1>
      %jit3A_2139 = arith.constant 1 : i32
      %jit3A_2140 = arith.constant 0 : i32
      %broadcast_in_dim3A_2141 = vector.broadcast %jit3A_2139 : i32 to vector<16xi32>
      %broadcast_in_dim3A_2142 = vector.broadcast %jit3A_2140 : i32 to vector<16xi32>
      %select_n3A_2143 = arith.select %or3A_2138, %broadcast_in_dim3A_2141, %broadcast_in_dim3A_2142 : vector<16xi1>, vector<16xi32>
      %add3A_2144 = arith.addi %add3A_2093, %select_n3A_2143 : vector<16xi32>
      %gt3A_2145 = arith.cmpf ogt, %gather3A_2109, %get3A_13 : vector<16xf32>
      %eq3A_2146 = arith.cmpf oeq, %gather3A_2109, %get3A_13 : vector<16xf32>
      %lt3A_2147 = arith.cmpi slt, %broadcast_in_dim3A_2111, %add3A_63 : vector<16xi32>
      %and3A_2148 = arith.andi %eq3A_2146, %lt3A_2147 : vector<16xi1>
      %or3A_2149 = arith.ori %gt3A_2145, %and3A_2148 : vector<16xi1>
      %jit3A_2150 = arith.constant 1 : i32
      %jit3A_2151 = arith.constant 0 : i32
      %broadcast_in_dim3A_2152 = vector.broadcast %jit3A_2150 : i32 to vector<16xi32>
      %broadcast_in_dim3A_2153 = vector.broadcast %jit3A_2151 : i32 to vector<16xi32>
      %select_n3A_2154 = arith.select %or3A_2149, %broadcast_in_dim3A_2152, %broadcast_in_dim3A_2153 : vector<16xi1>, vector<16xi32>
      %add3A_2155 = arith.addi %add3A_2104, %select_n3A_2154 : vector<16xi32>
      %broadcast_in_dim3A_2156 = arith.constant 14 : i32
      %broadcast_in_dim3A_2157 = vector.broadcast %broadcast_in_dim3A_2156 : i32 to vector<16xi32>
      %broadcast_in_dim3A_2158 = vector.shape_cast %broadcast_in_dim3A_2157 : vector<16xi32> to vector<16x1xi32>
      %gather3A_2159 = vector.shape_cast %broadcast_in_dim3A_2158 : vector<16x1xi32> to vector<16xi32>
      %gather3A_2160 = tpu.dynamic_gather %get3A_10[%gather3A_2159] in [0] : vector<16xf32>, vector<16xi32> -> vector<16xf32>
      %broadcast_in_dim3A_2161 = arith.constant 41 : i32
      %broadcast_in_dim3A_2162 = vector.broadcast %broadcast_in_dim3A_2161 : i32 to vector<16xi32>
      %gt3A_2163 = arith.cmpf ogt, %gather3A_2160, %get3A_4 : vector<16xf32>
      %eq3A_2164 = arith.cmpf oeq, %gather3A_2160, %get3A_4 : vector<16xf32>
      %lt3A_2165 = arith.cmpi slt, %broadcast_in_dim3A_2162, %add3A_24 : vector<16xi32>
      %and3A_2166 = arith.andi %eq3A_2164, %lt3A_2165 : vector<16xi1>
      %or3A_2167 = arith.ori %gt3A_2163, %and3A_2166 : vector<16xi1>
      %jit3A_2168 = arith.constant 1 : i32
      %jit3A_2169 = arith.constant 0 : i32
      %broadcast_in_dim3A_2170 = vector.broadcast %jit3A_2168 : i32 to vector<16xi32>
      %broadcast_in_dim3A_2171 = vector.broadcast %jit3A_2169 : i32 to vector<16xi32>
      %select_n3A_2172 = arith.select %or3A_2167, %broadcast_in_dim3A_2170, %broadcast_in_dim3A_2171 : vector<16xi1>, vector<16xi32>
      %add3A_2173 = arith.addi %add3A_2122, %select_n3A_2172 : vector<16xi32>
      %gt3A_2174 = arith.cmpf ogt, %gather3A_2160, %get3A_7 : vector<16xf32>
      %eq3A_2175 = arith.cmpf oeq, %gather3A_2160, %get3A_7 : vector<16xf32>
      %lt3A_2176 = arith.cmpi slt, %broadcast_in_dim3A_2162, %add3A_37 : vector<16xi32>
      %and3A_2177 = arith.andi %eq3A_2175, %lt3A_2176 : vector<16xi1>
      %or3A_2178 = arith.ori %gt3A_2174, %and3A_2177 : vector<16xi1>
      %jit3A_2179 = arith.constant 1 : i32
      %jit3A_2180 = arith.constant 0 : i32
      %broadcast_in_dim3A_2181 = vector.broadcast %jit3A_2179 : i32 to vector<16xi32>
      %broadcast_in_dim3A_2182 = vector.broadcast %jit3A_2180 : i32 to vector<16xi32>
      %select_n3A_2183 = arith.select %or3A_2178, %broadcast_in_dim3A_2181, %broadcast_in_dim3A_2182 : vector<16xi1>, vector<16xi32>
      %add3A_2184 = arith.addi %add3A_2133, %select_n3A_2183 : vector<16xi32>
      %gt3A_2185 = arith.cmpf ogt, %gather3A_2160, %get3A_10 : vector<16xf32>
      %eq3A_2186 = arith.cmpf oeq, %gather3A_2160, %get3A_10 : vector<16xf32>
      %lt3A_2187 = arith.cmpi slt, %broadcast_in_dim3A_2162, %add3A_50 : vector<16xi32>
      %and3A_2188 = arith.andi %eq3A_2186, %lt3A_2187 : vector<16xi1>
      %or3A_2189 = arith.ori %gt3A_2185, %and3A_2188 : vector<16xi1>
      %jit3A_2190 = arith.constant 1 : i32
      %jit3A_2191 = arith.constant 0 : i32
      %broadcast_in_dim3A_2192 = vector.broadcast %jit3A_2190 : i32 to vector<16xi32>
      %broadcast_in_dim3A_2193 = vector.broadcast %jit3A_2191 : i32 to vector<16xi32>
      %select_n3A_2194 = arith.select %or3A_2189, %broadcast_in_dim3A_2192, %broadcast_in_dim3A_2193 : vector<16xi1>, vector<16xi32>
      %add3A_2195 = arith.addi %add3A_2144, %select_n3A_2194 : vector<16xi32>
      %gt3A_2196 = arith.cmpf ogt, %gather3A_2160, %get3A_13 : vector<16xf32>
      %eq3A_2197 = arith.cmpf oeq, %gather3A_2160, %get3A_13 : vector<16xf32>
      %lt3A_2198 = arith.cmpi slt, %broadcast_in_dim3A_2162, %add3A_63 : vector<16xi32>
      %and3A_2199 = arith.andi %eq3A_2197, %lt3A_2198 : vector<16xi1>
      %or3A_2200 = arith.ori %gt3A_2196, %and3A_2199 : vector<16xi1>
      %jit3A_2201 = arith.constant 1 : i32
      %jit3A_2202 = arith.constant 0 : i32
      %broadcast_in_dim3A_2203 = vector.broadcast %jit3A_2201 : i32 to vector<16xi32>
      %broadcast_in_dim3A_2204 = vector.broadcast %jit3A_2202 : i32 to vector<16xi32>
      %select_n3A_2205 = arith.select %or3A_2200, %broadcast_in_dim3A_2203, %broadcast_in_dim3A_2204 : vector<16xi1>, vector<16xi32>
      %add3A_2206 = arith.addi %add3A_2155, %select_n3A_2205 : vector<16xi32>
      %broadcast_in_dim3A_2207 = arith.constant 0 : i32
      %broadcast_in_dim3A_2208 = vector.broadcast %broadcast_in_dim3A_2207 : i32 to vector<16xi32>
      %broadcast_in_dim3A_2209 = vector.shape_cast %broadcast_in_dim3A_2208 : vector<16xi32> to vector<16x1xi32>
      %gather3A_2210 = vector.shape_cast %broadcast_in_dim3A_2209 : vector<16x1xi32> to vector<16xi32>
      %gather3A_2211 = tpu.dynamic_gather %get3A_13[%gather3A_2210] in [0] : vector<16xf32>, vector<16xi32> -> vector<16xf32>
      %broadcast_in_dim3A_2212 = arith.constant 42 : i32
      %broadcast_in_dim3A_2213 = vector.broadcast %broadcast_in_dim3A_2212 : i32 to vector<16xi32>
      %gt3A_2214 = arith.cmpf ogt, %gather3A_2211, %get3A_4 : vector<16xf32>
      %eq3A_2215 = arith.cmpf oeq, %gather3A_2211, %get3A_4 : vector<16xf32>
      %lt3A_2216 = arith.cmpi slt, %broadcast_in_dim3A_2213, %add3A_24 : vector<16xi32>
      %and3A_2217 = arith.andi %eq3A_2215, %lt3A_2216 : vector<16xi1>
      %or3A_2218 = arith.ori %gt3A_2214, %and3A_2217 : vector<16xi1>
      %jit3A_2219 = arith.constant 1 : i32
      %jit3A_2220 = arith.constant 0 : i32
      %broadcast_in_dim3A_2221 = vector.broadcast %jit3A_2219 : i32 to vector<16xi32>
      %broadcast_in_dim3A_2222 = vector.broadcast %jit3A_2220 : i32 to vector<16xi32>
      %select_n3A_2223 = arith.select %or3A_2218, %broadcast_in_dim3A_2221, %broadcast_in_dim3A_2222 : vector<16xi1>, vector<16xi32>
      %add3A_2224 = arith.addi %add3A_2173, %select_n3A_2223 : vector<16xi32>
      %gt3A_2225 = arith.cmpf ogt, %gather3A_2211, %get3A_7 : vector<16xf32>
      %eq3A_2226 = arith.cmpf oeq, %gather3A_2211, %get3A_7 : vector<16xf32>
      %lt3A_2227 = arith.cmpi slt, %broadcast_in_dim3A_2213, %add3A_37 : vector<16xi32>
      %and3A_2228 = arith.andi %eq3A_2226, %lt3A_2227 : vector<16xi1>
      %or3A_2229 = arith.ori %gt3A_2225, %and3A_2228 : vector<16xi1>
      %jit3A_2230 = arith.constant 1 : i32
      %jit3A_2231 = arith.constant 0 : i32
      %broadcast_in_dim3A_2232 = vector.broadcast %jit3A_2230 : i32 to vector<16xi32>
      %broadcast_in_dim3A_2233 = vector.broadcast %jit3A_2231 : i32 to vector<16xi32>
      %select_n3A_2234 = arith.select %or3A_2229, %broadcast_in_dim3A_2232, %broadcast_in_dim3A_2233 : vector<16xi1>, vector<16xi32>
      %add3A_2235 = arith.addi %add3A_2184, %select_n3A_2234 : vector<16xi32>
      %gt3A_2236 = arith.cmpf ogt, %gather3A_2211, %get3A_10 : vector<16xf32>
      %eq3A_2237 = arith.cmpf oeq, %gather3A_2211, %get3A_10 : vector<16xf32>
      %lt3A_2238 = arith.cmpi slt, %broadcast_in_dim3A_2213, %add3A_50 : vector<16xi32>
      %and3A_2239 = arith.andi %eq3A_2237, %lt3A_2238 : vector<16xi1>
      %or3A_2240 = arith.ori %gt3A_2236, %and3A_2239 : vector<16xi1>
      %jit3A_2241 = arith.constant 1 : i32
      %jit3A_2242 = arith.constant 0 : i32
      %broadcast_in_dim3A_2243 = vector.broadcast %jit3A_2241 : i32 to vector<16xi32>
      %broadcast_in_dim3A_2244 = vector.broadcast %jit3A_2242 : i32 to vector<16xi32>
      %select_n3A_2245 = arith.select %or3A_2240, %broadcast_in_dim3A_2243, %broadcast_in_dim3A_2244 : vector<16xi1>, vector<16xi32>
      %add3A_2246 = arith.addi %add3A_2195, %select_n3A_2245 : vector<16xi32>
      %gt3A_2247 = arith.cmpf ogt, %gather3A_2211, %get3A_13 : vector<16xf32>
      %eq3A_2248 = arith.cmpf oeq, %gather3A_2211, %get3A_13 : vector<16xf32>
      %lt3A_2249 = arith.cmpi slt, %broadcast_in_dim3A_2213, %add3A_63 : vector<16xi32>
      %and3A_2250 = arith.andi %eq3A_2248, %lt3A_2249 : vector<16xi1>
      %or3A_2251 = arith.ori %gt3A_2247, %and3A_2250 : vector<16xi1>
      %jit3A_2252 = arith.constant 1 : i32
      %jit3A_2253 = arith.constant 0 : i32
      %broadcast_in_dim3A_2254 = vector.broadcast %jit3A_2252 : i32 to vector<16xi32>
      %broadcast_in_dim3A_2255 = vector.broadcast %jit3A_2253 : i32 to vector<16xi32>
      %select_n3A_2256 = arith.select %or3A_2251, %broadcast_in_dim3A_2254, %broadcast_in_dim3A_2255 : vector<16xi1>, vector<16xi32>
      %add3A_2257 = arith.addi %add3A_2206, %select_n3A_2256 : vector<16xi32>
      %broadcast_in_dim3A_2258 = arith.constant 1 : i32
      %broadcast_in_dim3A_2259 = vector.broadcast %broadcast_in_dim3A_2258 : i32 to vector<16xi32>
      %broadcast_in_dim3A_2260 = vector.shape_cast %broadcast_in_dim3A_2259 : vector<16xi32> to vector<16x1xi32>
      %gather3A_2261 = vector.shape_cast %broadcast_in_dim3A_2260 : vector<16x1xi32> to vector<16xi32>
      %gather3A_2262 = tpu.dynamic_gather %get3A_13[%gather3A_2261] in [0] : vector<16xf32>, vector<16xi32> -> vector<16xf32>
      %broadcast_in_dim3A_2263 = arith.constant 43 : i32
      %broadcast_in_dim3A_2264 = vector.broadcast %broadcast_in_dim3A_2263 : i32 to vector<16xi32>
      %gt3A_2265 = arith.cmpf ogt, %gather3A_2262, %get3A_4 : vector<16xf32>
      %eq3A_2266 = arith.cmpf oeq, %gather3A_2262, %get3A_4 : vector<16xf32>
      %lt3A_2267 = arith.cmpi slt, %broadcast_in_dim3A_2264, %add3A_24 : vector<16xi32>
      %and3A_2268 = arith.andi %eq3A_2266, %lt3A_2267 : vector<16xi1>
      %or3A_2269 = arith.ori %gt3A_2265, %and3A_2268 : vector<16xi1>
      %jit3A_2270 = arith.constant 1 : i32
      %jit3A_2271 = arith.constant 0 : i32
      %broadcast_in_dim3A_2272 = vector.broadcast %jit3A_2270 : i32 to vector<16xi32>
      %broadcast_in_dim3A_2273 = vector.broadcast %jit3A_2271 : i32 to vector<16xi32>
      %select_n3A_2274 = arith.select %or3A_2269, %broadcast_in_dim3A_2272, %broadcast_in_dim3A_2273 : vector<16xi1>, vector<16xi32>
      %add3A_2275 = arith.addi %add3A_2224, %select_n3A_2274 : vector<16xi32>
      %gt3A_2276 = arith.cmpf ogt, %gather3A_2262, %get3A_7 : vector<16xf32>
      %eq3A_2277 = arith.cmpf oeq, %gather3A_2262, %get3A_7 : vector<16xf32>
      %lt3A_2278 = arith.cmpi slt, %broadcast_in_dim3A_2264, %add3A_37 : vector<16xi32>
      %and3A_2279 = arith.andi %eq3A_2277, %lt3A_2278 : vector<16xi1>
      %or3A_2280 = arith.ori %gt3A_2276, %and3A_2279 : vector<16xi1>
      %jit3A_2281 = arith.constant 1 : i32
      %jit3A_2282 = arith.constant 0 : i32
      %broadcast_in_dim3A_2283 = vector.broadcast %jit3A_2281 : i32 to vector<16xi32>
      %broadcast_in_dim3A_2284 = vector.broadcast %jit3A_2282 : i32 to vector<16xi32>
      %select_n3A_2285 = arith.select %or3A_2280, %broadcast_in_dim3A_2283, %broadcast_in_dim3A_2284 : vector<16xi1>, vector<16xi32>
      %add3A_2286 = arith.addi %add3A_2235, %select_n3A_2285 : vector<16xi32>
      %gt3A_2287 = arith.cmpf ogt, %gather3A_2262, %get3A_10 : vector<16xf32>
      %eq3A_2288 = arith.cmpf oeq, %gather3A_2262, %get3A_10 : vector<16xf32>
      %lt3A_2289 = arith.cmpi slt, %broadcast_in_dim3A_2264, %add3A_50 : vector<16xi32>
      %and3A_2290 = arith.andi %eq3A_2288, %lt3A_2289 : vector<16xi1>
      %or3A_2291 = arith.ori %gt3A_2287, %and3A_2290 : vector<16xi1>
      %jit3A_2292 = arith.constant 1 : i32
      %jit3A_2293 = arith.constant 0 : i32
      %broadcast_in_dim3A_2294 = vector.broadcast %jit3A_2292 : i32 to vector<16xi32>
      %broadcast_in_dim3A_2295 = vector.broadcast %jit3A_2293 : i32 to vector<16xi32>
      %select_n3A_2296 = arith.select %or3A_2291, %broadcast_in_dim3A_2294, %broadcast_in_dim3A_2295 : vector<16xi1>, vector<16xi32>
      %add3A_2297 = arith.addi %add3A_2246, %select_n3A_2296 : vector<16xi32>
      %gt3A_2298 = arith.cmpf ogt, %gather3A_2262, %get3A_13 : vector<16xf32>
      %eq3A_2299 = arith.cmpf oeq, %gather3A_2262, %get3A_13 : vector<16xf32>
      %lt3A_2300 = arith.cmpi slt, %broadcast_in_dim3A_2264, %add3A_63 : vector<16xi32>
      %and3A_2301 = arith.andi %eq3A_2299, %lt3A_2300 : vector<16xi1>
      %or3A_2302 = arith.ori %gt3A_2298, %and3A_2301 : vector<16xi1>
      %jit3A_2303 = arith.constant 1 : i32
      %jit3A_2304 = arith.constant 0 : i32
      %broadcast_in_dim3A_2305 = vector.broadcast %jit3A_2303 : i32 to vector<16xi32>
      %broadcast_in_dim3A_2306 = vector.broadcast %jit3A_2304 : i32 to vector<16xi32>
      %select_n3A_2307 = arith.select %or3A_2302, %broadcast_in_dim3A_2305, %broadcast_in_dim3A_2306 : vector<16xi1>, vector<16xi32>
      %add3A_2308 = arith.addi %add3A_2257, %select_n3A_2307 : vector<16xi32>
      %broadcast_in_dim3A_2309 = arith.constant 2 : i32
      %broadcast_in_dim3A_2310 = vector.broadcast %broadcast_in_dim3A_2309 : i32 to vector<16xi32>
      %broadcast_in_dim3A_2311 = vector.shape_cast %broadcast_in_dim3A_2310 : vector<16xi32> to vector<16x1xi32>
      %gather3A_2312 = vector.shape_cast %broadcast_in_dim3A_2311 : vector<16x1xi32> to vector<16xi32>
      %gather3A_2313 = tpu.dynamic_gather %get3A_13[%gather3A_2312] in [0] : vector<16xf32>, vector<16xi32> -> vector<16xf32>
      %broadcast_in_dim3A_2314 = arith.constant 44 : i32
      %broadcast_in_dim3A_2315 = vector.broadcast %broadcast_in_dim3A_2314 : i32 to vector<16xi32>
      %gt3A_2316 = arith.cmpf ogt, %gather3A_2313, %get3A_4 : vector<16xf32>
      %eq3A_2317 = arith.cmpf oeq, %gather3A_2313, %get3A_4 : vector<16xf32>
      %lt3A_2318 = arith.cmpi slt, %broadcast_in_dim3A_2315, %add3A_24 : vector<16xi32>
      %and3A_2319 = arith.andi %eq3A_2317, %lt3A_2318 : vector<16xi1>
      %or3A_2320 = arith.ori %gt3A_2316, %and3A_2319 : vector<16xi1>
      %jit3A_2321 = arith.constant 1 : i32
      %jit3A_2322 = arith.constant 0 : i32
      %broadcast_in_dim3A_2323 = vector.broadcast %jit3A_2321 : i32 to vector<16xi32>
      %broadcast_in_dim3A_2324 = vector.broadcast %jit3A_2322 : i32 to vector<16xi32>
      %select_n3A_2325 = arith.select %or3A_2320, %broadcast_in_dim3A_2323, %broadcast_in_dim3A_2324 : vector<16xi1>, vector<16xi32>
      %add3A_2326 = arith.addi %add3A_2275, %select_n3A_2325 : vector<16xi32>
      %gt3A_2327 = arith.cmpf ogt, %gather3A_2313, %get3A_7 : vector<16xf32>
      %eq3A_2328 = arith.cmpf oeq, %gather3A_2313, %get3A_7 : vector<16xf32>
      %lt3A_2329 = arith.cmpi slt, %broadcast_in_dim3A_2315, %add3A_37 : vector<16xi32>
      %and3A_2330 = arith.andi %eq3A_2328, %lt3A_2329 : vector<16xi1>
      %or3A_2331 = arith.ori %gt3A_2327, %and3A_2330 : vector<16xi1>
      %jit3A_2332 = arith.constant 1 : i32
      %jit3A_2333 = arith.constant 0 : i32
      %broadcast_in_dim3A_2334 = vector.broadcast %jit3A_2332 : i32 to vector<16xi32>
      %broadcast_in_dim3A_2335 = vector.broadcast %jit3A_2333 : i32 to vector<16xi32>
      %select_n3A_2336 = arith.select %or3A_2331, %broadcast_in_dim3A_2334, %broadcast_in_dim3A_2335 : vector<16xi1>, vector<16xi32>
      %add3A_2337 = arith.addi %add3A_2286, %select_n3A_2336 : vector<16xi32>
      %gt3A_2338 = arith.cmpf ogt, %gather3A_2313, %get3A_10 : vector<16xf32>
      %eq3A_2339 = arith.cmpf oeq, %gather3A_2313, %get3A_10 : vector<16xf32>
      %lt3A_2340 = arith.cmpi slt, %broadcast_in_dim3A_2315, %add3A_50 : vector<16xi32>
      %and3A_2341 = arith.andi %eq3A_2339, %lt3A_2340 : vector<16xi1>
      %or3A_2342 = arith.ori %gt3A_2338, %and3A_2341 : vector<16xi1>
      %jit3A_2343 = arith.constant 1 : i32
      %jit3A_2344 = arith.constant 0 : i32
      %broadcast_in_dim3A_2345 = vector.broadcast %jit3A_2343 : i32 to vector<16xi32>
      %broadcast_in_dim3A_2346 = vector.broadcast %jit3A_2344 : i32 to vector<16xi32>
      %select_n3A_2347 = arith.select %or3A_2342, %broadcast_in_dim3A_2345, %broadcast_in_dim3A_2346 : vector<16xi1>, vector<16xi32>
      %add3A_2348 = arith.addi %add3A_2297, %select_n3A_2347 : vector<16xi32>
      %gt3A_2349 = arith.cmpf ogt, %gather3A_2313, %get3A_13 : vector<16xf32>
      %eq3A_2350 = arith.cmpf oeq, %gather3A_2313, %get3A_13 : vector<16xf32>
      %lt3A_2351 = arith.cmpi slt, %broadcast_in_dim3A_2315, %add3A_63 : vector<16xi32>
      %and3A_2352 = arith.andi %eq3A_2350, %lt3A_2351 : vector<16xi1>
      %or3A_2353 = arith.ori %gt3A_2349, %and3A_2352 : vector<16xi1>
      %jit3A_2354 = arith.constant 1 : i32
      %jit3A_2355 = arith.constant 0 : i32
      %broadcast_in_dim3A_2356 = vector.broadcast %jit3A_2354 : i32 to vector<16xi32>
      %broadcast_in_dim3A_2357 = vector.broadcast %jit3A_2355 : i32 to vector<16xi32>
      %select_n3A_2358 = arith.select %or3A_2353, %broadcast_in_dim3A_2356, %broadcast_in_dim3A_2357 : vector<16xi1>, vector<16xi32>
      %add3A_2359 = arith.addi %add3A_2308, %select_n3A_2358 : vector<16xi32>
      %broadcast_in_dim3A_2360 = arith.constant 3 : i32
      %broadcast_in_dim3A_2361 = vector.broadcast %broadcast_in_dim3A_2360 : i32 to vector<16xi32>
      %broadcast_in_dim3A_2362 = vector.shape_cast %broadcast_in_dim3A_2361 : vector<16xi32> to vector<16x1xi32>
      %gather3A_2363 = vector.shape_cast %broadcast_in_dim3A_2362 : vector<16x1xi32> to vector<16xi32>
      %gather3A_2364 = tpu.dynamic_gather %get3A_13[%gather3A_2363] in [0] : vector<16xf32>, vector<16xi32> -> vector<16xf32>
      %broadcast_in_dim3A_2365 = arith.constant 45 : i32
      %broadcast_in_dim3A_2366 = vector.broadcast %broadcast_in_dim3A_2365 : i32 to vector<16xi32>
      %gt3A_2367 = arith.cmpf ogt, %gather3A_2364, %get3A_4 : vector<16xf32>
      %eq3A_2368 = arith.cmpf oeq, %gather3A_2364, %get3A_4 : vector<16xf32>
      %lt3A_2369 = arith.cmpi slt, %broadcast_in_dim3A_2366, %add3A_24 : vector<16xi32>
      %and3A_2370 = arith.andi %eq3A_2368, %lt3A_2369 : vector<16xi1>
      %or3A_2371 = arith.ori %gt3A_2367, %and3A_2370 : vector<16xi1>
      %jit3A_2372 = arith.constant 1 : i32
      %jit3A_2373 = arith.constant 0 : i32
      %broadcast_in_dim3A_2374 = vector.broadcast %jit3A_2372 : i32 to vector<16xi32>
      %broadcast_in_dim3A_2375 = vector.broadcast %jit3A_2373 : i32 to vector<16xi32>
      %select_n3A_2376 = arith.select %or3A_2371, %broadcast_in_dim3A_2374, %broadcast_in_dim3A_2375 : vector<16xi1>, vector<16xi32>
      %add3A_2377 = arith.addi %add3A_2326, %select_n3A_2376 : vector<16xi32>
      %gt3A_2378 = arith.cmpf ogt, %gather3A_2364, %get3A_7 : vector<16xf32>
      %eq3A_2379 = arith.cmpf oeq, %gather3A_2364, %get3A_7 : vector<16xf32>
      %lt3A_2380 = arith.cmpi slt, %broadcast_in_dim3A_2366, %add3A_37 : vector<16xi32>
      %and3A_2381 = arith.andi %eq3A_2379, %lt3A_2380 : vector<16xi1>
      %or3A_2382 = arith.ori %gt3A_2378, %and3A_2381 : vector<16xi1>
      %jit3A_2383 = arith.constant 1 : i32
      %jit3A_2384 = arith.constant 0 : i32
      %broadcast_in_dim3A_2385 = vector.broadcast %jit3A_2383 : i32 to vector<16xi32>
      %broadcast_in_dim3A_2386 = vector.broadcast %jit3A_2384 : i32 to vector<16xi32>
      %select_n3A_2387 = arith.select %or3A_2382, %broadcast_in_dim3A_2385, %broadcast_in_dim3A_2386 : vector<16xi1>, vector<16xi32>
      %add3A_2388 = arith.addi %add3A_2337, %select_n3A_2387 : vector<16xi32>
      %gt3A_2389 = arith.cmpf ogt, %gather3A_2364, %get3A_10 : vector<16xf32>
      %eq3A_2390 = arith.cmpf oeq, %gather3A_2364, %get3A_10 : vector<16xf32>
      %lt3A_2391 = arith.cmpi slt, %broadcast_in_dim3A_2366, %add3A_50 : vector<16xi32>
      %and3A_2392 = arith.andi %eq3A_2390, %lt3A_2391 : vector<16xi1>
      %or3A_2393 = arith.ori %gt3A_2389, %and3A_2392 : vector<16xi1>
      %jit3A_2394 = arith.constant 1 : i32
      %jit3A_2395 = arith.constant 0 : i32
      %broadcast_in_dim3A_2396 = vector.broadcast %jit3A_2394 : i32 to vector<16xi32>
      %broadcast_in_dim3A_2397 = vector.broadcast %jit3A_2395 : i32 to vector<16xi32>
      %select_n3A_2398 = arith.select %or3A_2393, %broadcast_in_dim3A_2396, %broadcast_in_dim3A_2397 : vector<16xi1>, vector<16xi32>
      %add3A_2399 = arith.addi %add3A_2348, %select_n3A_2398 : vector<16xi32>
      %gt3A_2400 = arith.cmpf ogt, %gather3A_2364, %get3A_13 : vector<16xf32>
      %eq3A_2401 = arith.cmpf oeq, %gather3A_2364, %get3A_13 : vector<16xf32>
      %lt3A_2402 = arith.cmpi slt, %broadcast_in_dim3A_2366, %add3A_63 : vector<16xi32>
      %and3A_2403 = arith.andi %eq3A_2401, %lt3A_2402 : vector<16xi1>
      %or3A_2404 = arith.ori %gt3A_2400, %and3A_2403 : vector<16xi1>
      %jit3A_2405 = arith.constant 1 : i32
      %jit3A_2406 = arith.constant 0 : i32
      %broadcast_in_dim3A_2407 = vector.broadcast %jit3A_2405 : i32 to vector<16xi32>
      %broadcast_in_dim3A_2408 = vector.broadcast %jit3A_2406 : i32 to vector<16xi32>
      %select_n3A_2409 = arith.select %or3A_2404, %broadcast_in_dim3A_2407, %broadcast_in_dim3A_2408 : vector<16xi1>, vector<16xi32>
      %add3A_2410 = arith.addi %add3A_2359, %select_n3A_2409 : vector<16xi32>
      %broadcast_in_dim3A_2411 = arith.constant 4 : i32
      %broadcast_in_dim3A_2412 = vector.broadcast %broadcast_in_dim3A_2411 : i32 to vector<16xi32>
      %broadcast_in_dim3A_2413 = vector.shape_cast %broadcast_in_dim3A_2412 : vector<16xi32> to vector<16x1xi32>
      %gather3A_2414 = vector.shape_cast %broadcast_in_dim3A_2413 : vector<16x1xi32> to vector<16xi32>
      %gather3A_2415 = tpu.dynamic_gather %get3A_13[%gather3A_2414] in [0] : vector<16xf32>, vector<16xi32> -> vector<16xf32>
      %broadcast_in_dim3A_2416 = arith.constant 46 : i32
      %broadcast_in_dim3A_2417 = vector.broadcast %broadcast_in_dim3A_2416 : i32 to vector<16xi32>
      %gt3A_2418 = arith.cmpf ogt, %gather3A_2415, %get3A_4 : vector<16xf32>
      %eq3A_2419 = arith.cmpf oeq, %gather3A_2415, %get3A_4 : vector<16xf32>
      %lt3A_2420 = arith.cmpi slt, %broadcast_in_dim3A_2417, %add3A_24 : vector<16xi32>
      %and3A_2421 = arith.andi %eq3A_2419, %lt3A_2420 : vector<16xi1>
      %or3A_2422 = arith.ori %gt3A_2418, %and3A_2421 : vector<16xi1>
      %jit3A_2423 = arith.constant 1 : i32
      %jit3A_2424 = arith.constant 0 : i32
      %broadcast_in_dim3A_2425 = vector.broadcast %jit3A_2423 : i32 to vector<16xi32>
      %broadcast_in_dim3A_2426 = vector.broadcast %jit3A_2424 : i32 to vector<16xi32>
      %select_n3A_2427 = arith.select %or3A_2422, %broadcast_in_dim3A_2425, %broadcast_in_dim3A_2426 : vector<16xi1>, vector<16xi32>
      %add3A_2428 = arith.addi %add3A_2377, %select_n3A_2427 : vector<16xi32>
      %gt3A_2429 = arith.cmpf ogt, %gather3A_2415, %get3A_7 : vector<16xf32>
      %eq3A_2430 = arith.cmpf oeq, %gather3A_2415, %get3A_7 : vector<16xf32>
      %lt3A_2431 = arith.cmpi slt, %broadcast_in_dim3A_2417, %add3A_37 : vector<16xi32>
      %and3A_2432 = arith.andi %eq3A_2430, %lt3A_2431 : vector<16xi1>
      %or3A_2433 = arith.ori %gt3A_2429, %and3A_2432 : vector<16xi1>
      %jit3A_2434 = arith.constant 1 : i32
      %jit3A_2435 = arith.constant 0 : i32
      %broadcast_in_dim3A_2436 = vector.broadcast %jit3A_2434 : i32 to vector<16xi32>
      %broadcast_in_dim3A_2437 = vector.broadcast %jit3A_2435 : i32 to vector<16xi32>
      %select_n3A_2438 = arith.select %or3A_2433, %broadcast_in_dim3A_2436, %broadcast_in_dim3A_2437 : vector<16xi1>, vector<16xi32>
      %add3A_2439 = arith.addi %add3A_2388, %select_n3A_2438 : vector<16xi32>
      %gt3A_2440 = arith.cmpf ogt, %gather3A_2415, %get3A_10 : vector<16xf32>
      %eq3A_2441 = arith.cmpf oeq, %gather3A_2415, %get3A_10 : vector<16xf32>
      %lt3A_2442 = arith.cmpi slt, %broadcast_in_dim3A_2417, %add3A_50 : vector<16xi32>
      %and3A_2443 = arith.andi %eq3A_2441, %lt3A_2442 : vector<16xi1>
      %or3A_2444 = arith.ori %gt3A_2440, %and3A_2443 : vector<16xi1>
      %jit3A_2445 = arith.constant 1 : i32
      %jit3A_2446 = arith.constant 0 : i32
      %broadcast_in_dim3A_2447 = vector.broadcast %jit3A_2445 : i32 to vector<16xi32>
      %broadcast_in_dim3A_2448 = vector.broadcast %jit3A_2446 : i32 to vector<16xi32>
      %select_n3A_2449 = arith.select %or3A_2444, %broadcast_in_dim3A_2447, %broadcast_in_dim3A_2448 : vector<16xi1>, vector<16xi32>
      %add3A_2450 = arith.addi %add3A_2399, %select_n3A_2449 : vector<16xi32>
      %gt3A_2451 = arith.cmpf ogt, %gather3A_2415, %get3A_13 : vector<16xf32>
      %eq3A_2452 = arith.cmpf oeq, %gather3A_2415, %get3A_13 : vector<16xf32>
      %lt3A_2453 = arith.cmpi slt, %broadcast_in_dim3A_2417, %add3A_63 : vector<16xi32>
      %and3A_2454 = arith.andi %eq3A_2452, %lt3A_2453 : vector<16xi1>
      %or3A_2455 = arith.ori %gt3A_2451, %and3A_2454 : vector<16xi1>
      %jit3A_2456 = arith.constant 1 : i32
      %jit3A_2457 = arith.constant 0 : i32
      %broadcast_in_dim3A_2458 = vector.broadcast %jit3A_2456 : i32 to vector<16xi32>
      %broadcast_in_dim3A_2459 = vector.broadcast %jit3A_2457 : i32 to vector<16xi32>
      %select_n3A_2460 = arith.select %or3A_2455, %broadcast_in_dim3A_2458, %broadcast_in_dim3A_2459 : vector<16xi1>, vector<16xi32>
      %add3A_2461 = arith.addi %add3A_2410, %select_n3A_2460 : vector<16xi32>
      %broadcast_in_dim3A_2462 = arith.constant 5 : i32
      %broadcast_in_dim3A_2463 = vector.broadcast %broadcast_in_dim3A_2462 : i32 to vector<16xi32>
      %broadcast_in_dim3A_2464 = vector.shape_cast %broadcast_in_dim3A_2463 : vector<16xi32> to vector<16x1xi32>
      %gather3A_2465 = vector.shape_cast %broadcast_in_dim3A_2464 : vector<16x1xi32> to vector<16xi32>
      %gather3A_2466 = tpu.dynamic_gather %get3A_13[%gather3A_2465] in [0] : vector<16xf32>, vector<16xi32> -> vector<16xf32>
      %broadcast_in_dim3A_2467 = arith.constant 47 : i32
      %broadcast_in_dim3A_2468 = vector.broadcast %broadcast_in_dim3A_2467 : i32 to vector<16xi32>
      %gt3A_2469 = arith.cmpf ogt, %gather3A_2466, %get3A_4 : vector<16xf32>
      %eq3A_2470 = arith.cmpf oeq, %gather3A_2466, %get3A_4 : vector<16xf32>
      %lt3A_2471 = arith.cmpi slt, %broadcast_in_dim3A_2468, %add3A_24 : vector<16xi32>
      %and3A_2472 = arith.andi %eq3A_2470, %lt3A_2471 : vector<16xi1>
      %or3A_2473 = arith.ori %gt3A_2469, %and3A_2472 : vector<16xi1>
      %jit3A_2474 = arith.constant 1 : i32
      %jit3A_2475 = arith.constant 0 : i32
      %broadcast_in_dim3A_2476 = vector.broadcast %jit3A_2474 : i32 to vector<16xi32>
      %broadcast_in_dim3A_2477 = vector.broadcast %jit3A_2475 : i32 to vector<16xi32>
      %select_n3A_2478 = arith.select %or3A_2473, %broadcast_in_dim3A_2476, %broadcast_in_dim3A_2477 : vector<16xi1>, vector<16xi32>
      %add3A_2479 = arith.addi %add3A_2428, %select_n3A_2478 : vector<16xi32>
      %gt3A_2480 = arith.cmpf ogt, %gather3A_2466, %get3A_7 : vector<16xf32>
      %eq3A_2481 = arith.cmpf oeq, %gather3A_2466, %get3A_7 : vector<16xf32>
      %lt3A_2482 = arith.cmpi slt, %broadcast_in_dim3A_2468, %add3A_37 : vector<16xi32>
      %and3A_2483 = arith.andi %eq3A_2481, %lt3A_2482 : vector<16xi1>
      %or3A_2484 = arith.ori %gt3A_2480, %and3A_2483 : vector<16xi1>
      %jit3A_2485 = arith.constant 1 : i32
      %jit3A_2486 = arith.constant 0 : i32
      %broadcast_in_dim3A_2487 = vector.broadcast %jit3A_2485 : i32 to vector<16xi32>
      %broadcast_in_dim3A_2488 = vector.broadcast %jit3A_2486 : i32 to vector<16xi32>
      %select_n3A_2489 = arith.select %or3A_2484, %broadcast_in_dim3A_2487, %broadcast_in_dim3A_2488 : vector<16xi1>, vector<16xi32>
      %add3A_2490 = arith.addi %add3A_2439, %select_n3A_2489 : vector<16xi32>
      %gt3A_2491 = arith.cmpf ogt, %gather3A_2466, %get3A_10 : vector<16xf32>
      %eq3A_2492 = arith.cmpf oeq, %gather3A_2466, %get3A_10 : vector<16xf32>
      %lt3A_2493 = arith.cmpi slt, %broadcast_in_dim3A_2468, %add3A_50 : vector<16xi32>
      %and3A_2494 = arith.andi %eq3A_2492, %lt3A_2493 : vector<16xi1>
      %or3A_2495 = arith.ori %gt3A_2491, %and3A_2494 : vector<16xi1>
      %jit3A_2496 = arith.constant 1 : i32
      %jit3A_2497 = arith.constant 0 : i32
      %broadcast_in_dim3A_2498 = vector.broadcast %jit3A_2496 : i32 to vector<16xi32>
      %broadcast_in_dim3A_2499 = vector.broadcast %jit3A_2497 : i32 to vector<16xi32>
      %select_n3A_2500 = arith.select %or3A_2495, %broadcast_in_dim3A_2498, %broadcast_in_dim3A_2499 : vector<16xi1>, vector<16xi32>
      %add3A_2501 = arith.addi %add3A_2450, %select_n3A_2500 : vector<16xi32>
      %gt3A_2502 = arith.cmpf ogt, %gather3A_2466, %get3A_13 : vector<16xf32>
      %eq3A_2503 = arith.cmpf oeq, %gather3A_2466, %get3A_13 : vector<16xf32>
      %lt3A_2504 = arith.cmpi slt, %broadcast_in_dim3A_2468, %add3A_63 : vector<16xi32>
      %and3A_2505 = arith.andi %eq3A_2503, %lt3A_2504 : vector<16xi1>
      %or3A_2506 = arith.ori %gt3A_2502, %and3A_2505 : vector<16xi1>
      %jit3A_2507 = arith.constant 1 : i32
      %jit3A_2508 = arith.constant 0 : i32
      %broadcast_in_dim3A_2509 = vector.broadcast %jit3A_2507 : i32 to vector<16xi32>
      %broadcast_in_dim3A_2510 = vector.broadcast %jit3A_2508 : i32 to vector<16xi32>
      %select_n3A_2511 = arith.select %or3A_2506, %broadcast_in_dim3A_2509, %broadcast_in_dim3A_2510 : vector<16xi1>, vector<16xi32>
      %add3A_2512 = arith.addi %add3A_2461, %select_n3A_2511 : vector<16xi32>
      %broadcast_in_dim3A_2513 = arith.constant 6 : i32
      %broadcast_in_dim3A_2514 = vector.broadcast %broadcast_in_dim3A_2513 : i32 to vector<16xi32>
      %broadcast_in_dim3A_2515 = vector.shape_cast %broadcast_in_dim3A_2514 : vector<16xi32> to vector<16x1xi32>
      %gather3A_2516 = vector.shape_cast %broadcast_in_dim3A_2515 : vector<16x1xi32> to vector<16xi32>
      %gather3A_2517 = tpu.dynamic_gather %get3A_13[%gather3A_2516] in [0] : vector<16xf32>, vector<16xi32> -> vector<16xf32>
      %broadcast_in_dim3A_2518 = arith.constant 48 : i32
      %broadcast_in_dim3A_2519 = vector.broadcast %broadcast_in_dim3A_2518 : i32 to vector<16xi32>
      %gt3A_2520 = arith.cmpf ogt, %gather3A_2517, %get3A_4 : vector<16xf32>
      %eq3A_2521 = arith.cmpf oeq, %gather3A_2517, %get3A_4 : vector<16xf32>
      %lt3A_2522 = arith.cmpi slt, %broadcast_in_dim3A_2519, %add3A_24 : vector<16xi32>
      %and3A_2523 = arith.andi %eq3A_2521, %lt3A_2522 : vector<16xi1>
      %or3A_2524 = arith.ori %gt3A_2520, %and3A_2523 : vector<16xi1>
      %jit3A_2525 = arith.constant 1 : i32
      %jit3A_2526 = arith.constant 0 : i32
      %broadcast_in_dim3A_2527 = vector.broadcast %jit3A_2525 : i32 to vector<16xi32>
      %broadcast_in_dim3A_2528 = vector.broadcast %jit3A_2526 : i32 to vector<16xi32>
      %select_n3A_2529 = arith.select %or3A_2524, %broadcast_in_dim3A_2527, %broadcast_in_dim3A_2528 : vector<16xi1>, vector<16xi32>
      %add3A_2530 = arith.addi %add3A_2479, %select_n3A_2529 : vector<16xi32>
      %gt3A_2531 = arith.cmpf ogt, %gather3A_2517, %get3A_7 : vector<16xf32>
      %eq3A_2532 = arith.cmpf oeq, %gather3A_2517, %get3A_7 : vector<16xf32>
      %lt3A_2533 = arith.cmpi slt, %broadcast_in_dim3A_2519, %add3A_37 : vector<16xi32>
      %and3A_2534 = arith.andi %eq3A_2532, %lt3A_2533 : vector<16xi1>
      %or3A_2535 = arith.ori %gt3A_2531, %and3A_2534 : vector<16xi1>
      %jit3A_2536 = arith.constant 1 : i32
      %jit3A_2537 = arith.constant 0 : i32
      %broadcast_in_dim3A_2538 = vector.broadcast %jit3A_2536 : i32 to vector<16xi32>
      %broadcast_in_dim3A_2539 = vector.broadcast %jit3A_2537 : i32 to vector<16xi32>
      %select_n3A_2540 = arith.select %or3A_2535, %broadcast_in_dim3A_2538, %broadcast_in_dim3A_2539 : vector<16xi1>, vector<16xi32>
      %add3A_2541 = arith.addi %add3A_2490, %select_n3A_2540 : vector<16xi32>
      %gt3A_2542 = arith.cmpf ogt, %gather3A_2517, %get3A_10 : vector<16xf32>
      %eq3A_2543 = arith.cmpf oeq, %gather3A_2517, %get3A_10 : vector<16xf32>
      %lt3A_2544 = arith.cmpi slt, %broadcast_in_dim3A_2519, %add3A_50 : vector<16xi32>
      %and3A_2545 = arith.andi %eq3A_2543, %lt3A_2544 : vector<16xi1>
      %or3A_2546 = arith.ori %gt3A_2542, %and3A_2545 : vector<16xi1>
      %jit3A_2547 = arith.constant 1 : i32
      %jit3A_2548 = arith.constant 0 : i32
      %broadcast_in_dim3A_2549 = vector.broadcast %jit3A_2547 : i32 to vector<16xi32>
      %broadcast_in_dim3A_2550 = vector.broadcast %jit3A_2548 : i32 to vector<16xi32>
      %select_n3A_2551 = arith.select %or3A_2546, %broadcast_in_dim3A_2549, %broadcast_in_dim3A_2550 : vector<16xi1>, vector<16xi32>
      %add3A_2552 = arith.addi %add3A_2501, %select_n3A_2551 : vector<16xi32>
      %gt3A_2553 = arith.cmpf ogt, %gather3A_2517, %get3A_13 : vector<16xf32>
      %eq3A_2554 = arith.cmpf oeq, %gather3A_2517, %get3A_13 : vector<16xf32>
      %lt3A_2555 = arith.cmpi slt, %broadcast_in_dim3A_2519, %add3A_63 : vector<16xi32>
      %and3A_2556 = arith.andi %eq3A_2554, %lt3A_2555 : vector<16xi1>
      %or3A_2557 = arith.ori %gt3A_2553, %and3A_2556 : vector<16xi1>
      %jit3A_2558 = arith.constant 1 : i32
      %jit3A_2559 = arith.constant 0 : i32
      %broadcast_in_dim3A_2560 = vector.broadcast %jit3A_2558 : i32 to vector<16xi32>
      %broadcast_in_dim3A_2561 = vector.broadcast %jit3A_2559 : i32 to vector<16xi32>
      %select_n3A_2562 = arith.select %or3A_2557, %broadcast_in_dim3A_2560, %broadcast_in_dim3A_2561 : vector<16xi1>, vector<16xi32>
      %add3A_2563 = arith.addi %add3A_2512, %select_n3A_2562 : vector<16xi32>
      %lt3A_2564 = arith.constant 24 : i32
      %lt3A_2565 = vector.broadcast %lt3A_2564 : i32 to vector<16xi32>
      %lt3A_2566 = arith.cmpi slt, %add3A_2530, %lt3A_2565 : vector<16xi32>
      %jit3A_2567 = arith.constant 1.000000e+00 : f32
      %jit3A_2568 = arith.constant 0.000000e+00 : f32
      %broadcast_in_dim3A_2569 = vector.broadcast %jit3A_2567 : f32 to vector<16xf32>
      %broadcast_in_dim3A_2570 = vector.broadcast %jit3A_2568 : f32 to vector<16xf32>
      %select_n3A_2571 = arith.select %lt3A_2566, %broadcast_in_dim3A_2569, %broadcast_in_dim3A_2570 : vector<16xi1>, vector<16xf32>
      %swap3A = arith.constant 0 : index
      %swap3A_2572 = tpu.vector_load %arg5[%swap3A] {strides = array<i32>} : memref<64xf32, #tpu.memory_space<vmem>>, vector<16xf32>,
      %swap3A_2573 = vector.shape_cast %swap3A_2572 : vector<16xf32> to vector<16xf32>
      %swap3A_2574 = vector.shape_cast %select_n3A_2571 : vector<16xf32> to vector<16xf32>
      tpu.vector_store %arg5[%swap3A], %swap3A_2574 {strides = array<i32>} : memref<64xf32, #tpu.memory_space<vmem>>, vector<16xf32>,
      %lt3A_2575 = arith.constant 24 : i32
      %lt3A_2576 = vector.broadcast %lt3A_2575 : i32 to vector<16xi32>
      %lt3A_2577 = arith.cmpi slt, %add3A_2541, %lt3A_2576 : vector<16xi32>
      %jit3A_2578 = arith.constant 1.000000e+00 : f32
      %jit3A_2579 = arith.constant 0.000000e+00 : f32
      %broadcast_in_dim3A_2580 = vector.broadcast %jit3A_2578 : f32 to vector<16xf32>
      %broadcast_in_dim3A_2581 = vector.broadcast %jit3A_2579 : f32 to vector<16xf32>
      %select_n3A_2582 = arith.select %lt3A_2577, %broadcast_in_dim3A_2580, %broadcast_in_dim3A_2581 : vector<16xi1>, vector<16xf32>
      %swap3A_2583 = arith.constant 16 : index
      %swap3A_2584 = tpu.vector_load %arg5[%swap3A_2583] {strides = array<i32>} : memref<64xf32, #tpu.memory_space<vmem>>, vector<16xf32>,
      %swap3A_2585 = vector.shape_cast %swap3A_2584 : vector<16xf32> to vector<16xf32>
      %swap3A_2586 = vector.shape_cast %select_n3A_2582 : vector<16xf32> to vector<16xf32>
      tpu.vector_store %arg5[%swap3A_2583], %swap3A_2586 {strides = array<i32>} : memref<64xf32, #tpu.memory_space<vmem>>, vector<16xf32>,
      %lt3A_2587 = arith.constant 24 : i32
      %lt3A_2588 = vector.broadcast %lt3A_2587 : i32 to vector<16xi32>
      %lt3A_2589 = arith.cmpi slt, %add3A_2552, %lt3A_2588 : vector<16xi32>
      %jit3A_2590 = arith.constant 1.000000e+00 : f32
      %jit3A_2591 = arith.constant 0.000000e+00 : f32
      %broadcast_in_dim3A_2592 = vector.broadcast %jit3A_2590 : f32 to vector<16xf32>
      %broadcast_in_dim3A_2593 = vector.broadcast %jit3A_2591 : f32 to vector<16xf32>
      %select_n3A_2594 = arith.select %lt3A_2589, %broadcast_in_dim3A_2592, %broadcast_in_dim3A_2593 : vector<16xi1>, vector<16xf32>
      %swap3A_2595 = arith.constant 32 : index
      %swap3A_2596 = tpu.vector_load %arg5[%swap3A_2595] {strides = array<i32>} : memref<64xf32, #tpu.memory_space<vmem>>, vector<16xf32>,
      %swap3A_2597 = vector.shape_cast %swap3A_2596 : vector<16xf32> to vector<16xf32>
      %swap3A_2598 = vector.shape_cast %select_n3A_2594 : vector<16xf32> to vector<16xf32>
      tpu.vector_store %arg5[%swap3A_2595], %swap3A_2598 {strides = array<i32>} : memref<64xf32, #tpu.memory_space<vmem>>, vector<16xf32>,
      %lt3A_2599 = arith.constant 24 : i32
      %lt3A_2600 = vector.broadcast %lt3A_2599 : i32 to vector<16xi32>
      %lt3A_2601 = arith.cmpi slt, %add3A_2563, %lt3A_2600 : vector<16xi32>
      %jit3A_2602 = arith.constant 1.000000e+00 : f32
      %jit3A_2603 = arith.constant 0.000000e+00 : f32
      %broadcast_in_dim3A_2604 = vector.broadcast %jit3A_2602 : f32 to vector<16xf32>
      %broadcast_in_dim3A_2605 = vector.broadcast %jit3A_2603 : f32 to vector<16xf32>
      %select_n3A_2606 = arith.select %lt3A_2601, %broadcast_in_dim3A_2604, %broadcast_in_dim3A_2605 : vector<16xi1>, vector<16xf32>
      %swap3A_2607 = arith.constant 48 : index
      %swap3A_2608 = tpu.vector_load %arg5[%swap3A_2607] {strides = array<i32>} : memref<64xf32, #tpu.memory_space<vmem>>, vector<16xf32>,
      %swap3A_2609 = vector.shape_cast %swap3A_2608 : vector<16xf32> to vector<16xf32>
      %swap3A_2610 = vector.shape_cast %select_n3A_2606 : vector<16xf32> to vector<16xf32>
      tpu.vector_store %arg5[%swap3A_2607], %swap3A_2610 {strides = array<i32>} : memref<64xf32, #tpu.memory_space<vmem>>, vector<16xf32>,
      "tpu.region"() ({
        %run_scoped3A = tpu.sem_alloc : memref<!tpu.dma_semaphore, #tpu.memory_space<semaphore_mem>>
        %dma_start3A = arith.constant 0 : i32
        %dma_start3A_2611 = tpu.memref_slice %arg3[%add3A, %dma_start3A] : memref<16x64xf32, #tpu.memory_space<hbm>> -> memref<1x64xf32, #tpu.memory_space<hbm>>
        %dma_start3A_2612 = tpu.memref_squeeze %dma_start3A_2611 : memref<1x64xf32, #tpu.memory_space<hbm>> -> memref<64xf32, #tpu.memory_space<hbm>>
        %dma_start3A_2613 = arith.constant 0 : i32
        %dma_start3A_2614 = tpu.memref_slice %arg3[%add3A, %dma_start3A_2613] : memref<16x64xf32, #tpu.memory_space<hbm>> -> memref<1x64xf32, #tpu.memory_space<hbm>>
        %dma_start3A_2615 = tpu.memref_squeeze %dma_start3A_2614 : memref<1x64xf32, #tpu.memory_space<hbm>> -> memref<64xf32, #tpu.memory_space<hbm>>
        tpu.enqueue_dma source(%arg5 : memref<64xf32, #tpu.memory_space<vmem>>) target(%dma_start3A_2615 : memref<64xf32, #tpu.memory_space<hbm>>) target_semaphore(%run_scoped3A : memref<!tpu.dma_semaphore, #tpu.memory_space<semaphore_mem>>)
        %dma_wait3A = arith.constant 0 : i32
        %dma_wait3A_2616 = tpu.memref_slice %arg3[%add3A, %dma_wait3A] : memref<16x64xf32, #tpu.memory_space<hbm>> -> memref<1x64xf32, #tpu.memory_space<hbm>>
        %dma_wait3A_2617 = tpu.memref_squeeze %dma_wait3A_2616 : memref<1x64xf32, #tpu.memory_space<hbm>> -> memref<64xf32, #tpu.memory_space<hbm>>
        %dma_wait3A_2618 = arith.constant 0 : i32
        %dma_wait3A_2619 = tpu.memref_slice %arg3[%add3A, %dma_wait3A_2618] : memref<16x64xf32, #tpu.memory_space<hbm>> -> memref<1x64xf32, #tpu.memory_space<hbm>>
        %dma_wait3A_2620 = tpu.memref_squeeze %dma_wait3A_2619 : memref<1x64xf32, #tpu.memory_space<hbm>> -> memref<64xf32, #tpu.memory_space<hbm>>
        tpu.wait_dma2 semaphore(%run_scoped3A : memref<!tpu.dma_semaphore, #tpu.memory_space<semaphore_mem>>) src(%arg5 : memref<64xf32, #tpu.memory_space<vmem>>) dst(%dma_wait3A_2620 : memref<64xf32, #tpu.memory_space<hbm>>)
        tpu.yield
      }) : () -> ()
    } else {
    }
    return
  }
}

module attributes {stable_mosaic.version = 14 : i64} {
  func.func @_diff_kernel(%arg0: i32, %arg1: i32, %arg2: memref<1x1x16x224x224xf32, #tpu.memory_space<vmem>>, %arg3: memref<1x8x8xf32, #tpu.memory_space<vmem>>, %arg4: memref<224x224xf32, #tpu.memory_space<vmem>>) attributes {dimension_semantics = [#tpu.dimension_semantics<arbitrary>, #tpu.dimension_semantics<arbitrary>], iteration_bounds = array<i64: 16, 3>, scalar_prefetch = 0 : i64, scratch_operands = 1 : i64, tpu.core_type = #tpu.core_type<tc>, window_params = [{transform_indices = @transform_0, window_bounds = array<i64: 1, 1, 16, 224, 224>}, {transform_indices = @transform_1, window_bounds = array<i64: 1, 8, 8>}]} {
    %get3A = arith.constant 0 : index
    %get3A_0 = arith.constant 0 : index
    %get3A_1 = arith.constant 0 : index
    %get3A_2 = arith.constant 0 : index
    %get3A_3 = arith.constant 0 : index
    %get3A_4 = vector.load %arg2[%get3A, %get3A_0, %get3A_1, %get3A_2, %get3A_3] : memref<1x1x16x224x224xf32, #tpu.memory_space<vmem>>, vector<1x1x1x32x224xf32>
    %get3A_5 = vector.shape_cast %get3A_4 : vector<1x1x1x32x224xf32> to vector<32x224xf32>
    %get3A_6 = arith.constant 0 : index
    %get3A_7 = arith.constant 0 : index
    %get3A_8 = arith.constant 1 : index
    %get3A_9 = arith.constant 0 : index
    %get3A_10 = arith.constant 0 : index
    %get3A_11 = vector.load %arg2[%get3A_6, %get3A_7, %get3A_8, %get3A_9, %get3A_10] : memref<1x1x16x224x224xf32, #tpu.memory_space<vmem>>, vector<1x1x1x32x224xf32>
    %get3A_12 = vector.shape_cast %get3A_11 : vector<1x1x1x32x224xf32> to vector<32x224xf32>
    %sub3A = arith.subf %get3A_12, %get3A_5 : vector<32x224xf32>
    %abs3A = math.absf %sub3A : vector<32x224xf32>
    %get3A_13 = arith.constant 0 : index
    %get3A_14 = arith.constant 0 : index
    %get3A_15 = arith.constant 2 : index
    %get3A_16 = arith.constant 0 : index
    %get3A_17 = arith.constant 0 : index
    %get3A_18 = vector.load %arg2[%get3A_13, %get3A_14, %get3A_15, %get3A_16, %get3A_17] : memref<1x1x16x224x224xf32, #tpu.memory_space<vmem>>, vector<1x1x1x32x224xf32>
    %get3A_19 = vector.shape_cast %get3A_18 : vector<1x1x1x32x224xf32> to vector<32x224xf32>
    %sub3A_20 = arith.subf %get3A_19, %get3A_12 : vector<32x224xf32>
    %abs3A_21 = math.absf %sub3A_20 : vector<32x224xf32>
    %add3A = arith.addf %abs3A, %abs3A_21 : vector<32x224xf32>
    %get3A_22 = arith.constant 0 : index
    %get3A_23 = arith.constant 0 : index
    %get3A_24 = arith.constant 3 : index
    %get3A_25 = arith.constant 0 : index
    %get3A_26 = arith.constant 0 : index
    %get3A_27 = vector.load %arg2[%get3A_22, %get3A_23, %get3A_24, %get3A_25, %get3A_26] : memref<1x1x16x224x224xf32, #tpu.memory_space<vmem>>, vector<1x1x1x32x224xf32>
    %get3A_28 = vector.shape_cast %get3A_27 : vector<1x1x1x32x224xf32> to vector<32x224xf32>
    %sub3A_29 = arith.subf %get3A_28, %get3A_19 : vector<32x224xf32>
    %abs3A_30 = math.absf %sub3A_29 : vector<32x224xf32>
    %add3A_31 = arith.addf %add3A, %abs3A_30 : vector<32x224xf32>
    %get3A_32 = arith.constant 0 : index
    %get3A_33 = arith.constant 0 : index
    %get3A_34 = arith.constant 4 : index
    %get3A_35 = arith.constant 0 : index
    %get3A_36 = arith.constant 0 : index
    %get3A_37 = vector.load %arg2[%get3A_32, %get3A_33, %get3A_34, %get3A_35, %get3A_36] : memref<1x1x16x224x224xf32, #tpu.memory_space<vmem>>, vector<1x1x1x32x224xf32>
    %get3A_38 = vector.shape_cast %get3A_37 : vector<1x1x1x32x224xf32> to vector<32x224xf32>
    %sub3A_39 = arith.subf %get3A_38, %get3A_28 : vector<32x224xf32>
    %abs3A_40 = math.absf %sub3A_39 : vector<32x224xf32>
    %add3A_41 = arith.addf %add3A_31, %abs3A_40 : vector<32x224xf32>
    %get3A_42 = arith.constant 0 : index
    %get3A_43 = arith.constant 0 : index
    %get3A_44 = arith.constant 5 : index
    %get3A_45 = arith.constant 0 : index
    %get3A_46 = arith.constant 0 : index
    %get3A_47 = vector.load %arg2[%get3A_42, %get3A_43, %get3A_44, %get3A_45, %get3A_46] : memref<1x1x16x224x224xf32, #tpu.memory_space<vmem>>, vector<1x1x1x32x224xf32>
    %get3A_48 = vector.shape_cast %get3A_47 : vector<1x1x1x32x224xf32> to vector<32x224xf32>
    %sub3A_49 = arith.subf %get3A_48, %get3A_38 : vector<32x224xf32>
    %abs3A_50 = math.absf %sub3A_49 : vector<32x224xf32>
    %add3A_51 = arith.addf %add3A_41, %abs3A_50 : vector<32x224xf32>
    %get3A_52 = arith.constant 0 : index
    %get3A_53 = arith.constant 0 : index
    %get3A_54 = arith.constant 6 : index
    %get3A_55 = arith.constant 0 : index
    %get3A_56 = arith.constant 0 : index
    %get3A_57 = vector.load %arg2[%get3A_52, %get3A_53, %get3A_54, %get3A_55, %get3A_56] : memref<1x1x16x224x224xf32, #tpu.memory_space<vmem>>, vector<1x1x1x32x224xf32>
    %get3A_58 = vector.shape_cast %get3A_57 : vector<1x1x1x32x224xf32> to vector<32x224xf32>
    %sub3A_59 = arith.subf %get3A_58, %get3A_48 : vector<32x224xf32>
    %abs3A_60 = math.absf %sub3A_59 : vector<32x224xf32>
    %add3A_61 = arith.addf %add3A_51, %abs3A_60 : vector<32x224xf32>
    %get3A_62 = arith.constant 0 : index
    %get3A_63 = arith.constant 0 : index
    %get3A_64 = arith.constant 7 : index
    %get3A_65 = arith.constant 0 : index
    %get3A_66 = arith.constant 0 : index
    %get3A_67 = vector.load %arg2[%get3A_62, %get3A_63, %get3A_64, %get3A_65, %get3A_66] : memref<1x1x16x224x224xf32, #tpu.memory_space<vmem>>, vector<1x1x1x32x224xf32>
    %get3A_68 = vector.shape_cast %get3A_67 : vector<1x1x1x32x224xf32> to vector<32x224xf32>
    %sub3A_69 = arith.subf %get3A_68, %get3A_58 : vector<32x224xf32>
    %abs3A_70 = math.absf %sub3A_69 : vector<32x224xf32>
    %add3A_71 = arith.addf %add3A_61, %abs3A_70 : vector<32x224xf32>
    %get3A_72 = arith.constant 0 : index
    %get3A_73 = arith.constant 0 : index
    %get3A_74 = arith.constant 8 : index
    %get3A_75 = arith.constant 0 : index
    %get3A_76 = arith.constant 0 : index
    %get3A_77 = vector.load %arg2[%get3A_72, %get3A_73, %get3A_74, %get3A_75, %get3A_76] : memref<1x1x16x224x224xf32, #tpu.memory_space<vmem>>, vector<1x1x1x32x224xf32>
    %get3A_78 = vector.shape_cast %get3A_77 : vector<1x1x1x32x224xf32> to vector<32x224xf32>
    %sub3A_79 = arith.subf %get3A_78, %get3A_68 : vector<32x224xf32>
    %abs3A_80 = math.absf %sub3A_79 : vector<32x224xf32>
    %add3A_81 = arith.addf %add3A_71, %abs3A_80 : vector<32x224xf32>
    %get3A_82 = arith.constant 0 : index
    %get3A_83 = arith.constant 0 : index
    %get3A_84 = arith.constant 9 : index
    %get3A_85 = arith.constant 0 : index
    %get3A_86 = arith.constant 0 : index
    %get3A_87 = vector.load %arg2[%get3A_82, %get3A_83, %get3A_84, %get3A_85, %get3A_86] : memref<1x1x16x224x224xf32, #tpu.memory_space<vmem>>, vector<1x1x1x32x224xf32>
    %get3A_88 = vector.shape_cast %get3A_87 : vector<1x1x1x32x224xf32> to vector<32x224xf32>
    %sub3A_89 = arith.subf %get3A_88, %get3A_78 : vector<32x224xf32>
    %abs3A_90 = math.absf %sub3A_89 : vector<32x224xf32>
    %add3A_91 = arith.addf %add3A_81, %abs3A_90 : vector<32x224xf32>
    %get3A_92 = arith.constant 0 : index
    %get3A_93 = arith.constant 0 : index
    %get3A_94 = arith.constant 10 : index
    %get3A_95 = arith.constant 0 : index
    %get3A_96 = arith.constant 0 : index
    %get3A_97 = vector.load %arg2[%get3A_92, %get3A_93, %get3A_94, %get3A_95, %get3A_96] : memref<1x1x16x224x224xf32, #tpu.memory_space<vmem>>, vector<1x1x1x32x224xf32>
    %get3A_98 = vector.shape_cast %get3A_97 : vector<1x1x1x32x224xf32> to vector<32x224xf32>
    %sub3A_99 = arith.subf %get3A_98, %get3A_88 : vector<32x224xf32>
    %abs3A_100 = math.absf %sub3A_99 : vector<32x224xf32>
    %add3A_101 = arith.addf %add3A_91, %abs3A_100 : vector<32x224xf32>
    %get3A_102 = arith.constant 0 : index
    %get3A_103 = arith.constant 0 : index
    %get3A_104 = arith.constant 11 : index
    %get3A_105 = arith.constant 0 : index
    %get3A_106 = arith.constant 0 : index
    %get3A_107 = vector.load %arg2[%get3A_102, %get3A_103, %get3A_104, %get3A_105, %get3A_106] : memref<1x1x16x224x224xf32, #tpu.memory_space<vmem>>, vector<1x1x1x32x224xf32>
    %get3A_108 = vector.shape_cast %get3A_107 : vector<1x1x1x32x224xf32> to vector<32x224xf32>
    %sub3A_109 = arith.subf %get3A_108, %get3A_98 : vector<32x224xf32>
    %abs3A_110 = math.absf %sub3A_109 : vector<32x224xf32>
    %add3A_111 = arith.addf %add3A_101, %abs3A_110 : vector<32x224xf32>
    %get3A_112 = arith.constant 0 : index
    %get3A_113 = arith.constant 0 : index
    %get3A_114 = arith.constant 12 : index
    %get3A_115 = arith.constant 0 : index
    %get3A_116 = arith.constant 0 : index
    %get3A_117 = vector.load %arg2[%get3A_112, %get3A_113, %get3A_114, %get3A_115, %get3A_116] : memref<1x1x16x224x224xf32, #tpu.memory_space<vmem>>, vector<1x1x1x32x224xf32>
    %get3A_118 = vector.shape_cast %get3A_117 : vector<1x1x1x32x224xf32> to vector<32x224xf32>
    %sub3A_119 = arith.subf %get3A_118, %get3A_108 : vector<32x224xf32>
    %abs3A_120 = math.absf %sub3A_119 : vector<32x224xf32>
    %add3A_121 = arith.addf %add3A_111, %abs3A_120 : vector<32x224xf32>
    %get3A_122 = arith.constant 0 : index
    %get3A_123 = arith.constant 0 : index
    %get3A_124 = arith.constant 13 : index
    %get3A_125 = arith.constant 0 : index
    %get3A_126 = arith.constant 0 : index
    %get3A_127 = vector.load %arg2[%get3A_122, %get3A_123, %get3A_124, %get3A_125, %get3A_126] : memref<1x1x16x224x224xf32, #tpu.memory_space<vmem>>, vector<1x1x1x32x224xf32>
    %get3A_128 = vector.shape_cast %get3A_127 : vector<1x1x1x32x224xf32> to vector<32x224xf32>
    %sub3A_129 = arith.subf %get3A_128, %get3A_118 : vector<32x224xf32>
    %abs3A_130 = math.absf %sub3A_129 : vector<32x224xf32>
    %add3A_131 = arith.addf %add3A_121, %abs3A_130 : vector<32x224xf32>
    %get3A_132 = arith.constant 0 : index
    %get3A_133 = arith.constant 0 : index
    %get3A_134 = arith.constant 14 : index
    %get3A_135 = arith.constant 0 : index
    %get3A_136 = arith.constant 0 : index
    %get3A_137 = vector.load %arg2[%get3A_132, %get3A_133, %get3A_134, %get3A_135, %get3A_136] : memref<1x1x16x224x224xf32, #tpu.memory_space<vmem>>, vector<1x1x1x32x224xf32>
    %get3A_138 = vector.shape_cast %get3A_137 : vector<1x1x1x32x224xf32> to vector<32x224xf32>
    %sub3A_139 = arith.subf %get3A_138, %get3A_128 : vector<32x224xf32>
    %abs3A_140 = math.absf %sub3A_139 : vector<32x224xf32>
    %add3A_141 = arith.addf %add3A_131, %abs3A_140 : vector<32x224xf32>
    %get3A_142 = arith.constant 0 : index
    %get3A_143 = arith.constant 0 : index
    %get3A_144 = arith.constant 15 : index
    %get3A_145 = arith.constant 0 : index
    %get3A_146 = arith.constant 0 : index
    %get3A_147 = vector.load %arg2[%get3A_142, %get3A_143, %get3A_144, %get3A_145, %get3A_146] : memref<1x1x16x224x224xf32, #tpu.memory_space<vmem>>, vector<1x1x1x32x224xf32>
    %get3A_148 = vector.shape_cast %get3A_147 : vector<1x1x1x32x224xf32> to vector<32x224xf32>
    %sub3A_149 = arith.subf %get3A_148, %get3A_138 : vector<32x224xf32>
    %abs3A_150 = math.absf %sub3A_149 : vector<32x224xf32>
    %add3A_151 = arith.addf %add3A_141, %abs3A_150 : vector<32x224xf32>
    %get3A_152 = arith.constant 0 : index
    %get3A_153 = arith.constant 0 : index
    %get3A_154 = arith.constant 0 : index
    %get3A_155 = arith.constant 32 : index
    %get3A_156 = arith.constant 0 : index
    %get3A_157 = vector.load %arg2[%get3A_152, %get3A_153, %get3A_154, %get3A_155, %get3A_156] : memref<1x1x16x224x224xf32, #tpu.memory_space<vmem>>, vector<1x1x1x32x224xf32>
    %get3A_158 = vector.shape_cast %get3A_157 : vector<1x1x1x32x224xf32> to vector<32x224xf32>
    %get3A_159 = arith.constant 0 : index
    %get3A_160 = arith.constant 0 : index
    %get3A_161 = arith.constant 1 : index
    %get3A_162 = arith.constant 32 : index
    %get3A_163 = arith.constant 0 : index
    %get3A_164 = vector.load %arg2[%get3A_159, %get3A_160, %get3A_161, %get3A_162, %get3A_163] : memref<1x1x16x224x224xf32, #tpu.memory_space<vmem>>, vector<1x1x1x32x224xf32>
    %get3A_165 = vector.shape_cast %get3A_164 : vector<1x1x1x32x224xf32> to vector<32x224xf32>
    %sub3A_166 = arith.subf %get3A_165, %get3A_158 : vector<32x224xf32>
    %abs3A_167 = math.absf %sub3A_166 : vector<32x224xf32>
    %get3A_168 = arith.constant 0 : index
    %get3A_169 = arith.constant 0 : index
    %get3A_170 = arith.constant 2 : index
    %get3A_171 = arith.constant 32 : index
    %get3A_172 = arith.constant 0 : index
    %get3A_173 = vector.load %arg2[%get3A_168, %get3A_169, %get3A_170, %get3A_171, %get3A_172] : memref<1x1x16x224x224xf32, #tpu.memory_space<vmem>>, vector<1x1x1x32x224xf32>
    %get3A_174 = vector.shape_cast %get3A_173 : vector<1x1x1x32x224xf32> to vector<32x224xf32>
    %sub3A_175 = arith.subf %get3A_174, %get3A_165 : vector<32x224xf32>
    %abs3A_176 = math.absf %sub3A_175 : vector<32x224xf32>
    %add3A_177 = arith.addf %abs3A_167, %abs3A_176 : vector<32x224xf32>
    %get3A_178 = arith.constant 0 : index
    %get3A_179 = arith.constant 0 : index
    %get3A_180 = arith.constant 3 : index
    %get3A_181 = arith.constant 32 : index
    %get3A_182 = arith.constant 0 : index
    %get3A_183 = vector.load %arg2[%get3A_178, %get3A_179, %get3A_180, %get3A_181, %get3A_182] : memref<1x1x16x224x224xf32, #tpu.memory_space<vmem>>, vector<1x1x1x32x224xf32>
    %get3A_184 = vector.shape_cast %get3A_183 : vector<1x1x1x32x224xf32> to vector<32x224xf32>
    %sub3A_185 = arith.subf %get3A_184, %get3A_174 : vector<32x224xf32>
    %abs3A_186 = math.absf %sub3A_185 : vector<32x224xf32>
    %add3A_187 = arith.addf %add3A_177, %abs3A_186 : vector<32x224xf32>
    %get3A_188 = arith.constant 0 : index
    %get3A_189 = arith.constant 0 : index
    %get3A_190 = arith.constant 4 : index
    %get3A_191 = arith.constant 32 : index
    %get3A_192 = arith.constant 0 : index
    %get3A_193 = vector.load %arg2[%get3A_188, %get3A_189, %get3A_190, %get3A_191, %get3A_192] : memref<1x1x16x224x224xf32, #tpu.memory_space<vmem>>, vector<1x1x1x32x224xf32>
    %get3A_194 = vector.shape_cast %get3A_193 : vector<1x1x1x32x224xf32> to vector<32x224xf32>
    %sub3A_195 = arith.subf %get3A_194, %get3A_184 : vector<32x224xf32>
    %abs3A_196 = math.absf %sub3A_195 : vector<32x224xf32>
    %add3A_197 = arith.addf %add3A_187, %abs3A_196 : vector<32x224xf32>
    %get3A_198 = arith.constant 0 : index
    %get3A_199 = arith.constant 0 : index
    %get3A_200 = arith.constant 5 : index
    %get3A_201 = arith.constant 32 : index
    %get3A_202 = arith.constant 0 : index
    %get3A_203 = vector.load %arg2[%get3A_198, %get3A_199, %get3A_200, %get3A_201, %get3A_202] : memref<1x1x16x224x224xf32, #tpu.memory_space<vmem>>, vector<1x1x1x32x224xf32>
    %get3A_204 = vector.shape_cast %get3A_203 : vector<1x1x1x32x224xf32> to vector<32x224xf32>
    %sub3A_205 = arith.subf %get3A_204, %get3A_194 : vector<32x224xf32>
    %abs3A_206 = math.absf %sub3A_205 : vector<32x224xf32>
    %add3A_207 = arith.addf %add3A_197, %abs3A_206 : vector<32x224xf32>
    %get3A_208 = arith.constant 0 : index
    %get3A_209 = arith.constant 0 : index
    %get3A_210 = arith.constant 6 : index
    %get3A_211 = arith.constant 32 : index
    %get3A_212 = arith.constant 0 : index
    %get3A_213 = vector.load %arg2[%get3A_208, %get3A_209, %get3A_210, %get3A_211, %get3A_212] : memref<1x1x16x224x224xf32, #tpu.memory_space<vmem>>, vector<1x1x1x32x224xf32>
    %get3A_214 = vector.shape_cast %get3A_213 : vector<1x1x1x32x224xf32> to vector<32x224xf32>
    %sub3A_215 = arith.subf %get3A_214, %get3A_204 : vector<32x224xf32>
    %abs3A_216 = math.absf %sub3A_215 : vector<32x224xf32>
    %add3A_217 = arith.addf %add3A_207, %abs3A_216 : vector<32x224xf32>
    %get3A_218 = arith.constant 0 : index
    %get3A_219 = arith.constant 0 : index
    %get3A_220 = arith.constant 7 : index
    %get3A_221 = arith.constant 32 : index
    %get3A_222 = arith.constant 0 : index
    %get3A_223 = vector.load %arg2[%get3A_218, %get3A_219, %get3A_220, %get3A_221, %get3A_222] : memref<1x1x16x224x224xf32, #tpu.memory_space<vmem>>, vector<1x1x1x32x224xf32>
    %get3A_224 = vector.shape_cast %get3A_223 : vector<1x1x1x32x224xf32> to vector<32x224xf32>
    %sub3A_225 = arith.subf %get3A_224, %get3A_214 : vector<32x224xf32>
    %abs3A_226 = math.absf %sub3A_225 : vector<32x224xf32>
    %add3A_227 = arith.addf %add3A_217, %abs3A_226 : vector<32x224xf32>
    %get3A_228 = arith.constant 0 : index
    %get3A_229 = arith.constant 0 : index
    %get3A_230 = arith.constant 8 : index
    %get3A_231 = arith.constant 32 : index
    %get3A_232 = arith.constant 0 : index
    %get3A_233 = vector.load %arg2[%get3A_228, %get3A_229, %get3A_230, %get3A_231, %get3A_232] : memref<1x1x16x224x224xf32, #tpu.memory_space<vmem>>, vector<1x1x1x32x224xf32>
    %get3A_234 = vector.shape_cast %get3A_233 : vector<1x1x1x32x224xf32> to vector<32x224xf32>
    %sub3A_235 = arith.subf %get3A_234, %get3A_224 : vector<32x224xf32>
    %abs3A_236 = math.absf %sub3A_235 : vector<32x224xf32>
    %add3A_237 = arith.addf %add3A_227, %abs3A_236 : vector<32x224xf32>
    %get3A_238 = arith.constant 0 : index
    %get3A_239 = arith.constant 0 : index
    %get3A_240 = arith.constant 9 : index
    %get3A_241 = arith.constant 32 : index
    %get3A_242 = arith.constant 0 : index
    %get3A_243 = vector.load %arg2[%get3A_238, %get3A_239, %get3A_240, %get3A_241, %get3A_242] : memref<1x1x16x224x224xf32, #tpu.memory_space<vmem>>, vector<1x1x1x32x224xf32>
    %get3A_244 = vector.shape_cast %get3A_243 : vector<1x1x1x32x224xf32> to vector<32x224xf32>
    %sub3A_245 = arith.subf %get3A_244, %get3A_234 : vector<32x224xf32>
    %abs3A_246 = math.absf %sub3A_245 : vector<32x224xf32>
    %add3A_247 = arith.addf %add3A_237, %abs3A_246 : vector<32x224xf32>
    %get3A_248 = arith.constant 0 : index
    %get3A_249 = arith.constant 0 : index
    %get3A_250 = arith.constant 10 : index
    %get3A_251 = arith.constant 32 : index
    %get3A_252 = arith.constant 0 : index
    %get3A_253 = vector.load %arg2[%get3A_248, %get3A_249, %get3A_250, %get3A_251, %get3A_252] : memref<1x1x16x224x224xf32, #tpu.memory_space<vmem>>, vector<1x1x1x32x224xf32>
    %get3A_254 = vector.shape_cast %get3A_253 : vector<1x1x1x32x224xf32> to vector<32x224xf32>
    %sub3A_255 = arith.subf %get3A_254, %get3A_244 : vector<32x224xf32>
    %abs3A_256 = math.absf %sub3A_255 : vector<32x224xf32>
    %add3A_257 = arith.addf %add3A_247, %abs3A_256 : vector<32x224xf32>
    %get3A_258 = arith.constant 0 : index
    %get3A_259 = arith.constant 0 : index
    %get3A_260 = arith.constant 11 : index
    %get3A_261 = arith.constant 32 : index
    %get3A_262 = arith.constant 0 : index
    %get3A_263 = vector.load %arg2[%get3A_258, %get3A_259, %get3A_260, %get3A_261, %get3A_262] : memref<1x1x16x224x224xf32, #tpu.memory_space<vmem>>, vector<1x1x1x32x224xf32>
    %get3A_264 = vector.shape_cast %get3A_263 : vector<1x1x1x32x224xf32> to vector<32x224xf32>
    %sub3A_265 = arith.subf %get3A_264, %get3A_254 : vector<32x224xf32>
    %abs3A_266 = math.absf %sub3A_265 : vector<32x224xf32>
    %add3A_267 = arith.addf %add3A_257, %abs3A_266 : vector<32x224xf32>
    %get3A_268 = arith.constant 0 : index
    %get3A_269 = arith.constant 0 : index
    %get3A_270 = arith.constant 12 : index
    %get3A_271 = arith.constant 32 : index
    %get3A_272 = arith.constant 0 : index
    %get3A_273 = vector.load %arg2[%get3A_268, %get3A_269, %get3A_270, %get3A_271, %get3A_272] : memref<1x1x16x224x224xf32, #tpu.memory_space<vmem>>, vector<1x1x1x32x224xf32>
    %get3A_274 = vector.shape_cast %get3A_273 : vector<1x1x1x32x224xf32> to vector<32x224xf32>
    %sub3A_275 = arith.subf %get3A_274, %get3A_264 : vector<32x224xf32>
    %abs3A_276 = math.absf %sub3A_275 : vector<32x224xf32>
    %add3A_277 = arith.addf %add3A_267, %abs3A_276 : vector<32x224xf32>
    %get3A_278 = arith.constant 0 : index
    %get3A_279 = arith.constant 0 : index
    %get3A_280 = arith.constant 13 : index
    %get3A_281 = arith.constant 32 : index
    %get3A_282 = arith.constant 0 : index
    %get3A_283 = vector.load %arg2[%get3A_278, %get3A_279, %get3A_280, %get3A_281, %get3A_282] : memref<1x1x16x224x224xf32, #tpu.memory_space<vmem>>, vector<1x1x1x32x224xf32>
    %get3A_284 = vector.shape_cast %get3A_283 : vector<1x1x1x32x224xf32> to vector<32x224xf32>
    %sub3A_285 = arith.subf %get3A_284, %get3A_274 : vector<32x224xf32>
    %abs3A_286 = math.absf %sub3A_285 : vector<32x224xf32>
    %add3A_287 = arith.addf %add3A_277, %abs3A_286 : vector<32x224xf32>
    %get3A_288 = arith.constant 0 : index
    %get3A_289 = arith.constant 0 : index
    %get3A_290 = arith.constant 14 : index
    %get3A_291 = arith.constant 32 : index
    %get3A_292 = arith.constant 0 : index
    %get3A_293 = vector.load %arg2[%get3A_288, %get3A_289, %get3A_290, %get3A_291, %get3A_292] : memref<1x1x16x224x224xf32, #tpu.memory_space<vmem>>, vector<1x1x1x32x224xf32>
    %get3A_294 = vector.shape_cast %get3A_293 : vector<1x1x1x32x224xf32> to vector<32x224xf32>
    %sub3A_295 = arith.subf %get3A_294, %get3A_284 : vector<32x224xf32>
    %abs3A_296 = math.absf %sub3A_295 : vector<32x224xf32>
    %add3A_297 = arith.addf %add3A_287, %abs3A_296 : vector<32x224xf32>
    %get3A_298 = arith.constant 0 : index
    %get3A_299 = arith.constant 0 : index
    %get3A_300 = arith.constant 15 : index
    %get3A_301 = arith.constant 32 : index
    %get3A_302 = arith.constant 0 : index
    %get3A_303 = vector.load %arg2[%get3A_298, %get3A_299, %get3A_300, %get3A_301, %get3A_302] : memref<1x1x16x224x224xf32, #tpu.memory_space<vmem>>, vector<1x1x1x32x224xf32>
    %get3A_304 = vector.shape_cast %get3A_303 : vector<1x1x1x32x224xf32> to vector<32x224xf32>
    %sub3A_305 = arith.subf %get3A_304, %get3A_294 : vector<32x224xf32>
    %abs3A_306 = math.absf %sub3A_305 : vector<32x224xf32>
    %add3A_307 = arith.addf %add3A_297, %abs3A_306 : vector<32x224xf32>
    %get3A_308 = arith.constant 0 : index
    %get3A_309 = arith.constant 0 : index
    %get3A_310 = arith.constant 0 : index
    %get3A_311 = arith.constant 64 : index
    %get3A_312 = arith.constant 0 : index
    %get3A_313 = vector.load %arg2[%get3A_308, %get3A_309, %get3A_310, %get3A_311, %get3A_312] : memref<1x1x16x224x224xf32, #tpu.memory_space<vmem>>, vector<1x1x1x32x224xf32>
    %get3A_314 = vector.shape_cast %get3A_313 : vector<1x1x1x32x224xf32> to vector<32x224xf32>
    %get3A_315 = arith.constant 0 : index
    %get3A_316 = arith.constant 0 : index
    %get3A_317 = arith.constant 1 : index
    %get3A_318 = arith.constant 64 : index
    %get3A_319 = arith.constant 0 : index
    %get3A_320 = vector.load %arg2[%get3A_315, %get3A_316, %get3A_317, %get3A_318, %get3A_319] : memref<1x1x16x224x224xf32, #tpu.memory_space<vmem>>, vector<1x1x1x32x224xf32>
    %get3A_321 = vector.shape_cast %get3A_320 : vector<1x1x1x32x224xf32> to vector<32x224xf32>
    %sub3A_322 = arith.subf %get3A_321, %get3A_314 : vector<32x224xf32>
    %abs3A_323 = math.absf %sub3A_322 : vector<32x224xf32>
    %get3A_324 = arith.constant 0 : index
    %get3A_325 = arith.constant 0 : index
    %get3A_326 = arith.constant 2 : index
    %get3A_327 = arith.constant 64 : index
    %get3A_328 = arith.constant 0 : index
    %get3A_329 = vector.load %arg2[%get3A_324, %get3A_325, %get3A_326, %get3A_327, %get3A_328] : memref<1x1x16x224x224xf32, #tpu.memory_space<vmem>>, vector<1x1x1x32x224xf32>
    %get3A_330 = vector.shape_cast %get3A_329 : vector<1x1x1x32x224xf32> to vector<32x224xf32>
    %sub3A_331 = arith.subf %get3A_330, %get3A_321 : vector<32x224xf32>
    %abs3A_332 = math.absf %sub3A_331 : vector<32x224xf32>
    %add3A_333 = arith.addf %abs3A_323, %abs3A_332 : vector<32x224xf32>
    %get3A_334 = arith.constant 0 : index
    %get3A_335 = arith.constant 0 : index
    %get3A_336 = arith.constant 3 : index
    %get3A_337 = arith.constant 64 : index
    %get3A_338 = arith.constant 0 : index
    %get3A_339 = vector.load %arg2[%get3A_334, %get3A_335, %get3A_336, %get3A_337, %get3A_338] : memref<1x1x16x224x224xf32, #tpu.memory_space<vmem>>, vector<1x1x1x32x224xf32>
    %get3A_340 = vector.shape_cast %get3A_339 : vector<1x1x1x32x224xf32> to vector<32x224xf32>
    %sub3A_341 = arith.subf %get3A_340, %get3A_330 : vector<32x224xf32>
    %abs3A_342 = math.absf %sub3A_341 : vector<32x224xf32>
    %add3A_343 = arith.addf %add3A_333, %abs3A_342 : vector<32x224xf32>
    %get3A_344 = arith.constant 0 : index
    %get3A_345 = arith.constant 0 : index
    %get3A_346 = arith.constant 4 : index
    %get3A_347 = arith.constant 64 : index
    %get3A_348 = arith.constant 0 : index
    %get3A_349 = vector.load %arg2[%get3A_344, %get3A_345, %get3A_346, %get3A_347, %get3A_348] : memref<1x1x16x224x224xf32, #tpu.memory_space<vmem>>, vector<1x1x1x32x224xf32>
    %get3A_350 = vector.shape_cast %get3A_349 : vector<1x1x1x32x224xf32> to vector<32x224xf32>
    %sub3A_351 = arith.subf %get3A_350, %get3A_340 : vector<32x224xf32>
    %abs3A_352 = math.absf %sub3A_351 : vector<32x224xf32>
    %add3A_353 = arith.addf %add3A_343, %abs3A_352 : vector<32x224xf32>
    %get3A_354 = arith.constant 0 : index
    %get3A_355 = arith.constant 0 : index
    %get3A_356 = arith.constant 5 : index
    %get3A_357 = arith.constant 64 : index
    %get3A_358 = arith.constant 0 : index
    %get3A_359 = vector.load %arg2[%get3A_354, %get3A_355, %get3A_356, %get3A_357, %get3A_358] : memref<1x1x16x224x224xf32, #tpu.memory_space<vmem>>, vector<1x1x1x32x224xf32>
    %get3A_360 = vector.shape_cast %get3A_359 : vector<1x1x1x32x224xf32> to vector<32x224xf32>
    %sub3A_361 = arith.subf %get3A_360, %get3A_350 : vector<32x224xf32>
    %abs3A_362 = math.absf %sub3A_361 : vector<32x224xf32>
    %add3A_363 = arith.addf %add3A_353, %abs3A_362 : vector<32x224xf32>
    %get3A_364 = arith.constant 0 : index
    %get3A_365 = arith.constant 0 : index
    %get3A_366 = arith.constant 6 : index
    %get3A_367 = arith.constant 64 : index
    %get3A_368 = arith.constant 0 : index
    %get3A_369 = vector.load %arg2[%get3A_364, %get3A_365, %get3A_366, %get3A_367, %get3A_368] : memref<1x1x16x224x224xf32, #tpu.memory_space<vmem>>, vector<1x1x1x32x224xf32>
    %get3A_370 = vector.shape_cast %get3A_369 : vector<1x1x1x32x224xf32> to vector<32x224xf32>
    %sub3A_371 = arith.subf %get3A_370, %get3A_360 : vector<32x224xf32>
    %abs3A_372 = math.absf %sub3A_371 : vector<32x224xf32>
    %add3A_373 = arith.addf %add3A_363, %abs3A_372 : vector<32x224xf32>
    %get3A_374 = arith.constant 0 : index
    %get3A_375 = arith.constant 0 : index
    %get3A_376 = arith.constant 7 : index
    %get3A_377 = arith.constant 64 : index
    %get3A_378 = arith.constant 0 : index
    %get3A_379 = vector.load %arg2[%get3A_374, %get3A_375, %get3A_376, %get3A_377, %get3A_378] : memref<1x1x16x224x224xf32, #tpu.memory_space<vmem>>, vector<1x1x1x32x224xf32>
    %get3A_380 = vector.shape_cast %get3A_379 : vector<1x1x1x32x224xf32> to vector<32x224xf32>
    %sub3A_381 = arith.subf %get3A_380, %get3A_370 : vector<32x224xf32>
    %abs3A_382 = math.absf %sub3A_381 : vector<32x224xf32>
    %add3A_383 = arith.addf %add3A_373, %abs3A_382 : vector<32x224xf32>
    %get3A_384 = arith.constant 0 : index
    %get3A_385 = arith.constant 0 : index
    %get3A_386 = arith.constant 8 : index
    %get3A_387 = arith.constant 64 : index
    %get3A_388 = arith.constant 0 : index
    %get3A_389 = vector.load %arg2[%get3A_384, %get3A_385, %get3A_386, %get3A_387, %get3A_388] : memref<1x1x16x224x224xf32, #tpu.memory_space<vmem>>, vector<1x1x1x32x224xf32>
    %get3A_390 = vector.shape_cast %get3A_389 : vector<1x1x1x32x224xf32> to vector<32x224xf32>
    %sub3A_391 = arith.subf %get3A_390, %get3A_380 : vector<32x224xf32>
    %abs3A_392 = math.absf %sub3A_391 : vector<32x224xf32>
    %add3A_393 = arith.addf %add3A_383, %abs3A_392 : vector<32x224xf32>
    %get3A_394 = arith.constant 0 : index
    %get3A_395 = arith.constant 0 : index
    %get3A_396 = arith.constant 9 : index
    %get3A_397 = arith.constant 64 : index
    %get3A_398 = arith.constant 0 : index
    %get3A_399 = vector.load %arg2[%get3A_394, %get3A_395, %get3A_396, %get3A_397, %get3A_398] : memref<1x1x16x224x224xf32, #tpu.memory_space<vmem>>, vector<1x1x1x32x224xf32>
    %get3A_400 = vector.shape_cast %get3A_399 : vector<1x1x1x32x224xf32> to vector<32x224xf32>
    %sub3A_401 = arith.subf %get3A_400, %get3A_390 : vector<32x224xf32>
    %abs3A_402 = math.absf %sub3A_401 : vector<32x224xf32>
    %add3A_403 = arith.addf %add3A_393, %abs3A_402 : vector<32x224xf32>
    %get3A_404 = arith.constant 0 : index
    %get3A_405 = arith.constant 0 : index
    %get3A_406 = arith.constant 10 : index
    %get3A_407 = arith.constant 64 : index
    %get3A_408 = arith.constant 0 : index
    %get3A_409 = vector.load %arg2[%get3A_404, %get3A_405, %get3A_406, %get3A_407, %get3A_408] : memref<1x1x16x224x224xf32, #tpu.memory_space<vmem>>, vector<1x1x1x32x224xf32>
    %get3A_410 = vector.shape_cast %get3A_409 : vector<1x1x1x32x224xf32> to vector<32x224xf32>
    %sub3A_411 = arith.subf %get3A_410, %get3A_400 : vector<32x224xf32>
    %abs3A_412 = math.absf %sub3A_411 : vector<32x224xf32>
    %add3A_413 = arith.addf %add3A_403, %abs3A_412 : vector<32x224xf32>
    %get3A_414 = arith.constant 0 : index
    %get3A_415 = arith.constant 0 : index
    %get3A_416 = arith.constant 11 : index
    %get3A_417 = arith.constant 64 : index
    %get3A_418 = arith.constant 0 : index
    %get3A_419 = vector.load %arg2[%get3A_414, %get3A_415, %get3A_416, %get3A_417, %get3A_418] : memref<1x1x16x224x224xf32, #tpu.memory_space<vmem>>, vector<1x1x1x32x224xf32>
    %get3A_420 = vector.shape_cast %get3A_419 : vector<1x1x1x32x224xf32> to vector<32x224xf32>
    %sub3A_421 = arith.subf %get3A_420, %get3A_410 : vector<32x224xf32>
    %abs3A_422 = math.absf %sub3A_421 : vector<32x224xf32>
    %add3A_423 = arith.addf %add3A_413, %abs3A_422 : vector<32x224xf32>
    %get3A_424 = arith.constant 0 : index
    %get3A_425 = arith.constant 0 : index
    %get3A_426 = arith.constant 12 : index
    %get3A_427 = arith.constant 64 : index
    %get3A_428 = arith.constant 0 : index
    %get3A_429 = vector.load %arg2[%get3A_424, %get3A_425, %get3A_426, %get3A_427, %get3A_428] : memref<1x1x16x224x224xf32, #tpu.memory_space<vmem>>, vector<1x1x1x32x224xf32>
    %get3A_430 = vector.shape_cast %get3A_429 : vector<1x1x1x32x224xf32> to vector<32x224xf32>
    %sub3A_431 = arith.subf %get3A_430, %get3A_420 : vector<32x224xf32>
    %abs3A_432 = math.absf %sub3A_431 : vector<32x224xf32>
    %add3A_433 = arith.addf %add3A_423, %abs3A_432 : vector<32x224xf32>
    %get3A_434 = arith.constant 0 : index
    %get3A_435 = arith.constant 0 : index
    %get3A_436 = arith.constant 13 : index
    %get3A_437 = arith.constant 64 : index
    %get3A_438 = arith.constant 0 : index
    %get3A_439 = vector.load %arg2[%get3A_434, %get3A_435, %get3A_436, %get3A_437, %get3A_438] : memref<1x1x16x224x224xf32, #tpu.memory_space<vmem>>, vector<1x1x1x32x224xf32>
    %get3A_440 = vector.shape_cast %get3A_439 : vector<1x1x1x32x224xf32> to vector<32x224xf32>
    %sub3A_441 = arith.subf %get3A_440, %get3A_430 : vector<32x224xf32>
    %abs3A_442 = math.absf %sub3A_441 : vector<32x224xf32>
    %add3A_443 = arith.addf %add3A_433, %abs3A_442 : vector<32x224xf32>
    %get3A_444 = arith.constant 0 : index
    %get3A_445 = arith.constant 0 : index
    %get3A_446 = arith.constant 14 : index
    %get3A_447 = arith.constant 64 : index
    %get3A_448 = arith.constant 0 : index
    %get3A_449 = vector.load %arg2[%get3A_444, %get3A_445, %get3A_446, %get3A_447, %get3A_448] : memref<1x1x16x224x224xf32, #tpu.memory_space<vmem>>, vector<1x1x1x32x224xf32>
    %get3A_450 = vector.shape_cast %get3A_449 : vector<1x1x1x32x224xf32> to vector<32x224xf32>
    %sub3A_451 = arith.subf %get3A_450, %get3A_440 : vector<32x224xf32>
    %abs3A_452 = math.absf %sub3A_451 : vector<32x224xf32>
    %add3A_453 = arith.addf %add3A_443, %abs3A_452 : vector<32x224xf32>
    %get3A_454 = arith.constant 0 : index
    %get3A_455 = arith.constant 0 : index
    %get3A_456 = arith.constant 15 : index
    %get3A_457 = arith.constant 64 : index
    %get3A_458 = arith.constant 0 : index
    %get3A_459 = vector.load %arg2[%get3A_454, %get3A_455, %get3A_456, %get3A_457, %get3A_458] : memref<1x1x16x224x224xf32, #tpu.memory_space<vmem>>, vector<1x1x1x32x224xf32>
    %get3A_460 = vector.shape_cast %get3A_459 : vector<1x1x1x32x224xf32> to vector<32x224xf32>
    %sub3A_461 = arith.subf %get3A_460, %get3A_450 : vector<32x224xf32>
    %abs3A_462 = math.absf %sub3A_461 : vector<32x224xf32>
    %add3A_463 = arith.addf %add3A_453, %abs3A_462 : vector<32x224xf32>
    %get3A_464 = arith.constant 0 : index
    %get3A_465 = arith.constant 0 : index
    %get3A_466 = arith.constant 0 : index
    %get3A_467 = arith.constant 96 : index
    %get3A_468 = arith.constant 0 : index
    %get3A_469 = vector.load %arg2[%get3A_464, %get3A_465, %get3A_466, %get3A_467, %get3A_468] : memref<1x1x16x224x224xf32, #tpu.memory_space<vmem>>, vector<1x1x1x32x224xf32>
    %get3A_470 = vector.shape_cast %get3A_469 : vector<1x1x1x32x224xf32> to vector<32x224xf32>
    %get3A_471 = arith.constant 0 : index
    %get3A_472 = arith.constant 0 : index
    %get3A_473 = arith.constant 1 : index
    %get3A_474 = arith.constant 96 : index
    %get3A_475 = arith.constant 0 : index
    %get3A_476 = vector.load %arg2[%get3A_471, %get3A_472, %get3A_473, %get3A_474, %get3A_475] : memref<1x1x16x224x224xf32, #tpu.memory_space<vmem>>, vector<1x1x1x32x224xf32>
    %get3A_477 = vector.shape_cast %get3A_476 : vector<1x1x1x32x224xf32> to vector<32x224xf32>
    %sub3A_478 = arith.subf %get3A_477, %get3A_470 : vector<32x224xf32>
    %abs3A_479 = math.absf %sub3A_478 : vector<32x224xf32>
    %get3A_480 = arith.constant 0 : index
    %get3A_481 = arith.constant 0 : index
    %get3A_482 = arith.constant 2 : index
    %get3A_483 = arith.constant 96 : index
    %get3A_484 = arith.constant 0 : index
    %get3A_485 = vector.load %arg2[%get3A_480, %get3A_481, %get3A_482, %get3A_483, %get3A_484] : memref<1x1x16x224x224xf32, #tpu.memory_space<vmem>>, vector<1x1x1x32x224xf32>
    %get3A_486 = vector.shape_cast %get3A_485 : vector<1x1x1x32x224xf32> to vector<32x224xf32>
    %sub3A_487 = arith.subf %get3A_486, %get3A_477 : vector<32x224xf32>
    %abs3A_488 = math.absf %sub3A_487 : vector<32x224xf32>
    %add3A_489 = arith.addf %abs3A_479, %abs3A_488 : vector<32x224xf32>
    %get3A_490 = arith.constant 0 : index
    %get3A_491 = arith.constant 0 : index
    %get3A_492 = arith.constant 3 : index
    %get3A_493 = arith.constant 96 : index
    %get3A_494 = arith.constant 0 : index
    %get3A_495 = vector.load %arg2[%get3A_490, %get3A_491, %get3A_492, %get3A_493, %get3A_494] : memref<1x1x16x224x224xf32, #tpu.memory_space<vmem>>, vector<1x1x1x32x224xf32>
    %get3A_496 = vector.shape_cast %get3A_495 : vector<1x1x1x32x224xf32> to vector<32x224xf32>
    %sub3A_497 = arith.subf %get3A_496, %get3A_486 : vector<32x224xf32>
    %abs3A_498 = math.absf %sub3A_497 : vector<32x224xf32>
    %add3A_499 = arith.addf %add3A_489, %abs3A_498 : vector<32x224xf32>
    %get3A_500 = arith.constant 0 : index
    %get3A_501 = arith.constant 0 : index
    %get3A_502 = arith.constant 4 : index
    %get3A_503 = arith.constant 96 : index
    %get3A_504 = arith.constant 0 : index
    %get3A_505 = vector.load %arg2[%get3A_500, %get3A_501, %get3A_502, %get3A_503, %get3A_504] : memref<1x1x16x224x224xf32, #tpu.memory_space<vmem>>, vector<1x1x1x32x224xf32>
    %get3A_506 = vector.shape_cast %get3A_505 : vector<1x1x1x32x224xf32> to vector<32x224xf32>
    %sub3A_507 = arith.subf %get3A_506, %get3A_496 : vector<32x224xf32>
    %abs3A_508 = math.absf %sub3A_507 : vector<32x224xf32>
    %add3A_509 = arith.addf %add3A_499, %abs3A_508 : vector<32x224xf32>
    %get3A_510 = arith.constant 0 : index
    %get3A_511 = arith.constant 0 : index
    %get3A_512 = arith.constant 5 : index
    %get3A_513 = arith.constant 96 : index
    %get3A_514 = arith.constant 0 : index
    %get3A_515 = vector.load %arg2[%get3A_510, %get3A_511, %get3A_512, %get3A_513, %get3A_514] : memref<1x1x16x224x224xf32, #tpu.memory_space<vmem>>, vector<1x1x1x32x224xf32>
    %get3A_516 = vector.shape_cast %get3A_515 : vector<1x1x1x32x224xf32> to vector<32x224xf32>
    %sub3A_517 = arith.subf %get3A_516, %get3A_506 : vector<32x224xf32>
    %abs3A_518 = math.absf %sub3A_517 : vector<32x224xf32>
    %add3A_519 = arith.addf %add3A_509, %abs3A_518 : vector<32x224xf32>
    %get3A_520 = arith.constant 0 : index
    %get3A_521 = arith.constant 0 : index
    %get3A_522 = arith.constant 6 : index
    %get3A_523 = arith.constant 96 : index
    %get3A_524 = arith.constant 0 : index
    %get3A_525 = vector.load %arg2[%get3A_520, %get3A_521, %get3A_522, %get3A_523, %get3A_524] : memref<1x1x16x224x224xf32, #tpu.memory_space<vmem>>, vector<1x1x1x32x224xf32>
    %get3A_526 = vector.shape_cast %get3A_525 : vector<1x1x1x32x224xf32> to vector<32x224xf32>
    %sub3A_527 = arith.subf %get3A_526, %get3A_516 : vector<32x224xf32>
    %abs3A_528 = math.absf %sub3A_527 : vector<32x224xf32>
    %add3A_529 = arith.addf %add3A_519, %abs3A_528 : vector<32x224xf32>
    %get3A_530 = arith.constant 0 : index
    %get3A_531 = arith.constant 0 : index
    %get3A_532 = arith.constant 7 : index
    %get3A_533 = arith.constant 96 : index
    %get3A_534 = arith.constant 0 : index
    %get3A_535 = vector.load %arg2[%get3A_530, %get3A_531, %get3A_532, %get3A_533, %get3A_534] : memref<1x1x16x224x224xf32, #tpu.memory_space<vmem>>, vector<1x1x1x32x224xf32>
    %get3A_536 = vector.shape_cast %get3A_535 : vector<1x1x1x32x224xf32> to vector<32x224xf32>
    %sub3A_537 = arith.subf %get3A_536, %get3A_526 : vector<32x224xf32>
    %abs3A_538 = math.absf %sub3A_537 : vector<32x224xf32>
    %add3A_539 = arith.addf %add3A_529, %abs3A_538 : vector<32x224xf32>
    %get3A_540 = arith.constant 0 : index
    %get3A_541 = arith.constant 0 : index
    %get3A_542 = arith.constant 8 : index
    %get3A_543 = arith.constant 96 : index
    %get3A_544 = arith.constant 0 : index
    %get3A_545 = vector.load %arg2[%get3A_540, %get3A_541, %get3A_542, %get3A_543, %get3A_544] : memref<1x1x16x224x224xf32, #tpu.memory_space<vmem>>, vector<1x1x1x32x224xf32>
    %get3A_546 = vector.shape_cast %get3A_545 : vector<1x1x1x32x224xf32> to vector<32x224xf32>
    %sub3A_547 = arith.subf %get3A_546, %get3A_536 : vector<32x224xf32>
    %abs3A_548 = math.absf %sub3A_547 : vector<32x224xf32>
    %add3A_549 = arith.addf %add3A_539, %abs3A_548 : vector<32x224xf32>
    %get3A_550 = arith.constant 0 : index
    %get3A_551 = arith.constant 0 : index
    %get3A_552 = arith.constant 9 : index
    %get3A_553 = arith.constant 96 : index
    %get3A_554 = arith.constant 0 : index
    %get3A_555 = vector.load %arg2[%get3A_550, %get3A_551, %get3A_552, %get3A_553, %get3A_554] : memref<1x1x16x224x224xf32, #tpu.memory_space<vmem>>, vector<1x1x1x32x224xf32>
    %get3A_556 = vector.shape_cast %get3A_555 : vector<1x1x1x32x224xf32> to vector<32x224xf32>
    %sub3A_557 = arith.subf %get3A_556, %get3A_546 : vector<32x224xf32>
    %abs3A_558 = math.absf %sub3A_557 : vector<32x224xf32>
    %add3A_559 = arith.addf %add3A_549, %abs3A_558 : vector<32x224xf32>
    %get3A_560 = arith.constant 0 : index
    %get3A_561 = arith.constant 0 : index
    %get3A_562 = arith.constant 10 : index
    %get3A_563 = arith.constant 96 : index
    %get3A_564 = arith.constant 0 : index
    %get3A_565 = vector.load %arg2[%get3A_560, %get3A_561, %get3A_562, %get3A_563, %get3A_564] : memref<1x1x16x224x224xf32, #tpu.memory_space<vmem>>, vector<1x1x1x32x224xf32>
    %get3A_566 = vector.shape_cast %get3A_565 : vector<1x1x1x32x224xf32> to vector<32x224xf32>
    %sub3A_567 = arith.subf %get3A_566, %get3A_556 : vector<32x224xf32>
    %abs3A_568 = math.absf %sub3A_567 : vector<32x224xf32>
    %add3A_569 = arith.addf %add3A_559, %abs3A_568 : vector<32x224xf32>
    %get3A_570 = arith.constant 0 : index
    %get3A_571 = arith.constant 0 : index
    %get3A_572 = arith.constant 11 : index
    %get3A_573 = arith.constant 96 : index
    %get3A_574 = arith.constant 0 : index
    %get3A_575 = vector.load %arg2[%get3A_570, %get3A_571, %get3A_572, %get3A_573, %get3A_574] : memref<1x1x16x224x224xf32, #tpu.memory_space<vmem>>, vector<1x1x1x32x224xf32>
    %get3A_576 = vector.shape_cast %get3A_575 : vector<1x1x1x32x224xf32> to vector<32x224xf32>
    %sub3A_577 = arith.subf %get3A_576, %get3A_566 : vector<32x224xf32>
    %abs3A_578 = math.absf %sub3A_577 : vector<32x224xf32>
    %add3A_579 = arith.addf %add3A_569, %abs3A_578 : vector<32x224xf32>
    %get3A_580 = arith.constant 0 : index
    %get3A_581 = arith.constant 0 : index
    %get3A_582 = arith.constant 12 : index
    %get3A_583 = arith.constant 96 : index
    %get3A_584 = arith.constant 0 : index
    %get3A_585 = vector.load %arg2[%get3A_580, %get3A_581, %get3A_582, %get3A_583, %get3A_584] : memref<1x1x16x224x224xf32, #tpu.memory_space<vmem>>, vector<1x1x1x32x224xf32>
    %get3A_586 = vector.shape_cast %get3A_585 : vector<1x1x1x32x224xf32> to vector<32x224xf32>
    %sub3A_587 = arith.subf %get3A_586, %get3A_576 : vector<32x224xf32>
    %abs3A_588 = math.absf %sub3A_587 : vector<32x224xf32>
    %add3A_589 = arith.addf %add3A_579, %abs3A_588 : vector<32x224xf32>
    %get3A_590 = arith.constant 0 : index
    %get3A_591 = arith.constant 0 : index
    %get3A_592 = arith.constant 13 : index
    %get3A_593 = arith.constant 96 : index
    %get3A_594 = arith.constant 0 : index
    %get3A_595 = vector.load %arg2[%get3A_590, %get3A_591, %get3A_592, %get3A_593, %get3A_594] : memref<1x1x16x224x224xf32, #tpu.memory_space<vmem>>, vector<1x1x1x32x224xf32>
    %get3A_596 = vector.shape_cast %get3A_595 : vector<1x1x1x32x224xf32> to vector<32x224xf32>
    %sub3A_597 = arith.subf %get3A_596, %get3A_586 : vector<32x224xf32>
    %abs3A_598 = math.absf %sub3A_597 : vector<32x224xf32>
    %add3A_599 = arith.addf %add3A_589, %abs3A_598 : vector<32x224xf32>
    %get3A_600 = arith.constant 0 : index
    %get3A_601 = arith.constant 0 : index
    %get3A_602 = arith.constant 14 : index
    %get3A_603 = arith.constant 96 : index
    %get3A_604 = arith.constant 0 : index
    %get3A_605 = vector.load %arg2[%get3A_600, %get3A_601, %get3A_602, %get3A_603, %get3A_604] : memref<1x1x16x224x224xf32, #tpu.memory_space<vmem>>, vector<1x1x1x32x224xf32>
    %get3A_606 = vector.shape_cast %get3A_605 : vector<1x1x1x32x224xf32> to vector<32x224xf32>
    %sub3A_607 = arith.subf %get3A_606, %get3A_596 : vector<32x224xf32>
    %abs3A_608 = math.absf %sub3A_607 : vector<32x224xf32>
    %add3A_609 = arith.addf %add3A_599, %abs3A_608 : vector<32x224xf32>
    %get3A_610 = arith.constant 0 : index
    %get3A_611 = arith.constant 0 : index
    %get3A_612 = arith.constant 15 : index
    %get3A_613 = arith.constant 96 : index
    %get3A_614 = arith.constant 0 : index
    %get3A_615 = vector.load %arg2[%get3A_610, %get3A_611, %get3A_612, %get3A_613, %get3A_614] : memref<1x1x16x224x224xf32, #tpu.memory_space<vmem>>, vector<1x1x1x32x224xf32>
    %get3A_616 = vector.shape_cast %get3A_615 : vector<1x1x1x32x224xf32> to vector<32x224xf32>
    %sub3A_617 = arith.subf %get3A_616, %get3A_606 : vector<32x224xf32>
    %abs3A_618 = math.absf %sub3A_617 : vector<32x224xf32>
    %add3A_619 = arith.addf %add3A_609, %abs3A_618 : vector<32x224xf32>
    %get3A_620 = arith.constant 0 : index
    %get3A_621 = arith.constant 0 : index
    %get3A_622 = arith.constant 0 : index
    %get3A_623 = arith.constant 128 : index
    %get3A_624 = arith.constant 0 : index
    %get3A_625 = vector.load %arg2[%get3A_620, %get3A_621, %get3A_622, %get3A_623, %get3A_624] : memref<1x1x16x224x224xf32, #tpu.memory_space<vmem>>, vector<1x1x1x32x224xf32>
    %get3A_626 = vector.shape_cast %get3A_625 : vector<1x1x1x32x224xf32> to vector<32x224xf32>
    %get3A_627 = arith.constant 0 : index
    %get3A_628 = arith.constant 0 : index
    %get3A_629 = arith.constant 1 : index
    %get3A_630 = arith.constant 128 : index
    %get3A_631 = arith.constant 0 : index
    %get3A_632 = vector.load %arg2[%get3A_627, %get3A_628, %get3A_629, %get3A_630, %get3A_631] : memref<1x1x16x224x224xf32, #tpu.memory_space<vmem>>, vector<1x1x1x32x224xf32>
    %get3A_633 = vector.shape_cast %get3A_632 : vector<1x1x1x32x224xf32> to vector<32x224xf32>
    %sub3A_634 = arith.subf %get3A_633, %get3A_626 : vector<32x224xf32>
    %abs3A_635 = math.absf %sub3A_634 : vector<32x224xf32>
    %get3A_636 = arith.constant 0 : index
    %get3A_637 = arith.constant 0 : index
    %get3A_638 = arith.constant 2 : index
    %get3A_639 = arith.constant 128 : index
    %get3A_640 = arith.constant 0 : index
    %get3A_641 = vector.load %arg2[%get3A_636, %get3A_637, %get3A_638, %get3A_639, %get3A_640] : memref<1x1x16x224x224xf32, #tpu.memory_space<vmem>>, vector<1x1x1x32x224xf32>
    %get3A_642 = vector.shape_cast %get3A_641 : vector<1x1x1x32x224xf32> to vector<32x224xf32>
    %sub3A_643 = arith.subf %get3A_642, %get3A_633 : vector<32x224xf32>
    %abs3A_644 = math.absf %sub3A_643 : vector<32x224xf32>
    %add3A_645 = arith.addf %abs3A_635, %abs3A_644 : vector<32x224xf32>
    %get3A_646 = arith.constant 0 : index
    %get3A_647 = arith.constant 0 : index
    %get3A_648 = arith.constant 3 : index
    %get3A_649 = arith.constant 128 : index
    %get3A_650 = arith.constant 0 : index
    %get3A_651 = vector.load %arg2[%get3A_646, %get3A_647, %get3A_648, %get3A_649, %get3A_650] : memref<1x1x16x224x224xf32, #tpu.memory_space<vmem>>, vector<1x1x1x32x224xf32>
    %get3A_652 = vector.shape_cast %get3A_651 : vector<1x1x1x32x224xf32> to vector<32x224xf32>
    %sub3A_653 = arith.subf %get3A_652, %get3A_642 : vector<32x224xf32>
    %abs3A_654 = math.absf %sub3A_653 : vector<32x224xf32>
    %add3A_655 = arith.addf %add3A_645, %abs3A_654 : vector<32x224xf32>
    %get3A_656 = arith.constant 0 : index
    %get3A_657 = arith.constant 0 : index
    %get3A_658 = arith.constant 4 : index
    %get3A_659 = arith.constant 128 : index
    %get3A_660 = arith.constant 0 : index
    %get3A_661 = vector.load %arg2[%get3A_656, %get3A_657, %get3A_658, %get3A_659, %get3A_660] : memref<1x1x16x224x224xf32, #tpu.memory_space<vmem>>, vector<1x1x1x32x224xf32>
    %get3A_662 = vector.shape_cast %get3A_661 : vector<1x1x1x32x224xf32> to vector<32x224xf32>
    %sub3A_663 = arith.subf %get3A_662, %get3A_652 : vector<32x224xf32>
    %abs3A_664 = math.absf %sub3A_663 : vector<32x224xf32>
    %add3A_665 = arith.addf %add3A_655, %abs3A_664 : vector<32x224xf32>
    %get3A_666 = arith.constant 0 : index
    %get3A_667 = arith.constant 0 : index
    %get3A_668 = arith.constant 5 : index
    %get3A_669 = arith.constant 128 : index
    %get3A_670 = arith.constant 0 : index
    %get3A_671 = vector.load %arg2[%get3A_666, %get3A_667, %get3A_668, %get3A_669, %get3A_670] : memref<1x1x16x224x224xf32, #tpu.memory_space<vmem>>, vector<1x1x1x32x224xf32>
    %get3A_672 = vector.shape_cast %get3A_671 : vector<1x1x1x32x224xf32> to vector<32x224xf32>
    %sub3A_673 = arith.subf %get3A_672, %get3A_662 : vector<32x224xf32>
    %abs3A_674 = math.absf %sub3A_673 : vector<32x224xf32>
    %add3A_675 = arith.addf %add3A_665, %abs3A_674 : vector<32x224xf32>
    %get3A_676 = arith.constant 0 : index
    %get3A_677 = arith.constant 0 : index
    %get3A_678 = arith.constant 6 : index
    %get3A_679 = arith.constant 128 : index
    %get3A_680 = arith.constant 0 : index
    %get3A_681 = vector.load %arg2[%get3A_676, %get3A_677, %get3A_678, %get3A_679, %get3A_680] : memref<1x1x16x224x224xf32, #tpu.memory_space<vmem>>, vector<1x1x1x32x224xf32>
    %get3A_682 = vector.shape_cast %get3A_681 : vector<1x1x1x32x224xf32> to vector<32x224xf32>
    %sub3A_683 = arith.subf %get3A_682, %get3A_672 : vector<32x224xf32>
    %abs3A_684 = math.absf %sub3A_683 : vector<32x224xf32>
    %add3A_685 = arith.addf %add3A_675, %abs3A_684 : vector<32x224xf32>
    %get3A_686 = arith.constant 0 : index
    %get3A_687 = arith.constant 0 : index
    %get3A_688 = arith.constant 7 : index
    %get3A_689 = arith.constant 128 : index
    %get3A_690 = arith.constant 0 : index
    %get3A_691 = vector.load %arg2[%get3A_686, %get3A_687, %get3A_688, %get3A_689, %get3A_690] : memref<1x1x16x224x224xf32, #tpu.memory_space<vmem>>, vector<1x1x1x32x224xf32>
    %get3A_692 = vector.shape_cast %get3A_691 : vector<1x1x1x32x224xf32> to vector<32x224xf32>
    %sub3A_693 = arith.subf %get3A_692, %get3A_682 : vector<32x224xf32>
    %abs3A_694 = math.absf %sub3A_693 : vector<32x224xf32>
    %add3A_695 = arith.addf %add3A_685, %abs3A_694 : vector<32x224xf32>
    %get3A_696 = arith.constant 0 : index
    %get3A_697 = arith.constant 0 : index
    %get3A_698 = arith.constant 8 : index
    %get3A_699 = arith.constant 128 : index
    %get3A_700 = arith.constant 0 : index
    %get3A_701 = vector.load %arg2[%get3A_696, %get3A_697, %get3A_698, %get3A_699, %get3A_700] : memref<1x1x16x224x224xf32, #tpu.memory_space<vmem>>, vector<1x1x1x32x224xf32>
    %get3A_702 = vector.shape_cast %get3A_701 : vector<1x1x1x32x224xf32> to vector<32x224xf32>
    %sub3A_703 = arith.subf %get3A_702, %get3A_692 : vector<32x224xf32>
    %abs3A_704 = math.absf %sub3A_703 : vector<32x224xf32>
    %add3A_705 = arith.addf %add3A_695, %abs3A_704 : vector<32x224xf32>
    %get3A_706 = arith.constant 0 : index
    %get3A_707 = arith.constant 0 : index
    %get3A_708 = arith.constant 9 : index
    %get3A_709 = arith.constant 128 : index
    %get3A_710 = arith.constant 0 : index
    %get3A_711 = vector.load %arg2[%get3A_706, %get3A_707, %get3A_708, %get3A_709, %get3A_710] : memref<1x1x16x224x224xf32, #tpu.memory_space<vmem>>, vector<1x1x1x32x224xf32>
    %get3A_712 = vector.shape_cast %get3A_711 : vector<1x1x1x32x224xf32> to vector<32x224xf32>
    %sub3A_713 = arith.subf %get3A_712, %get3A_702 : vector<32x224xf32>
    %abs3A_714 = math.absf %sub3A_713 : vector<32x224xf32>
    %add3A_715 = arith.addf %add3A_705, %abs3A_714 : vector<32x224xf32>
    %get3A_716 = arith.constant 0 : index
    %get3A_717 = arith.constant 0 : index
    %get3A_718 = arith.constant 10 : index
    %get3A_719 = arith.constant 128 : index
    %get3A_720 = arith.constant 0 : index
    %get3A_721 = vector.load %arg2[%get3A_716, %get3A_717, %get3A_718, %get3A_719, %get3A_720] : memref<1x1x16x224x224xf32, #tpu.memory_space<vmem>>, vector<1x1x1x32x224xf32>
    %get3A_722 = vector.shape_cast %get3A_721 : vector<1x1x1x32x224xf32> to vector<32x224xf32>
    %sub3A_723 = arith.subf %get3A_722, %get3A_712 : vector<32x224xf32>
    %abs3A_724 = math.absf %sub3A_723 : vector<32x224xf32>
    %add3A_725 = arith.addf %add3A_715, %abs3A_724 : vector<32x224xf32>
    %get3A_726 = arith.constant 0 : index
    %get3A_727 = arith.constant 0 : index
    %get3A_728 = arith.constant 11 : index
    %get3A_729 = arith.constant 128 : index
    %get3A_730 = arith.constant 0 : index
    %get3A_731 = vector.load %arg2[%get3A_726, %get3A_727, %get3A_728, %get3A_729, %get3A_730] : memref<1x1x16x224x224xf32, #tpu.memory_space<vmem>>, vector<1x1x1x32x224xf32>
    %get3A_732 = vector.shape_cast %get3A_731 : vector<1x1x1x32x224xf32> to vector<32x224xf32>
    %sub3A_733 = arith.subf %get3A_732, %get3A_722 : vector<32x224xf32>
    %abs3A_734 = math.absf %sub3A_733 : vector<32x224xf32>
    %add3A_735 = arith.addf %add3A_725, %abs3A_734 : vector<32x224xf32>
    %get3A_736 = arith.constant 0 : index
    %get3A_737 = arith.constant 0 : index
    %get3A_738 = arith.constant 12 : index
    %get3A_739 = arith.constant 128 : index
    %get3A_740 = arith.constant 0 : index
    %get3A_741 = vector.load %arg2[%get3A_736, %get3A_737, %get3A_738, %get3A_739, %get3A_740] : memref<1x1x16x224x224xf32, #tpu.memory_space<vmem>>, vector<1x1x1x32x224xf32>
    %get3A_742 = vector.shape_cast %get3A_741 : vector<1x1x1x32x224xf32> to vector<32x224xf32>
    %sub3A_743 = arith.subf %get3A_742, %get3A_732 : vector<32x224xf32>
    %abs3A_744 = math.absf %sub3A_743 : vector<32x224xf32>
    %add3A_745 = arith.addf %add3A_735, %abs3A_744 : vector<32x224xf32>
    %get3A_746 = arith.constant 0 : index
    %get3A_747 = arith.constant 0 : index
    %get3A_748 = arith.constant 13 : index
    %get3A_749 = arith.constant 128 : index
    %get3A_750 = arith.constant 0 : index
    %get3A_751 = vector.load %arg2[%get3A_746, %get3A_747, %get3A_748, %get3A_749, %get3A_750] : memref<1x1x16x224x224xf32, #tpu.memory_space<vmem>>, vector<1x1x1x32x224xf32>
    %get3A_752 = vector.shape_cast %get3A_751 : vector<1x1x1x32x224xf32> to vector<32x224xf32>
    %sub3A_753 = arith.subf %get3A_752, %get3A_742 : vector<32x224xf32>
    %abs3A_754 = math.absf %sub3A_753 : vector<32x224xf32>
    %add3A_755 = arith.addf %add3A_745, %abs3A_754 : vector<32x224xf32>
    %get3A_756 = arith.constant 0 : index
    %get3A_757 = arith.constant 0 : index
    %get3A_758 = arith.constant 14 : index
    %get3A_759 = arith.constant 128 : index
    %get3A_760 = arith.constant 0 : index
    %get3A_761 = vector.load %arg2[%get3A_756, %get3A_757, %get3A_758, %get3A_759, %get3A_760] : memref<1x1x16x224x224xf32, #tpu.memory_space<vmem>>, vector<1x1x1x32x224xf32>
    %get3A_762 = vector.shape_cast %get3A_761 : vector<1x1x1x32x224xf32> to vector<32x224xf32>
    %sub3A_763 = arith.subf %get3A_762, %get3A_752 : vector<32x224xf32>
    %abs3A_764 = math.absf %sub3A_763 : vector<32x224xf32>
    %add3A_765 = arith.addf %add3A_755, %abs3A_764 : vector<32x224xf32>
    %get3A_766 = arith.constant 0 : index
    %get3A_767 = arith.constant 0 : index
    %get3A_768 = arith.constant 15 : index
    %get3A_769 = arith.constant 128 : index
    %get3A_770 = arith.constant 0 : index
    %get3A_771 = vector.load %arg2[%get3A_766, %get3A_767, %get3A_768, %get3A_769, %get3A_770] : memref<1x1x16x224x224xf32, #tpu.memory_space<vmem>>, vector<1x1x1x32x224xf32>
    %get3A_772 = vector.shape_cast %get3A_771 : vector<1x1x1x32x224xf32> to vector<32x224xf32>
    %sub3A_773 = arith.subf %get3A_772, %get3A_762 : vector<32x224xf32>
    %abs3A_774 = math.absf %sub3A_773 : vector<32x224xf32>
    %add3A_775 = arith.addf %add3A_765, %abs3A_774 : vector<32x224xf32>
    %get3A_776 = arith.constant 0 : index
    %get3A_777 = arith.constant 0 : index
    %get3A_778 = arith.constant 0 : index
    %get3A_779 = arith.constant 160 : index
    %get3A_780 = arith.constant 0 : index
    %get3A_781 = vector.load %arg2[%get3A_776, %get3A_777, %get3A_778, %get3A_779, %get3A_780] : memref<1x1x16x224x224xf32, #tpu.memory_space<vmem>>, vector<1x1x1x32x224xf32>
    %get3A_782 = vector.shape_cast %get3A_781 : vector<1x1x1x32x224xf32> to vector<32x224xf32>
    %get3A_783 = arith.constant 0 : index
    %get3A_784 = arith.constant 0 : index
    %get3A_785 = arith.constant 1 : index
    %get3A_786 = arith.constant 160 : index
    %get3A_787 = arith.constant 0 : index
    %get3A_788 = vector.load %arg2[%get3A_783, %get3A_784, %get3A_785, %get3A_786, %get3A_787] : memref<1x1x16x224x224xf32, #tpu.memory_space<vmem>>, vector<1x1x1x32x224xf32>
    %get3A_789 = vector.shape_cast %get3A_788 : vector<1x1x1x32x224xf32> to vector<32x224xf32>
    %sub3A_790 = arith.subf %get3A_789, %get3A_782 : vector<32x224xf32>
    %abs3A_791 = math.absf %sub3A_790 : vector<32x224xf32>
    %get3A_792 = arith.constant 0 : index
    %get3A_793 = arith.constant 0 : index
    %get3A_794 = arith.constant 2 : index
    %get3A_795 = arith.constant 160 : index
    %get3A_796 = arith.constant 0 : index
    %get3A_797 = vector.load %arg2[%get3A_792, %get3A_793, %get3A_794, %get3A_795, %get3A_796] : memref<1x1x16x224x224xf32, #tpu.memory_space<vmem>>, vector<1x1x1x32x224xf32>
    %get3A_798 = vector.shape_cast %get3A_797 : vector<1x1x1x32x224xf32> to vector<32x224xf32>
    %sub3A_799 = arith.subf %get3A_798, %get3A_789 : vector<32x224xf32>
    %abs3A_800 = math.absf %sub3A_799 : vector<32x224xf32>
    %add3A_801 = arith.addf %abs3A_791, %abs3A_800 : vector<32x224xf32>
    %get3A_802 = arith.constant 0 : index
    %get3A_803 = arith.constant 0 : index
    %get3A_804 = arith.constant 3 : index
    %get3A_805 = arith.constant 160 : index
    %get3A_806 = arith.constant 0 : index
    %get3A_807 = vector.load %arg2[%get3A_802, %get3A_803, %get3A_804, %get3A_805, %get3A_806] : memref<1x1x16x224x224xf32, #tpu.memory_space<vmem>>, vector<1x1x1x32x224xf32>
    %get3A_808 = vector.shape_cast %get3A_807 : vector<1x1x1x32x224xf32> to vector<32x224xf32>
    %sub3A_809 = arith.subf %get3A_808, %get3A_798 : vector<32x224xf32>
    %abs3A_810 = math.absf %sub3A_809 : vector<32x224xf32>
    %add3A_811 = arith.addf %add3A_801, %abs3A_810 : vector<32x224xf32>
    %get3A_812 = arith.constant 0 : index
    %get3A_813 = arith.constant 0 : index
    %get3A_814 = arith.constant 4 : index
    %get3A_815 = arith.constant 160 : index
    %get3A_816 = arith.constant 0 : index
    %get3A_817 = vector.load %arg2[%get3A_812, %get3A_813, %get3A_814, %get3A_815, %get3A_816] : memref<1x1x16x224x224xf32, #tpu.memory_space<vmem>>, vector<1x1x1x32x224xf32>
    %get3A_818 = vector.shape_cast %get3A_817 : vector<1x1x1x32x224xf32> to vector<32x224xf32>
    %sub3A_819 = arith.subf %get3A_818, %get3A_808 : vector<32x224xf32>
    %abs3A_820 = math.absf %sub3A_819 : vector<32x224xf32>
    %add3A_821 = arith.addf %add3A_811, %abs3A_820 : vector<32x224xf32>
    %get3A_822 = arith.constant 0 : index
    %get3A_823 = arith.constant 0 : index
    %get3A_824 = arith.constant 5 : index
    %get3A_825 = arith.constant 160 : index
    %get3A_826 = arith.constant 0 : index
    %get3A_827 = vector.load %arg2[%get3A_822, %get3A_823, %get3A_824, %get3A_825, %get3A_826] : memref<1x1x16x224x224xf32, #tpu.memory_space<vmem>>, vector<1x1x1x32x224xf32>
    %get3A_828 = vector.shape_cast %get3A_827 : vector<1x1x1x32x224xf32> to vector<32x224xf32>
    %sub3A_829 = arith.subf %get3A_828, %get3A_818 : vector<32x224xf32>
    %abs3A_830 = math.absf %sub3A_829 : vector<32x224xf32>
    %add3A_831 = arith.addf %add3A_821, %abs3A_830 : vector<32x224xf32>
    %get3A_832 = arith.constant 0 : index
    %get3A_833 = arith.constant 0 : index
    %get3A_834 = arith.constant 6 : index
    %get3A_835 = arith.constant 160 : index
    %get3A_836 = arith.constant 0 : index
    %get3A_837 = vector.load %arg2[%get3A_832, %get3A_833, %get3A_834, %get3A_835, %get3A_836] : memref<1x1x16x224x224xf32, #tpu.memory_space<vmem>>, vector<1x1x1x32x224xf32>
    %get3A_838 = vector.shape_cast %get3A_837 : vector<1x1x1x32x224xf32> to vector<32x224xf32>
    %sub3A_839 = arith.subf %get3A_838, %get3A_828 : vector<32x224xf32>
    %abs3A_840 = math.absf %sub3A_839 : vector<32x224xf32>
    %add3A_841 = arith.addf %add3A_831, %abs3A_840 : vector<32x224xf32>
    %get3A_842 = arith.constant 0 : index
    %get3A_843 = arith.constant 0 : index
    %get3A_844 = arith.constant 7 : index
    %get3A_845 = arith.constant 160 : index
    %get3A_846 = arith.constant 0 : index
    %get3A_847 = vector.load %arg2[%get3A_842, %get3A_843, %get3A_844, %get3A_845, %get3A_846] : memref<1x1x16x224x224xf32, #tpu.memory_space<vmem>>, vector<1x1x1x32x224xf32>
    %get3A_848 = vector.shape_cast %get3A_847 : vector<1x1x1x32x224xf32> to vector<32x224xf32>
    %sub3A_849 = arith.subf %get3A_848, %get3A_838 : vector<32x224xf32>
    %abs3A_850 = math.absf %sub3A_849 : vector<32x224xf32>
    %add3A_851 = arith.addf %add3A_841, %abs3A_850 : vector<32x224xf32>
    %get3A_852 = arith.constant 0 : index
    %get3A_853 = arith.constant 0 : index
    %get3A_854 = arith.constant 8 : index
    %get3A_855 = arith.constant 160 : index
    %get3A_856 = arith.constant 0 : index
    %get3A_857 = vector.load %arg2[%get3A_852, %get3A_853, %get3A_854, %get3A_855, %get3A_856] : memref<1x1x16x224x224xf32, #tpu.memory_space<vmem>>, vector<1x1x1x32x224xf32>
    %get3A_858 = vector.shape_cast %get3A_857 : vector<1x1x1x32x224xf32> to vector<32x224xf32>
    %sub3A_859 = arith.subf %get3A_858, %get3A_848 : vector<32x224xf32>
    %abs3A_860 = math.absf %sub3A_859 : vector<32x224xf32>
    %add3A_861 = arith.addf %add3A_851, %abs3A_860 : vector<32x224xf32>
    %get3A_862 = arith.constant 0 : index
    %get3A_863 = arith.constant 0 : index
    %get3A_864 = arith.constant 9 : index
    %get3A_865 = arith.constant 160 : index
    %get3A_866 = arith.constant 0 : index
    %get3A_867 = vector.load %arg2[%get3A_862, %get3A_863, %get3A_864, %get3A_865, %get3A_866] : memref<1x1x16x224x224xf32, #tpu.memory_space<vmem>>, vector<1x1x1x32x224xf32>
    %get3A_868 = vector.shape_cast %get3A_867 : vector<1x1x1x32x224xf32> to vector<32x224xf32>
    %sub3A_869 = arith.subf %get3A_868, %get3A_858 : vector<32x224xf32>
    %abs3A_870 = math.absf %sub3A_869 : vector<32x224xf32>
    %add3A_871 = arith.addf %add3A_861, %abs3A_870 : vector<32x224xf32>
    %get3A_872 = arith.constant 0 : index
    %get3A_873 = arith.constant 0 : index
    %get3A_874 = arith.constant 10 : index
    %get3A_875 = arith.constant 160 : index
    %get3A_876 = arith.constant 0 : index
    %get3A_877 = vector.load %arg2[%get3A_872, %get3A_873, %get3A_874, %get3A_875, %get3A_876] : memref<1x1x16x224x224xf32, #tpu.memory_space<vmem>>, vector<1x1x1x32x224xf32>
    %get3A_878 = vector.shape_cast %get3A_877 : vector<1x1x1x32x224xf32> to vector<32x224xf32>
    %sub3A_879 = arith.subf %get3A_878, %get3A_868 : vector<32x224xf32>
    %abs3A_880 = math.absf %sub3A_879 : vector<32x224xf32>
    %add3A_881 = arith.addf %add3A_871, %abs3A_880 : vector<32x224xf32>
    %get3A_882 = arith.constant 0 : index
    %get3A_883 = arith.constant 0 : index
    %get3A_884 = arith.constant 11 : index
    %get3A_885 = arith.constant 160 : index
    %get3A_886 = arith.constant 0 : index
    %get3A_887 = vector.load %arg2[%get3A_882, %get3A_883, %get3A_884, %get3A_885, %get3A_886] : memref<1x1x16x224x224xf32, #tpu.memory_space<vmem>>, vector<1x1x1x32x224xf32>
    %get3A_888 = vector.shape_cast %get3A_887 : vector<1x1x1x32x224xf32> to vector<32x224xf32>
    %sub3A_889 = arith.subf %get3A_888, %get3A_878 : vector<32x224xf32>
    %abs3A_890 = math.absf %sub3A_889 : vector<32x224xf32>
    %add3A_891 = arith.addf %add3A_881, %abs3A_890 : vector<32x224xf32>
    %get3A_892 = arith.constant 0 : index
    %get3A_893 = arith.constant 0 : index
    %get3A_894 = arith.constant 12 : index
    %get3A_895 = arith.constant 160 : index
    %get3A_896 = arith.constant 0 : index
    %get3A_897 = vector.load %arg2[%get3A_892, %get3A_893, %get3A_894, %get3A_895, %get3A_896] : memref<1x1x16x224x224xf32, #tpu.memory_space<vmem>>, vector<1x1x1x32x224xf32>
    %get3A_898 = vector.shape_cast %get3A_897 : vector<1x1x1x32x224xf32> to vector<32x224xf32>
    %sub3A_899 = arith.subf %get3A_898, %get3A_888 : vector<32x224xf32>
    %abs3A_900 = math.absf %sub3A_899 : vector<32x224xf32>
    %add3A_901 = arith.addf %add3A_891, %abs3A_900 : vector<32x224xf32>
    %get3A_902 = arith.constant 0 : index
    %get3A_903 = arith.constant 0 : index
    %get3A_904 = arith.constant 13 : index
    %get3A_905 = arith.constant 160 : index
    %get3A_906 = arith.constant 0 : index
    %get3A_907 = vector.load %arg2[%get3A_902, %get3A_903, %get3A_904, %get3A_905, %get3A_906] : memref<1x1x16x224x224xf32, #tpu.memory_space<vmem>>, vector<1x1x1x32x224xf32>
    %get3A_908 = vector.shape_cast %get3A_907 : vector<1x1x1x32x224xf32> to vector<32x224xf32>
    %sub3A_909 = arith.subf %get3A_908, %get3A_898 : vector<32x224xf32>
    %abs3A_910 = math.absf %sub3A_909 : vector<32x224xf32>
    %add3A_911 = arith.addf %add3A_901, %abs3A_910 : vector<32x224xf32>
    %get3A_912 = arith.constant 0 : index
    %get3A_913 = arith.constant 0 : index
    %get3A_914 = arith.constant 14 : index
    %get3A_915 = arith.constant 160 : index
    %get3A_916 = arith.constant 0 : index
    %get3A_917 = vector.load %arg2[%get3A_912, %get3A_913, %get3A_914, %get3A_915, %get3A_916] : memref<1x1x16x224x224xf32, #tpu.memory_space<vmem>>, vector<1x1x1x32x224xf32>
    %get3A_918 = vector.shape_cast %get3A_917 : vector<1x1x1x32x224xf32> to vector<32x224xf32>
    %sub3A_919 = arith.subf %get3A_918, %get3A_908 : vector<32x224xf32>
    %abs3A_920 = math.absf %sub3A_919 : vector<32x224xf32>
    %add3A_921 = arith.addf %add3A_911, %abs3A_920 : vector<32x224xf32>
    %get3A_922 = arith.constant 0 : index
    %get3A_923 = arith.constant 0 : index
    %get3A_924 = arith.constant 15 : index
    %get3A_925 = arith.constant 160 : index
    %get3A_926 = arith.constant 0 : index
    %get3A_927 = vector.load %arg2[%get3A_922, %get3A_923, %get3A_924, %get3A_925, %get3A_926] : memref<1x1x16x224x224xf32, #tpu.memory_space<vmem>>, vector<1x1x1x32x224xf32>
    %get3A_928 = vector.shape_cast %get3A_927 : vector<1x1x1x32x224xf32> to vector<32x224xf32>
    %sub3A_929 = arith.subf %get3A_928, %get3A_918 : vector<32x224xf32>
    %abs3A_930 = math.absf %sub3A_929 : vector<32x224xf32>
    %add3A_931 = arith.addf %add3A_921, %abs3A_930 : vector<32x224xf32>
    %get3A_932 = arith.constant 0 : index
    %get3A_933 = arith.constant 0 : index
    %get3A_934 = arith.constant 0 : index
    %get3A_935 = arith.constant 192 : index
    %get3A_936 = arith.constant 0 : index
    %get3A_937 = vector.load %arg2[%get3A_932, %get3A_933, %get3A_934, %get3A_935, %get3A_936] : memref<1x1x16x224x224xf32, #tpu.memory_space<vmem>>, vector<1x1x1x32x224xf32>
    %get3A_938 = vector.shape_cast %get3A_937 : vector<1x1x1x32x224xf32> to vector<32x224xf32>
    %get3A_939 = arith.constant 0 : index
    %get3A_940 = arith.constant 0 : index
    %get3A_941 = arith.constant 1 : index
    %get3A_942 = arith.constant 192 : index
    %get3A_943 = arith.constant 0 : index
    %get3A_944 = vector.load %arg2[%get3A_939, %get3A_940, %get3A_941, %get3A_942, %get3A_943] : memref<1x1x16x224x224xf32, #tpu.memory_space<vmem>>, vector<1x1x1x32x224xf32>
    %get3A_945 = vector.shape_cast %get3A_944 : vector<1x1x1x32x224xf32> to vector<32x224xf32>
    %sub3A_946 = arith.subf %get3A_945, %get3A_938 : vector<32x224xf32>
    %abs3A_947 = math.absf %sub3A_946 : vector<32x224xf32>
    %get3A_948 = arith.constant 0 : index
    %get3A_949 = arith.constant 0 : index
    %get3A_950 = arith.constant 2 : index
    %get3A_951 = arith.constant 192 : index
    %get3A_952 = arith.constant 0 : index
    %get3A_953 = vector.load %arg2[%get3A_948, %get3A_949, %get3A_950, %get3A_951, %get3A_952] : memref<1x1x16x224x224xf32, #tpu.memory_space<vmem>>, vector<1x1x1x32x224xf32>
    %get3A_954 = vector.shape_cast %get3A_953 : vector<1x1x1x32x224xf32> to vector<32x224xf32>
    %sub3A_955 = arith.subf %get3A_954, %get3A_945 : vector<32x224xf32>
    %abs3A_956 = math.absf %sub3A_955 : vector<32x224xf32>
    %add3A_957 = arith.addf %abs3A_947, %abs3A_956 : vector<32x224xf32>
    %get3A_958 = arith.constant 0 : index
    %get3A_959 = arith.constant 0 : index
    %get3A_960 = arith.constant 3 : index
    %get3A_961 = arith.constant 192 : index
    %get3A_962 = arith.constant 0 : index
    %get3A_963 = vector.load %arg2[%get3A_958, %get3A_959, %get3A_960, %get3A_961, %get3A_962] : memref<1x1x16x224x224xf32, #tpu.memory_space<vmem>>, vector<1x1x1x32x224xf32>
    %get3A_964 = vector.shape_cast %get3A_963 : vector<1x1x1x32x224xf32> to vector<32x224xf32>
    %sub3A_965 = arith.subf %get3A_964, %get3A_954 : vector<32x224xf32>
    %abs3A_966 = math.absf %sub3A_965 : vector<32x224xf32>
    %add3A_967 = arith.addf %add3A_957, %abs3A_966 : vector<32x224xf32>
    %get3A_968 = arith.constant 0 : index
    %get3A_969 = arith.constant 0 : index
    %get3A_970 = arith.constant 4 : index
    %get3A_971 = arith.constant 192 : index
    %get3A_972 = arith.constant 0 : index
    %get3A_973 = vector.load %arg2[%get3A_968, %get3A_969, %get3A_970, %get3A_971, %get3A_972] : memref<1x1x16x224x224xf32, #tpu.memory_space<vmem>>, vector<1x1x1x32x224xf32>
    %get3A_974 = vector.shape_cast %get3A_973 : vector<1x1x1x32x224xf32> to vector<32x224xf32>
    %sub3A_975 = arith.subf %get3A_974, %get3A_964 : vector<32x224xf32>
    %abs3A_976 = math.absf %sub3A_975 : vector<32x224xf32>
    %add3A_977 = arith.addf %add3A_967, %abs3A_976 : vector<32x224xf32>
    %get3A_978 = arith.constant 0 : index
    %get3A_979 = arith.constant 0 : index
    %get3A_980 = arith.constant 5 : index
    %get3A_981 = arith.constant 192 : index
    %get3A_982 = arith.constant 0 : index
    %get3A_983 = vector.load %arg2[%get3A_978, %get3A_979, %get3A_980, %get3A_981, %get3A_982] : memref<1x1x16x224x224xf32, #tpu.memory_space<vmem>>, vector<1x1x1x32x224xf32>
    %get3A_984 = vector.shape_cast %get3A_983 : vector<1x1x1x32x224xf32> to vector<32x224xf32>
    %sub3A_985 = arith.subf %get3A_984, %get3A_974 : vector<32x224xf32>
    %abs3A_986 = math.absf %sub3A_985 : vector<32x224xf32>
    %add3A_987 = arith.addf %add3A_977, %abs3A_986 : vector<32x224xf32>
    %get3A_988 = arith.constant 0 : index
    %get3A_989 = arith.constant 0 : index
    %get3A_990 = arith.constant 6 : index
    %get3A_991 = arith.constant 192 : index
    %get3A_992 = arith.constant 0 : index
    %get3A_993 = vector.load %arg2[%get3A_988, %get3A_989, %get3A_990, %get3A_991, %get3A_992] : memref<1x1x16x224x224xf32, #tpu.memory_space<vmem>>, vector<1x1x1x32x224xf32>
    %get3A_994 = vector.shape_cast %get3A_993 : vector<1x1x1x32x224xf32> to vector<32x224xf32>
    %sub3A_995 = arith.subf %get3A_994, %get3A_984 : vector<32x224xf32>
    %abs3A_996 = math.absf %sub3A_995 : vector<32x224xf32>
    %add3A_997 = arith.addf %add3A_987, %abs3A_996 : vector<32x224xf32>
    %get3A_998 = arith.constant 0 : index
    %get3A_999 = arith.constant 0 : index
    %get3A_1000 = arith.constant 7 : index
    %get3A_1001 = arith.constant 192 : index
    %get3A_1002 = arith.constant 0 : index
    %get3A_1003 = vector.load %arg2[%get3A_998, %get3A_999, %get3A_1000, %get3A_1001, %get3A_1002] : memref<1x1x16x224x224xf32, #tpu.memory_space<vmem>>, vector<1x1x1x32x224xf32>
    %get3A_1004 = vector.shape_cast %get3A_1003 : vector<1x1x1x32x224xf32> to vector<32x224xf32>
    %sub3A_1005 = arith.subf %get3A_1004, %get3A_994 : vector<32x224xf32>
    %abs3A_1006 = math.absf %sub3A_1005 : vector<32x224xf32>
    %add3A_1007 = arith.addf %add3A_997, %abs3A_1006 : vector<32x224xf32>
    %get3A_1008 = arith.constant 0 : index
    %get3A_1009 = arith.constant 0 : index
    %get3A_1010 = arith.constant 8 : index
    %get3A_1011 = arith.constant 192 : index
    %get3A_1012 = arith.constant 0 : index
    %get3A_1013 = vector.load %arg2[%get3A_1008, %get3A_1009, %get3A_1010, %get3A_1011, %get3A_1012] : memref<1x1x16x224x224xf32, #tpu.memory_space<vmem>>, vector<1x1x1x32x224xf32>
    %get3A_1014 = vector.shape_cast %get3A_1013 : vector<1x1x1x32x224xf32> to vector<32x224xf32>
    %sub3A_1015 = arith.subf %get3A_1014, %get3A_1004 : vector<32x224xf32>
    %abs3A_1016 = math.absf %sub3A_1015 : vector<32x224xf32>
    %add3A_1017 = arith.addf %add3A_1007, %abs3A_1016 : vector<32x224xf32>
    %get3A_1018 = arith.constant 0 : index
    %get3A_1019 = arith.constant 0 : index
    %get3A_1020 = arith.constant 9 : index
    %get3A_1021 = arith.constant 192 : index
    %get3A_1022 = arith.constant 0 : index
    %get3A_1023 = vector.load %arg2[%get3A_1018, %get3A_1019, %get3A_1020, %get3A_1021, %get3A_1022] : memref<1x1x16x224x224xf32, #tpu.memory_space<vmem>>, vector<1x1x1x32x224xf32>
    %get3A_1024 = vector.shape_cast %get3A_1023 : vector<1x1x1x32x224xf32> to vector<32x224xf32>
    %sub3A_1025 = arith.subf %get3A_1024, %get3A_1014 : vector<32x224xf32>
    %abs3A_1026 = math.absf %sub3A_1025 : vector<32x224xf32>
    %add3A_1027 = arith.addf %add3A_1017, %abs3A_1026 : vector<32x224xf32>
    %get3A_1028 = arith.constant 0 : index
    %get3A_1029 = arith.constant 0 : index
    %get3A_1030 = arith.constant 10 : index
    %get3A_1031 = arith.constant 192 : index
    %get3A_1032 = arith.constant 0 : index
    %get3A_1033 = vector.load %arg2[%get3A_1028, %get3A_1029, %get3A_1030, %get3A_1031, %get3A_1032] : memref<1x1x16x224x224xf32, #tpu.memory_space<vmem>>, vector<1x1x1x32x224xf32>
    %get3A_1034 = vector.shape_cast %get3A_1033 : vector<1x1x1x32x224xf32> to vector<32x224xf32>
    %sub3A_1035 = arith.subf %get3A_1034, %get3A_1024 : vector<32x224xf32>
    %abs3A_1036 = math.absf %sub3A_1035 : vector<32x224xf32>
    %add3A_1037 = arith.addf %add3A_1027, %abs3A_1036 : vector<32x224xf32>
    %get3A_1038 = arith.constant 0 : index
    %get3A_1039 = arith.constant 0 : index
    %get3A_1040 = arith.constant 11 : index
    %get3A_1041 = arith.constant 192 : index
    %get3A_1042 = arith.constant 0 : index
    %get3A_1043 = vector.load %arg2[%get3A_1038, %get3A_1039, %get3A_1040, %get3A_1041, %get3A_1042] : memref<1x1x16x224x224xf32, #tpu.memory_space<vmem>>, vector<1x1x1x32x224xf32>
    %get3A_1044 = vector.shape_cast %get3A_1043 : vector<1x1x1x32x224xf32> to vector<32x224xf32>
    %sub3A_1045 = arith.subf %get3A_1044, %get3A_1034 : vector<32x224xf32>
    %abs3A_1046 = math.absf %sub3A_1045 : vector<32x224xf32>
    %add3A_1047 = arith.addf %add3A_1037, %abs3A_1046 : vector<32x224xf32>
    %get3A_1048 = arith.constant 0 : index
    %get3A_1049 = arith.constant 0 : index
    %get3A_1050 = arith.constant 12 : index
    %get3A_1051 = arith.constant 192 : index
    %get3A_1052 = arith.constant 0 : index
    %get3A_1053 = vector.load %arg2[%get3A_1048, %get3A_1049, %get3A_1050, %get3A_1051, %get3A_1052] : memref<1x1x16x224x224xf32, #tpu.memory_space<vmem>>, vector<1x1x1x32x224xf32>
    %get3A_1054 = vector.shape_cast %get3A_1053 : vector<1x1x1x32x224xf32> to vector<32x224xf32>
    %sub3A_1055 = arith.subf %get3A_1054, %get3A_1044 : vector<32x224xf32>
    %abs3A_1056 = math.absf %sub3A_1055 : vector<32x224xf32>
    %add3A_1057 = arith.addf %add3A_1047, %abs3A_1056 : vector<32x224xf32>
    %get3A_1058 = arith.constant 0 : index
    %get3A_1059 = arith.constant 0 : index
    %get3A_1060 = arith.constant 13 : index
    %get3A_1061 = arith.constant 192 : index
    %get3A_1062 = arith.constant 0 : index
    %get3A_1063 = vector.load %arg2[%get3A_1058, %get3A_1059, %get3A_1060, %get3A_1061, %get3A_1062] : memref<1x1x16x224x224xf32, #tpu.memory_space<vmem>>, vector<1x1x1x32x224xf32>
    %get3A_1064 = vector.shape_cast %get3A_1063 : vector<1x1x1x32x224xf32> to vector<32x224xf32>
    %sub3A_1065 = arith.subf %get3A_1064, %get3A_1054 : vector<32x224xf32>
    %abs3A_1066 = math.absf %sub3A_1065 : vector<32x224xf32>
    %add3A_1067 = arith.addf %add3A_1057, %abs3A_1066 : vector<32x224xf32>
    %get3A_1068 = arith.constant 0 : index
    %get3A_1069 = arith.constant 0 : index
    %get3A_1070 = arith.constant 14 : index
    %get3A_1071 = arith.constant 192 : index
    %get3A_1072 = arith.constant 0 : index
    %get3A_1073 = vector.load %arg2[%get3A_1068, %get3A_1069, %get3A_1070, %get3A_1071, %get3A_1072] : memref<1x1x16x224x224xf32, #tpu.memory_space<vmem>>, vector<1x1x1x32x224xf32>
    %get3A_1074 = vector.shape_cast %get3A_1073 : vector<1x1x1x32x224xf32> to vector<32x224xf32>
    %sub3A_1075 = arith.subf %get3A_1074, %get3A_1064 : vector<32x224xf32>
    %abs3A_1076 = math.absf %sub3A_1075 : vector<32x224xf32>
    %add3A_1077 = arith.addf %add3A_1067, %abs3A_1076 : vector<32x224xf32>
    %get3A_1078 = arith.constant 0 : index
    %get3A_1079 = arith.constant 0 : index
    %get3A_1080 = arith.constant 15 : index
    %get3A_1081 = arith.constant 192 : index
    %get3A_1082 = arith.constant 0 : index
    %get3A_1083 = vector.load %arg2[%get3A_1078, %get3A_1079, %get3A_1080, %get3A_1081, %get3A_1082] : memref<1x1x16x224x224xf32, #tpu.memory_space<vmem>>, vector<1x1x1x32x224xf32>
    %get3A_1084 = vector.shape_cast %get3A_1083 : vector<1x1x1x32x224xf32> to vector<32x224xf32>
    %sub3A_1085 = arith.subf %get3A_1084, %get3A_1074 : vector<32x224xf32>
    %abs3A_1086 = math.absf %sub3A_1085 : vector<32x224xf32>
    %add3A_1087 = arith.addf %add3A_1077, %abs3A_1086 : vector<32x224xf32>
    %concatenate3A = tpu.concatenate %add3A_151, %add3A_307, %add3A_463, %add3A_619, %add3A_775, %add3A_931, %add3A_1087 in 0 : vector<32x224xf32>, vector<32x224xf32>, vector<32x224xf32>, vector<32x224xf32>, vector<32x224xf32>, vector<32x224xf32>, vector<32x224xf32> -> vector<224x224xf32>
    %eq3A = arith.constant 0 : i32
    %eq3A_1088 = arith.cmpi eq, %arg1, %eq3A : i32
    %convert_element_type3A = arith.extui %eq3A_1088 : i1 to i32
    %cond3A = arith.constant 0 : i32
    %cond3A_1089 = arith.cmpi ne, %convert_element_type3A, %cond3A : i32
    scf.if %cond3A_1089 {
      %swap3A = arith.constant 0 : index
      %swap3A_1099 = arith.constant 0 : index
      %swap3A_1100 = vector.load %arg4[%swap3A, %swap3A_1099] : memref<224x224xf32, #tpu.memory_space<vmem>>, vector<224x224xf32>
      tpu.vector_store %arg4[%swap3A, %swap3A_1099], %concatenate3A {strides = array<i32>} : memref<224x224xf32, #tpu.memory_space<vmem>>, vector<224x224xf32>,
    } else {
    }
    %ne3A = arith.constant 0 : i32
    %ne3A_1090 = arith.cmpi ne, %arg1, %ne3A : i32
    %convert_element_type3A_1091 = arith.extui %ne3A_1090 : i1 to i32
    %cond3A_1092 = arith.constant 0 : i32
    %cond3A_1093 = arith.cmpi ne, %convert_element_type3A_1091, %cond3A_1092 : i32
    scf.if %cond3A_1093 {
      %get3A_1099 = arith.constant 0 : index
      %get3A_1100 = arith.constant 0 : index
      %get3A_1101 = vector.load %arg4[%get3A_1099, %get3A_1100] : memref<224x224xf32, #tpu.memory_space<vmem>>, vector<224x224xf32>
      %add3A_1102 = arith.addf %get3A_1101, %concatenate3A : vector<224x224xf32>
      %swap3A = arith.constant 0 : index
      %swap3A_1103 = arith.constant 0 : index
      %swap3A_1104 = vector.load %arg4[%swap3A, %swap3A_1103] : memref<224x224xf32, #tpu.memory_space<vmem>>, vector<224x224xf32>
      tpu.vector_store %arg4[%swap3A, %swap3A_1103], %add3A_1102 {strides = array<i32>} : memref<224x224xf32, #tpu.memory_space<vmem>>, vector<224x224xf32>,
    } else {
    }
    %eq3A_1094 = arith.constant 2 : i32
    %eq3A_1095 = arith.cmpi eq, %arg1, %eq3A_1094 : i32
    %convert_element_type3A_1096 = arith.extui %eq3A_1095 : i1 to i32
    %cond3A_1097 = arith.constant 0 : i32
    %cond3A_1098 = arith.cmpi ne, %convert_element_type3A_1096, %cond3A_1097 : i32
    scf.if %cond3A_1098 {
      %get3A_1099 = arith.constant 0 : index
      %get3A_1100 = arith.constant 0 : index
      %get3A_1101 = vector.load %arg4[%get3A_1099, %get3A_1100] : memref<224x224xf32, #tpu.memory_space<vmem>>, vector<224x224xf32>
      %iota3A = tpu.iota {dimensions = array<i32: 1>} : vector<7x224xi32>
      %jit3A = arith.constant 32 : i32
      %div3A = vector.broadcast %jit3A : i32 to vector<7x224xi32>
      %div3A_1102 = arith.divsi %iota3A, %div3A : vector<7x224xi32>
      %sign3A = arith.constant 0 : i32
      %sign3A_1103 = vector.broadcast %sign3A : i32 to vector<7x224xi32>
      %sign3A_1104 = arith.cmpi sgt, %iota3A, %sign3A_1103 : vector<7x224xi32>
      %sign3A_1105 = arith.extui %sign3A_1104 : vector<7x224xi1> to vector<7x224xi32>
      %sign3A_1106 = arith.constant 0 : i32
      %sign3A_1107 = vector.broadcast %sign3A_1106 : i32 to vector<7x224xi32>
      %sign3A_1108 = arith.cmpi slt, %iota3A, %sign3A_1107 : vector<7x224xi32>
      %sign3A_1109 = arith.extui %sign3A_1108 : vector<7x224xi1> to vector<7x224xi32>
      %sign3A_1110 = arith.subi %sign3A_1105, %sign3A_1109 : vector<7x224xi32>
      %sign3A_1111 = arith.constant 0 : i32
      %sign3A_1112 = arith.cmpi sgt, %jit3A, %sign3A_1111 : i32
      %sign3A_1113 = arith.extui %sign3A_1112 : i1 to i32
      %sign3A_1114 = arith.constant 0 : i32
      %sign3A_1115 = arith.cmpi slt, %jit3A, %sign3A_1114 : i32
      %sign3A_1116 = arith.extui %sign3A_1115 : i1 to i32
      %sign3A_1117 = arith.subi %sign3A_1113, %sign3A_1116 : i32
      %ne3A_1118 = vector.broadcast %sign3A_1117 : i32 to vector<7x224xi32>
      %ne3A_1119 = arith.cmpi ne, %sign3A_1110, %ne3A_1118 : vector<7x224xi32>
      %rem3A = vector.broadcast %jit3A : i32 to vector<7x224xi32>
      %rem3A_1120 = arith.remsi %iota3A, %rem3A : vector<7x224xi32>
      %ne3A_1121 = arith.constant 0 : i32
      %ne3A_1122 = vector.broadcast %ne3A_1121 : i32 to vector<7x224xi32>
      %ne3A_1123 = arith.cmpi ne, %rem3A_1120, %ne3A_1122 : vector<7x224xi32>
      %and3A = arith.andi %ne3A_1119, %ne3A_1123 : vector<7x224xi1>
      %sub3A_1124 = arith.constant 1 : i32
      %sub3A_1125 = vector.broadcast %sub3A_1124 : i32 to vector<7x224xi32>
      %sub3A_1126 = arith.subi %div3A_1102, %sub3A_1125 : vector<7x224xi32>
      %select_n3A = arith.select %and3A, %sub3A_1126, %div3A_1102 : vector<7x224xi1>, vector<7x224xi32>
      %iota3A_1127 = tpu.iota {dimensions = array<i32: 0>} : vector<7x224xi32>
      %eq3A_1128 = arith.cmpi eq, %select_n3A, %iota3A_1127 : vector<7x224xi32>
      %convert_element_type3A_1129 = arith.extui %eq3A_1128 : vector<7x224xi1> to vector<7x224xi32>
      %convert_element_type3A_1130 = arith.sitofp %convert_element_type3A_1129 : vector<7x224xi32> to vector<7x224xf32>
      %iota3A_1131 = tpu.iota {dimensions = array<i32: 0>} : vector<224x7xi32>
      %jit3A_1132 = arith.constant 32 : i32
      %div3A_1133 = vector.broadcast %jit3A_1132 : i32 to vector<224x7xi32>
      %div3A_1134 = arith.divsi %iota3A_1131, %div3A_1133 : vector<224x7xi32>
      %sign3A_1135 = arith.constant 0 : i32
      %sign3A_1136 = vector.broadcast %sign3A_1135 : i32 to vector<224x7xi32>
      %sign3A_1137 = arith.cmpi sgt, %iota3A_1131, %sign3A_1136 : vector<224x7xi32>
      %sign3A_1138 = arith.extui %sign3A_1137 : vector<224x7xi1> to vector<224x7xi32>
      %sign3A_1139 = arith.constant 0 : i32
      %sign3A_1140 = vector.broadcast %sign3A_1139 : i32 to vector<224x7xi32>
      %sign3A_1141 = arith.cmpi slt, %iota3A_1131, %sign3A_1140 : vector<224x7xi32>
      %sign3A_1142 = arith.extui %sign3A_1141 : vector<224x7xi1> to vector<224x7xi32>
      %sign3A_1143 = arith.subi %sign3A_1138, %sign3A_1142 : vector<224x7xi32>
      %sign3A_1144 = arith.constant 0 : i32
      %sign3A_1145 = arith.cmpi sgt, %jit3A_1132, %sign3A_1144 : i32
      %sign3A_1146 = arith.extui %sign3A_1145 : i1 to i32
      %sign3A_1147 = arith.constant 0 : i32
      %sign3A_1148 = arith.cmpi slt, %jit3A_1132, %sign3A_1147 : i32
      %sign3A_1149 = arith.extui %sign3A_1148 : i1 to i32
      %sign3A_1150 = arith.subi %sign3A_1146, %sign3A_1149 : i32
      %ne3A_1151 = vector.broadcast %sign3A_1150 : i32 to vector<224x7xi32>
      %ne3A_1152 = arith.cmpi ne, %sign3A_1143, %ne3A_1151 : vector<224x7xi32>
      %rem3A_1153 = vector.broadcast %jit3A_1132 : i32 to vector<224x7xi32>
      %rem3A_1154 = arith.remsi %iota3A_1131, %rem3A_1153 : vector<224x7xi32>
      %ne3A_1155 = arith.constant 0 : i32
      %ne3A_1156 = vector.broadcast %ne3A_1155 : i32 to vector<224x7xi32>
      %ne3A_1157 = arith.cmpi ne, %rem3A_1154, %ne3A_1156 : vector<224x7xi32>
      %and3A_1158 = arith.andi %ne3A_1152, %ne3A_1157 : vector<224x7xi1>
      %sub3A_1159 = arith.constant 1 : i32
      %sub3A_1160 = vector.broadcast %sub3A_1159 : i32 to vector<224x7xi32>
      %sub3A_1161 = arith.subi %div3A_1134, %sub3A_1160 : vector<224x7xi32>
      %select_n3A_1162 = arith.select %and3A_1158, %sub3A_1161, %div3A_1134 : vector<224x7xi1>, vector<224x7xi32>
      %iota3A_1163 = tpu.iota {dimensions = array<i32: 1>} : vector<224x7xi32>
      %eq3A_1164 = arith.cmpi eq, %select_n3A_1162, %iota3A_1163 : vector<224x7xi32>
      %convert_element_type3A_1165 = arith.extui %eq3A_1164 : vector<224x7xi1> to vector<224x7xi32>
      %convert_element_type3A_1166 = arith.sitofp %convert_element_type3A_1165 : vector<224x7xi32> to vector<224x7xf32>
      %dot_general3A = arith.constant dense<0.000000e+00> : vector<7x224xf32>
      %dot_general3A_1167 = tpu.matmul %convert_element_type3A_1130, %get3A_1101, %dot_general3A {dimension_numbers = #tpu.dot_dimension_numbers<[1], [0], [0], [1], [0, 0, 1, 1], [], []>, precision = #tpu.contract_precision<fp32>, transpose_lhs_hint = false} : vector<7x224xf32>, vector<224x224xf32>, vector<7x224xf32> -> vector<7x224xf32>
      %dot_general3A_1168 = arith.constant dense<0.000000e+00> : vector<7x7xf32>
      %dot_general3A_1169 = tpu.matmul %dot_general3A_1167, %convert_element_type3A_1166, %dot_general3A_1168 {dimension_numbers = #tpu.dot_dimension_numbers<[1], [0], [0], [1], [0, 0, 1, 1], [], []>, precision = #tpu.contract_precision<fp32>, transpose_lhs_hint = false} : vector<7x224xf32>, vector<224x7xf32>, vector<7x7xf32> -> vector<7x7xf32>
      %broadcast_in_dim3A = arith.constant -1.000000e+00 : f32
      %broadcast_in_dim3A_1170 = vector.broadcast %broadcast_in_dim3A : f32 to vector<7x1xf32>
      %concatenate3A_1171 = tpu.concatenate %dot_general3A_1169, %broadcast_in_dim3A_1170 in 1 : vector<7x7xf32>, vector<7x1xf32> -> vector<7x8xf32>
      %broadcast_in_dim3A_1172 = arith.constant -1.000000e+00 : f32
      %broadcast_in_dim3A_1173 = vector.broadcast %broadcast_in_dim3A_1172 : f32 to vector<1x8xf32>
      %concatenate3A_1174 = tpu.concatenate %concatenate3A_1171, %broadcast_in_dim3A_1173 in 0 : vector<7x8xf32>, vector<1x8xf32> -> vector<8x8xf32>
      %swap3A = arith.constant 0 : index
      %swap3A_1175 = arith.constant 0 : index
      %swap3A_1176 = arith.constant 0 : index
      %swap3A_1177 = vector.load %arg3[%swap3A, %swap3A_1175, %swap3A_1176] : memref<1x8x8xf32, #tpu.memory_space<vmem>>, vector<1x8x8xf32>
      %swap3A_1178 = vector.shape_cast %swap3A_1177 : vector<1x8x8xf32> to vector<8x8xf32>
      %swap3A_1179 = vector.shape_cast %concatenate3A_1174 : vector<8x8xf32> to vector<1x8x8xf32>
      tpu.vector_store %arg3[%swap3A, %swap3A_1175, %swap3A_1176], %swap3A_1179 {strides = array<i32>} : memref<1x8x8xf32, #tpu.memory_space<vmem>>, vector<1x8x8xf32>,
    } else {
    }
    return
  }
  func.func @transform_0(%arg0: i32, %arg1: i32) -> (i32, i32, i32, i32, i32) {
    %c0_i32 = arith.constant 0 : i32
    %c0_i32_0 = arith.constant 0 : i32
    %c0_i32_1 = arith.constant 0 : i32
    %c0_i32_2 = arith.constant 0 : i32
    return %arg0, %arg1, %c0_i32, %c0_i32_0, %c0_i32_1 : i32, i32, i32, i32, i32
  }
  func.func @transform_1(%arg0: i32, %arg1: i32) -> (i32, i32, i32) {
    %c0_i32 = arith.constant 0 : i32
    %c0_i32_0 = arith.constant 0 : i32
    %c0_i32_1 = arith.constant 0 : i32
    return %arg0, %c0_i32, %c0_i32_0 : i32, i32, i32
  }
}

</mosaic_0001>

<sc_bundles>
// kernel: kernel.4.cloned.1.call-start
scs
__scs_entry_jumppad:
0x0: {  	(pc) =	sbr.rel $0x88, $3  }
0x1: {  	(tag) =	ssettag $0x0;
	lr =	simm.s32 $0x1  }
0x2: {  	[smem:$0x3FA0] =	sst lr;
	_ =	strace $0xD0000000  }
0x3: {  	_ = 	snop  }
0x4: {  	_ = 	snop  }
0x5: {  	_ = 	snop  }
0x6: {  	_ = 	snop  }
0x7: {  	_ = 	snop  }
__scs_overlays_trampoline_lowered:
0x8: {  	[smem:$0x3FAF] =	sst s0  }
0x9: {  	[smem:$0x3FB0] =	sst s1  }
0xa: {  	[smem:$0x3FB1] =	sst s2  }
0xb: {  	[smem:$0x3FB2] =	sst s3  }
0xc: {  	[smem:$0x3FB3] =	sst s4  }
0xd: {  	[smem:$0x3FB4] =	sst s5  }
0xe: {  	[smem:$0x3FB5] =	sst s6  }
0xf: {  	[smem:$0x3FB6] =	sst s7  }
0x10: {  	[smem:$0x3FB7] =	sst s8  }
0x11: {  	[smem:$0x3FB8] =	sst s9;
	s0 =	simm.s32 @!p0 $0x0  }
0x12: {  	s1 =	sld [smem:$0x3F9E];
	s0 =	simm.s32 @p0 $0x1  }
0x13: {  	[smem:$0x3FB9] =	sst s0;
	s0 =	simm.s32 @!p1 $0x0  }
0x14: {  	s2 =	sld [smem:$0x3F9D];
	s0 =	simm.s32 @p1 $0x1  }
0x15: {  	[smem:$0x3FBA] =	sst s0;
	s0 =	simm.s32 @!p2 $0x0  }
0x16: {  	s3 =	sld [smem:$0x3FDB];
	s0 =	simm.s32 @p2 $0x1  }
0x17: {  	s4 =	simm.s32 $0x1BF5;
	[smem:$0x3FBC] =	sst s0  }
0x18: {  	s0 =	sld [smem:$0x3F9F];
	_ =	swait.ge [sflag:s4], $0x0  }
0x19: {  	s7 =	sld [smem:$0x3FA0]  }
0x1a: {  	s8 =	sadd.s32 $0xFFFFE003, lr  }
0x1b: {  	s9 =	sadd.s32 $0xFFFFFEF7, lr;
	s5 =	simm.s32 $0xFFFFFFFF;
	p2 =	slt.u32 s8, $0xFFFFF086  }
0x1c: {  	p1 =	slt.u32 s9, $0xF7A;
	s5 =	simm.s32 @!p2 $0x0  }
0x1d: {  	s5 =	simm.s32 @p1 $0x1;
	p0 =	seq.s32 s7, s2  }
0x1e: {  	s7 =	smul.u32 @!p0 $0xF7A, s2;
	p2 =	seq.s32 @!p0 s5, $0x0  }
0x1f: {  	s9 =	smul.u32 $0xF7A, s1;
	s8 =	simm.s32 @!p0 $0x1BF5;
	p2 =	por !p2, p0  }
0x20: {  	[sflag:s8] =	ssyncset.s32 @!p0 $0xFFFFF086;
	s6 =	sadd.s32 @!p0 s3, s7;
	s7 =	simm.s32 @!p0 $0x108  }
0x21: {  	s3 =	sadd.s32 s3, s9;
	s6 =	sadd.s32 @!p0 $0x88, s6;
	s7 =	simm.s32 @p2 $0x1082  }
0x22: {  	[simem:s7], [sflag:s8] =	dma.local @!p0 [hbm:s6], $0xF7A  }
0x23: {  	s9 =	sor.u32 $0xD0000000, s2;
	s6 =	simm.s32 $0x108;
	_ =	swait.ge @!p0 [sflag:s8], $0x0  }
0x24: {  	s3 =	sadd.s32 $0x88, s3;
	s6 =	simm.s32 @!p1 $0x1082;
	[sflag:s4] =	ssyncset.s32 $0xFFFFF086  }
0x25: {  	[simem:s6], [sflag:s4] =	dma.local [hbm:s3], $0xF7A  }
0x26: {  	[smem:$0x3FA0] =	sst s1;
	(tag) =	ssettag s2;
	_ =	strace s9  }
0x27: {  	s1 =	sld [smem:$0x3FB0]  }
0x28: {  	s2 =	sld [smem:$0x3FB1]  }
0x29: {  	s4 =	sld [smem:$0x3FB3]  }
0x2a: {  	p0 =	seq.s32 s5, $0x0;
	s5 =	sld [smem:$0x3FB4]  }
0x2b: {  	s6 =	sld [smem:$0x3FB5]  }
0x2c: {  	s7 =	sld [smem:$0x3FB6]  }
0x2d: {  	s3 =	simm.s32 $0x108;
	s8 =	sld [smem:$0x3FB7]  }
0x2e: {  	s3 =	simm.s32 @!p0 $0x1082;
	s9 =	sld [smem:$0x3FB8]  }
0x2f: {  	lr =	sadd.s32 s0, s3;
	s0 =	sld [smem:$0x3FAF]  }
0x30: {  	s3 =	sld [smem:$0x3FB2]  }
0x31: {  	[smem:$0x3FBB] =	sst s10  }
0x32: {  	s10 =	sld [smem:$0x3FB9];
	_ =	sdelay $0x3  }
0x33: {  	p0 =	seq.s32 s10, $0x1;
	s10 =	sld [smem:$0x3FBB];
	_ =	sdelay $0x3  }
0x34: {  	[smem:$0x3FBB] =	sst s10  }
0x35: {  	s10 =	sld [smem:$0x3FBA];
	_ =	sdelay $0x3  }
0x36: {  	p1 =	seq.s32 s10, $0x1;
	s10 =	sld [smem:$0x3FBB];
	_ =	sdelay $0x3  }
0x37: {  	[smem:$0x3FBB] =	sst s10  }
0x38: {  	s10 =	sld [smem:$0x3FBC]  }
0x39: {  	_ = 	snop;
	(pc) =	sbr.ind lr, $3  }
0x3a: {  	_ = 	snop  }
0x3b: {  	_ = 	snop  }
0x3c: {  	p2 =	seq.s32 s10, $0x1;
	s10 =	sld [smem:$0x3FBB]  }
0x3d: {  	_ =	shalt  }
0x3e: {  	_ =	shalt  }
0x3f: {  	_ =	shalt  }
0x40: {  	_ =	shalt  }
0x41: {  	_ =	shalt  }
0x42: {  	_ =	shalt  }
0x43: {  	_ =	shalt  }
0x44: {  	_ =	shalt  }
0x45: {  	_ =	shalt  }
0x46: {  	_ =	shalt  }
0x47: {  	_ =	shalt  }
0x48: {  	_ =	shalt  }
0x49: {  	_ =	shalt  }
0x4a: {  	_ =	shalt  }
0x4b: {  	_ =	shalt  }
0x4c: {  	_ =	shalt  }
0x4d: {  	_ =	shalt  }
0x4e: {  	_ =	shalt  }
0x4f: {  	_ =	shalt  }
0x50: {  	_ =	shalt  }
0x51: {  	_ =	shalt  }
0x52: {  	_ =	shalt  }
0x53: {  	_ =	shalt  }
0x54: {  	_ =	shalt  }
0x55: {  	_ =	shalt  }
0x56: {  	_ =	shalt  }
0x57: {  	_ =	shalt  }
0x58: {  	_ =	shalt  }
0x59: {  	_ =	shalt  }
0x5a: {  	_ =	shalt  }
0x5b: {  	_ =	shalt  }
0x5c: {  	_ =	shalt  }
0x5d: {  	_ =	shalt  }
0x5e: {  	_ =	shalt  }
0x5f: {  	_ =	shalt  }
0x60: {  	_ =	shalt  }
0x61: {  	_ =	shalt  }
0x62: {  	_ =	shalt  }
0x63: {  	_ =	shalt  }
0x64: {  	_ =	shalt  }
0x65: {  	_ =	shalt  }
0x66: {  	_ =	shalt  }
0x67: {  	_ =	shalt  }
0x68: {  	_ =	shalt  }
0x69: {  	_ =	shalt  }
0x6a: {  	_ =	shalt  }
0x6b: {  	_ =	shalt  }
0x6c: {  	_ =	shalt  }
0x6d: {  	_ =	shalt  }
0x6e: {  	_ =	shalt  }
0x6f: {  	_ =	shalt  }
0x70: {  	_ =	shalt  }
0x71: {  	_ =	shalt  }
0x72: {  	_ =	shalt  }
0x73: {  	_ =	shalt  }
0x74: {  	_ =	shalt  }
0x75: {  	_ =	shalt  }
0x76: {  	_ =	shalt  }
0x77: {  	_ =	shalt  }
0x78: {  	_ =	shalt  }
0x79: {  	_ =	shalt  }
0x7a: {  	_ =	shalt  }
0x7b: {  	_ =	shalt  }
0x7c: {  	_ =	shalt  }
0x7d: {  	_ =	shalt  }
0x7e: {  	_ =	shalt  }
0x7f: {  	_ =	shalt  }
0x80: {  	_ =	shalt  }
0x81: {  	_ =	shalt  }
0x82: {  	_ =	shalt  }
0x83: {  	_ =	shalt  }
0x84: {  	_ =	shalt  }
0x85: {  	_ =	shalt  }
0x86: {  	_ =	shalt  }
0x87: {  	_ =	shalt  }
.Lfunc_end0:
.L_simem_size_0:
called_computation_lowered:
.L_overlay_start_0:
0x88: {  	s2 =	sld [smem:$0x3FD9]  }
0x89: {  	s3 =	sld [smem:$0x3FFE];
	_ =	sdelay $0x1  }
0x8a: {  	s1 =	srdreg.scid  }
0x8b: {  	s0 =	sand.u32 $0x1, s1  }
0x8c: {  	s17 =	sshll.u32 s0, $0xA;
	s2 =	sadd.s32 s3, s2  }
0x8d: {  	s2 =	sadd.s32 s2, s17  }
0x8e: {  	[smem:$0x3FC7] =	sst s2  }
0x8f: {  	_ = 	snop  }
0x90: {  	s2 =	sld [smem:$0x3FD0];
	(tm) =	ssettm $0x1  }
0x91: {  	s18 =	sld [smem:$0x3FFB];
	_ =	sdelay $0x3  }
0x92: {  	_ =	strace s18  }
0x93: {  	s3 =	sld [smem:$0x3FFC];
	_ =	sdelay $0x3  }
0x94: {  	_ =	strace s3  }
0x95: {  	s3 =	sld [smem:$0x3FFD];
	_ =	sdelay $0x3  }
0x96: {  	_ =	strace s3  }
0x97: {  	_ =	strace $0x8FFFFFFF  }
0x98: {  	s19 =	sld [smem:$0x3FDB];
	_ =	sdelay $0x1  }
0x99: {  	s4 =	simm.s32 $_scs_section_size  }
0x9a: {  	s5 =	simm.s32 $_size__tile_overlayer_lowered;
	s6 =	simm.s32 $_tile_overlayer_lowered  }
0x9b: {  	s22 =	simm.s32 $0x1BFF;
	s21 =	sshll.u32 s6, $0x1;
	s3 =	sadd.s32 s4, s19  }
0x9c: {  	s7 =	simm.s32 $0x0;
	s20 =	sshll.u32 s5, $0x1;
	s5 =	sadd.s32 s21, s3  }
0x9d: {  	[timem:s7], [sflag:s22] =	dma.local [hbm:s5], s20  }
0x9e: {  	_ =	swait.ge [sflag:s22], s20  }
0x9f: {  	s4 =	ssub.s32 $0x0, s20;
	[sflag:s22] =	ssyncset.done $0x0  }
0xa0: {  	[sflag:s22] =	ssyncadd.s32 s4;
	_ =	sdelay $0x1  }
0xa1: {  	s23 =	simm.s32 $0x1B8B  }
0xa2: {  	_ =	swait.ge [sflag:s23], $0x1  }
0xa3: {  	[sflag:s23] =	ssyncset.done $0x0  }
0xa4: {  	s25 =	simm.s32 $0x1B8E;
	s24 =	sld [smem:$0x3FFE];
	[sflag:s23] =	ssyncadd.s32 $0xFFFFFFFF  }
0xa5: {  	s26 =	simm.s32 $execute0_lowered;
	[smem:$0x3FD2] =	sst s25  }
0xa6: {  	s5 =	sshll.u32 s26, $0x1;
	_ =	strace $0x80000046;
	[dreg:$0x1] =	wrdreg $0xFFFFFFFF  }
0xa7: {  	s28 =	simm.s32 $_size_execute0_lowered;
	s3 =	sadd.s32 s3, s5;
	[dreg:$0x0] =	wrdreg $0x0  }
0xa8: {  	s5 =	sshll.u32 s28, $0x1;
	[dreg:$0x2] =	wrdreg s3  }
0xa9: {  	[dreg:$0x3] =	wrdreg s5  }
0xaa: {  	[dreg:$0x4] =	wrdreg $0xC0  }
0xab: {  	_ =	task [dreg:s7], $0x5FFFF  }
0xac: {  	[dreg:$0x1] =	wrdreg $0xFFFFFFFF  }
0xad: {  	[dreg:$0x0] =	wrdreg $0x60  }
0xae: {  	[dreg:$0x2] =	wrdreg s2  }
0xaf: {  	[dreg:$0x3] =	wrdreg s24  }
0xb0: {  	[dreg:$0x4] =	wrdreg $0x9  }
0xb1: {  	_ =	task.clear_ibuf [dreg:s7], $0x5FFFF;
	_ =	strace $0x90000046  }
0xb2: {  	s29 =	simm.s32 $0x9;
	_ =	strace $0x80000048  }
0xb3: {  	_ =	swait.ge [sflag:s29], $0x1  }
0xb4: {  	[sflag:s29] =	ssyncadd.s32 $0xFFFFFFFF  }
0xb5: {  	_ =	strace $0x90000048  }
0xb6: {  	_ =	sfence  }
0xb7: {  	s30 =	sld [smem:$0x0];
	_ =	sdelay $0x2  }
0xb8: {  	s31 =	sshll.u32 s1, $0xD;
	s1 =	sshrl.u32 s1, $0x2  }
0xb9: {  	s3 =	sand.u32 $0x4000, s31;
	s1 =	sadd.s32 s1, s30  }
0xba: {  	s0 =	sor.u32 s3, s0;
	s1 =	sshll.u32 s1, $0x11  }
0xbb: {  	s0 =	sor.u32 s1, s0  }
0xbc: {  	s0 =	sadd.s32 $0x8F2B, s0  }
0xbd: {  	[sflag:s0] =	ssyncadd.remote.s32 $0x1  }
0xbe: {  	_ =	sfence.sel $0xFFFF  }
0xbf: {  	[dreg:$0x0] =	wrdreg $0xFFFFFFFF;
	(pc) =	sbr.abs _section_cstart, $3  }
0xc0: {  	[dreg:$0x1] =	wrdreg $0xFFFFFFFF  }
0xc1: {  	_ =	task.clear_ibuf [dreg:s7], $0x2FFFF;
	_ =	strace $0x9FFFFFFF  }
0xc2: {  	(tm) =	ssettm $0x7FFFFFFF  }
0xc3: {  	_ =	shalt  }
tec
execute0_lowered:
.L_overlay_start_1:
0x0: {  	(tag) =	ssettag $0x1  }
0x1: {  	s1 =	stileid.u32  }
0x2: {  	p0 =	sgt.u32 s1, $0x7  }
.Ltmp0:
0x3: {  	_ = 	snop;
	(pc) =	sbr.rel @p0 .LBB2_3-.Ltmp0, $4  }
0x4: {  	s4 =	rddreg [dreg:$0x0]  }
0x5: {  	s3 =	rddreg [dreg:$0x1];
	s2 =	simm.s32 $0x0  }
0x6: {  	[smem:$0x7FF] =	sst s2  }
0x7: {  	s0 =	rddreg [dreg:$0x2];
	_ =	strace $0x80000047  }
0x8: {  	v0 =	vimm.s32 $0x0;
	s5 =	srdreg.scid  }
0x9: {  	v1 =	vimm.s32 $0x1;
	v2 =	vimm.s32 $0x2;
	v3 =	vimm.s32 $0x3;
	s5 =	sand.u32 $0x1, s5  }
0xa: {  	v4 =	vimm.s32 $0x4;
	v5 =	vimm.s32 $0x5;
	v6 =	vimm.s32 $0x6;
	s6 =	sshll.u32 s1, $0x5;
	s7 =	sshll.u32 s5, $0x4;
	s5 =	ssub.s32 $0x2, s5  }
0xb: {  	v7 =	vimm.s32 $0x8;
	v8 =	vimm.s32 $0x9;
	v9 =	vimm.s32 $0xA;
	s6 =	sor.u32 s7, s6;
	s31 =	sshrl.u32 s5, $0x1;
	s7 =	simm.s32 $0x80  }
0xc: {  	v10 =	vimm.s32 $0xB;
	v11 =	vimm.s32 $0xC;
	v12 =	vimm.s32 $0xD;
	s3 =	sadd.s32 s6, s3;
	s5 =	ssub.s32 s5, s31;
	s4 =	sadd.s32 s4, s6  }
0xd: {  	v13 =	vimm.s32 $0xE;
	v14 =	vimm.f32 $0.0e+00;
	vm12 =	vcmask $0x3F24;
	s6 =	simm.s32 $0x1;
	s3 =	sadd.s32 $0x400, s3;
	s5 =	smax.u32 s5, $0x1  }
.LBB2_2:
0xe: {  	[tilespmem:s2], [sflag:$0x1] =	stream.linear.gather [hbm4b:s4+s2], $0x80, $0x38;
	[tilespmem:$0x100] =	vst v63  }
0xf: {  	_ =	swait.ge [sflag:s6], $0x80  }
0x10: {  	[sflag:s6] =	ssyncset.done $0x0  }
0x11: {  	[sflag:s6] =	ssyncadd.s32 $0xFFFFFF80  }
0x12: {  	v18 =	vld [tilespmem:$0x0];
	_ =	sdelay $0x4  }
0x13: {  	v16 =	vld [tilespmem:$0x10];
	v19 =	vperm.xlane v18, v0;
	v20 =	vperm.xlane v18, v1  }
0x14: {  	vm1 =	vcmask $0x3F04;
	v15 =	vld [tilespmem:$0x30];
	v25 =	vperm.xlane v18, v2;
	v26 =	vperm.xlane v18, v3  }
0x15: {  	vm4 =	vcmask $0x3F10;
	v17 =	vld [tilespmem:$0x20];
	v60 =	vperm.xlane v18, v4;
	v28 =	vperm.xlane v18, v5  }
0x16: {  	vm6 =	vcmask $0x3F18;
	v34 =	vperm.xlane v18, v6;
	v39 =	vperm.xlane v18, v7  }
0x17: {  	vm13 =	vcmask $0x3F2C;
	v43 =	vperm.xlane v18, v8;
	v49 =	vperm.xlane v18, v9  }
0x18: {  	vm7 =	veq.f32 v19, v18;
	vm14 =	vgt.f32 v19, v18;
	vm2 =	vge.f32 v19, v16  }
0x19: {  	vm15 =	vge.f32 v19, v15;
	vm8 =	vgt.f32 v20, v18;
	vm9 =	vge.f32 v20, v16  }
0x1a: {  	vm10 =	vge.f32 v20, v17;
	vm11 =	vge.f32 v25, v16;
	vm0 =	vge.f32 v25, v17  }
0x1b: {  	vm5 =	vge.f32 v26, v16;
	vm7 =	vmand vm7, vm1;
	v22 =	vsel vm2, $0x1, v0  }
0x1c: {  	vm2 =	vcmask $0x3F08;
	v23 =	vsel vm15, $0x1, v0;
	v52 =	vsel vm9, $0x1, v0  }
0x1d: {  	v53 =	vsel vm10, $0x1, v0;
	v55 =	vsel vm11, $0x1, v0;
	v56 =	vsel vm0, $0x1, v0  }
0x1e: {  	vm1 =	vge.f32 v25, v15;
	vm0 =	veq.f32 v26, v18;
	v59 =	vsel vm5, $0x1, v0  }
0x1f: {  	vm5 =	vcmask $0x3F14;
	vm10 =	vge.f32 v60, v16;
	vm11 =	vge.f32 v60, v17  }
0x20: {  	vm7 =	vmor vm14, vm7;
	vm14 =	veq.f32 v20, v18;
	v22 =	vadd.s32 v22, v52  }
0x21: {  	v57 =	vsel vm1, $0x1, v0;
	vm1 =	vgt.f32 v26, v18;
	v29 =	vsel vm10, $0x1, v0  }
0x22: {  	v30 =	vsel vm11, $0x1, v0;
	vm11 =	vge.f32 v28, v16;
	vm10 =	vge.f32 v39, v16  }
0x23: {  	v21 =	vsel vm7, $0x1, v0;
	vm7 =	vge.f32 v19, v17;
	vm14 =	vmand vm14, vm2  }
0x24: {  	v22 =	vadd.s32 v55, v22;
	v33 =	vsel vm11, $0x1, v0;
	vm11 =	vcmask $0x3F24  }
0x25: {  	v44 =	vsel vm10, $0x1, v0;
	vm10 =	vge.f32 v43, v16;
	v51 =	vsel vm7, $0x1, v0  }
0x26: {  	vm3 =	vmor vm8, vm14;
	vm7 =	veq.f32 v25, v18;
	vm8 =	vge.f32 v20, v15  }
0x27: {  	vm14 =	vgt.f32 v25, v18;
	v22 =	vadd.s32 v59, v22;
	v48 =	vsel vm10, $0x1, v0  }
0x28: {  	v24 =	vsel vm3, $0x1, v0;
	vm3 =	vcmask $0x3F0C;
	v19 =	vadd.s32 v51, v53  }
0x29: {  	v20 =	vsel vm8, $0x1, v0;
	vm8 =	vmand vm0, vm4;
	vm0 =	vge.f32 v26, v17  }
0x2a: {  	v22 =	vadd.s32 v29, v22;
	v21 =	vadd.s32 v21, v24;
	vm7 =	vmand vm7, vm3  }
0x2b: {  	v20 =	vadd.s32 v23, v20;
	v19 =	vadd.s32 v56, v19;
	v61 =	vsel vm0, $0x1, v0  }
0x2c: {  	vm0 =	veq.f32 v60, v18;
	v22 =	vadd.s32 v33, v22;
	v33 =	vperm.xlane v18, v13  }
0x2d: {  	vm4 =	vmmov vm3;
	vm7 =	vmor vm14, vm7;
	v20 =	vadd.s32 v57, v20  }
0x2e: {  	v19 =	vadd.s32 v61, v19;
	vm14 =	vgt.f32 v28, v18;
	v54 =	vsel vm7, $0x1, v0  }
0x2f: {  	vm7 =	vmor vm1, vm8;
	vm1 =	vge.f32 v26, v15;
	vm8 =	vmand vm0, vm5  }
0x30: {  	vm0 =	veq.f32 v28, v18;
	v19 =	vadd.s32 v30, v19;
	vm5 =	vge.f32 v34, v16  }
0x31: {  	vm15 =	vge.f32 v33, v17;
	v21 =	vadd.s32 v54, v21;
	v58 =	vsel vm7, $0x1, v0  }
0x32: {  	v62 =	vsel vm1, $0x1, v0;
	vm1 =	vgt.f32 v60, v18;
	v38 =	vsel vm5, $0x1, v0  }
0x33: {  	vm5 =	vge.f32 v49, v16;
	v54 =	vperm.xlane v18, v10;
	v21 =	vadd.s32 v58, v21  }
0x34: {  	v20 =	vadd.s32 v62, v20;
	vm7 =	vmor vm1, vm8;
	vm1 =	vge.f32 v60, v15  }
0x35: {  	vm8 =	veq.f32 v34, v18;
	v22 =	vadd.s32 v38, v22;
	v53 =	vsel vm5, $0x1, v0  }
0x36: {  	v58 =	vperm.xlane v18, v11;
	v38 =	vimm.s32 $0x0;
	v63 =	vsel vm7, $0x1, v0  }
0x37: {  	vm7 =	vmand vm0, vm6;
	v31 =	vsel vm1, $0x1, v0;
	vm0 =	vge.f32 v28, v17  }
0x38: {  	vm1 =	vge.f32 v28, v15;
	v22 =	vadd.s32 v44, v22;
	vm9 =	vge.f32 v54, v16  }
0x39: {  	vm10 =	vge.f32 v54, v17;
	vm6 =	vcmask $0x3F3C;
	v21 =	vadd.s32 v63, v21  }
0x3a: {  	vm7 =	vmor vm14, vm7;
	v20 =	vadd.s32 v31, v20;
	v35 =	vsel vm0, $0x1, v0  }
0x3b: {  	v36 =	vsel vm1, $0x1, v0;
	vm0 =	vcmask $0x3F1C;
	vm1 =	vge.f32 v34, v15  }
0x3c: {  	vm14 =	vgt.f32 v43, v18;
	v22 =	vadd.s32 v48, v22;
	v59 =	vsel vm9, $0x1, v0  }
0x3d: {  	v60 =	vsel vm10, $0x1, v0;
	vm10 =	vcmask $0x3F34;
	v63 =	vperm.xlane v18, v12  }
0x3e: {  	vm9 =	vcmask $0x3F38;
	v32 =	vsel vm7, $0x1, v0;
	v19 =	vadd.s32 v35, v19  }
0x3f: {  	vm7 =	vgt.f32 v34, v18;
	vm8 =	vmand vm8, vm0;
	v20 =	vadd.s32 v36, v20  }
0x40: {  	vm0 =	vge.f32 v34, v17;
	v41 =	vsel vm1, $0x1, v0;
	vm1 =	vgt.f32 v39, v18  }
0x41: {  	v22 =	vadd.s32 v53, v22;
	v21 =	vadd.s32 v32, v21;
	vm7 =	vmor vm7, vm8  }
0x42: {  	v40 =	vsel vm0, $0x1, v0;
	vm0 =	veq.f32 v39, v18;
	v20 =	vadd.s32 v41, v20  }
0x43: {  	v22 =	vadd.s32 v59, v22;
	vm5 =	vge.f32 v63, v15;
	v37 =	vsel vm7, $0x1, v0  }
0x44: {  	vm8 =	vmand vm0, vm11;
	v19 =	vadd.s32 v40, v19;
	vm11 =	vge.f32 v39, v17  }
0x45: {  	vm0 =	veq.f32 v43, v18;
	v35 =	vsel vm5, $0x1, v0;
	vm5 =	vcmask $0x3F04  }
0x46: {  	v21 =	vadd.s32 v37, v21;
	vm7 =	vmor vm1, vm8;
	v45 =	vsel vm11, $0x1, v0  }
0x47: {  	vm1 =	vge.f32 v39, v15;
	vm11 =	vcmask $0x3F28;
	v37 =	vperm.xlane v16, v0  }
0x48: {  	v39 =	vsel vm15, $0x1, v0;
	v42 =	vsel vm7, $0x1, v0;
	vm7 =	vmand vm0, vm11  }
0x49: {  	v19 =	vadd.s32 v45, v19;
	v46 =	vsel vm1, $0x1, v0;
	vm0 =	vge.f32 v43, v17  }
0x4a: {  	vm1 =	vge.f32 v43, v15;
	v21 =	vadd.s32 v42, v21;
	vm7 =	vmor vm14, vm7  }
0x4b: {  	v20 =	vadd.s32 v46, v20;
	v50 =	vsel vm0, $0x1, v0;
	vm0 =	veq.f32 v49, v18  }
0x4c: {  	v51 =	vsel vm1, $0x1, v0;
	vm1 =	vgt.f32 v49, v18;
	vm14 =	vgt.f32 v58, v18  }
0x4d: {  	vm15 =	vgt.f32 v37, v18;
	v42 =	vperm.xlane v16, v1;
	v47 =	vsel vm7, $0x1, v0  }
0x4e: {  	v19 =	vadd.s32 v50, v19;
	vm8 =	vmand vm0, vm13;
	v20 =	vadd.s32 v51, v20  }
0x4f: {  	vm0 =	vge.f32 v49, v17;
	vm13 =	vcmask $0x3F30;
	v21 =	vadd.s32 v47, v21  }
0x50: {  	vm7 =	vmor vm1, vm8;
	v55 =	vsel vm0, $0x1, v0;
	vm1 =	vge.f32 v49, v15  }
0x51: {  	vm0 =	veq.f32 v54, v18;
	v52 =	vsel vm7, $0x1, v0;
	v56 =	vsel vm1, $0x1, v0  }
0x52: {  	vm1 =	vgt.f32 v54, v18;
	vm8 =	vmand vm0, vm13;
	v19 =	vadd.s32 v55, v19  }
0x53: {  	vm0 =	veq.f32 v58, v18;
	v21 =	vadd.s32 v52, v21;
	v20 =	vadd.s32 v56, v20  }
0x54: {  	vm7 =	vmor vm1, vm8;
	vm1 =	vge.f32 v54, v15;
	v19 =	vadd.s32 v60, v19  }
0x55: {  	v57 =	vsel vm7, $0x1, v0;
	vm7 =	vmand vm0, vm10;
	v61 =	vsel vm1, $0x1, v0  }
0x56: {  	vm0 =	vge.f32 v58, v16;
	vm1 =	vge.f32 v58, v17;
	v21 =	vadd.s32 v57, v21  }
0x57: {  	vm7 =	vmor vm14, vm7;
	v20 =	vadd.s32 v61, v20;
	v28 =	vsel vm0, $0x1, v0  }
0x58: {  	vm0 =	veq.f32 v63, v18;
	v29 =	vsel vm1, $0x1, v0;
	vm1 =	vgt.f32 v63, v18  }
0x59: {  	vm14 =	vge.f32 v58, v15;
	v62 =	vsel vm7, $0x1, v0;
	v22 =	vadd.s32 v28, v22  }
0x5a: {  	vm8 =	vmand vm0, vm9;
	v23 =	vadd.s32 v29, v19;
	v30 =	vsel vm14, $0x1, v0  }
0x5b: {  	vm0 =	vge.f32 v63, v16;
	vm14 =	vge.f32 v33, v16;
	v21 =	vadd.s32 v62, v21  }
0x5c: {  	vm7 =	vmor vm1, vm8;
	v20 =	vadd.s32 v30, v20;
	v32 =	vsel vm0, $0x1, v0  }
0x5d: {  	vm1 =	vge.f32 v63, v17;
	vm0 =	veq.f32 v33, v18;
	v36 =	vsel vm14, $0x1, v0  }
0x5e: {  	vm14 =	vmmov vm13;
	v31 =	vsel vm7, $0x1, v0;
	v34 =	vsel vm1, $0x1, v0  }
0x5f: {  	v20 =	vadd.s32 v35, v20;
	vm1 =	vgt.f32 v33, v18;
	vm7 =	vmand vm0, vm6  }
0x60: {  	vm0 =	veq.f32 v37, v16;
	vm6 =	vmmov vm2;
	v35 =	vperm.xlane v16, v10  }
0x61: {  	v19 =	vadd.s32 v31, v21;
	v21 =	vadd.s32 v32, v22;
	v22 =	vadd.s32 v34, v23  }
0x62: {  	vm9 =	vmor vm1, vm7;
	vm1 =	vge.f32 v33, v15;
	vm8 =	vmand vm0, vm5  }
0x63: {  	vm0 =	vge.f32 v37, v17;
	v32 =	vperm.xlane v16, v9;
	v26 =	vsel vm9, $0xFFFFFFFF, v38  }
0x64: {  	v21 =	vadd.s32 v36, v21;
	v22 =	vadd.s32 v39, v22;
	v40 =	vsel vm1, $0x1, v0  }
0x65: {  	vm1 =	vgt.f32 v37, v16;
	v43 =	vsel vm0, $0x1, v0;
	vm0 =	veq.f32 v42, v16  }
0x66: {  	vm9 =	vge.f32 v42, v17;
	v36 =	vperm.xlane v16, v11;
	v23 =	vadd.s32 v40, v20  }
0x67: {  	vm7 =	vmor vm1, vm8;
	v20 =	vsel vm15, $0x1, v0;
	v22 =	vadd.s32 v43, v22  }
0x68: {  	vm1 =	vge.f32 v37, v15;
	vm8 =	vmand vm0, vm2;
	vm15 =	vgt.f32 v42, v18  }
0x69: {  	v46 =	vsel vm9, $0x1, v0;
	v43 =	vperm.xlane v16, v12;
	v41 =	vsel vm7, $0x1, v0  }
0x6a: {  	v44 =	vsel vm1, $0x1, v0;
	vm1 =	vgt.f32 v42, v16;
	v25 =	vadd.s32 v46, v22  }
0x6b: {  	v22 =	vperm.xlane v16, v3;
	v19 =	vadd.s32 v20, v19;
	v24 =	vadd.s32 v41, v21  }
0x6c: {  	v23 =	vadd.s32 v44, v23;
	vm7 =	vmor vm1, vm8;
	vm1 =	vge.f32 v42, v15  }
0x6d: {  	[tilespmem:$0x1FFF0] =	vst v26;
	v21 =	vperm.xlane v16, v2;
	v45 =	vsel vm7, $0x1, v0;
	v26 =	vsel vm1, $0x1, v0  }
0x6e: {  	vm8 =	veq.f32 v22, v16;
	vm1 =	vge.f32 v22, v17;
	v24 =	vadd.s32 v45, v24  }
0x6f: {  	vm0 =	veq.f32 v21, v16;
	vm2 =	vgt.f32 v21, v16;
	vm9 =	vge.f32 v21, v17  }
0x70: {  	v26 =	vadd.s32 v26, v23;
	v23 =	vperm.xlane v16, v4;
	v28 =	vsel vm1, $0x1, v0  }
0x71: {  	vm1 =	vcmask $0x3F14;
	vm7 =	vmand vm0, vm3;
	v47 =	vsel vm9, $0x1, v0  }
0x72: {  	vm0 =	vge.f32 v21, v15;
	vm3 =	vcmask $0x3F10;
	vm7 =	vmor vm2, vm7  }
0x73: {  	v25 =	vadd.s32 v47, v25;
	v48 =	vsel vm0, $0x1, v0;
	vm8 =	vmand vm8, vm3  }
0x74: {  	vm9 =	vgt.f32 v23, v16;
	vm2 =	vge.f32 v23, v17;
	v27 =	vsel vm7, $0x1, v0  }
0x75: {  	vm7 =	vgt.f32 v22, v16;
	v26 =	vadd.s32 v48, v26;
	v25 =	vadd.s32 v28, v25  }
0x76: {  	v52 =	vsel vm2, $0x1, v0;
	vm2 =	vcmask $0x3F18;
	v24 =	vadd.s32 v27, v24  }
0x77: {  	vm7 =	vmor vm7, vm8;
	vm8 =	vge.f32 v22, v15;
	v28 =	vadd.s32 v52, v25  }
0x78: {  	v25 =	vperm.xlane v16, v6;
	v49 =	vsel vm7, $0x1, v0;
	vm7 =	veq.f32 v23, v16  }
0x79: {  	v50 =	vsel vm8, $0x1, v0;
	vm8 =	vge.f32 v23, v15;
	v27 =	vadd.s32 v49, v24  }
0x7a: {  	vm7 =	vmand vm7, vm1;
	v24 =	vperm.xlane v16, v5;
	v26 =	vadd.s32 v50, v26  }
0x7b: {  	v29 =	vsel vm8, $0x1, v0;
	vm8 =	veq.f32 v25, v16;
	vm7 =	vmor vm9, vm7  }
0x7c: {  	v29 =	vadd.s32 v29, v26;
	v26 =	vperm.xlane v16, v7;
	v51 =	vsel vm7, $0x1, v0  }
0x7d: {  	vm7 =	veq.f32 v24, v16;
	vm9 =	vgt.f32 v24, v16;
	vm0 =	vge.f32 v24, v15  }
0x7e: {  	v27 =	vadd.s32 v51, v27;
	vm7 =	vmand vm7, vm2;
	v54 =	vsel vm0, $0x1, v0  }
0x7f: {  	vm0 =	vcmask $0x3F1C;
	vm7 =	vmor vm9, vm7;
	vm9 =	vge.f32 v24, v17  }
0x80: {  	vm8 =	vmand vm8, vm0;
	v29 =	vadd.s32 v54, v29;
	v30 =	vsel vm7, $0x1, v0  }
0x81: {  	v53 =	vsel vm9, $0x1, v0;
	vm7 =	vgt.f32 v25, v16;
	vm9 =	vgt.f32 v26, v16  }
0x82: {  	v27 =	vadd.s32 v30, v27;
	vm7 =	vmor vm7, vm8;
	vm8 =	vge.f32 v25, v17  }
0x83: {  	v28 =	vadd.s32 v53, v28;
	v55 =	vsel vm7, $0x1, v0;
	v31 =	vsel vm8, $0x1, v0  }
0x84: {  	vm7 =	veq.f32 v26, v16;
	vm8 =	vge.f32 v25, v15;
	v30 =	vadd.s32 v55, v27  }
0x85: {  	v28 =	vadd.s32 v31, v28;
	vm7 =	vmand vm7, vm12;
	v56 =	vsel vm8, $0x1, v0  }
0x86: {  	v27 =	vperm.xlane v16, v8;
	vm8 =	vge.f32 v26, v15;
	vm7 =	vmor vm9, vm7  }
0x87: {  	v29 =	vadd.s32 v56, v29;
	vm9 =	vge.f32 v26, v17;
	v59 =	vsel vm8, $0x1, v0  }
0x88: {  	vm8 =	veq.f32 v32, v16;
	v57 =	vsel vm7, $0x1, v0;
	v58 =	vsel vm9, $0x1, v0  }
0x89: {  	vm7 =	veq.f32 v27, v16;
	vm9 =	vgt.f32 v27, v16;
	v29 =	vadd.s32 v59, v29  }
0x8a: {  	v30 =	vadd.s32 v57, v30;
	vm7 =	vmand vm7, vm11;
	vm11 =	vge.f32 v27, v17  }
0x8b: {  	v28 =	vadd.s32 v58, v28;
	vm7 =	vmor vm9, vm7;
	v60 =	vsel vm11, $0x1, v0  }
0x8c: {  	vm11 =	vcmask $0x3F2C;
	vm9 =	vgt.f32 v35, v16;
	v33 =	vsel vm7, $0x1, v0  }
0x8d: {  	v28 =	vadd.s32 v60, v28;
	vm7 =	vge.f32 v27, v15;
	vm8 =	vmand vm8, vm11  }
0x8e: {  	v30 =	vadd.s32 v33, v30;
	v61 =	vsel vm7, $0x1, v0;
	vm7 =	vgt.f32 v32, v16  }
0x8f: {  	vm7 =	vmor vm7, vm8;
	vm8 =	vge.f32 v32, v17;
	v29 =	vadd.s32 v61, v29  }
0x90: {  	v62 =	vsel vm7, $0x1, v0;
	v63 =	vsel vm8, $0x1, v0;
	vm7 =	veq.f32 v35, v16  }
0x91: {  	vm8 =	vge.f32 v32, v15;
	v30 =	vadd.s32 v62, v30;
	v28 =	vadd.s32 v63, v28  }
0x92: {  	vm7 =	vmand vm7, vm13;
	v33 =	vsel vm8, $0x1, v0;
	vm8 =	vge.f32 v35, v15  }
0x93: {  	vm13 =	vmmov vm5;
	vm7 =	vmor vm9, vm7;
	v29 =	vadd.s32 v33, v29  }
0x94: {  	vm9 =	vge.f32 v35, v17;
	v38 =	vsel vm8, $0x1, v0;
	vm8 =	vge.f32 v36, v15  }
0x95: {  	v34 =	vsel vm7, $0x1, v0;
	v37 =	vsel vm9, $0x1, v0;
	vm7 =	veq.f32 v36, v16  }
0x96: {  	vm9 =	vgt.f32 v36, v16;
	v29 =	vadd.s32 v38, v29;
	v41 =	vsel vm8, $0x1, v0  }
0x97: {  	vm8 =	vge.f32 v43, v15;
	v30 =	vadd.s32 v34, v30;
	vm7 =	vmand vm7, vm10  }
0x98: {  	v28 =	vadd.s32 v37, v28;
	vm10 =	vge.f32 v43, v17;
	v31 =	vadd.s32 v41, v29  }
0x99: {  	v29 =	vperm.xlane v16, v13;
	v44 =	vsel vm8, $0x1, v0;
	vm7 =	vmor vm9, vm7  }
0x9a: {  	v42 =	vsel vm10, $0x1, v0;
	v39 =	vsel vm7, $0x1, v0;
	vm7 =	vge.f32 v36, v17  }
0x9b: {  	v31 =	vadd.s32 v44, v31;
	vm8 =	vge.f32 v29, v17;
	v40 =	vsel vm7, $0x1, v0  }
0x9c: {  	v39 =	vadd.s32 v39, v30;
	v30 =	vadd.s32 v40, v28;
	v28 =	vperm.xlane v17, v0  }
0x9d: {  	vm7 =	vgt.f32 v43, v16;
	v45 =	vsel vm8, $0x1, v0;
	v30 =	vadd.s32 v42, v30  }
0x9e: {  	vm9 =	veq.f32 v28, v17;
	vm8 =	vgt.f32 v28, v17;
	v33 =	vadd.s32 v45, v30  }
0x9f: {  	v30 =	vperm.xlane v17, v1;
	vm9 =	vmand vm9, vm5;
	vm5 =	vge.f32 v29, v15  }
0xa0: {  	vm8 =	vmor vm8, vm9;
	v34 =	vsel vm5, $0x1, v0;
	vm5 =	vge.f32 v28, v15  }
0xa1: {  	vm10 =	veq.f32 v30, v17;
	v34 =	vadd.s32 v34, v31;
	v31 =	vperm.xlane v17, v2  }
0xa2: {  	v46 =	vsel vm5, $0x1, v0;
	vm5 =	vgt.f32 v30, v17;
	vm10 =	vmand vm10, vm6  }
0xa3: {  	v37 =	vsel vm8, $0x1, v0;
	vm8 =	veq.f32 v43, v16;
	vm9 =	vmor vm5, vm10  }
0xa4: {  	v33 =	vadd.s32 v37, v33;
	vm10 =	veq.f32 v31, v17;
	v47 =	vsel vm9, $0x1, v0  }
0xa5: {  	vm5 =	vgt.f32 v31, v17;
	vm10 =	vmand vm10, vm4;
	v37 =	vadd.s32 v47, v33  }
0xa6: {  	v33 =	vperm.xlane v17, v3;
	vm9 =	vmor vm5, vm10;
	vm5 =	vge.f32 v30, v15  }
0xa7: {  	v34 =	vadd.s32 v46, v34;
	v38 =	vsel vm5, $0x1, v0;
	v40 =	vsel vm9, $0x1, v0  }
0xa8: {  	vm5 =	vcmask $0x3F38;
	vm9 =	vge.f32 v31, v15;
	vm10 =	veq.f32 v33, v17  }
0xa9: {  	vm8 =	vmand vm8, vm5;
	v38 =	vadd.s32 v38, v34;
	v34 =	vperm.xlane v17, v4  }
0xaa: {  	v48 =	vsel vm9, $0x1, v0;
	vm9 =	vgt.f32 v33, v17;
	vm10 =	vmand vm10, vm3  }
0xab: {  	v37 =	vadd.s32 v40, v37;
	v38 =	vadd.s32 v48, v38;
	vm9 =	vmor vm9, vm10  }
0xac: {  	vm7 =	vmor vm7, vm8;
	vm10 =	veq.f32 v34, v17;
	v49 =	vsel vm9, $0x1, v0  }
0xad: {  	vm9 =	vgt.f32 v34, v17;
	vm8 =	vge.f32 v34, v15;
	v46 =	vsel vm7, $0x1, v0  }
0xae: {  	vm10 =	vmand vm10, vm1;
	v40 =	vadd.s32 v49, v37;
	v37 =	vperm.xlane v17, v5  }
0xaf: {  	v50 =	vsel vm8, $0x1, v0;
	vm9 =	vmor vm9, vm10;
	vm10 =	vge.f32 v33, v15  }
0xb0: {  	v49 =	vperm.xlane v17, v12;
	v41 =	vsel vm10, $0x1, v0;
	v42 =	vsel vm9, $0x1, v0  }
0xb1: {  	vm9 =	veq.f32 v37, v17;
	vm8 =	vgt.f32 v37, v17;
	vm10 =	vcmask $0x3F28  }
0xb2: {  	v41 =	vadd.s32 v41, v38;
	v40 =	vadd.s32 v42, v40;
	vm9 =	vmand vm9, vm2  }
0xb3: {  	v38 =	vperm.xlane v17, v6;
	v42 =	vadd.s32 v50, v41;
	vm8 =	vmor vm8, vm9  }
0xb4: {  	v41 =	vperm.xlane v17, v7;
	v50 =	vadd.s32 v46, v39;
	v46 =	vperm.xlane v17, v10  }
0xb5: {  	vm2 =	veq.f32 v38, v17;
	v51 =	vsel vm8, $0x1, v0;
	vm8 =	vgt.f32 v38, v17  }
0xb6: {  	vm9 =	vmand vm2, vm0;
	vm2 =	vmmov vm0;
	vm0 =	vge.f32 v37, v15  }
0xb7: {  	v40 =	vadd.s32 v51, v40;
	vm8 =	vmor vm8, vm9;
	v44 =	vsel vm0, $0x1, v0  }
0xb8: {  	vm0 =	vge.f32 v38, v15;
	v45 =	vsel vm8, $0x1, v0;
	v44 =	vadd.s32 v44, v42  }
0xb9: {  	vm8 =	veq.f32 v41, v17;
	v42 =	vperm.xlane v17, v8;
	v52 =	vsel vm0, $0x1, v0  }
0xba: {  	vm0 =	vgt.f32 v41, v17;
	v40 =	vadd.s32 v45, v40;
	vm8 =	vmand vm8, vm12  }
0xbb: {  	v44 =	vadd.s32 v52, v44;
	v45 =	vperm.xlane v17, v9;
	vm7 =	vmor vm0, vm8  }
0xbc: {  	vm8 =	veq.f32 v42, v17;
	vm0 =	vge.f32 v41, v15;
	v53 =	vsel vm7, $0x1, v0  }
0xbd: {  	vm7 =	vgt.f32 v42, v17;
	vm8 =	vmand vm8, vm10;
	v47 =	vsel vm0, $0x1, v0  }
0xbe: {  	vm0 =	vge.f32 v42, v15;
	vm10 =	vge.f32 v49, v15;
	v40 =	vadd.s32 v53, v40  }
0xbf: {  	vm7 =	vmor vm7, vm8;
	v54 =	vadd.s32 v47, v44;
	vm8 =	veq.f32 v45, v17  }
0xc0: {  	v55 =	vsel vm0, $0x1, v0;
	vm0 =	vgt.f32 v45, v17;
	v47 =	vperm.xlane v17, v13  }
0xc1: {  	v52 =	vsel vm10, $0x1, v0;
	v48 =	vsel vm7, $0x1, v0;
	vm8 =	vmand vm8, vm11  }
0xc2: {  	v39 =	vadd.s32 v55, v54;
	v54 =	vsel vm15, $0x1, v0;
	vm15 =	vgt.f32 v42, v18  }
0xc3: {  	v40 =	vadd.s32 v48, v40;
	vm7 =	vmor vm0, vm8;
	vm0 =	veq.f32 v46, v17  }
0xc4: {  	v48 =	vperm.xlane v17, v11;
	vm11 =	vge.f32 v47, v15;
	v56 =	vsel vm7, $0x1, v0  }
0xc5: {  	vm7 =	vgt.f32 v46, v17;
	vm8 =	vmand vm0, vm14;
	vm0 =	vge.f32 v45, v15  }
0xc6: {  	v62 =	vsel vm11, $0x1, v0;
	vm11 =	vcmask $0x3F34;
	vm14 =	vgt.f32 v23, v18  }
0xc7: {  	v40 =	vadd.s32 v56, v40;
	vm7 =	vmor vm7, vm8;
	v57 =	vsel vm0, $0x1, v0  }
0xc8: {  	vm0 =	vge.f32 v46, v15;
	vm9 =	vge.f32 v48, v15;
	vm8 =	veq.f32 v48, v17  }
0xc9: {  	v58 =	vsel vm7, $0x1, v0;
	v39 =	vadd.s32 v57, v39;
	v59 =	vsel vm0, $0x1, v0  }
0xca: {  	v60 =	vsel vm9, $0x1, v0;
	vm8 =	vmand vm8, vm11;
	vm11 =	vcmask $0x3F18  }
0xcb: {  	v51 =	vadd.s32 v58, v40;
	v39 =	vadd.s32 v59, v39;
	v40 =	vperm.xlane v15, v0  }
0xcc: {  	v61 =	vadd.s32 v60, v39;
	v39 =	vperm.xlane v15, v1;
	v60 =	vsel vm14, $0x1, v0  }
0xcd: {  	vm14 =	veq.f32 v29, v16;
	v44 =	vadd.s32 v52, v61;
	vm7 =	veq.f32 v40, v15  }
0xce: {  	vm0 =	vgt.f32 v40, v15;
	vm7 =	vmand vm7, vm13;
	vm9 =	veq.f32 v39, v15  }
0xcf: {  	vm7 =	vmor vm0, vm7;
	vm0 =	vgt.f32 v39, v15;
	vm9 =	vmand vm9, vm6  }
0xd0: {  	v44 =	vadd.s32 v62, v44;
	v63 =	vsel vm7, $0x1, v0;
	vm9 =	vmor vm0, vm9  }
0xd1: {  	vm7 =	vgt.f32 v48, v17;
	v52 =	vadd.s32 v63, v44;
	v53 =	vsel vm9, $0x1, v0  }
0xd2: {  	v44 =	vperm.xlane v15, v2;
	vm7 =	vmor vm7, vm8;
	vm8 =	vgt.f32 v25, v18  }
0xd3: {  	v52 =	vadd.s32 v53, v52;
	v53 =	vld [tilespmem:$0x1FFF0];
	v55 =	vsel vm7, $0x1, v0;
	v62 =	vsel vm8, $0x1, v0  }
0xd4: {  	vm8 =	vgt.f32 v32, v18;
	vm9 =	veq.f32 v44, v15;
	vm0 =	vgt.f32 v44, v15  }
0xd5: {  	v23 =	vadd.s32 v55, v51;
	v51 =	vsel vm8, $0x1, v0;
	vm9 =	vmand vm9, vm4  }
0xd6: {  	vm4 =	vmor vm0, vm9;
	vm9 =	vgt.f32 v21, v18;
	vm0 =	vgt.f32 v24, v18  }
0xd7: {  	v56 =	vsel vm4, $0x1, v0;
	v58 =	vsel vm9, $0x1, v0;
	vm9 =	vgt.f32 v26, v18  }
0xd8: {  	v61 =	vsel vm0, $0x1, v0;
	vm4 =	vgt.f32 v36, v18;
	vm10 =	vnez.u8 v53  }
0xd9: {  	v57 =	vadd.s32 v56, v52;
	v63 =	vsel vm9, $0x1, v0;
	v20 =	vsel vm10, $0x1, v0  }
0xda: {  	vm9 =	vgt.f32 v35, v18;
	vm10 =	vgt.f32 v22, v18;
	v19 =	vadd.s32 v20, v19  }
0xdb: {  	v53 =	vsel vm9, $0x1, v0;
	v19 =	vadd.s32 v54, v19;
	v54 =	vsel vm4, $0x1, v0  }
0xdc: {  	vm4 =	vgt.f32 v30, v18;
	v20 =	vadd.s32 v58, v19;
	v19 =	vperm.xlane v15, v3  }
0xdd: {  	v59 =	vsel vm10, $0x1, v0;
	vm10 =	vgt.f32 v29, v16;
	v58 =	vsel vm4, $0x1, v0  }
0xde: {  	vm4 =	vgt.f32 v37, v18;
	v20 =	vadd.s32 v59, v20;
	vm7 =	veq.f32 v19, v15  }
0xdf: {  	v20 =	vadd.s32 v60, v20;
	vm0 =	vgt.f32 v19, v15;
	vm7 =	vmand vm7, vm3  }
0xe0: {  	v20 =	vadd.s32 v61, v20;
	vm3 =	vgt.f32 v27, v18;
	vm7 =	vmor vm0, vm7  }
0xe1: {  	v22 =	vadd.s32 v62, v20;
	v20 =	vperm.xlane v15, v4;
	v35 =	vsel vm3, $0x1, v0  }
0xe2: {  	v62 =	vsel vm4, $0x1, v0;
	v32 =	vsel vm7, $0x1, v0;
	v22 =	vadd.s32 v63, v22  }
0xe3: {  	v21 =	vadd.s32 v32, v57;
	vm0 =	veq.f32 v20, v15;
	vm3 =	vgt.f32 v20, v15  }
0xe4: {  	v22 =	vadd.s32 v35, v22;
	v35 =	vsel vm15, $0x1, v0;
	vm15 =	vgt.f32 v39, v17  }
0xe5: {  	vm7 =	vmand vm0, vm1;
	vm0 =	vgt.f32 v43, v18;
	v22 =	vadd.s32 v51, v22  }
0xe6: {  	vm1 =	vgt.f32 v29, v18;
	vm7 =	vmor vm3, vm7;
	v55 =	vsel vm0, $0x1, v0  }
0xe7: {  	v56 =	vsel vm1, $0x1, v0;
	vm3 =	vgt.f32 v28, v18;
	vm0 =	vgt.f32 v31, v18  }
0xe8: {  	vm1 =	vgt.f32 v33, v18;
	v52 =	vsel vm7, $0x1, v0;
	v57 =	vsel vm3, $0x1, v0  }
0xe9: {  	v59 =	vsel vm0, $0x1, v0;
	v60 =	vsel vm1, $0x1, v0;
	vm3 =	vgt.f32 v34, v18  }
0xea: {  	vm0 =	vgt.f32 v38, v18;
	vm1 =	veq.f32 v49, v17;
	v25 =	vadd.s32 v52, v21  }
0xeb: {  	v21 =	vadd.s32 v53, v22;
	v61 =	vsel vm3, $0x1, v0;
	v63 =	vsel vm0, $0x1, v0  }
0xec: {  	vm3 =	vgt.f32 v49, v17;
	vm7 =	vmand vm1, vm5;
	vm1 =	vgt.f32 v41, v18  }
0xed: {  	vm0 =	vcmask $0x3F3C;
	v21 =	vadd.s32 v54, v21;
	vm7 =	vmor vm3, vm7  }
0xee: {  	v32 =	vsel vm1, $0x1, v0;
	vm3 =	vmand vm14, vm0;
	vm1 =	vgt.f32 v45, v18  }
0xef: {  	v21 =	vadd.s32 v55, v21;
	v36 =	vsel vm7, $0x1, v0;
	vm7 =	vmor vm10, vm3  }
0xf0: {  	vm3 =	vgt.f32 v31, v16;
	v53 =	vsel vm1, $0x1, v0;
	v21 =	vadd.s32 v56, v21  }
0xf1: {  	vm1 =	vgt.f32 v48, v18;
	vm10 =	veq.f32 v47, v17;
	v21 =	vadd.s32 v57, v21  }
0xf2: {  	v23 =	vadd.s32 v36, v23;
	v52 =	vsel vm7, $0x1, v0;
	v21 =	vadd.s32 v58, v21  }
0xf3: {  	v56 =	vsel vm3, $0x1, v0;
	vm3 =	vgt.f32 v34, v16;
	v21 =	vadd.s32 v59, v21  }
0xf4: {  	v57 =	vsel vm1, $0x1, v0;
	vm1 =	vgt.f32 v47, v18;
	v21 =	vadd.s32 v60, v21  }
0xf5: {  	v60 =	vsel vm3, $0x1, v0;
	vm3 =	vgt.f32 v38, v16;
	v22 =	vadd.s32 v61, v21  }
0xf6: {  	v21 =	vperm.xlane v15, v5;
	v61 =	vsel vm1, $0x1, v0;
	vm1 =	vgt.f32 v39, v18  }
0xf7: {  	v22 =	vadd.s32 v62, v22;
	v31 =	vsel vm1, $0x1, v0;
	vm1 =	vgt.f32 v19, v18  }
0xf8: {  	vm9 =	veq.f32 v21, v15;
	vm5 =	vgt.f32 v21, v15;
	v22 =	vadd.s32 v63, v22  }
0xf9: {  	vm9 =	vmand vm9, vm11;
	v24 =	vadd.s32 v32, v22;
	vm11 =	vmand vm10, vm0  }
0xfa: {  	vm0 =	vgt.f32 v19, v17;
	vm8 =	vmor vm5, vm9;
	vm9 =	vgt.f32 v28, v16  }
0xfb: {  	v24 =	vadd.s32 v35, v24;
	vm5 =	vgt.f32 v46, v18;
	v35 =	vsel vm1, $0x1, v0  }
0xfc: {  	vm1 =	vgt.f32 v21, v18;
	v43 =	vsel vm8, $0x1, v0;
	vm8 =	vgt.f32 v30, v16  }
0xfd: {  	v51 =	vsel vm9, $0x1, v0;
	v24 =	vadd.s32 v53, v24;
	v55 =	vsel vm5, $0x1, v0  }
0xfe: {  	vm5 =	vgt.f32 v49, v18;
	v30 =	vsel vm3, $0x1, v0;
	vm3 =	vgt.f32 v42, v16  }
0xff: {  	vm9 =	vgt.f32 v47, v17;
	v22 =	vadd.s32 v43, v25;
	v25 =	vadd.s32 v51, v50  }
0x100: {  	v54 =	vsel vm8, $0x1, v0;
	vm8 =	vgt.f32 v33, v16;
	v24 =	vadd.s32 v55, v24  }
0x101: {  	v59 =	vsel vm5, $0x1, v0;
	vm5 =	vgt.f32 v40, v18;
	v34 =	vsel vm3, $0x1, v0  }
0x102: {  	vm3 =	vgt.f32 v46, v16;
	v50 =	vperm.xlane v15, v6;
	vm7 =	vmor vm9, vm11  }
0x103: {  	vm9 =	vgt.f32 v44, v17;
	v25 =	vadd.s32 v52, v25;
	v24 =	vadd.s32 v57, v24  }
0x104: {  	v58 =	vsel vm8, $0x1, v0;
	vm8 =	vgt.f32 v37, v16;
	v63 =	vsel vm5, $0x1, v0  }
0x105: {  	vm5 =	vgt.f32 v44, v18;
	v38 =	vsel vm3, $0x1, v0;
	vm3 =	vgt.f32 v49, v16  }
0x106: {  	v55 =	vsel vm7, $0x1, v0;
	v57 =	vsel vm9, $0x1, v0;
	v25 =	vadd.s32 v54, v25  }
0x107: {  	v24 =	vadd.s32 v59, v24;
	v62 =	vsel vm8, $0x1, v0;
	vm8 =	vgt.f32 v41, v16  }
0x108: {  	v33 =	vsel vm5, $0x1, v0;
	vm5 =	vgt.f32 v20, v18;
	v41 =	vsel vm1, $0x1, v0  }
0x109: {  	vm1 =	vgt.f32 v47, v16;
	v43 =	vsel vm3, $0x1, v0;
	vm3 =	vgt.f32 v40, v16  }
0x10a: {  	vm14 =	vgt.f32 v50, v18;
	vm4 =	vgt.f32 v50, v16;
	v25 =	vadd.s32 v56, v25  }
0x10b: {  	v24 =	vadd.s32 v61, v24;
	v32 =	vsel vm8, $0x1, v0;
	vm8 =	vgt.f32 v45, v16  }
0x10c: {  	v37 =	vsel vm5, $0x1, v0;
	v45 =	vsel vm1, $0x1, v0;
	vm1 =	vgt.f32 v39, v16  }
0x10d: {  	v46 =	vsel vm3, $0x1, v0;
	vm3 =	vgt.f32 v44, v16;
	v53 =	vsel vm14, $0x1, v0  }
0x10e: {  	v56 =	vsel vm15, $0x1, v0;
	vm5 =	vgt.f32 v50, v17;
	vm14 =	vgt.f32 v50, v15  }
0x10f: {  	vm15 =	veq.f32 v50, v15;
	v59 =	vsel vm4, $0x1, v0;
	v25 =	vadd.s32 v58, v25  }
0x110: {  	v24 =	vadd.s32 v63, v24;
	v36 =	vsel vm8, $0x1, v0;
	vm8 =	vgt.f32 v48, v16  }
0x111: {  	v47 =	vsel vm1, $0x1, v0;
	vm1 =	vgt.f32 v19, v16;
	v25 =	vadd.s32 v60, v25  }
0x112: {  	v48 =	vsel vm3, $0x1, v0;
	vm3 =	vgt.f32 v20, v16;
	v25 =	vadd.s32 v62, v25  }
0x113: {  	v58 =	vsel vm0, $0x1, v0;
	v61 =	vsel vm5, $0x1, v0;
	v25 =	vadd.s32 v30, v25  }
0x114: {  	vm0 =	vmand vm15, vm2;
	v24 =	vadd.s32 v31, v24;
	v25 =	vadd.s32 v32, v25  }
0x115: {  	v42 =	vsel vm8, $0x1, v0;
	v49 =	vsel vm1, $0x1, v0;
	v25 =	vadd.s32 v34, v25  }
0x116: {  	vm1 =	vgt.f32 v40, v17;
	v51 =	vsel vm3, $0x1, v0;
	v25 =	vadd.s32 v36, v25  }
0x117: {  	vm3 =	vgt.f32 v21, v16;
	vm7 =	vmor vm14, vm0;
	v25 =	vadd.s32 v38, v25  }
0x118: {  	v24 =	vadd.s32 v33, v24;
	v52 =	vsel vm3, $0x1, v0;
	v25 =	vadd.s32 v42, v25  }
0x119: {  	v54 =	vsel vm1, $0x1, v0;
	vm1 =	vgt.f32 v20, v17;
	v25 =	vadd.s32 v43, v25  }
0x11a: {  	vm3 =	vgt.f32 v21, v17;
	v62 =	vsel vm7, $0x1, v0;
	v25 =	vadd.s32 v45, v25  }
0x11b: {  	v24 =	vadd.s32 v35, v24;
	v23 =	vadd.s32 v54, v23;
	v25 =	vadd.s32 v46, v25  }
0x11c: {  	v15 =	vsel vm1, $0x1, v0;
	v19 =	vadd.s32 v55, v23;
	v25 =	vadd.s32 v47, v25  }
0x11d: {  	v60 =	vsel vm3, $0x1, v0;
	v19 =	vadd.s32 v56, v19;
	v25 =	vadd.s32 v48, v25  }
0x11e: {  	v24 =	vadd.s32 v37, v24;
	v19 =	vadd.s32 v57, v19;
	v25 =	vadd.s32 v49, v25  }
0x11f: {  	v24 =	vadd.s32 v41, v24;
	v16 =	vadd.s32 v58, v19;
	v25 =	vadd.s32 v51, v25  }
0x120: {  	v24 =	vadd.s32 v53, v24;
	v15 =	vadd.s32 v15, v16;
	v18 =	vadd.s32 v52, v25  }
0x121: {  	vm1 =	vlt.u32 v24, $0x18;
	v15 =	vadd.s32 v60, v15;
	v17 =	vadd.s32 v59, v18  }
0x122: {  	v63 =	vsel vm1, $0x3F800000, v14;
	v15 =	vadd.s32 v61, v15;
	vm2 =	vlt.u32 v17, $0x18  }
0x123: {  	v16 =	vadd.s32 v62, v22;
	[tilespmem:$0x80] =	vst v63;
	vm3 =	vlt.u32 v15, $0x18;
	v15 =	vsel vm2, $0x3F800000, v14  }
0x124: {  	vm11 =	vlt.u32 v16, $0x18;
	[tilespmem:$0x90] =	vst v15;
	v15 =	vsel vm3, $0x3F800000, v14  }
0x125: {  	p0 =	sne.s32 s5, $0x1;
	[tilespmem:$0xA0] =	vst v15;
	v15 =	vsel vm11, $0x3F800000, v14  }
.Ltmp1:
0x126: {  	[tilespmem:$0xB0] =	vst v15;
	(pc) =	sbr.rel @p0 .LBB2_2-.Ltmp1, $4  }
0x127: {  	[hbm4b:s3+s2] =	stream.linear.scatter [tilespmem:s7], [sflag:$0x1], $0x80, $0x38;
	[tilespmem:$0x100] =	vst v63  }
0x128: {  	_ =	swait.ge [sflag:s6], $0x80  }
0x129: {  	[sflag:s6] =	ssyncset.done $0x0  }
0x12a: {  	s5 =	sadd.s32 $0xFFFFFFFF, s5;
	[sflag:s6] =	ssyncadd.s32 $0xFFFFFF80  }
.LBB2_3:
0x12b: {  	_ =	sfence.sel $0x180000  }
0x12c: {  	[bflag:$0x0] =	sbarrier.arrive $0xFFFF  }
0x12d: {  	p0 =	sne.s32 s1, $0x0;
	_ =	strace $0x90000047  }
0x12e: {  	s0 =	sadd.s32 @!p0 $0x100000, s0;
	[bflag:$0x2] =	sbarrier.arrive $0xFFFF  }
0x12f: {  	[sflag:s0] =	ssyncadd.tile.s32 @!p0 $0x1;
	_ =	shalt  }
.Lfunc_end2:
_tile_overlayer_lowered:
.L_overlay_start_2:
0x130: {  	(tag) =	ssettag $0x2  }
0x131: {  	s0 =	rddreg [dreg:$0x0];
	s2 =	stileid.u32  }
0x132: {  	s1 =	rddreg [dreg:$0x1];
	p0 =	sne.s32 s2, $0x0  }
0x133: {  	s3 =	rddreg [dreg:$0x2];
	[bflag:$0x3] =	sbarrier.arrive $0xFFFF;
	s2 =	simm.s32 @!p0 $0x1C01  }
0x134: {  	[timem:s3], [sflag:s2] =	dma.local @!p0 [hbm:s0], s1  }
0x135: {  	s0 =	simm.s32 @!p0 $0x1  }
0x136: {  	_ =	swait.ge @!p0 [sflag:s0], s1  }
0x137: {  	s1 =	ssub.s32 @!p0 $0x0, s1;
	[sflag:s0] =	ssyncset.done @!p0 $0x0  }
0x138: {  	[sflag:s0] =	ssyncadd.s32 @!p0 s1  }
0x139: {  	[bflag:$0x3] =	sbarrier.arrive $0xFFFF  }
0x13a: {  	_ =	shalt  }

</sc_bundles>
